<compile_context>
chip_gen: v7x
topology: tpu7x:2x2x1
jax: 0.10.2.dev20260603
libtpu: 0.0.44.dev20260713+nightly
codegen_flags: <defaults>
</compile_context>

<pallas_src>
import functools

import jax
import jax.numpy as jnp
from jax import lax
from jax.experimental import pallas as pl
from jax.experimental.pallas import tpu as pltpu
from jax.experimental.pallas import tpu_sc as plsc

_NC = 2
_NS = 16
_NW = _NC * _NS


def _sc_winpos_phase1(keys_pad, vals_pad, n_rows_pad, e_pad):
  per_w = e_pad // _NW
  nvec = per_w // 16
  mesh = plsc.VectorSubcoreMesh(core_axis_name="c", subcore_axis_name="s")

  slice_w = n_rows_pad // _NW

  @functools.partial(
      pl.kernel,
      out_type=jax.ShapeDtypeStruct((_NW, _NW, slice_w), jnp.int32),
      mesh=mesh,
      compiler_params=pltpu.CompilerParams(needs_layout_passes=False),
      scratch_types=[
          pltpu.VMEM((per_w,), jnp.int32),
          pltpu.VMEM((per_w,), jnp.int32),
          pltpu.VMEM((n_rows_pad,), jnp.int32),
          pltpu.SemaphoreType.DMA,
      ],
  )
  def k(keys_hbm, vals_hbm, out_hbm, keys_v, vals_v, lval, osem):
    wid = lax.axis_index("s") * _NC + lax.axis_index("c")
    base = wid * per_w
    pltpu.sync_copy(keys_hbm.at[pl.ds(base, per_w)], keys_v)
    pltpu.sync_copy(vals_hbm.at[pl.ds(base, per_w)], vals_v)

    minus1 = jnp.full((16,), -1, jnp.int32)

    def init_body(i, carry):
      for j in range(8):
        lval[pl.ds((i * 8 + j) * 16, 16)] = minus1
      return carry

    lax.fori_loop(0, n_rows_pad // (16 * 8), init_body, 0)

    lane = lax.iota(jnp.int32, 16)

    def scat_body(i, carry):
      keys = keys_v[pl.ds(i * 16, 16)]
      vals = vals_v[pl.ds(i * 16, 16)]
      for l in range(16):
        plsc.store_scatter(lval, [keys], vals, mask=lane == l)
      return carry

    lax.fori_loop(0, nvec, scat_body, 0)
    for s in range(_NW):
      pltpu.async_copy(lval.at[pl.ds(s * slice_w, slice_w)],
                       out_hbm.at[s, wid], osem)
    for s in range(_NW):
      pltpu.make_async_copy(lval.at[pl.ds(s * slice_w, slice_w)],
                            out_hbm.at[s, wid], osem).wait()

  return k(keys_pad, vals_pad)


def _sc_winpos_phase2(lval_all, n_rows_pad, n_cfg):
  per_w = n_rows_pad // _NW
  nv = per_w // 16
  mesh = plsc.VectorSubcoreMesh(core_axis_name="c", subcore_axis_name="s")

  @functools.partial(
      pl.kernel,
      out_type=(jax.ShapeDtypeStruct((n_rows_pad,), jnp.int32),
                jax.ShapeDtypeStruct((n_rows_pad,), jnp.int32)),
      mesh=mesh,
      scratch_types=[
          pltpu.VMEM((_NW, per_w), jnp.int32),
          pltpu.VMEM((per_w,), jnp.int32),
          pltpu.VMEM((per_w,), jnp.int32),
      ],
  )
  def k(lval_hbm, wp_hbm, vs_hbm, tbl_v, wp_v, vs_v):
    wid = lax.axis_index("s") * _NC + lax.axis_index("c")
    base = wid * per_w
    pltpu.sync_copy(lval_hbm.at[wid], tbl_v)

    lane = lax.iota(jnp.int32, 16)
    dummy_mask = 32767
    assert n_cfg > dummy_mask

    def max_body(i, carry):
      acc = tbl_v[0, pl.ds(i * 16, 16)]
      for t in range(1, _NW):
        cur = tbl_v[t, pl.ds(i * 16, 16)]
        acc = jnp.where(cur >= 0, cur, acc)
      wp_v[pl.ds(i * 16, 16)] = acc
      rows = base + i * 16 + lane
      vs_v[pl.ds(i * 16, 16)] = jnp.where(acc >= 0, acc, rows & dummy_mask)
      return carry

    lax.fori_loop(0, nv, max_body, 0)
    pltpu.sync_copy(wp_v, wp_hbm.at[pl.ds(base, per_w)])
    pltpu.sync_copy(vs_v, vs_hbm.at[pl.ds(base, per_w)])

  return k(lval_all)


def _sc_row_gather(vsel, cfg16, n_pad, d, chunk):
  rows_per_w = n_pad // _NW
  n_chunks = rows_per_w // chunk
  mesh = plsc.VectorSubcoreMesh(core_axis_name="c", subcore_axis_name="s")

  @functools.partial(
      pl.kernel,
      out_type=jax.ShapeDtypeStruct((n_pad, d), jnp.int32),
      mesh=mesh,
      scratch_types=[
          pltpu.VMEM((rows_per_w,), jnp.int32),
          pltpu.VMEM((chunk, d), jnp.int32),
          pltpu.VMEM((chunk, d), jnp.int32),
          pltpu.SemaphoreType.DMA,
          pltpu.SemaphoreType.DMA,
      ],
  )
  def k(vsel_hbm, cfg_hbm, out_hbm, idx_v, buf0, buf1, sem0, sem1):
    wid = lax.axis_index("s") * _NC + lax.axis_index("c")
    base = wid * rows_per_w
    pltpu.sync_copy(vsel_hbm.at[pl.ds(base, rows_per_w)], idx_v)

    def gather_chunk(c, buf, sem):
      pltpu.async_copy(cfg_hbm.at[idx_v.at[pl.ds(c * chunk, chunk)]], buf, sem)

    gather_chunk(0, buf0, sem0)
    for c in range(n_chunks):
      cur, csem = (buf0, sem0) if c % 2 == 0 else (buf1, sem1)
      nxt, nsem = (buf1, sem1) if c % 2 == 0 else (buf0, sem0)
      if c + 1 < n_chunks:
        gather_chunk(c + 1, nxt, nsem)
      pltpu.make_async_copy(
          cfg_hbm.at[idx_v.at[pl.ds(c * chunk, chunk)]], cur, csem).wait()
      pltpu.sync_copy(cur, out_hbm.at[pl.ds(base + c * chunk, chunk)])

  return k(vsel, cfg16)


def _tc_pack_body(x_ref, out_ref):
  xb = jax.lax.bitcast_convert_type(x_ref[...], jnp.int32)
  rne = xb + 0x7FFF + (jax.lax.shift_right_logical(xb, 16) & 1)
  h = x_ref.shape[1] // 2
  lo = jax.lax.shift_right_logical(rne[:, :h], 16)
  hi = rne[:, h:] & jnp.int32(-65536)
  out_ref[...] = lo | hi


def _tc_pack_bf16(x, blk):
  n, d = x.shape
  return pl.pallas_call(
      _tc_pack_body,
      grid=(n // blk,),
      in_specs=[pl.BlockSpec((blk, d), lambda i: (i, 0))],
      out_specs=pl.BlockSpec((blk, d // 2), lambda i: (i, 0)),
      out_shape=jax.ShapeDtypeStruct((n, d // 2), jnp.int32),
  )(x)


def _tc_mlp_body(prev_ref, upd_ref, wp_ref, wu_ref, wg1_ref, wg2_ref,
                 bu_ref, bg_ref, out_ref):
  prev = prev_ref[...]
  u = upd_ref[...]
  lo_f = jax.lax.bitcast_convert_type(
      jax.lax.shift_left(u, 16), jnp.float32)
  hi_f = jax.lax.bitcast_convert_type(u & jnp.int32(-65536), jnp.float32)
  upd = jnp.concatenate([lo_f, hi_f], axis=1)
  proj = jnp.maximum(
      jnp.dot(upd, wu_ref[...], preferred_element_type=jnp.float32)
      + bu_ref[...], 0.0)
  z = (jnp.dot(prev, wg1_ref[...], preferred_element_type=jnp.float32)
       + jnp.dot(proj, wg2_ref[...], preferred_element_type=jnp.float32)
       + bg_ref[...])
  gate = jax.nn.sigmoid(z)
  newr = gate * prev + (1.0 - gate) * proj
  out_ref[...] = jnp.where(wp_ref[...] >= 0, newr, prev)


def _tc_mlp(prev_table, upd_sel, winpos2d, wu, wg1, wg2, bu, bg, blk):
  n, d = prev_table.shape
  grid = (n // blk,)
  return pl.pallas_call(
      _tc_mlp_body,
      grid=grid,
      in_specs=[
          pl.BlockSpec((blk, d), lambda i: (i, 0)),
          pl.BlockSpec((blk, d // 2), lambda i: (i, 0)),
          pl.BlockSpec((blk, 1), lambda i: (i, 0)),
          pl.BlockSpec((d, d), lambda i: (0, 0)),
          pl.BlockSpec((d, d), lambda i: (0, 0)),
          pl.BlockSpec((d, d), lambda i: (0, 0)),
          pl.BlockSpec((1, d), lambda i: (0, 0)),
          pl.BlockSpec((1, d), lambda i: (0, 0)),
      ],
      out_specs=pl.BlockSpec((blk, d), lambda i: (i, 0)),
      out_shape=jax.ShapeDtypeStruct((n, d), jnp.float32),
  )(prev_table, upd_sel, winpos2d, wu, wg1, wg2, bu, bg)


def kernel(previous_ast_nodes_encodings, new_cfg_nodes_encodings, key_indices,
           value_indices, W_update, b_update, W_gate, b_gate):
  n_ast, d = previous_ast_nodes_encodings.shape
  n_cfg = new_cfg_nodes_encodings.shape[0]
  e = key_indices.shape[0]

  key_indices = key_indices.astype(jnp.int32)
  value_indices = value_indices.astype(jnp.int32)

  n_pad = 102400
  e_pad = 200704

  pad_e = e_pad - e
  keys_pad = jnp.concatenate(
      [key_indices, n_ast + (jnp.arange(pad_e, dtype=jnp.int32) % 96)])
  vi_pad = jnp.concatenate(
      [value_indices, jnp.arange(pad_e, dtype=jnp.int32) % n_cfg])

  cfg_pack = _tc_pack_bf16(new_cfg_nodes_encodings, blk=1000)

  lval_all = _sc_winpos_phase1(keys_pad, vi_pad, n_pad, e_pad)
  winpos_p, vsel_p = _sc_winpos_phase2(lval_all, n_pad, n_cfg)
  upd_pack = _sc_row_gather(vsel_p, cfg_pack, n_pad, d // 2, chunk=160)

  wg1 = W_gate[:d]
  wg2 = W_gate[d:]
  bu = b_update.reshape(1, d)
  bg = b_gate.reshape(1, d)
  winpos2d = winpos_p.reshape(n_pad, 1)

  out = _tc_mlp(previous_ast_nodes_encodings, upd_pack, winpos2d,
                W_update, wg1, wg2, bu, bg, blk=800)
  return out

# --- scband reference (transcript-rebuilt; emitter-appended) ---
"""Pipeline reference for scband-macro-context-adder-to-sub-ast-41987600285769 (READ-ONLY COPY).

The authoritative reference and input builder live on the scoring server;
editing this copy changes nothing except your own understanding.
"""

import jax, jax.numpy as jnp
import numpy as np

AST_DIM = 256
CFG_DIM = 256
N_AST = 100000
N_CFG = 50000
E = 200000


def setup_inputs(seed: int = 0) -> dict:
    key = jax.random.key(seed)
    k1, k2, k3, k4, k5, k6, k7, k8 = jax.random.split(key, 8)
    previous_ast_nodes_encodings = jax.random.normal(k1, (N_AST, AST_DIM), dtype=jnp.float32)
    new_cfg_nodes_encodings = jax.random.normal(k2, (N_CFG, CFG_DIM), dtype=jnp.float32)
    key_indices = jax.random.randint(k3, (E,), 0, N_AST, dtype=jnp.int64 if jax.config.read('jax_enable_x64') else jnp.int32)
    value_indices = jax.random.randint(k4, (E,), 0, N_CFG, dtype=jnp.int64 if jax.config.read('jax_enable_x64') else jnp.int32)
    # StateUpdater (gated update) parameters
    W_update = jax.random.normal(k5, (CFG_DIM, AST_DIM), dtype=jnp.float32) * (1.0 / np.sqrt(CFG_DIM))
    b_update = jnp.zeros((AST_DIM,), dtype=jnp.float32)
    W_gate = jax.random.normal(k6, (2 * AST_DIM, AST_DIM), dtype=jnp.float32) * (1.0 / np.sqrt(2 * AST_DIM))
    b_gate = jnp.zeros((AST_DIM,), dtype=jnp.float32)
    return {
        'previous_ast_nodes_encodings': previous_ast_nodes_encodings,
        'new_cfg_nodes_encodings': new_cfg_nodes_encodings,
        'key_indices': key_indices,
        'value_indices': value_indices,
        'W_update': W_update,
        'b_update': b_update,
        'W_gate': W_gate,
        'b_gate': b_gate,
    }


def _state_updater(prev_state, state_update, W_update, b_update, W_gate, b_gate):
    # project the update into the state space with the activation fn ('relu'),
    # then compute an elementwise sigmoid gate over [prev_state; projected_update]
    # (dropout is a no-op in eval mode)
    upd_proj = jax.nn.relu(state_update @ W_update + b_update)
    gate = jax.nn.sigmoid(jnp.concatenate([prev_state, upd_proj], axis=-1) @ W_gate + b_gate)
    return gate * prev_state + (1.0 - gate) * upd_proj


def reference(previous_ast_nodes_encodings, new_cfg_nodes_encodings, key_indices, value_indices,
              W_update, b_update, W_gate, b_gate):
    # gather: prev AST encodings at mapped positions, new CFG encodings at mapped pdg nodes
    prev = jnp.take(previous_ast_nodes_encodings, key_indices, axis=0)
    upd = jnp.take(new_cfg_nodes_encodings, value_indices, axis=0)
    ast_nodes_encodings_updates = _state_updater(prev, upd, W_update, b_update, W_gate, b_gate)
    # scatter-overwrite updated rows back into the full AST encodings tensor
    return previous_ast_nodes_encodings.at[key_indices].set(ast_nodes_encodings_updates)

if __name__ == "__main__":
    import jax
    _d = setup_inputs()
    print(jax.jit(kernel)(*tuple(_d.values())))

</pallas_src>

<mosaic_0001>
#map = affine_map<(d0, d1) -> (0, 0, 0)>
#map1 = affine_map<(d0, d1) -> (0)>
module attributes {stable_mosaic.version = 14 : i64} {
  func.func @k(%arg0: i32, %arg1: i32, %arg2: memref<32x32x3200xi32, #tpu.memory_space<hbm>>, %arg3: memref<102400xi32, #tpu.memory_space<hbm>>, %arg4: memref<102400xi32, #tpu.memory_space<hbm>>, %arg5: memref<32x3200xi32, #tpu.memory_space<vmem>>, %arg6: memref<3200xi32, #tpu.memory_space<vmem>>, %arg7: memref<3200xi32, #tpu.memory_space<vmem>>) attributes {dimension_semantics = [#tpu.dimension_semantics<core_parallel>, #tpu.dimension_semantics<subcore_parallel>], iteration_bounds = array<i64: 2, 16>, scalar_prefetch = 0 : i64, scratch_operands = 3 : i64, tpu.core_type = #tpu.core_type<sc_vector_subcore>, window_params = [{transform_indices = #map}, {transform_indices = #map1}, {transform_indices = #map1}]} {
    %mul3A = arith.constant 2 : i32
    %mul3A_0 = arith.muli %arg1, %mul3A : i32
    %add3A = arith.addi %mul3A_0, %arg0 : i32
    %mul3A_1 = arith.constant 3200 : i32
    %mul3A_2 = arith.muli %add3A, %mul3A_1 : i32
    "tpu.region"() ({
      %run_scoped3A = tpu.sem_alloc : memref<!tpu.dma_semaphore, #tpu.memory_space<semaphore_mem>>
      %dma_start3A = arith.constant 0 : i32
      %dma_start3A_8 = arith.constant 0 : i32
      %dma_start3A_9 = tpu.memref_slice %arg2[%add3A, %dma_start3A, %dma_start3A_8] : memref<32x32x3200xi32, #tpu.memory_space<hbm>> -> memref<1x32x3200xi32, #tpu.memory_space<hbm>>
      %dma_start3A_10 = tpu.memref_squeeze %dma_start3A_9 : memref<1x32x3200xi32, #tpu.memory_space<hbm>> -> memref<32x3200xi32, #tpu.memory_space<hbm>>
      %dma_start3A_11 = arith.constant 0 : i32
      %dma_start3A_12 = arith.constant 0 : i32
      %dma_start3A_13 = tpu.memref_slice %arg2[%add3A, %dma_start3A_11, %dma_start3A_12] : memref<32x32x3200xi32, #tpu.memory_space<hbm>> -> memref<1x32x3200xi32, #tpu.memory_space<hbm>>
      %dma_start3A_14 = tpu.memref_squeeze %dma_start3A_13 : memref<1x32x3200xi32, #tpu.memory_space<hbm>> -> memref<32x3200xi32, #tpu.memory_space<hbm>>
      tpu.enqueue_dma source(%dma_start3A_14 : memref<32x3200xi32, #tpu.memory_space<hbm>>) target(%arg5 : memref<32x3200xi32, #tpu.memory_space<vmem>>) target_semaphore(%run_scoped3A : memref<!tpu.dma_semaphore, #tpu.memory_space<semaphore_mem>>)
      %dma_wait3A = arith.constant 0 : i32
      %dma_wait3A_15 = arith.constant 0 : i32
      %dma_wait3A_16 = tpu.memref_slice %arg2[%add3A, %dma_wait3A, %dma_wait3A_15] : memref<32x32x3200xi32, #tpu.memory_space<hbm>> -> memref<1x32x3200xi32, #tpu.memory_space<hbm>>
      %dma_wait3A_17 = tpu.memref_squeeze %dma_wait3A_16 : memref<1x32x3200xi32, #tpu.memory_space<hbm>> -> memref<32x3200xi32, #tpu.memory_space<hbm>>
      %dma_wait3A_18 = arith.constant 0 : i32
      %dma_wait3A_19 = arith.constant 0 : i32
      %dma_wait3A_20 = tpu.memref_slice %arg2[%add3A, %dma_wait3A_18, %dma_wait3A_19] : memref<32x32x3200xi32, #tpu.memory_space<hbm>> -> memref<1x32x3200xi32, #tpu.memory_space<hbm>>
      %dma_wait3A_21 = tpu.memref_squeeze %dma_wait3A_20 : memref<1x32x3200xi32, #tpu.memory_space<hbm>> -> memref<32x3200xi32, #tpu.memory_space<hbm>>
      tpu.wait_dma2 semaphore(%run_scoped3A : memref<!tpu.dma_semaphore, #tpu.memory_space<semaphore_mem>>) src(%dma_wait3A_21 : memref<32x3200xi32, #tpu.memory_space<hbm>>) dst(%arg5 : memref<32x3200xi32, #tpu.memory_space<vmem>>)
      tpu.yield
    }) : () -> ()
    %iota3A = tpu.iota {dimensions = array<i32: 0>} : vector<16xi32>
    %scan3A = arith.constant 0 : i32
    %scan3A_3 = arith.constant 0 : i32
    %scan3A_4 = arith.constant 200 : i32
    %scan3A_5 = arith.addi %scan3A_3, %scan3A_4 : i32
    %scan3A_6 = arith.constant 1 : i32
    scf.for %scan3A_8 = %scan3A_3 to %scan3A_5 step %scan3A_6  : i32 {
      %mul3A_9 = arith.constant 16 : i32
      %mul3A_10 = arith.muli %scan3A_8, %mul3A_9 : i32
      %get3A = arith.constant 0 : i32
      %get3A_11 = arith.index_cast %get3A : i32 to index
      %get3A_12 = arith.index_cast %mul3A_10 : i32 to index
      %get3A_13 = tpu.vector_load %arg5[%get3A_11, %get3A_12] {strides = array<i32>} : memref<32x3200xi32, #tpu.memory_space<vmem>>, vector<1x16xi32>,
      %get3A_14 = vector.shape_cast %get3A_13 : vector<1x16xi32> to vector<16xi32>
      %mul3A_15 = arith.constant 16 : i32
      %mul3A_16 = arith.muli %scan3A_8, %mul3A_15 : i32
      %get3A_17 = arith.constant 1 : i32
      %get3A_18 = arith.index_cast %get3A_17 : i32 to index
      %get3A_19 = arith.index_cast %mul3A_16 : i32 to index
      %get3A_20 = tpu.vector_load %arg5[%get3A_18, %get3A_19] {strides = array<i32>} : memref<32x3200xi32, #tpu.memory_space<vmem>>, vector<1x16xi32>,
      %get3A_21 = vector.shape_cast %get3A_20 : vector<1x16xi32> to vector<16xi32>
      %ge3A = arith.constant 0 : i32
      %ge3A_22 = vector.broadcast %ge3A : i32 to vector<16xi32>
      %ge3A_23 = arith.cmpi sge, %get3A_21, %ge3A_22 : vector<16xi32>
      %select_n3A = arith.select %ge3A_23, %get3A_21, %get3A_14 : vector<16xi1>, vector<16xi32>
      %mul3A_24 = arith.constant 16 : i32
      %mul3A_25 = arith.muli %scan3A_8, %mul3A_24 : i32
      %get3A_26 = arith.constant 2 : i32
      %get3A_27 = arith.index_cast %get3A_26 : i32 to index
      %get3A_28 = arith.index_cast %mul3A_25 : i32 to index
      %get3A_29 = tpu.vector_load %arg5[%get3A_27, %get3A_28] {strides = array<i32>} : memref<32x3200xi32, #tpu.memory_space<vmem>>, vector<1x16xi32>,
      %get3A_30 = vector.shape_cast %get3A_29 : vector<1x16xi32> to vector<16xi32>
      %ge3A_31 = arith.constant 0 : i32
      %ge3A_32 = vector.broadcast %ge3A_31 : i32 to vector<16xi32>
      %ge3A_33 = arith.cmpi sge, %get3A_30, %ge3A_32 : vector<16xi32>
      %select_n3A_34 = arith.select %ge3A_33, %get3A_30, %select_n3A : vector<16xi1>, vector<16xi32>
      %mul3A_35 = arith.constant 16 : i32
      %mul3A_36 = arith.muli %scan3A_8, %mul3A_35 : i32
      %get3A_37 = arith.constant 3 : i32
      %get3A_38 = arith.index_cast %get3A_37 : i32 to index
      %get3A_39 = arith.index_cast %mul3A_36 : i32 to index
      %get3A_40 = tpu.vector_load %arg5[%get3A_38, %get3A_39] {strides = array<i32>} : memref<32x3200xi32, #tpu.memory_space<vmem>>, vector<1x16xi32>,
      %get3A_41 = vector.shape_cast %get3A_40 : vector<1x16xi32> to vector<16xi32>
      %ge3A_42 = arith.constant 0 : i32
      %ge3A_43 = vector.broadcast %ge3A_42 : i32 to vector<16xi32>
      %ge3A_44 = arith.cmpi sge, %get3A_41, %ge3A_43 : vector<16xi32>
      %select_n3A_45 = arith.select %ge3A_44, %get3A_41, %select_n3A_34 : vector<16xi1>, vector<16xi32>
      %mul3A_46 = arith.constant 16 : i32
      %mul3A_47 = arith.muli %scan3A_8, %mul3A_46 : i32
      %get3A_48 = arith.constant 4 : i32
      %get3A_49 = arith.index_cast %get3A_48 : i32 to index
      %get3A_50 = arith.index_cast %mul3A_47 : i32 to index
      %get3A_51 = tpu.vector_load %arg5[%get3A_49, %get3A_50] {strides = array<i32>} : memref<32x3200xi32, #tpu.memory_space<vmem>>, vector<1x16xi32>,
      %get3A_52 = vector.shape_cast %get3A_51 : vector<1x16xi32> to vector<16xi32>
      %ge3A_53 = arith.constant 0 : i32
      %ge3A_54 = vector.broadcast %ge3A_53 : i32 to vector<16xi32>
      %ge3A_55 = arith.cmpi sge, %get3A_52, %ge3A_54 : vector<16xi32>
      %select_n3A_56 = arith.select %ge3A_55, %get3A_52, %select_n3A_45 : vector<16xi1>, vector<16xi32>
      %mul3A_57 = arith.constant 16 : i32
      %mul3A_58 = arith.muli %scan3A_8, %mul3A_57 : i32
      %get3A_59 = arith.constant 5 : i32
      %get3A_60 = arith.index_cast %get3A_59 : i32 to index
      %get3A_61 = arith.index_cast %mul3A_58 : i32 to index
      %get3A_62 = tpu.vector_load %arg5[%get3A_60, %get3A_61] {strides = array<i32>} : memref<32x3200xi32, #tpu.memory_space<vmem>>, vector<1x16xi32>,
      %get3A_63 = vector.shape_cast %get3A_62 : vector<1x16xi32> to vector<16xi32>
      %ge3A_64 = arith.constant 0 : i32
      %ge3A_65 = vector.broadcast %ge3A_64 : i32 to vector<16xi32>
      %ge3A_66 = arith.cmpi sge, %get3A_63, %ge3A_65 : vector<16xi32>
      %select_n3A_67 = arith.select %ge3A_66, %get3A_63, %select_n3A_56 : vector<16xi1>, vector<16xi32>
      %mul3A_68 = arith.constant 16 : i32
      %mul3A_69 = arith.muli %scan3A_8, %mul3A_68 : i32
      %get3A_70 = arith.constant 6 : i32
      %get3A_71 = arith.index_cast %get3A_70 : i32 to index
      %get3A_72 = arith.index_cast %mul3A_69 : i32 to index
      %get3A_73 = tpu.vector_load %arg5[%get3A_71, %get3A_72] {strides = array<i32>} : memref<32x3200xi32, #tpu.memory_space<vmem>>, vector<1x16xi32>,
      %get3A_74 = vector.shape_cast %get3A_73 : vector<1x16xi32> to vector<16xi32>
      %ge3A_75 = arith.constant 0 : i32
      %ge3A_76 = vector.broadcast %ge3A_75 : i32 to vector<16xi32>
      %ge3A_77 = arith.cmpi sge, %get3A_74, %ge3A_76 : vector<16xi32>
      %select_n3A_78 = arith.select %ge3A_77, %get3A_74, %select_n3A_67 : vector<16xi1>, vector<16xi32>
      %mul3A_79 = arith.constant 16 : i32
      %mul3A_80 = arith.muli %scan3A_8, %mul3A_79 : i32
      %get3A_81 = arith.constant 7 : i32
      %get3A_82 = arith.index_cast %get3A_81 : i32 to index
      %get3A_83 = arith.index_cast %mul3A_80 : i32 to index
      %get3A_84 = tpu.vector_load %arg5[%get3A_82, %get3A_83] {strides = array<i32>} : memref<32x3200xi32, #tpu.memory_space<vmem>>, vector<1x16xi32>,
      %get3A_85 = vector.shape_cast %get3A_84 : vector<1x16xi32> to vector<16xi32>
      %ge3A_86 = arith.constant 0 : i32
      %ge3A_87 = vector.broadcast %ge3A_86 : i32 to vector<16xi32>
      %ge3A_88 = arith.cmpi sge, %get3A_85, %ge3A_87 : vector<16xi32>
      %select_n3A_89 = arith.select %ge3A_88, %get3A_85, %select_n3A_78 : vector<16xi1>, vector<16xi32>
      %mul3A_90 = arith.constant 16 : i32
      %mul3A_91 = arith.muli %scan3A_8, %mul3A_90 : i32
      %get3A_92 = arith.constant 8 : i32
      %get3A_93 = arith.index_cast %get3A_92 : i32 to index
      %get3A_94 = arith.index_cast %mul3A_91 : i32 to index
      %get3A_95 = tpu.vector_load %arg5[%get3A_93, %get3A_94] {strides = array<i32>} : memref<32x3200xi32, #tpu.memory_space<vmem>>, vector<1x16xi32>,
      %get3A_96 = vector.shape_cast %get3A_95 : vector<1x16xi32> to vector<16xi32>
      %ge3A_97 = arith.constant 0 : i32
      %ge3A_98 = vector.broadcast %ge3A_97 : i32 to vector<16xi32>
      %ge3A_99 = arith.cmpi sge, %get3A_96, %ge3A_98 : vector<16xi32>
      %select_n3A_100 = arith.select %ge3A_99, %get3A_96, %select_n3A_89 : vector<16xi1>, vector<16xi32>
      %mul3A_101 = arith.constant 16 : i32
      %mul3A_102 = arith.muli %scan3A_8, %mul3A_101 : i32
      %get3A_103 = arith.constant 9 : i32
      %get3A_104 = arith.index_cast %get3A_103 : i32 to index
      %get3A_105 = arith.index_cast %mul3A_102 : i32 to index
      %get3A_106 = tpu.vector_load %arg5[%get3A_104, %get3A_105] {strides = array<i32>} : memref<32x3200xi32, #tpu.memory_space<vmem>>, vector<1x16xi32>,
      %get3A_107 = vector.shape_cast %get3A_106 : vector<1x16xi32> to vector<16xi32>
      %ge3A_108 = arith.constant 0 : i32
      %ge3A_109 = vector.broadcast %ge3A_108 : i32 to vector<16xi32>
      %ge3A_110 = arith.cmpi sge, %get3A_107, %ge3A_109 : vector<16xi32>
      %select_n3A_111 = arith.select %ge3A_110, %get3A_107, %select_n3A_100 : vector<16xi1>, vector<16xi32>
      %mul3A_112 = arith.constant 16 : i32
      %mul3A_113 = arith.muli %scan3A_8, %mul3A_112 : i32
      %get3A_114 = arith.constant 10 : i32
      %get3A_115 = arith.index_cast %get3A_114 : i32 to index
      %get3A_116 = arith.index_cast %mul3A_113 : i32 to index
      %get3A_117 = tpu.vector_load %arg5[%get3A_115, %get3A_116] {strides = array<i32>} : memref<32x3200xi32, #tpu.memory_space<vmem>>, vector<1x16xi32>,
      %get3A_118 = vector.shape_cast %get3A_117 : vector<1x16xi32> to vector<16xi32>
      %ge3A_119 = arith.constant 0 : i32
      %ge3A_120 = vector.broadcast %ge3A_119 : i32 to vector<16xi32>
      %ge3A_121 = arith.cmpi sge, %get3A_118, %ge3A_120 : vector<16xi32>
      %select_n3A_122 = arith.select %ge3A_121, %get3A_118, %select_n3A_111 : vector<16xi1>, vector<16xi32>
      %mul3A_123 = arith.constant 16 : i32
      %mul3A_124 = arith.muli %scan3A_8, %mul3A_123 : i32
      %get3A_125 = arith.constant 11 : i32
      %get3A_126 = arith.index_cast %get3A_125 : i32 to index
      %get3A_127 = arith.index_cast %mul3A_124 : i32 to index
      %get3A_128 = tpu.vector_load %arg5[%get3A_126, %get3A_127] {strides = array<i32>} : memref<32x3200xi32, #tpu.memory_space<vmem>>, vector<1x16xi32>,
      %get3A_129 = vector.shape_cast %get3A_128 : vector<1x16xi32> to vector<16xi32>
      %ge3A_130 = arith.constant 0 : i32
      %ge3A_131 = vector.broadcast %ge3A_130 : i32 to vector<16xi32>
      %ge3A_132 = arith.cmpi sge, %get3A_129, %ge3A_131 : vector<16xi32>
      %select_n3A_133 = arith.select %ge3A_132, %get3A_129, %select_n3A_122 : vector<16xi1>, vector<16xi32>
      %mul3A_134 = arith.constant 16 : i32
      %mul3A_135 = arith.muli %scan3A_8, %mul3A_134 : i32
      %get3A_136 = arith.constant 12 : i32
      %get3A_137 = arith.index_cast %get3A_136 : i32 to index
      %get3A_138 = arith.index_cast %mul3A_135 : i32 to index
      %get3A_139 = tpu.vector_load %arg5[%get3A_137, %get3A_138] {strides = array<i32>} : memref<32x3200xi32, #tpu.memory_space<vmem>>, vector<1x16xi32>,
      %get3A_140 = vector.shape_cast %get3A_139 : vector<1x16xi32> to vector<16xi32>
      %ge3A_141 = arith.constant 0 : i32
      %ge3A_142 = vector.broadcast %ge3A_141 : i32 to vector<16xi32>
      %ge3A_143 = arith.cmpi sge, %get3A_140, %ge3A_142 : vector<16xi32>
      %select_n3A_144 = arith.select %ge3A_143, %get3A_140, %select_n3A_133 : vector<16xi1>, vector<16xi32>
      %mul3A_145 = arith.constant 16 : i32
      %mul3A_146 = arith.muli %scan3A_8, %mul3A_145 : i32
      %get3A_147 = arith.constant 13 : i32
      %get3A_148 = arith.index_cast %get3A_147 : i32 to index
      %get3A_149 = arith.index_cast %mul3A_146 : i32 to index
      %get3A_150 = tpu.vector_load %arg5[%get3A_148, %get3A_149] {strides = array<i32>} : memref<32x3200xi32, #tpu.memory_space<vmem>>, vector<1x16xi32>,
      %get3A_151 = vector.shape_cast %get3A_150 : vector<1x16xi32> to vector<16xi32>
      %ge3A_152 = arith.constant 0 : i32
      %ge3A_153 = vector.broadcast %ge3A_152 : i32 to vector<16xi32>
      %ge3A_154 = arith.cmpi sge, %get3A_151, %ge3A_153 : vector<16xi32>
      %select_n3A_155 = arith.select %ge3A_154, %get3A_151, %select_n3A_144 : vector<16xi1>, vector<16xi32>
      %mul3A_156 = arith.constant 16 : i32
      %mul3A_157 = arith.muli %scan3A_8, %mul3A_156 : i32
      %get3A_158 = arith.constant 14 : i32
      %get3A_159 = arith.index_cast %get3A_158 : i32 to index
      %get3A_160 = arith.index_cast %mul3A_157 : i32 to index
      %get3A_161 = tpu.vector_load %arg5[%get3A_159, %get3A_160] {strides = array<i32>} : memref<32x3200xi32, #tpu.memory_space<vmem>>, vector<1x16xi32>,
      %get3A_162 = vector.shape_cast %get3A_161 : vector<1x16xi32> to vector<16xi32>
      %ge3A_163 = arith.constant 0 : i32
      %ge3A_164 = vector.broadcast %ge3A_163 : i32 to vector<16xi32>
      %ge3A_165 = arith.cmpi sge, %get3A_162, %ge3A_164 : vector<16xi32>
      %select_n3A_166 = arith.select %ge3A_165, %get3A_162, %select_n3A_155 : vector<16xi1>, vector<16xi32>
      %mul3A_167 = arith.constant 16 : i32
      %mul3A_168 = arith.muli %scan3A_8, %mul3A_167 : i32
      %get3A_169 = arith.constant 15 : i32
      %get3A_170 = arith.index_cast %get3A_169 : i32 to index
      %get3A_171 = arith.index_cast %mul3A_168 : i32 to index
      %get3A_172 = tpu.vector_load %arg5[%get3A_170, %get3A_171] {strides = array<i32>} : memref<32x3200xi32, #tpu.memory_space<vmem>>, vector<1x16xi32>,
      %get3A_173 = vector.shape_cast %get3A_172 : vector<1x16xi32> to vector<16xi32>
      %ge3A_174 = arith.constant 0 : i32
      %ge3A_175 = vector.broadcast %ge3A_174 : i32 to vector<16xi32>
      %ge3A_176 = arith.cmpi sge, %get3A_173, %ge3A_175 : vector<16xi32>
      %select_n3A_177 = arith.select %ge3A_176, %get3A_173, %select_n3A_166 : vector<16xi1>, vector<16xi32>
      %mul3A_178 = arith.constant 16 : i32
      %mul3A_179 = arith.muli %scan3A_8, %mul3A_178 : i32
      %get3A_180 = arith.constant 16 : i32
      %get3A_181 = arith.index_cast %get3A_180 : i32 to index
      %get3A_182 = arith.index_cast %mul3A_179 : i32 to index
      %get3A_183 = tpu.vector_load %arg5[%get3A_181, %get3A_182] {strides = array<i32>} : memref<32x3200xi32, #tpu.memory_space<vmem>>, vector<1x16xi32>,
      %get3A_184 = vector.shape_cast %get3A_183 : vector<1x16xi32> to vector<16xi32>
      %ge3A_185 = arith.constant 0 : i32
      %ge3A_186 = vector.broadcast %ge3A_185 : i32 to vector<16xi32>
      %ge3A_187 = arith.cmpi sge, %get3A_184, %ge3A_186 : vector<16xi32>
      %select_n3A_188 = arith.select %ge3A_187, %get3A_184, %select_n3A_177 : vector<16xi1>, vector<16xi32>
      %mul3A_189 = arith.constant 16 : i32
      %mul3A_190 = arith.muli %scan3A_8, %mul3A_189 : i32
      %get3A_191 = arith.constant 17 : i32
      %get3A_192 = arith.index_cast %get3A_191 : i32 to index
      %get3A_193 = arith.index_cast %mul3A_190 : i32 to index
      %get3A_194 = tpu.vector_load %arg5[%get3A_192, %get3A_193] {strides = array<i32>} : memref<32x3200xi32, #tpu.memory_space<vmem>>, vector<1x16xi32>,
      %get3A_195 = vector.shape_cast %get3A_194 : vector<1x16xi32> to vector<16xi32>
      %ge3A_196 = arith.constant 0 : i32
      %ge3A_197 = vector.broadcast %ge3A_196 : i32 to vector<16xi32>
      %ge3A_198 = arith.cmpi sge, %get3A_195, %ge3A_197 : vector<16xi32>
      %select_n3A_199 = arith.select %ge3A_198, %get3A_195, %select_n3A_188 : vector<16xi1>, vector<16xi32>
      %mul3A_200 = arith.constant 16 : i32
      %mul3A_201 = arith.muli %scan3A_8, %mul3A_200 : i32
      %get3A_202 = arith.constant 18 : i32
      %get3A_203 = arith.index_cast %get3A_202 : i32 to index
      %get3A_204 = arith.index_cast %mul3A_201 : i32 to index
      %get3A_205 = tpu.vector_load %arg5[%get3A_203, %get3A_204] {strides = array<i32>} : memref<32x3200xi32, #tpu.memory_space<vmem>>, vector<1x16xi32>,
      %get3A_206 = vector.shape_cast %get3A_205 : vector<1x16xi32> to vector<16xi32>
      %ge3A_207 = arith.constant 0 : i32
      %ge3A_208 = vector.broadcast %ge3A_207 : i32 to vector<16xi32>
      %ge3A_209 = arith.cmpi sge, %get3A_206, %ge3A_208 : vector<16xi32>
      %select_n3A_210 = arith.select %ge3A_209, %get3A_206, %select_n3A_199 : vector<16xi1>, vector<16xi32>
      %mul3A_211 = arith.constant 16 : i32
      %mul3A_212 = arith.muli %scan3A_8, %mul3A_211 : i32
      %get3A_213 = arith.constant 19 : i32
      %get3A_214 = arith.index_cast %get3A_213 : i32 to index
      %get3A_215 = arith.index_cast %mul3A_212 : i32 to index
      %get3A_216 = tpu.vector_load %arg5[%get3A_214, %get3A_215] {strides = array<i32>} : memref<32x3200xi32, #tpu.memory_space<vmem>>, vector<1x16xi32>,
      %get3A_217 = vector.shape_cast %get3A_216 : vector<1x16xi32> to vector<16xi32>
      %ge3A_218 = arith.constant 0 : i32
      %ge3A_219 = vector.broadcast %ge3A_218 : i32 to vector<16xi32>
      %ge3A_220 = arith.cmpi sge, %get3A_217, %ge3A_219 : vector<16xi32>
      %select_n3A_221 = arith.select %ge3A_220, %get3A_217, %select_n3A_210 : vector<16xi1>, vector<16xi32>
      %mul3A_222 = arith.constant 16 : i32
      %mul3A_223 = arith.muli %scan3A_8, %mul3A_222 : i32
      %get3A_224 = arith.constant 20 : i32
      %get3A_225 = arith.index_cast %get3A_224 : i32 to index
      %get3A_226 = arith.index_cast %mul3A_223 : i32 to index
      %get3A_227 = tpu.vector_load %arg5[%get3A_225, %get3A_226] {strides = array<i32>} : memref<32x3200xi32, #tpu.memory_space<vmem>>, vector<1x16xi32>,
      %get3A_228 = vector.shape_cast %get3A_227 : vector<1x16xi32> to vector<16xi32>
      %ge3A_229 = arith.constant 0 : i32
      %ge3A_230 = vector.broadcast %ge3A_229 : i32 to vector<16xi32>
      %ge3A_231 = arith.cmpi sge, %get3A_228, %ge3A_230 : vector<16xi32>
      %select_n3A_232 = arith.select %ge3A_231, %get3A_228, %select_n3A_221 : vector<16xi1>, vector<16xi32>
      %mul3A_233 = arith.constant 16 : i32
      %mul3A_234 = arith.muli %scan3A_8, %mul3A_233 : i32
      %get3A_235 = arith.constant 21 : i32
      %get3A_236 = arith.index_cast %get3A_235 : i32 to index
      %get3A_237 = arith.index_cast %mul3A_234 : i32 to index
      %get3A_238 = tpu.vector_load %arg5[%get3A_236, %get3A_237] {strides = array<i32>} : memref<32x3200xi32, #tpu.memory_space<vmem>>, vector<1x16xi32>,
      %get3A_239 = vector.shape_cast %get3A_238 : vector<1x16xi32> to vector<16xi32>
      %ge3A_240 = arith.constant 0 : i32
      %ge3A_241 = vector.broadcast %ge3A_240 : i32 to vector<16xi32>
      %ge3A_242 = arith.cmpi sge, %get3A_239, %ge3A_241 : vector<16xi32>
      %select_n3A_243 = arith.select %ge3A_242, %get3A_239, %select_n3A_232 : vector<16xi1>, vector<16xi32>
      %mul3A_244 = arith.constant 16 : i32
      %mul3A_245 = arith.muli %scan3A_8, %mul3A_244 : i32
      %get3A_246 = arith.constant 22 : i32
      %get3A_247 = arith.index_cast %get3A_246 : i32 to index
      %get3A_248 = arith.index_cast %mul3A_245 : i32 to index
      %get3A_249 = tpu.vector_load %arg5[%get3A_247, %get3A_248] {strides = array<i32>} : memref<32x3200xi32, #tpu.memory_space<vmem>>, vector<1x16xi32>,
      %get3A_250 = vector.shape_cast %get3A_249 : vector<1x16xi32> to vector<16xi32>
      %ge3A_251 = arith.constant 0 : i32
      %ge3A_252 = vector.broadcast %ge3A_251 : i32 to vector<16xi32>
      %ge3A_253 = arith.cmpi sge, %get3A_250, %ge3A_252 : vector<16xi32>
      %select_n3A_254 = arith.select %ge3A_253, %get3A_250, %select_n3A_243 : vector<16xi1>, vector<16xi32>
      %mul3A_255 = arith.constant 16 : i32
      %mul3A_256 = arith.muli %scan3A_8, %mul3A_255 : i32
      %get3A_257 = arith.constant 23 : i32
      %get3A_258 = arith.index_cast %get3A_257 : i32 to index
      %get3A_259 = arith.index_cast %mul3A_256 : i32 to index
      %get3A_260 = tpu.vector_load %arg5[%get3A_258, %get3A_259] {strides = array<i32>} : memref<32x3200xi32, #tpu.memory_space<vmem>>, vector<1x16xi32>,
      %get3A_261 = vector.shape_cast %get3A_260 : vector<1x16xi32> to vector<16xi32>
      %ge3A_262 = arith.constant 0 : i32
      %ge3A_263 = vector.broadcast %ge3A_262 : i32 to vector<16xi32>
      %ge3A_264 = arith.cmpi sge, %get3A_261, %ge3A_263 : vector<16xi32>
      %select_n3A_265 = arith.select %ge3A_264, %get3A_261, %select_n3A_254 : vector<16xi1>, vector<16xi32>
      %mul3A_266 = arith.constant 16 : i32
      %mul3A_267 = arith.muli %scan3A_8, %mul3A_266 : i32
      %get3A_268 = arith.constant 24 : i32
      %get3A_269 = arith.index_cast %get3A_268 : i32 to index
      %get3A_270 = arith.index_cast %mul3A_267 : i32 to index
      %get3A_271 = tpu.vector_load %arg5[%get3A_269, %get3A_270] {strides = array<i32>} : memref<32x3200xi32, #tpu.memory_space<vmem>>, vector<1x16xi32>,
      %get3A_272 = vector.shape_cast %get3A_271 : vector<1x16xi32> to vector<16xi32>
      %ge3A_273 = arith.constant 0 : i32
      %ge3A_274 = vector.broadcast %ge3A_273 : i32 to vector<16xi32>
      %ge3A_275 = arith.cmpi sge, %get3A_272, %ge3A_274 : vector<16xi32>
      %select_n3A_276 = arith.select %ge3A_275, %get3A_272, %select_n3A_265 : vector<16xi1>, vector<16xi32>
      %mul3A_277 = arith.constant 16 : i32
      %mul3A_278 = arith.muli %scan3A_8, %mul3A_277 : i32
      %get3A_279 = arith.constant 25 : i32
      %get3A_280 = arith.index_cast %get3A_279 : i32 to index
      %get3A_281 = arith.index_cast %mul3A_278 : i32 to index
      %get3A_282 = tpu.vector_load %arg5[%get3A_280, %get3A_281] {strides = array<i32>} : memref<32x3200xi32, #tpu.memory_space<vmem>>, vector<1x16xi32>,
      %get3A_283 = vector.shape_cast %get3A_282 : vector<1x16xi32> to vector<16xi32>
      %ge3A_284 = arith.constant 0 : i32
      %ge3A_285 = vector.broadcast %ge3A_284 : i32 to vector<16xi32>
      %ge3A_286 = arith.cmpi sge, %get3A_283, %ge3A_285 : vector<16xi32>
      %select_n3A_287 = arith.select %ge3A_286, %get3A_283, %select_n3A_276 : vector<16xi1>, vector<16xi32>
      %mul3A_288 = arith.constant 16 : i32
      %mul3A_289 = arith.muli %scan3A_8, %mul3A_288 : i32
      %get3A_290 = arith.constant 26 : i32
      %get3A_291 = arith.index_cast %get3A_290 : i32 to index
      %get3A_292 = arith.index_cast %mul3A_289 : i32 to index
      %get3A_293 = tpu.vector_load %arg5[%get3A_291, %get3A_292] {strides = array<i32>} : memref<32x3200xi32, #tpu.memory_space<vmem>>, vector<1x16xi32>,
      %get3A_294 = vector.shape_cast %get3A_293 : vector<1x16xi32> to vector<16xi32>
      %ge3A_295 = arith.constant 0 : i32
      %ge3A_296 = vector.broadcast %ge3A_295 : i32 to vector<16xi32>
      %ge3A_297 = arith.cmpi sge, %get3A_294, %ge3A_296 : vector<16xi32>
      %select_n3A_298 = arith.select %ge3A_297, %get3A_294, %select_n3A_287 : vector<16xi1>, vector<16xi32>
      %mul3A_299 = arith.constant 16 : i32
      %mul3A_300 = arith.muli %scan3A_8, %mul3A_299 : i32
      %get3A_301 = arith.constant 27 : i32
      %get3A_302 = arith.index_cast %get3A_301 : i32 to index
      %get3A_303 = arith.index_cast %mul3A_300 : i32 to index
      %get3A_304 = tpu.vector_load %arg5[%get3A_302, %get3A_303] {strides = array<i32>} : memref<32x3200xi32, #tpu.memory_space<vmem>>, vector<1x16xi32>,
      %get3A_305 = vector.shape_cast %get3A_304 : vector<1x16xi32> to vector<16xi32>
      %ge3A_306 = arith.constant 0 : i32
      %ge3A_307 = vector.broadcast %ge3A_306 : i32 to vector<16xi32>
      %ge3A_308 = arith.cmpi sge, %get3A_305, %ge3A_307 : vector<16xi32>
      %select_n3A_309 = arith.select %ge3A_308, %get3A_305, %select_n3A_298 : vector<16xi1>, vector<16xi32>
      %mul3A_310 = arith.constant 16 : i32
      %mul3A_311 = arith.muli %scan3A_8, %mul3A_310 : i32
      %get3A_312 = arith.constant 28 : i32
      %get3A_313 = arith.index_cast %get3A_312 : i32 to index
      %get3A_314 = arith.index_cast %mul3A_311 : i32 to index
      %get3A_315 = tpu.vector_load %arg5[%get3A_313, %get3A_314] {strides = array<i32>} : memref<32x3200xi32, #tpu.memory_space<vmem>>, vector<1x16xi32>,
      %get3A_316 = vector.shape_cast %get3A_315 : vector<1x16xi32> to vector<16xi32>
      %ge3A_317 = arith.constant 0 : i32
      %ge3A_318 = vector.broadcast %ge3A_317 : i32 to vector<16xi32>
      %ge3A_319 = arith.cmpi sge, %get3A_316, %ge3A_318 : vector<16xi32>
      %select_n3A_320 = arith.select %ge3A_319, %get3A_316, %select_n3A_309 : vector<16xi1>, vector<16xi32>
      %mul3A_321 = arith.constant 16 : i32
      %mul3A_322 = arith.muli %scan3A_8, %mul3A_321 : i32
      %get3A_323 = arith.constant 29 : i32
      %get3A_324 = arith.index_cast %get3A_323 : i32 to index
      %get3A_325 = arith.index_cast %mul3A_322 : i32 to index
      %get3A_326 = tpu.vector_load %arg5[%get3A_324, %get3A_325] {strides = array<i32>} : memref<32x3200xi32, #tpu.memory_space<vmem>>, vector<1x16xi32>,
      %get3A_327 = vector.shape_cast %get3A_326 : vector<1x16xi32> to vector<16xi32>
      %ge3A_328 = arith.constant 0 : i32
      %ge3A_329 = vector.broadcast %ge3A_328 : i32 to vector<16xi32>
      %ge3A_330 = arith.cmpi sge, %get3A_327, %ge3A_329 : vector<16xi32>
      %select_n3A_331 = arith.select %ge3A_330, %get3A_327, %select_n3A_320 : vector<16xi1>, vector<16xi32>
      %mul3A_332 = arith.constant 16 : i32
      %mul3A_333 = arith.muli %scan3A_8, %mul3A_332 : i32
      %get3A_334 = arith.constant 30 : i32
      %get3A_335 = arith.index_cast %get3A_334 : i32 to index
      %get3A_336 = arith.index_cast %mul3A_333 : i32 to index
      %get3A_337 = tpu.vector_load %arg5[%get3A_335, %get3A_336] {strides = array<i32>} : memref<32x3200xi32, #tpu.memory_space<vmem>>, vector<1x16xi32>,
      %get3A_338 = vector.shape_cast %get3A_337 : vector<1x16xi32> to vector<16xi32>
      %ge3A_339 = arith.constant 0 : i32
      %ge3A_340 = vector.broadcast %ge3A_339 : i32 to vector<16xi32>
      %ge3A_341 = arith.cmpi sge, %get3A_338, %ge3A_340 : vector<16xi32>
      %select_n3A_342 = arith.select %ge3A_341, %get3A_338, %select_n3A_331 : vector<16xi1>, vector<16xi32>
      %mul3A_343 = arith.constant 16 : i32
      %mul3A_344 = arith.muli %scan3A_8, %mul3A_343 : i32
      %get3A_345 = arith.constant 31 : i32
      %get3A_346 = arith.index_cast %get3A_345 : i32 to index
      %get3A_347 = arith.index_cast %mul3A_344 : i32 to index
      %get3A_348 = tpu.vector_load %arg5[%get3A_346, %get3A_347] {strides = array<i32>} : memref<32x3200xi32, #tpu.memory_space<vmem>>, vector<1x16xi32>,
      %get3A_349 = vector.shape_cast %get3A_348 : vector<1x16xi32> to vector<16xi32>
      %ge3A_350 = arith.constant 0 : i32
      %ge3A_351 = vector.broadcast %ge3A_350 : i32 to vector<16xi32>
      %ge3A_352 = arith.cmpi sge, %get3A_349, %ge3A_351 : vector<16xi32>
      %select_n3A_353 = arith.select %ge3A_352, %get3A_349, %select_n3A_342 : vector<16xi1>, vector<16xi32>
      %mul3A_354 = arith.constant 16 : i32
      %mul3A_355 = arith.muli %scan3A_8, %mul3A_354 : i32
      %swap3A = arith.index_cast %mul3A_355 : i32 to index
      %swap3A_356 = tpu.vector_load %arg6[%swap3A] {strides = array<i32>} : memref<3200xi32, #tpu.memory_space<vmem>>, vector<16xi32>,
      %swap3A_357 = vector.shape_cast %swap3A_356 : vector<16xi32> to vector<16xi32>
      %swap3A_358 = vector.shape_cast %select_n3A_353 : vector<16xi32> to vector<16xi32>
      tpu.vector_store %arg6[%swap3A], %swap3A_358 {strides = array<i32>} : memref<3200xi32, #tpu.memory_space<vmem>>, vector<16xi32>,
      %mul3A_359 = arith.constant 16 : i32
      %mul3A_360 = arith.muli %scan3A_8, %mul3A_359 : i32
      %add3A_361 = arith.addi %mul3A_2, %mul3A_360 : i32
      %add3A_362 = vector.broadcast %add3A_361 : i32 to vector<16xi32>
      %add3A_363 = arith.addi %add3A_362, %iota3A : vector<16xi32>
      %ge3A_364 = arith.constant 0 : i32
      %ge3A_365 = vector.broadcast %ge3A_364 : i32 to vector<16xi32>
      %ge3A_366 = arith.cmpi sge, %select_n3A_353, %ge3A_365 : vector<16xi32>
      %and3A = arith.constant 32767 : i32
      %and3A_367 = vector.broadcast %and3A : i32 to vector<16xi32>
      %and3A_368 = arith.andi %add3A_363, %and3A_367 : vector<16xi32>
      %select_n3A_369 = arith.select %ge3A_366, %select_n3A_353, %and3A_368 : vector<16xi1>, vector<16xi32>
      %mul3A_370 = arith.constant 16 : i32
      %mul3A_371 = arith.muli %scan3A_8, %mul3A_370 : i32
      %swap3A_372 = arith.index_cast %mul3A_371 : i32 to index
      %swap3A_373 = tpu.vector_load %arg7[%swap3A_372] {strides = array<i32>} : memref<3200xi32, #tpu.memory_space<vmem>>, vector<16xi32>,
      %swap3A_374 = vector.shape_cast %swap3A_373 : vector<16xi32> to vector<16xi32>
      %swap3A_375 = vector.shape_cast %select_n3A_369 : vector<16xi32> to vector<16xi32>
      tpu.vector_store %arg7[%swap3A_372], %swap3A_375 {strides = array<i32>} : memref<3200xi32, #tpu.memory_space<vmem>>, vector<16xi32>,
    }
    %scan3A_7 = arith.constant 200 : i32
    "tpu.region"() ({
      %run_scoped3A = tpu.sem_alloc : memref<!tpu.dma_semaphore, #tpu.memory_space<semaphore_mem>>
      %dma_start3A = tpu.memref_slice %arg3[%mul3A_2] : memref<102400xi32, #tpu.memory_space<hbm>> -> memref<3200xi32, #tpu.memory_space<hbm>>
      %dma_start3A_8 = tpu.memref_slice %arg3[%mul3A_2] : memref<102400xi32, #tpu.memory_space<hbm>> -> memref<3200xi32, #tpu.memory_space<hbm>>
      tpu.enqueue_dma source(%arg6 : memref<3200xi32, #tpu.memory_space<vmem>>) target(%dma_start3A_8 : memref<3200xi32, #tpu.memory_space<hbm>>) target_semaphore(%run_scoped3A : memref<!tpu.dma_semaphore, #tpu.memory_space<semaphore_mem>>)
      %dma_wait3A = tpu.memref_slice %arg3[%mul3A_2] : memref<102400xi32, #tpu.memory_space<hbm>> -> memref<3200xi32, #tpu.memory_space<hbm>>
      %dma_wait3A_9 = tpu.memref_slice %arg3[%mul3A_2] : memref<102400xi32, #tpu.memory_space<hbm>> -> memref<3200xi32, #tpu.memory_space<hbm>>
      tpu.wait_dma2 semaphore(%run_scoped3A : memref<!tpu.dma_semaphore, #tpu.memory_space<semaphore_mem>>) src(%arg6 : memref<3200xi32, #tpu.memory_space<vmem>>) dst(%dma_wait3A_9 : memref<3200xi32, #tpu.memory_space<hbm>>)
      tpu.yield
    }) : () -> ()
    "tpu.region"() ({
      %run_scoped3A = tpu.sem_alloc : memref<!tpu.dma_semaphore, #tpu.memory_space<semaphore_mem>>
      %dma_start3A = tpu.memref_slice %arg4[%mul3A_2] : memref<102400xi32, #tpu.memory_space<hbm>> -> memref<3200xi32, #tpu.memory_space<hbm>>
      %dma_start3A_8 = tpu.memref_slice %arg4[%mul3A_2] : memref<102400xi32, #tpu.memory_space<hbm>> -> memref<3200xi32, #tpu.memory_space<hbm>>
      tpu.enqueue_dma source(%arg7 : memref<3200xi32, #tpu.memory_space<vmem>>) target(%dma_start3A_8 : memref<3200xi32, #tpu.memory_space<hbm>>) target_semaphore(%run_scoped3A : memref<!tpu.dma_semaphore, #tpu.memory_space<semaphore_mem>>)
      %dma_wait3A = tpu.memref_slice %arg4[%mul3A_2] : memref<102400xi32, #tpu.memory_space<hbm>> -> memref<3200xi32, #tpu.memory_space<hbm>>
      %dma_wait3A_9 = tpu.memref_slice %arg4[%mul3A_2] : memref<102400xi32, #tpu.memory_space<hbm>> -> memref<3200xi32, #tpu.memory_space<hbm>>
      tpu.wait_dma2 semaphore(%run_scoped3A : memref<!tpu.dma_semaphore, #tpu.memory_space<semaphore_mem>>) src(%arg7 : memref<3200xi32, #tpu.memory_space<vmem>>) dst(%dma_wait3A_9 : memref<3200xi32, #tpu.memory_space<hbm>>)
      tpu.yield
    }) : () -> ()
    return
  }
}

#map = affine_map<(d0, d1) -> (0)>
#map1 = affine_map<(d0, d1) -> (0, 0)>
module attributes {stable_mosaic.version = 14 : i64} {
  func.func @k(%arg0: i32, %arg1: i32, %arg2: memref<102400xi32, #tpu.memory_space<hbm>>, %arg3: memref<50000x128xi32, #tpu.memory_space<hbm>>, %arg4: memref<102400x128xi32, #tpu.memory_space<hbm>>, %arg5: memref<3200xi32, #tpu.memory_space<vmem>>, %arg6: memref<160x128xi32, #tpu.memory_space<vmem>>, %arg7: memref<160x128xi32, #tpu.memory_space<vmem>>, %arg8: memref<!tpu.dma_semaphore, #tpu.memory_space<semaphore_mem>>, %arg9: memref<!tpu.dma_semaphore, #tpu.memory_space<semaphore_mem>>) attributes {dimension_semantics = [#tpu.dimension_semantics<core_parallel>, #tpu.dimension_semantics<subcore_parallel>], iteration_bounds = array<i64: 2, 16>, scalar_prefetch = 0 : i64, scratch_operands = 5 : i64, tpu.core_type = #tpu.core_type<sc_vector_subcore>, window_params = [{transform_indices = #map}, {transform_indices = #map1}, {transform_indices = #map1}]} {
    %mul3A = arith.constant 2 : i32
    %mul3A_0 = arith.muli %arg1, %mul3A : i32
    %add3A = arith.addi %mul3A_0, %arg0 : i32
    %mul3A_1 = arith.constant 3200 : i32
    %mul3A_2 = arith.muli %add3A, %mul3A_1 : i32
    "tpu.region"() ({
      %run_scoped3A = tpu.sem_alloc : memref<!tpu.dma_semaphore, #tpu.memory_space<semaphore_mem>>
      %dma_start3A_241 = tpu.memref_slice %arg2[%mul3A_2] : memref<102400xi32, #tpu.memory_space<hbm>> -> memref<3200xi32, #tpu.memory_space<hbm>>
      %dma_start3A_242 = tpu.memref_slice %arg2[%mul3A_2] : memref<102400xi32, #tpu.memory_space<hbm>> -> memref<3200xi32, #tpu.memory_space<hbm>>
      tpu.enqueue_dma source(%dma_start3A_242 : memref<3200xi32, #tpu.memory_space<hbm>>) target(%arg5 : memref<3200xi32, #tpu.memory_space<vmem>>) target_semaphore(%run_scoped3A : memref<!tpu.dma_semaphore, #tpu.memory_space<semaphore_mem>>)
      %dma_wait3A_243 = tpu.memref_slice %arg2[%mul3A_2] : memref<102400xi32, #tpu.memory_space<hbm>> -> memref<3200xi32, #tpu.memory_space<hbm>>
      %dma_wait3A_244 = tpu.memref_slice %arg2[%mul3A_2] : memref<102400xi32, #tpu.memory_space<hbm>> -> memref<3200xi32, #tpu.memory_space<hbm>>
      tpu.wait_dma2 semaphore(%run_scoped3A : memref<!tpu.dma_semaphore, #tpu.memory_space<semaphore_mem>>) src(%dma_wait3A_244 : memref<3200xi32, #tpu.memory_space<hbm>>) dst(%arg5 : memref<3200xi32, #tpu.memory_space<vmem>>)
      tpu.yield
    }) : () -> ()
    %dma_start3A = arith.constant 0 : i32
    %dma_start3A_3 = tpu.memref_slice %arg5[%dma_start3A] : memref<3200xi32, #tpu.memory_space<vmem>> -> memref<160xi32, #tpu.memory_space<vmem>>
    %dma_start3A_4 = arith.constant 0 : i32
    %dma_start3A_5 = arith.constant 0 : i32
    %dma_start3A_6 = tpu.memref_slice %arg3[%dma_start3A_4, %dma_start3A_5] : memref<50000x128xi32, #tpu.memory_space<hbm>> -> memref<50000x128xi32, #tpu.memory_space<hbm>>
    tpu.enqueue_indirect_dma source(%dma_start3A_6 : memref<50000x128xi32, #tpu.memory_space<hbm>>) target(%arg6 : memref<160x128xi32, #tpu.memory_space<vmem>>) offsets(%dma_start3A_3 : memref<160xi32, #tpu.memory_space<vmem>>) semaphore(%arg8 : memref<!tpu.dma_semaphore, #tpu.memory_space<semaphore_mem>>)
    %dma_start3A_7 = arith.constant 160 : i32
    %dma_start3A_8 = tpu.memref_slice %arg5[%dma_start3A_7] : memref<3200xi32, #tpu.memory_space<vmem>> -> memref<160xi32, #tpu.memory_space<vmem>>
    %dma_start3A_9 = arith.constant 0 : i32
    %dma_start3A_10 = arith.constant 0 : i32
    %dma_start3A_11 = tpu.memref_slice %arg3[%dma_start3A_9, %dma_start3A_10] : memref<50000x128xi32, #tpu.memory_space<hbm>> -> memref<50000x128xi32, #tpu.memory_space<hbm>>
    tpu.enqueue_indirect_dma source(%dma_start3A_11 : memref<50000x128xi32, #tpu.memory_space<hbm>>) target(%arg7 : memref<160x128xi32, #tpu.memory_space<vmem>>) offsets(%dma_start3A_8 : memref<160xi32, #tpu.memory_space<vmem>>) semaphore(%arg9 : memref<!tpu.dma_semaphore, #tpu.memory_space<semaphore_mem>>)
    %dma_wait3A = arith.constant 0 : i32
    %dma_wait3A_12 = tpu.memref_slice %arg5[%dma_wait3A] : memref<3200xi32, #tpu.memory_space<vmem>> -> memref<160xi32, #tpu.memory_space<vmem>>
    %dma_wait3A_13 = arith.constant 0 : i32
    %dma_wait3A_14 = arith.constant 0 : i32
    %dma_wait3A_15 = tpu.memref_slice %arg3[%dma_wait3A_13, %dma_wait3A_14] : memref<50000x128xi32, #tpu.memory_space<hbm>> -> memref<50000x128xi32, #tpu.memory_space<hbm>>
    tpu.wait_indirect_dma semaphore(%arg8 : memref<!tpu.dma_semaphore, #tpu.memory_space<semaphore_mem>>) src(%dma_wait3A_15 : memref<50000x128xi32, #tpu.memory_space<hbm>>) dst(%arg6 : memref<160x128xi32, #tpu.memory_space<vmem>>)
    %add3A_16 = arith.constant 0 : i32
    %add3A_17 = arith.addi %mul3A_2, %add3A_16 : i32
    "tpu.region"() ({
      %run_scoped3A = tpu.sem_alloc : memref<!tpu.dma_semaphore, #tpu.memory_space<semaphore_mem>>
      %dma_start3A_241 = arith.constant 0 : i32
      %dma_start3A_242 = tpu.memref_slice %arg4[%add3A_17, %dma_start3A_241] : memref<102400x128xi32, #tpu.memory_space<hbm>> -> memref<160x128xi32, #tpu.memory_space<hbm>>
      %dma_start3A_243 = arith.constant 0 : i32
      %dma_start3A_244 = tpu.memref_slice %arg4[%add3A_17, %dma_start3A_243] : memref<102400x128xi32, #tpu.memory_space<hbm>> -> memref<160x128xi32, #tpu.memory_space<hbm>>
      tpu.enqueue_dma source(%arg6 : memref<160x128xi32, #tpu.memory_space<vmem>>) target(%dma_start3A_244 : memref<160x128xi32, #tpu.memory_space<hbm>>) target_semaphore(%run_scoped3A : memref<!tpu.dma_semaphore, #tpu.memory_space<semaphore_mem>>)
      %dma_wait3A_245 = arith.constant 0 : i32
      %dma_wait3A_246 = tpu.memref_slice %arg4[%add3A_17, %dma_wait3A_245] : memref<102400x128xi32, #tpu.memory_space<hbm>> -> memref<160x128xi32, #tpu.memory_space<hbm>>
      %dma_wait3A_247 = arith.constant 0 : i32
      %dma_wait3A_248 = tpu.memref_slice %arg4[%add3A_17, %dma_wait3A_247] : memref<102400x128xi32, #tpu.memory_space<hbm>> -> memref<160x128xi32, #tpu.memory_space<hbm>>
      tpu.wait_dma2 semaphore(%run_scoped3A : memref<!tpu.dma_semaphore, #tpu.memory_space<semaphore_mem>>) src(%arg6 : memref<160x128xi32, #tpu.memory_space<vmem>>) dst(%dma_wait3A_248 : memref<160x128xi32, #tpu.memory_space<hbm>>)
      tpu.yield
    }) : () -> ()
    %dma_start3A_18 = arith.constant 320 : i32
    %dma_start3A_19 = tpu.memref_slice %arg5[%dma_start3A_18] : memref<3200xi32, #tpu.memory_space<vmem>> -> memref<160xi32, #tpu.memory_space<vmem>>
    %dma_start3A_20 = arith.constant 0 : i32
    %dma_start3A_21 = arith.constant 0 : i32
    %dma_start3A_22 = tpu.memref_slice %arg3[%dma_start3A_20, %dma_start3A_21] : memref<50000x128xi32, #tpu.memory_space<hbm>> -> memref<50000x128xi32, #tpu.memory_space<hbm>>
    tpu.enqueue_indirect_dma source(%dma_start3A_22 : memref<50000x128xi32, #tpu.memory_space<hbm>>) target(%arg6 : memref<160x128xi32, #tpu.memory_space<vmem>>) offsets(%dma_start3A_19 : memref<160xi32, #tpu.memory_space<vmem>>) semaphore(%arg8 : memref<!tpu.dma_semaphore, #tpu.memory_space<semaphore_mem>>)
    %dma_wait3A_23 = arith.constant 160 : i32
    %dma_wait3A_24 = tpu.memref_slice %arg5[%dma_wait3A_23] : memref<3200xi32, #tpu.memory_space<vmem>> -> memref<160xi32, #tpu.memory_space<vmem>>
    %dma_wait3A_25 = arith.constant 0 : i32
    %dma_wait3A_26 = arith.constant 0 : i32
    %dma_wait3A_27 = tpu.memref_slice %arg3[%dma_wait3A_25, %dma_wait3A_26] : memref<50000x128xi32, #tpu.memory_space<hbm>> -> memref<50000x128xi32, #tpu.memory_space<hbm>>
    tpu.wait_indirect_dma semaphore(%arg9 : memref<!tpu.dma_semaphore, #tpu.memory_space<semaphore_mem>>) src(%dma_wait3A_27 : memref<50000x128xi32, #tpu.memory_space<hbm>>) dst(%arg7 : memref<160x128xi32, #tpu.memory_space<vmem>>)
    %add3A_28 = arith.constant 160 : i32
    %add3A_29 = arith.addi %mul3A_2, %add3A_28 : i32
    "tpu.region"() ({
      %run_scoped3A = tpu.sem_alloc : memref<!tpu.dma_semaphore, #tpu.memory_space<semaphore_mem>>
      %dma_start3A_241 = arith.constant 0 : i32
      %dma_start3A_242 = tpu.memref_slice %arg4[%add3A_29, %dma_start3A_241] : memref<102400x128xi32, #tpu.memory_space<hbm>> -> memref<160x128xi32, #tpu.memory_space<hbm>>
      %dma_start3A_243 = arith.constant 0 : i32
      %dma_start3A_244 = tpu.memref_slice %arg4[%add3A_29, %dma_start3A_243] : memref<102400x128xi32, #tpu.memory_space<hbm>> -> memref<160x128xi32, #tpu.memory_space<hbm>>
      tpu.enqueue_dma source(%arg7 : memref<160x128xi32, #tpu.memory_space<vmem>>) target(%dma_start3A_244 : memref<160x128xi32, #tpu.memory_space<hbm>>) target_semaphore(%run_scoped3A : memref<!tpu.dma_semaphore, #tpu.memory_space<semaphore_mem>>)
      %dma_wait3A_245 = arith.constant 0 : i32
      %dma_wait3A_246 = tpu.memref_slice %arg4[%add3A_29, %dma_wait3A_245] : memref<102400x128xi32, #tpu.memory_space<hbm>> -> memref<160x128xi32, #tpu.memory_space<hbm>>
      %dma_wait3A_247 = arith.constant 0 : i32
      %dma_wait3A_248 = tpu.memref_slice %arg4[%add3A_29, %dma_wait3A_247] : memref<102400x128xi32, #tpu.memory_space<hbm>> -> memref<160x128xi32, #tpu.memory_space<hbm>>
      tpu.wait_dma2 semaphore(%run_scoped3A : memref<!tpu.dma_semaphore, #tpu.memory_space<semaphore_mem>>) src(%arg7 : memref<160x128xi32, #tpu.memory_space<vmem>>) dst(%dma_wait3A_248 : memref<160x128xi32, #tpu.memory_space<hbm>>)
      tpu.yield
    }) : () -> ()
    %dma_start3A_30 = arith.constant 480 : i32
    %dma_start3A_31 = tpu.memref_slice %arg5[%dma_start3A_30] : memref<3200xi32, #tpu.memory_space<vmem>> -> memref<160xi32, #tpu.memory_space<vmem>>
    %dma_start3A_32 = arith.constant 0 : i32
    %dma_start3A_33 = arith.constant 0 : i32
    %dma_start3A_34 = tpu.memref_slice %arg3[%dma_start3A_32, %dma_start3A_33] : memref<50000x128xi32, #tpu.memory_space<hbm>> -> memref<50000x128xi32, #tpu.memory_space<hbm>>
    tpu.enqueue_indirect_dma source(%dma_start3A_34 : memref<50000x128xi32, #tpu.memory_space<hbm>>) target(%arg7 : memref<160x128xi32, #tpu.memory_space<vmem>>) offsets(%dma_start3A_31 : memref<160xi32, #tpu.memory_space<vmem>>) semaphore(%arg9 : memref<!tpu.dma_semaphore, #tpu.memory_space<semaphore_mem>>)
    %dma_wait3A_35 = arith.constant 320 : i32
    %dma_wait3A_36 = tpu.memref_slice %arg5[%dma_wait3A_35] : memref<3200xi32, #tpu.memory_space<vmem>> -> memref<160xi32, #tpu.memory_space<vmem>>
    %dma_wait3A_37 = arith.constant 0 : i32
    %dma_wait3A_38 = arith.constant 0 : i32
    %dma_wait3A_39 = tpu.memref_slice %arg3[%dma_wait3A_37, %dma_wait3A_38] : memref<50000x128xi32, #tpu.memory_space<hbm>> -> memref<50000x128xi32, #tpu.memory_space<hbm>>
    tpu.wait_indirect_dma semaphore(%arg8 : memref<!tpu.dma_semaphore, #tpu.memory_space<semaphore_mem>>) src(%dma_wait3A_39 : memref<50000x128xi32, #tpu.memory_space<hbm>>) dst(%arg6 : memref<160x128xi32, #tpu.memory_space<vmem>>)
    %add3A_40 = arith.constant 320 : i32
    %add3A_41 = arith.addi %mul3A_2, %add3A_40 : i32
    "tpu.region"() ({
      %run_scoped3A = tpu.sem_alloc : memref<!tpu.dma_semaphore, #tpu.memory_space<semaphore_mem>>
      %dma_start3A_241 = arith.constant 0 : i32
      %dma_start3A_242 = tpu.memref_slice %arg4[%add3A_41, %dma_start3A_241] : memref<102400x128xi32, #tpu.memory_space<hbm>> -> memref<160x128xi32, #tpu.memory_space<hbm>>
      %dma_start3A_243 = arith.constant 0 : i32
      %dma_start3A_244 = tpu.memref_slice %arg4[%add3A_41, %dma_start3A_243] : memref<102400x128xi32, #tpu.memory_space<hbm>> -> memref<160x128xi32, #tpu.memory_space<hbm>>
      tpu.enqueue_dma source(%arg6 : memref<160x128xi32, #tpu.memory_space<vmem>>) target(%dma_start3A_244 : memref<160x128xi32, #tpu.memory_space<hbm>>) target_semaphore(%run_scoped3A : memref<!tpu.dma_semaphore, #tpu.memory_space<semaphore_mem>>)
      %dma_wait3A_245 = arith.constant 0 : i32
      %dma_wait3A_246 = tpu.memref_slice %arg4[%add3A_41, %dma_wait3A_245] : memref<102400x128xi32, #tpu.memory_space<hbm>> -> memref<160x128xi32, #tpu.memory_space<hbm>>
      %dma_wait3A_247 = arith.constant 0 : i32
      %dma_wait3A_248 = tpu.memref_slice %arg4[%add3A_41, %dma_wait3A_247] : memref<102400x128xi32, #tpu.memory_space<hbm>> -> memref<160x128xi32, #tpu.memory_space<hbm>>
      tpu.wait_dma2 semaphore(%run_scoped3A : memref<!tpu.dma_semaphore, #tpu.memory_space<semaphore_mem>>) src(%arg6 : memref<160x128xi32, #tpu.memory_space<vmem>>) dst(%dma_wait3A_248 : memref<160x128xi32, #tpu.memory_space<hbm>>)
      tpu.yield
    }) : () -> ()
    %dma_start3A_42 = arith.constant 640 : i32
    %dma_start3A_43 = tpu.memref_slice %arg5[%dma_start3A_42] : memref<3200xi32, #tpu.memory_space<vmem>> -> memref<160xi32, #tpu.memory_space<vmem>>
    %dma_start3A_44 = arith.constant 0 : i32
    %dma_start3A_45 = arith.constant 0 : i32
    %dma_start3A_46 = tpu.memref_slice %arg3[%dma_start3A_44, %dma_start3A_45] : memref<50000x128xi32, #tpu.memory_space<hbm>> -> memref<50000x128xi32, #tpu.memory_space<hbm>>
    tpu.enqueue_indirect_dma source(%dma_start3A_46 : memref<50000x128xi32, #tpu.memory_space<hbm>>) target(%arg6 : memref<160x128xi32, #tpu.memory_space<vmem>>) offsets(%dma_start3A_43 : memref<160xi32, #tpu.memory_space<vmem>>) semaphore(%arg8 : memref<!tpu.dma_semaphore, #tpu.memory_space<semaphore_mem>>)
    %dma_wait3A_47 = arith.constant 480 : i32
    %dma_wait3A_48 = tpu.memref_slice %arg5[%dma_wait3A_47] : memref<3200xi32, #tpu.memory_space<vmem>> -> memref<160xi32, #tpu.memory_space<vmem>>
    %dma_wait3A_49 = arith.constant 0 : i32
    %dma_wait3A_50 = arith.constant 0 : i32
    %dma_wait3A_51 = tpu.memref_slice %arg3[%dma_wait3A_49, %dma_wait3A_50] : memref<50000x128xi32, #tpu.memory_space<hbm>> -> memref<50000x128xi32, #tpu.memory_space<hbm>>
    tpu.wait_indirect_dma semaphore(%arg9 : memref<!tpu.dma_semaphore, #tpu.memory_space<semaphore_mem>>) src(%dma_wait3A_51 : memref<50000x128xi32, #tpu.memory_space<hbm>>) dst(%arg7 : memref<160x128xi32, #tpu.memory_space<vmem>>)
    %add3A_52 = arith.constant 480 : i32
    %add3A_53 = arith.addi %mul3A_2, %add3A_52 : i32
    "tpu.region"() ({
      %run_scoped3A = tpu.sem_alloc : memref<!tpu.dma_semaphore, #tpu.memory_space<semaphore_mem>>
      %dma_start3A_241 = arith.constant 0 : i32
      %dma_start3A_242 = tpu.memref_slice %arg4[%add3A_53, %dma_start3A_241] : memref<102400x128xi32, #tpu.memory_space<hbm>> -> memref<160x128xi32, #tpu.memory_space<hbm>>
      %dma_start3A_243 = arith.constant 0 : i32
      %dma_start3A_244 = tpu.memref_slice %arg4[%add3A_53, %dma_start3A_243] : memref<102400x128xi32, #tpu.memory_space<hbm>> -> memref<160x128xi32, #tpu.memory_space<hbm>>
      tpu.enqueue_dma source(%arg7 : memref<160x128xi32, #tpu.memory_space<vmem>>) target(%dma_start3A_244 : memref<160x128xi32, #tpu.memory_space<hbm>>) target_semaphore(%run_scoped3A : memref<!tpu.dma_semaphore, #tpu.memory_space<semaphore_mem>>)
      %dma_wait3A_245 = arith.constant 0 : i32
      %dma_wait3A_246 = tpu.memref_slice %arg4[%add3A_53, %dma_wait3A_245] : memref<102400x128xi32, #tpu.memory_space<hbm>> -> memref<160x128xi32, #tpu.memory_space<hbm>>
      %dma_wait3A_247 = arith.constant 0 : i32
      %dma_wait3A_248 = tpu.memref_slice %arg4[%add3A_53, %dma_wait3A_247] : memref<102400x128xi32, #tpu.memory_space<hbm>> -> memref<160x128xi32, #tpu.memory_space<hbm>>
      tpu.wait_dma2 semaphore(%run_scoped3A : memref<!tpu.dma_semaphore, #tpu.memory_space<semaphore_mem>>) src(%arg7 : memref<160x128xi32, #tpu.memory_space<vmem>>) dst(%dma_wait3A_248 : memref<160x128xi32, #tpu.memory_space<hbm>>)
      tpu.yield
    }) : () -> ()
    %dma_start3A_54 = arith.constant 800 : i32
    %dma_start3A_55 = tpu.memref_slice %arg5[%dma_start3A_54] : memref<3200xi32, #tpu.memory_space<vmem>> -> memref<160xi32, #tpu.memory_space<vmem>>
    %dma_start3A_56 = arith.constant 0 : i32
    %dma_start3A_57 = arith.constant 0 : i32
    %dma_start3A_58 = tpu.memref_slice %arg3[%dma_start3A_56, %dma_start3A_57] : memref<50000x128xi32, #tpu.memory_space<hbm>> -> memref<50000x128xi32, #tpu.memory_space<hbm>>
    tpu.enqueue_indirect_dma source(%dma_start3A_58 : memref<50000x128xi32, #tpu.memory_space<hbm>>) target(%arg7 : memref<160x128xi32, #tpu.memory_space<vmem>>) offsets(%dma_start3A_55 : memref<160xi32, #tpu.memory_space<vmem>>) semaphore(%arg9 : memref<!tpu.dma_semaphore, #tpu.memory_space<semaphore_mem>>)
    %dma_wait3A_59 = arith.constant 640 : i32
    %dma_wait3A_60 = tpu.memref_slice %arg5[%dma_wait3A_59] : memref<3200xi32, #tpu.memory_space<vmem>> -> memref<160xi32, #tpu.memory_space<vmem>>
    %dma_wait3A_61 = arith.constant 0 : i32
    %dma_wait3A_62 = arith.constant 0 : i32
    %dma_wait3A_63 = tpu.memref_slice %arg3[%dma_wait3A_61, %dma_wait3A_62] : memref<50000x128xi32, #tpu.memory_space<hbm>> -> memref<50000x128xi32, #tpu.memory_space<hbm>>
    tpu.wait_indirect_dma semaphore(%arg8 : memref<!tpu.dma_semaphore, #tpu.memory_space<semaphore_mem>>) src(%dma_wait3A_63 : memref<50000x128xi32, #tpu.memory_space<hbm>>) dst(%arg6 : memref<160x128xi32, #tpu.memory_space<vmem>>)
    %add3A_64 = arith.constant 640 : i32
    %add3A_65 = arith.addi %mul3A_2, %add3A_64 : i32
    "tpu.region"() ({
      %run_scoped3A = tpu.sem_alloc : memref<!tpu.dma_semaphore, #tpu.memory_space<semaphore_mem>>
      %dma_start3A_241 = arith.constant 0 : i32
      %dma_start3A_242 = tpu.memref_slice %arg4[%add3A_65, %dma_start3A_241] : memref<102400x128xi32, #tpu.memory_space<hbm>> -> memref<160x128xi32, #tpu.memory_space<hbm>>
      %dma_start3A_243 = arith.constant 0 : i32
      %dma_start3A_244 = tpu.memref_slice %arg4[%add3A_65, %dma_start3A_243] : memref<102400x128xi32, #tpu.memory_space<hbm>> -> memref<160x128xi32, #tpu.memory_space<hbm>>
      tpu.enqueue_dma source(%arg6 : memref<160x128xi32, #tpu.memory_space<vmem>>) target(%dma_start3A_244 : memref<160x128xi32, #tpu.memory_space<hbm>>) target_semaphore(%run_scoped3A : memref<!tpu.dma_semaphore, #tpu.memory_space<semaphore_mem>>)
      %dma_wait3A_245 = arith.constant 0 : i32
      %dma_wait3A_246 = tpu.memref_slice %arg4[%add3A_65, %dma_wait3A_245] : memref<102400x128xi32, #tpu.memory_space<hbm>> -> memref<160x128xi32, #tpu.memory_space<hbm>>
      %dma_wait3A_247 = arith.constant 0 : i32
      %dma_wait3A_248 = tpu.memref_slice %arg4[%add3A_65, %dma_wait3A_247] : memref<102400x128xi32, #tpu.memory_space<hbm>> -> memref<160x128xi32, #tpu.memory_space<hbm>>
      tpu.wait_dma2 semaphore(%run_scoped3A : memref<!tpu.dma_semaphore, #tpu.memory_space<semaphore_mem>>) src(%arg6 : memref<160x128xi32, #tpu.memory_space<vmem>>) dst(%dma_wait3A_248 : memref<160x128xi32, #tpu.memory_space<hbm>>)
      tpu.yield
    }) : () -> ()
    %dma_start3A_66 = arith.constant 960 : i32
    %dma_start3A_67 = tpu.memref_slice %arg5[%dma_start3A_66] : memref<3200xi32, #tpu.memory_space<vmem>> -> memref<160xi32, #tpu.memory_space<vmem>>
    %dma_start3A_68 = arith.constant 0 : i32
    %dma_start3A_69 = arith.constant 0 : i32
    %dma_start3A_70 = tpu.memref_slice %arg3[%dma_start3A_68, %dma_start3A_69] : memref<50000x128xi32, #tpu.memory_space<hbm>> -> memref<50000x128xi32, #tpu.memory_space<hbm>>
    tpu.enqueue_indirect_dma source(%dma_start3A_70 : memref<50000x128xi32, #tpu.memory_space<hbm>>) target(%arg6 : memref<160x128xi32, #tpu.memory_space<vmem>>) offsets(%dma_start3A_67 : memref<160xi32, #tpu.memory_space<vmem>>) semaphore(%arg8 : memref<!tpu.dma_semaphore, #tpu.memory_space<semaphore_mem>>)
    %dma_wait3A_71 = arith.constant 800 : i32
    %dma_wait3A_72 = tpu.memref_slice %arg5[%dma_wait3A_71] : memref<3200xi32, #tpu.memory_space<vmem>> -> memref<160xi32, #tpu.memory_space<vmem>>
    %dma_wait3A_73 = arith.constant 0 : i32
    %dma_wait3A_74 = arith.constant 0 : i32
    %dma_wait3A_75 = tpu.memref_slice %arg3[%dma_wait3A_73, %dma_wait3A_74] : memref<50000x128xi32, #tpu.memory_space<hbm>> -> memref<50000x128xi32, #tpu.memory_space<hbm>>
    tpu.wait_indirect_dma semaphore(%arg9 : memref<!tpu.dma_semaphore, #tpu.memory_space<semaphore_mem>>) src(%dma_wait3A_75 : memref<50000x128xi32, #tpu.memory_space<hbm>>) dst(%arg7 : memref<160x128xi32, #tpu.memory_space<vmem>>)
    %add3A_76 = arith.constant 800 : i32
    %add3A_77 = arith.addi %mul3A_2, %add3A_76 : i32
    "tpu.region"() ({
      %run_scoped3A = tpu.sem_alloc : memref<!tpu.dma_semaphore, #tpu.memory_space<semaphore_mem>>
      %dma_start3A_241 = arith.constant 0 : i32
      %dma_start3A_242 = tpu.memref_slice %arg4[%add3A_77, %dma_start3A_241] : memref<102400x128xi32, #tpu.memory_space<hbm>> -> memref<160x128xi32, #tpu.memory_space<hbm>>
      %dma_start3A_243 = arith.constant 0 : i32
      %dma_start3A_244 = tpu.memref_slice %arg4[%add3A_77, %dma_start3A_243] : memref<102400x128xi32, #tpu.memory_space<hbm>> -> memref<160x128xi32, #tpu.memory_space<hbm>>
      tpu.enqueue_dma source(%arg7 : memref<160x128xi32, #tpu.memory_space<vmem>>) target(%dma_start3A_244 : memref<160x128xi32, #tpu.memory_space<hbm>>) target_semaphore(%run_scoped3A : memref<!tpu.dma_semaphore, #tpu.memory_space<semaphore_mem>>)
      %dma_wait3A_245 = arith.constant 0 : i32
      %dma_wait3A_246 = tpu.memref_slice %arg4[%add3A_77, %dma_wait3A_245] : memref<102400x128xi32, #tpu.memory_space<hbm>> -> memref<160x128xi32, #tpu.memory_space<hbm>>
      %dma_wait3A_247 = arith.constant 0 : i32
      %dma_wait3A_248 = tpu.memref_slice %arg4[%add3A_77, %dma_wait3A_247] : memref<102400x128xi32, #tpu.memory_space<hbm>> -> memref<160x128xi32, #tpu.memory_space<hbm>>
      tpu.wait_dma2 semaphore(%run_scoped3A : memref<!tpu.dma_semaphore, #tpu.memory_space<semaphore_mem>>) src(%arg7 : memref<160x128xi32, #tpu.memory_space<vmem>>) dst(%dma_wait3A_248 : memref<160x128xi32, #tpu.memory_space<hbm>>)
      tpu.yield
    }) : () -> ()
    %dma_start3A_78 = arith.constant 1120 : i32
    %dma_start3A_79 = tpu.memref_slice %arg5[%dma_start3A_78] : memref<3200xi32, #tpu.memory_space<vmem>> -> memref<160xi32, #tpu.memory_space<vmem>>
    %dma_start3A_80 = arith.constant 0 : i32
    %dma_start3A_81 = arith.constant 0 : i32
    %dma_start3A_82 = tpu.memref_slice %arg3[%dma_start3A_80, %dma_start3A_81] : memref<50000x128xi32, #tpu.memory_space<hbm>> -> memref<50000x128xi32, #tpu.memory_space<hbm>>
    tpu.enqueue_indirect_dma source(%dma_start3A_82 : memref<50000x128xi32, #tpu.memory_space<hbm>>) target(%arg7 : memref<160x128xi32, #tpu.memory_space<vmem>>) offsets(%dma_start3A_79 : memref<160xi32, #tpu.memory_space<vmem>>) semaphore(%arg9 : memref<!tpu.dma_semaphore, #tpu.memory_space<semaphore_mem>>)
    %dma_wait3A_83 = arith.constant 960 : i32
    %dma_wait3A_84 = tpu.memref_slice %arg5[%dma_wait3A_83] : memref<3200xi32, #tpu.memory_space<vmem>> -> memref<160xi32, #tpu.memory_space<vmem>>
    %dma_wait3A_85 = arith.constant 0 : i32
    %dma_wait3A_86 = arith.constant 0 : i32
    %dma_wait3A_87 = tpu.memref_slice %arg3[%dma_wait3A_85, %dma_wait3A_86] : memref<50000x128xi32, #tpu.memory_space<hbm>> -> memref<50000x128xi32, #tpu.memory_space<hbm>>
    tpu.wait_indirect_dma semaphore(%arg8 : memref<!tpu.dma_semaphore, #tpu.memory_space<semaphore_mem>>) src(%dma_wait3A_87 : memref<50000x128xi32, #tpu.memory_space<hbm>>) dst(%arg6 : memref<160x128xi32, #tpu.memory_space<vmem>>)
    %add3A_88 = arith.constant 960 : i32
    %add3A_89 = arith.addi %mul3A_2, %add3A_88 : i32
    "tpu.region"() ({
      %run_scoped3A = tpu.sem_alloc : memref<!tpu.dma_semaphore, #tpu.memory_space<semaphore_mem>>
      %dma_start3A_241 = arith.constant 0 : i32
      %dma_start3A_242 = tpu.memref_slice %arg4[%add3A_89, %dma_start3A_241] : memref<102400x128xi32, #tpu.memory_space<hbm>> -> memref<160x128xi32, #tpu.memory_space<hbm>>
      %dma_start3A_243 = arith.constant 0 : i32
      %dma_start3A_244 = tpu.memref_slice %arg4[%add3A_89, %dma_start3A_243] : memref<102400x128xi32, #tpu.memory_space<hbm>> -> memref<160x128xi32, #tpu.memory_space<hbm>>
      tpu.enqueue_dma source(%arg6 : memref<160x128xi32, #tpu.memory_space<vmem>>) target(%dma_start3A_244 : memref<160x128xi32, #tpu.memory_space<hbm>>) target_semaphore(%run_scoped3A : memref<!tpu.dma_semaphore, #tpu.memory_space<semaphore_mem>>)
      %dma_wait3A_245 = arith.constant 0 : i32
      %dma_wait3A_246 = tpu.memref_slice %arg4[%add3A_89, %dma_wait3A_245] : memref<102400x128xi32, #tpu.memory_space<hbm>> -> memref<160x128xi32, #tpu.memory_space<hbm>>
      %dma_wait3A_247 = arith.constant 0 : i32
      %dma_wait3A_248 = tpu.memref_slice %arg4[%add3A_89, %dma_wait3A_247] : memref<102400x128xi32, #tpu.memory_space<hbm>> -> memref<160x128xi32, #tpu.memory_space<hbm>>
      tpu.wait_dma2 semaphore(%run_scoped3A : memref<!tpu.dma_semaphore, #tpu.memory_space<semaphore_mem>>) src(%arg6 : memref<160x128xi32, #tpu.memory_space<vmem>>) dst(%dma_wait3A_248 : memref<160x128xi32, #tpu.memory_space<hbm>>)
      tpu.yield
    }) : () -> ()
    %dma_start3A_90 = arith.constant 1280 : i32
    %dma_start3A_91 = tpu.memref_slice %arg5[%dma_start3A_90] : memref<3200xi32, #tpu.memory_space<vmem>> -> memref<160xi32, #tpu.memory_space<vmem>>
    %dma_start3A_92 = arith.constant 0 : i32
    %dma_start3A_93 = arith.constant 0 : i32
    %dma_start3A_94 = tpu.memref_slice %arg3[%dma_start3A_92, %dma_start3A_93] : memref<50000x128xi32, #tpu.memory_space<hbm>> -> memref<50000x128xi32, #tpu.memory_space<hbm>>
    tpu.enqueue_indirect_dma source(%dma_start3A_94 : memref<50000x128xi32, #tpu.memory_space<hbm>>) target(%arg6 : memref<160x128xi32, #tpu.memory_space<vmem>>) offsets(%dma_start3A_91 : memref<160xi32, #tpu.memory_space<vmem>>) semaphore(%arg8 : memref<!tpu.dma_semaphore, #tpu.memory_space<semaphore_mem>>)
    %dma_wait3A_95 = arith.constant 1120 : i32
    %dma_wait3A_96 = tpu.memref_slice %arg5[%dma_wait3A_95] : memref<3200xi32, #tpu.memory_space<vmem>> -> memref<160xi32, #tpu.memory_space<vmem>>
    %dma_wait3A_97 = arith.constant 0 : i32
    %dma_wait3A_98 = arith.constant 0 : i32
    %dma_wait3A_99 = tpu.memref_slice %arg3[%dma_wait3A_97, %dma_wait3A_98] : memref<50000x128xi32, #tpu.memory_space<hbm>> -> memref<50000x128xi32, #tpu.memory_space<hbm>>
    tpu.wait_indirect_dma semaphore(%arg9 : memref<!tpu.dma_semaphore, #tpu.memory_space<semaphore_mem>>) src(%dma_wait3A_99 : memref<50000x128xi32, #tpu.memory_space<hbm>>) dst(%arg7 : memref<160x128xi32, #tpu.memory_space<vmem>>)
    %add3A_100 = arith.constant 1120 : i32
    %add3A_101 = arith.addi %mul3A_2, %add3A_100 : i32
    "tpu.region"() ({
      %run_scoped3A = tpu.sem_alloc : memref<!tpu.dma_semaphore, #tpu.memory_space<semaphore_mem>>
      %dma_start3A_241 = arith.constant 0 : i32
      %dma_start3A_242 = tpu.memref_slice %arg4[%add3A_101, %dma_start3A_241] : memref<102400x128xi32, #tpu.memory_space<hbm>> -> memref<160x128xi32, #tpu.memory_space<hbm>>
      %dma_start3A_243 = arith.constant 0 : i32
      %dma_start3A_244 = tpu.memref_slice %arg4[%add3A_101, %dma_start3A_243] : memref<102400x128xi32, #tpu.memory_space<hbm>> -> memref<160x128xi32, #tpu.memory_space<hbm>>
      tpu.enqueue_dma source(%arg7 : memref<160x128xi32, #tpu.memory_space<vmem>>) target(%dma_start3A_244 : memref<160x128xi32, #tpu.memory_space<hbm>>) target_semaphore(%run_scoped3A : memref<!tpu.dma_semaphore, #tpu.memory_space<semaphore_mem>>)
      %dma_wait3A_245 = arith.constant 0 : i32
      %dma_wait3A_246 = tpu.memref_slice %arg4[%add3A_101, %dma_wait3A_245] : memref<102400x128xi32, #tpu.memory_space<hbm>> -> memref<160x128xi32, #tpu.memory_space<hbm>>
      %dma_wait3A_247 = arith.constant 0 : i32
      %dma_wait3A_248 = tpu.memref_slice %arg4[%add3A_101, %dma_wait3A_247] : memref<102400x128xi32, #tpu.memory_space<hbm>> -> memref<160x128xi32, #tpu.memory_space<hbm>>
      tpu.wait_dma2 semaphore(%run_scoped3A : memref<!tpu.dma_semaphore, #tpu.memory_space<semaphore_mem>>) src(%arg7 : memref<160x128xi32, #tpu.memory_space<vmem>>) dst(%dma_wait3A_248 : memref<160x128xi32, #tpu.memory_space<hbm>>)
      tpu.yield
    }) : () -> ()
    %dma_start3A_102 = arith.constant 1440 : i32
    %dma_start3A_103 = tpu.memref_slice %arg5[%dma_start3A_102] : memref<3200xi32, #tpu.memory_space<vmem>> -> memref<160xi32, #tpu.memory_space<vmem>>
    %dma_start3A_104 = arith.constant 0 : i32
    %dma_start3A_105 = arith.constant 0 : i32
    %dma_start3A_106 = tpu.memref_slice %arg3[%dma_start3A_104, %dma_start3A_105] : memref<50000x128xi32, #tpu.memory_space<hbm>> -> memref<50000x128xi32, #tpu.memory_space<hbm>>
    tpu.enqueue_indirect_dma source(%dma_start3A_106 : memref<50000x128xi32, #tpu.memory_space<hbm>>) target(%arg7 : memref<160x128xi32, #tpu.memory_space<vmem>>) offsets(%dma_start3A_103 : memref<160xi32, #tpu.memory_space<vmem>>) semaphore(%arg9 : memref<!tpu.dma_semaphore, #tpu.memory_space<semaphore_mem>>)
    %dma_wait3A_107 = arith.constant 1280 : i32
    %dma_wait3A_108 = tpu.memref_slice %arg5[%dma_wait3A_107] : memref<3200xi32, #tpu.memory_space<vmem>> -> memref<160xi32, #tpu.memory_space<vmem>>
    %dma_wait3A_109 = arith.constant 0 : i32
    %dma_wait3A_110 = arith.constant 0 : i32
    %dma_wait3A_111 = tpu.memref_slice %arg3[%dma_wait3A_109, %dma_wait3A_110] : memref<50000x128xi32, #tpu.memory_space<hbm>> -> memref<50000x128xi32, #tpu.memory_space<hbm>>
    tpu.wait_indirect_dma semaphore(%arg8 : memref<!tpu.dma_semaphore, #tpu.memory_space<semaphore_mem>>) src(%dma_wait3A_111 : memref<50000x128xi32, #tpu.memory_space<hbm>>) dst(%arg6 : memref<160x128xi32, #tpu.memory_space<vmem>>)
    %add3A_112 = arith.constant 1280 : i32
    %add3A_113 = arith.addi %mul3A_2, %add3A_112 : i32
    "tpu.region"() ({
      %run_scoped3A = tpu.sem_alloc : memref<!tpu.dma_semaphore, #tpu.memory_space<semaphore_mem>>
      %dma_start3A_241 = arith.constant 0 : i32
      %dma_start3A_242 = tpu.memref_slice %arg4[%add3A_113, %dma_start3A_241] : memref<102400x128xi32, #tpu.memory_space<hbm>> -> memref<160x128xi32, #tpu.memory_space<hbm>>
      %dma_start3A_243 = arith.constant 0 : i32
      %dma_start3A_244 = tpu.memref_slice %arg4[%add3A_113, %dma_start3A_243] : memref<102400x128xi32, #tpu.memory_space<hbm>> -> memref<160x128xi32, #tpu.memory_space<hbm>>
      tpu.enqueue_dma source(%arg6 : memref<160x128xi32, #tpu.memory_space<vmem>>) target(%dma_start3A_244 : memref<160x128xi32, #tpu.memory_space<hbm>>) target_semaphore(%run_scoped3A : memref<!tpu.dma_semaphore, #tpu.memory_space<semaphore_mem>>)
      %dma_wait3A_245 = arith.constant 0 : i32
      %dma_wait3A_246 = tpu.memref_slice %arg4[%add3A_113, %dma_wait3A_245] : memref<102400x128xi32, #tpu.memory_space<hbm>> -> memref<160x128xi32, #tpu.memory_space<hbm>>
      %dma_wait3A_247 = arith.constant 0 : i32
      %dma_wait3A_248 = tpu.memref_slice %arg4[%add3A_113, %dma_wait3A_247] : memref<102400x128xi32, #tpu.memory_space<hbm>> -> memref<160x128xi32, #tpu.memory_space<hbm>>
      tpu.wait_dma2 semaphore(%run_scoped3A : memref<!tpu.dma_semaphore, #tpu.memory_space<semaphore_mem>>) src(%arg6 : memref<160x128xi32, #tpu.memory_space<vmem>>) dst(%dma_wait3A_248 : memref<160x128xi32, #tpu.memory_space<hbm>>)
      tpu.yield
    }) : () -> ()
    %dma_start3A_114 = arith.constant 1600 : i32
    %dma_start3A_115 = tpu.memref_slice %arg5[%dma_start3A_114] : memref<3200xi32, #tpu.memory_space<vmem>> -> memref<160xi32, #tpu.memory_space<vmem>>
    %dma_start3A_116 = arith.constant 0 : i32
    %dma_start3A_117 = arith.constant 0 : i32
    %dma_start3A_118 = tpu.memref_slice %arg3[%dma_start3A_116, %dma_start3A_117] : memref<50000x128xi32, #tpu.memory_space<hbm>> -> memref<50000x128xi32, #tpu.memory_space<hbm>>
    tpu.enqueue_indirect_dma source(%dma_start3A_118 : memref<50000x128xi32, #tpu.memory_space<hbm>>) target(%arg6 : memref<160x128xi32, #tpu.memory_space<vmem>>) offsets(%dma_start3A_115 : memref<160xi32, #tpu.memory_space<vmem>>) semaphore(%arg8 : memref<!tpu.dma_semaphore, #tpu.memory_space<semaphore_mem>>)
    %dma_wait3A_119 = arith.constant 1440 : i32
    %dma_wait3A_120 = tpu.memref_slice %arg5[%dma_wait3A_119] : memref<3200xi32, #tpu.memory_space<vmem>> -> memref<160xi32, #tpu.memory_space<vmem>>
    %dma_wait3A_121 = arith.constant 0 : i32
    %dma_wait3A_122 = arith.constant 0 : i32
    %dma_wait3A_123 = tpu.memref_slice %arg3[%dma_wait3A_121, %dma_wait3A_122] : memref<50000x128xi32, #tpu.memory_space<hbm>> -> memref<50000x128xi32, #tpu.memory_space<hbm>>
    tpu.wait_indirect_dma semaphore(%arg9 : memref<!tpu.dma_semaphore, #tpu.memory_space<semaphore_mem>>) src(%dma_wait3A_123 : memref<50000x128xi32, #tpu.memory_space<hbm>>) dst(%arg7 : memref<160x128xi32, #tpu.memory_space<vmem>>)
    %add3A_124 = arith.constant 1440 : i32
    %add3A_125 = arith.addi %mul3A_2, %add3A_124 : i32
    "tpu.region"() ({
      %run_scoped3A = tpu.sem_alloc : memref<!tpu.dma_semaphore, #tpu.memory_space<semaphore_mem>>
      %dma_start3A_241 = arith.constant 0 : i32
      %dma_start3A_242 = tpu.memref_slice %arg4[%add3A_125, %dma_start3A_241] : memref<102400x128xi32, #tpu.memory_space<hbm>> -> memref<160x128xi32, #tpu.memory_space<hbm>>
      %dma_start3A_243 = arith.constant 0 : i32
      %dma_start3A_244 = tpu.memref_slice %arg4[%add3A_125, %dma_start3A_243] : memref<102400x128xi32, #tpu.memory_space<hbm>> -> memref<160x128xi32, #tpu.memory_space<hbm>>
      tpu.enqueue_dma source(%arg7 : memref<160x128xi32, #tpu.memory_space<vmem>>) target(%dma_start3A_244 : memref<160x128xi32, #tpu.memory_space<hbm>>) target_semaphore(%run_scoped3A : memref<!tpu.dma_semaphore, #tpu.memory_space<semaphore_mem>>)
      %dma_wait3A_245 = arith.constant 0 : i32
      %dma_wait3A_246 = tpu.memref_slice %arg4[%add3A_125, %dma_wait3A_245] : memref<102400x128xi32, #tpu.memory_space<hbm>> -> memref<160x128xi32, #tpu.memory_space<hbm>>
      %dma_wait3A_247 = arith.constant 0 : i32
      %dma_wait3A_248 = tpu.memref_slice %arg4[%add3A_125, %dma_wait3A_247] : memref<102400x128xi32, #tpu.memory_space<hbm>> -> memref<160x128xi32, #tpu.memory_space<hbm>>
      tpu.wait_dma2 semaphore(%run_scoped3A : memref<!tpu.dma_semaphore, #tpu.memory_space<semaphore_mem>>) src(%arg7 : memref<160x128xi32, #tpu.memory_space<vmem>>) dst(%dma_wait3A_248 : memref<160x128xi32, #tpu.memory_space<hbm>>)
      tpu.yield
    }) : () -> ()
    %dma_start3A_126 = arith.constant 1760 : i32
    %dma_start3A_127 = tpu.memref_slice %arg5[%dma_start3A_126] : memref<3200xi32, #tpu.memory_space<vmem>> -> memref<160xi32, #tpu.memory_space<vmem>>
    %dma_start3A_128 = arith.constant 0 : i32
    %dma_start3A_129 = arith.constant 0 : i32
    %dma_start3A_130 = tpu.memref_slice %arg3[%dma_start3A_128, %dma_start3A_129] : memref<50000x128xi32, #tpu.memory_space<hbm>> -> memref<50000x128xi32, #tpu.memory_space<hbm>>
    tpu.enqueue_indirect_dma source(%dma_start3A_130 : memref<50000x128xi32, #tpu.memory_space<hbm>>) target(%arg7 : memref<160x128xi32, #tpu.memory_space<vmem>>) offsets(%dma_start3A_127 : memref<160xi32, #tpu.memory_space<vmem>>) semaphore(%arg9 : memref<!tpu.dma_semaphore, #tpu.memory_space<semaphore_mem>>)
    %dma_wait3A_131 = arith.constant 1600 : i32
    %dma_wait3A_132 = tpu.memref_slice %arg5[%dma_wait3A_131] : memref<3200xi32, #tpu.memory_space<vmem>> -> memref<160xi32, #tpu.memory_space<vmem>>
    %dma_wait3A_133 = arith.constant 0 : i32
    %dma_wait3A_134 = arith.constant 0 : i32
    %dma_wait3A_135 = tpu.memref_slice %arg3[%dma_wait3A_133, %dma_wait3A_134] : memref<50000x128xi32, #tpu.memory_space<hbm>> -> memref<50000x128xi32, #tpu.memory_space<hbm>>
    tpu.wait_indirect_dma semaphore(%arg8 : memref<!tpu.dma_semaphore, #tpu.memory_space<semaphore_mem>>) src(%dma_wait3A_135 : memref<50000x128xi32, #tpu.memory_space<hbm>>) dst(%arg6 : memref<160x128xi32, #tpu.memory_space<vmem>>)
    %add3A_136 = arith.constant 1600 : i32
    %add3A_137 = arith.addi %mul3A_2, %add3A_136 : i32
    "tpu.region"() ({
      %run_scoped3A = tpu.sem_alloc : memref<!tpu.dma_semaphore, #tpu.memory_space<semaphore_mem>>
      %dma_start3A_241 = arith.constant 0 : i32
      %dma_start3A_242 = tpu.memref_slice %arg4[%add3A_137, %dma_start3A_241] : memref<102400x128xi32, #tpu.memory_space<hbm>> -> memref<160x128xi32, #tpu.memory_space<hbm>>
      %dma_start3A_243 = arith.constant 0 : i32
      %dma_start3A_244 = tpu.memref_slice %arg4[%add3A_137, %dma_start3A_243] : memref<102400x128xi32, #tpu.memory_space<hbm>> -> memref<160x128xi32, #tpu.memory_space<hbm>>
      tpu.enqueue_dma source(%arg6 : memref<160x128xi32, #tpu.memory_space<vmem>>) target(%dma_start3A_244 : memref<160x128xi32, #tpu.memory_space<hbm>>) target_semaphore(%run_scoped3A : memref<!tpu.dma_semaphore, #tpu.memory_space<semaphore_mem>>)
      %dma_wait3A_245 = arith.constant 0 : i32
      %dma_wait3A_246 = tpu.memref_slice %arg4[%add3A_137, %dma_wait3A_245] : memref<102400x128xi32, #tpu.memory_space<hbm>> -> memref<160x128xi32, #tpu.memory_space<hbm>>
      %dma_wait3A_247 = arith.constant 0 : i32
      %dma_wait3A_248 = tpu.memref_slice %arg4[%add3A_137, %dma_wait3A_247] : memref<102400x128xi32, #tpu.memory_space<hbm>> -> memref<160x128xi32, #tpu.memory_space<hbm>>
      tpu.wait_dma2 semaphore(%run_scoped3A : memref<!tpu.dma_semaphore, #tpu.memory_space<semaphore_mem>>) src(%arg6 : memref<160x128xi32, #tpu.memory_space<vmem>>) dst(%dma_wait3A_248 : memref<160x128xi32, #tpu.memory_space<hbm>>)
      tpu.yield
    }) : () -> ()
    %dma_start3A_138 = arith.constant 1920 : i32
    %dma_start3A_139 = tpu.memref_slice %arg5[%dma_start3A_138] : memref<3200xi32, #tpu.memory_space<vmem>> -> memref<160xi32, #tpu.memory_space<vmem>>
    %dma_start3A_140 = arith.constant 0 : i32
    %dma_start3A_141 = arith.constant 0 : i32
    %dma_start3A_142 = tpu.memref_slice %arg3[%dma_start3A_140, %dma_start3A_141] : memref<50000x128xi32, #tpu.memory_space<hbm>> -> memref<50000x128xi32, #tpu.memory_space<hbm>>
    tpu.enqueue_indirect_dma source(%dma_start3A_142 : memref<50000x128xi32, #tpu.memory_space<hbm>>) target(%arg6 : memref<160x128xi32, #tpu.memory_space<vmem>>) offsets(%dma_start3A_139 : memref<160xi32, #tpu.memory_space<vmem>>) semaphore(%arg8 : memref<!tpu.dma_semaphore, #tpu.memory_space<semaphore_mem>>)
    %dma_wait3A_143 = arith.constant 1760 : i32
    %dma_wait3A_144 = tpu.memref_slice %arg5[%dma_wait3A_143] : memref<3200xi32, #tpu.memory_space<vmem>> -> memref<160xi32, #tpu.memory_space<vmem>>
    %dma_wait3A_145 = arith.constant 0 : i32
    %dma_wait3A_146 = arith.constant 0 : i32
    %dma_wait3A_147 = tpu.memref_slice %arg3[%dma_wait3A_145, %dma_wait3A_146] : memref<50000x128xi32, #tpu.memory_space<hbm>> -> memref<50000x128xi32, #tpu.memory_space<hbm>>
    tpu.wait_indirect_dma semaphore(%arg9 : memref<!tpu.dma_semaphore, #tpu.memory_space<semaphore_mem>>) src(%dma_wait3A_147 : memref<50000x128xi32, #tpu.memory_space<hbm>>) dst(%arg7 : memref<160x128xi32, #tpu.memory_space<vmem>>)
    %add3A_148 = arith.constant 1760 : i32
    %add3A_149 = arith.addi %mul3A_2, %add3A_148 : i32
    "tpu.region"() ({
      %run_scoped3A = tpu.sem_alloc : memref<!tpu.dma_semaphore, #tpu.memory_space<semaphore_mem>>
      %dma_start3A_241 = arith.constant 0 : i32
      %dma_start3A_242 = tpu.memref_slice %arg4[%add3A_149, %dma_start3A_241] : memref<102400x128xi32, #tpu.memory_space<hbm>> -> memref<160x128xi32, #tpu.memory_space<hbm>>
      %dma_start3A_243 = arith.constant 0 : i32
      %dma_start3A_244 = tpu.memref_slice %arg4[%add3A_149, %dma_start3A_243] : memref<102400x128xi32, #tpu.memory_space<hbm>> -> memref<160x128xi32, #tpu.memory_space<hbm>>
      tpu.enqueue_dma source(%arg7 : memref<160x128xi32, #tpu.memory_space<vmem>>) target(%dma_start3A_244 : memref<160x128xi32, #tpu.memory_space<hbm>>) target_semaphore(%run_scoped3A : memref<!tpu.dma_semaphore, #tpu.memory_space<semaphore_mem>>)
      %dma_wait3A_245 = arith.constant 0 : i32
      %dma_wait3A_246 = tpu.memref_slice %arg4[%add3A_149, %dma_wait3A_245] : memref<102400x128xi32, #tpu.memory_space<hbm>> -> memref<160x128xi32, #tpu.memory_space<hbm>>
      %dma_wait3A_247 = arith.constant 0 : i32
      %dma_wait3A_248 = tpu.memref_slice %arg4[%add3A_149, %dma_wait3A_247] : memref<102400x128xi32, #tpu.memory_space<hbm>> -> memref<160x128xi32, #tpu.memory_space<hbm>>
      tpu.wait_dma2 semaphore(%run_scoped3A : memref<!tpu.dma_semaphore, #tpu.memory_space<semaphore_mem>>) src(%arg7 : memref<160x128xi32, #tpu.memory_space<vmem>>) dst(%dma_wait3A_248 : memref<160x128xi32, #tpu.memory_space<hbm>>)
      tpu.yield
    }) : () -> ()
    %dma_start3A_150 = arith.constant 2080 : i32
    %dma_start3A_151 = tpu.memref_slice %arg5[%dma_start3A_150] : memref<3200xi32, #tpu.memory_space<vmem>> -> memref<160xi32, #tpu.memory_space<vmem>>
    %dma_start3A_152 = arith.constant 0 : i32
    %dma_start3A_153 = arith.constant 0 : i32
    %dma_start3A_154 = tpu.memref_slice %arg3[%dma_start3A_152, %dma_start3A_153] : memref<50000x128xi32, #tpu.memory_space<hbm>> -> memref<50000x128xi32, #tpu.memory_space<hbm>>
    tpu.enqueue_indirect_dma source(%dma_start3A_154 : memref<50000x128xi32, #tpu.memory_space<hbm>>) target(%arg7 : memref<160x128xi32, #tpu.memory_space<vmem>>) offsets(%dma_start3A_151 : memref<160xi32, #tpu.memory_space<vmem>>) semaphore(%arg9 : memref<!tpu.dma_semaphore, #tpu.memory_space<semaphore_mem>>)
    %dma_wait3A_155 = arith.constant 1920 : i32
    %dma_wait3A_156 = tpu.memref_slice %arg5[%dma_wait3A_155] : memref<3200xi32, #tpu.memory_space<vmem>> -> memref<160xi32, #tpu.memory_space<vmem>>
    %dma_wait3A_157 = arith.constant 0 : i32
    %dma_wait3A_158 = arith.constant 0 : i32
    %dma_wait3A_159 = tpu.memref_slice %arg3[%dma_wait3A_157, %dma_wait3A_158] : memref<50000x128xi32, #tpu.memory_space<hbm>> -> memref<50000x128xi32, #tpu.memory_space<hbm>>
    tpu.wait_indirect_dma semaphore(%arg8 : memref<!tpu.dma_semaphore, #tpu.memory_space<semaphore_mem>>) src(%dma_wait3A_159 : memref<50000x128xi32, #tpu.memory_space<hbm>>) dst(%arg6 : memref<160x128xi32, #tpu.memory_space<vmem>>)
    %add3A_160 = arith.constant 1920 : i32
    %add3A_161 = arith.addi %mul3A_2, %add3A_160 : i32
    "tpu.region"() ({
      %run_scoped3A = tpu.sem_alloc : memref<!tpu.dma_semaphore, #tpu.memory_space<semaphore_mem>>
      %dma_start3A_241 = arith.constant 0 : i32
      %dma_start3A_242 = tpu.memref_slice %arg4[%add3A_161, %dma_start3A_241] : memref<102400x128xi32, #tpu.memory_space<hbm>> -> memref<160x128xi32, #tpu.memory_space<hbm>>
      %dma_start3A_243 = arith.constant 0 : i32
      %dma_start3A_244 = tpu.memref_slice %arg4[%add3A_161, %dma_start3A_243] : memref<102400x128xi32, #tpu.memory_space<hbm>> -> memref<160x128xi32, #tpu.memory_space<hbm>>
      tpu.enqueue_dma source(%arg6 : memref<160x128xi32, #tpu.memory_space<vmem>>) target(%dma_start3A_244 : memref<160x128xi32, #tpu.memory_space<hbm>>) target_semaphore(%run_scoped3A : memref<!tpu.dma_semaphore, #tpu.memory_space<semaphore_mem>>)
      %dma_wait3A_245 = arith.constant 0 : i32
      %dma_wait3A_246 = tpu.memref_slice %arg4[%add3A_161, %dma_wait3A_245] : memref<102400x128xi32, #tpu.memory_space<hbm>> -> memref<160x128xi32, #tpu.memory_space<hbm>>
      %dma_wait3A_247 = arith.constant 0 : i32
      %dma_wait3A_248 = tpu.memref_slice %arg4[%add3A_161, %dma_wait3A_247] : memref<102400x128xi32, #tpu.memory_space<hbm>> -> memref<160x128xi32, #tpu.memory_space<hbm>>
      tpu.wait_dma2 semaphore(%run_scoped3A : memref<!tpu.dma_semaphore, #tpu.memory_space<semaphore_mem>>) src(%arg6 : memref<160x128xi32, #tpu.memory_space<vmem>>) dst(%dma_wait3A_248 : memref<160x128xi32, #tpu.memory_space<hbm>>)
      tpu.yield
    }) : () -> ()
    %dma_start3A_162 = arith.constant 2240 : i32
    %dma_start3A_163 = tpu.memref_slice %arg5[%dma_start3A_162] : memref<3200xi32, #tpu.memory_space<vmem>> -> memref<160xi32, #tpu.memory_space<vmem>>
    %dma_start3A_164 = arith.constant 0 : i32
    %dma_start3A_165 = arith.constant 0 : i32
    %dma_start3A_166 = tpu.memref_slice %arg3[%dma_start3A_164, %dma_start3A_165] : memref<50000x128xi32, #tpu.memory_space<hbm>> -> memref<50000x128xi32, #tpu.memory_space<hbm>>
    tpu.enqueue_indirect_dma source(%dma_start3A_166 : memref<50000x128xi32, #tpu.memory_space<hbm>>) target(%arg6 : memref<160x128xi32, #tpu.memory_space<vmem>>) offsets(%dma_start3A_163 : memref<160xi32, #tpu.memory_space<vmem>>) semaphore(%arg8 : memref<!tpu.dma_semaphore, #tpu.memory_space<semaphore_mem>>)
    %dma_wait3A_167 = arith.constant 2080 : i32
    %dma_wait3A_168 = tpu.memref_slice %arg5[%dma_wait3A_167] : memref<3200xi32, #tpu.memory_space<vmem>> -> memref<160xi32, #tpu.memory_space<vmem>>
    %dma_wait3A_169 = arith.constant 0 : i32
    %dma_wait3A_170 = arith.constant 0 : i32
    %dma_wait3A_171 = tpu.memref_slice %arg3[%dma_wait3A_169, %dma_wait3A_170] : memref<50000x128xi32, #tpu.memory_space<hbm>> -> memref<50000x128xi32, #tpu.memory_space<hbm>>
    tpu.wait_indirect_dma semaphore(%arg9 : memref<!tpu.dma_semaphore, #tpu.memory_space<semaphore_mem>>) src(%dma_wait3A_171 : memref<50000x128xi32, #tpu.memory_space<hbm>>) dst(%arg7 : memref<160x128xi32, #tpu.memory_space<vmem>>)
    %add3A_172 = arith.constant 2080 : i32
    %add3A_173 = arith.addi %mul3A_2, %add3A_172 : i32
    "tpu.region"() ({
      %run_scoped3A = tpu.sem_alloc : memref<!tpu.dma_semaphore, #tpu.memory_space<semaphore_mem>>
      %dma_start3A_241 = arith.constant 0 : i32
      %dma_start3A_242 = tpu.memref_slice %arg4[%add3A_173, %dma_start3A_241] : memref<102400x128xi32, #tpu.memory_space<hbm>> -> memref<160x128xi32, #tpu.memory_space<hbm>>
      %dma_start3A_243 = arith.constant 0 : i32
      %dma_start3A_244 = tpu.memref_slice %arg4[%add3A_173, %dma_start3A_243] : memref<102400x128xi32, #tpu.memory_space<hbm>> -> memref<160x128xi32, #tpu.memory_space<hbm>>
      tpu.enqueue_dma source(%arg7 : memref<160x128xi32, #tpu.memory_space<vmem>>) target(%dma_start3A_244 : memref<160x128xi32, #tpu.memory_space<hbm>>) target_semaphore(%run_scoped3A : memref<!tpu.dma_semaphore, #tpu.memory_space<semaphore_mem>>)
      %dma_wait3A_245 = arith.constant 0 : i32
      %dma_wait3A_246 = tpu.memref_slice %arg4[%add3A_173, %dma_wait3A_245] : memref<102400x128xi32, #tpu.memory_space<hbm>> -> memref<160x128xi32, #tpu.memory_space<hbm>>
      %dma_wait3A_247 = arith.constant 0 : i32
      %dma_wait3A_248 = tpu.memref_slice %arg4[%add3A_173, %dma_wait3A_247] : memref<102400x128xi32, #tpu.memory_space<hbm>> -> memref<160x128xi32, #tpu.memory_space<hbm>>
      tpu.wait_dma2 semaphore(%run_scoped3A : memref<!tpu.dma_semaphore, #tpu.memory_space<semaphore_mem>>) src(%arg7 : memref<160x128xi32, #tpu.memory_space<vmem>>) dst(%dma_wait3A_248 : memref<160x128xi32, #tpu.memory_space<hbm>>)
      tpu.yield
    }) : () -> ()
    %dma_start3A_174 = arith.constant 2400 : i32
    %dma_start3A_175 = tpu.memref_slice %arg5[%dma_start3A_174] : memref<3200xi32, #tpu.memory_space<vmem>> -> memref<160xi32, #tpu.memory_space<vmem>>
    %dma_start3A_176 = arith.constant 0 : i32
    %dma_start3A_177 = arith.constant 0 : i32
    %dma_start3A_178 = tpu.memref_slice %arg3[%dma_start3A_176, %dma_start3A_177] : memref<50000x128xi32, #tpu.memory_space<hbm>> -> memref<50000x128xi32, #tpu.memory_space<hbm>>
    tpu.enqueue_indirect_dma source(%dma_start3A_178 : memref<50000x128xi32, #tpu.memory_space<hbm>>) target(%arg7 : memref<160x128xi32, #tpu.memory_space<vmem>>) offsets(%dma_start3A_175 : memref<160xi32, #tpu.memory_space<vmem>>) semaphore(%arg9 : memref<!tpu.dma_semaphore, #tpu.memory_space<semaphore_mem>>)
    %dma_wait3A_179 = arith.constant 2240 : i32
    %dma_wait3A_180 = tpu.memref_slice %arg5[%dma_wait3A_179] : memref<3200xi32, #tpu.memory_space<vmem>> -> memref<160xi32, #tpu.memory_space<vmem>>
    %dma_wait3A_181 = arith.constant 0 : i32
    %dma_wait3A_182 = arith.constant 0 : i32
    %dma_wait3A_183 = tpu.memref_slice %arg3[%dma_wait3A_181, %dma_wait3A_182] : memref<50000x128xi32, #tpu.memory_space<hbm>> -> memref<50000x128xi32, #tpu.memory_space<hbm>>
    tpu.wait_indirect_dma semaphore(%arg8 : memref<!tpu.dma_semaphore, #tpu.memory_space<semaphore_mem>>) src(%dma_wait3A_183 : memref<50000x128xi32, #tpu.memory_space<hbm>>) dst(%arg6 : memref<160x128xi32, #tpu.memory_space<vmem>>)
    %add3A_184 = arith.constant 2240 : i32
    %add3A_185 = arith.addi %mul3A_2, %add3A_184 : i32
    "tpu.region"() ({
      %run_scoped3A = tpu.sem_alloc : memref<!tpu.dma_semaphore, #tpu.memory_space<semaphore_mem>>
      %dma_start3A_241 = arith.constant 0 : i32
      %dma_start3A_242 = tpu.memref_slice %arg4[%add3A_185, %dma_start3A_241] : memref<102400x128xi32, #tpu.memory_space<hbm>> -> memref<160x128xi32, #tpu.memory_space<hbm>>
      %dma_start3A_243 = arith.constant 0 : i32
      %dma_start3A_244 = tpu.memref_slice %arg4[%add3A_185, %dma_start3A_243] : memref<102400x128xi32, #tpu.memory_space<hbm>> -> memref<160x128xi32, #tpu.memory_space<hbm>>
      tpu.enqueue_dma source(%arg6 : memref<160x128xi32, #tpu.memory_space<vmem>>) target(%dma_start3A_244 : memref<160x128xi32, #tpu.memory_space<hbm>>) target_semaphore(%run_scoped3A : memref<!tpu.dma_semaphore, #tpu.memory_space<semaphore_mem>>)
      %dma_wait3A_245 = arith.constant 0 : i32
      %dma_wait3A_246 = tpu.memref_slice %arg4[%add3A_185, %dma_wait3A_245] : memref<102400x128xi32, #tpu.memory_space<hbm>> -> memref<160x128xi32, #tpu.memory_space<hbm>>
      %dma_wait3A_247 = arith.constant 0 : i32
      %dma_wait3A_248 = tpu.memref_slice %arg4[%add3A_185, %dma_wait3A_247] : memref<102400x128xi32, #tpu.memory_space<hbm>> -> memref<160x128xi32, #tpu.memory_space<hbm>>
      tpu.wait_dma2 semaphore(%run_scoped3A : memref<!tpu.dma_semaphore, #tpu.memory_space<semaphore_mem>>) src(%arg6 : memref<160x128xi32, #tpu.memory_space<vmem>>) dst(%dma_wait3A_248 : memref<160x128xi32, #tpu.memory_space<hbm>>)
      tpu.yield
    }) : () -> ()
    %dma_start3A_186 = arith.constant 2560 : i32
    %dma_start3A_187 = tpu.memref_slice %arg5[%dma_start3A_186] : memref<3200xi32, #tpu.memory_space<vmem>> -> memref<160xi32, #tpu.memory_space<vmem>>
    %dma_start3A_188 = arith.constant 0 : i32
    %dma_start3A_189 = arith.constant 0 : i32
    %dma_start3A_190 = tpu.memref_slice %arg3[%dma_start3A_188, %dma_start3A_189] : memref<50000x128xi32, #tpu.memory_space<hbm>> -> memref<50000x128xi32, #tpu.memory_space<hbm>>
    tpu.enqueue_indirect_dma source(%dma_start3A_190 : memref<50000x128xi32, #tpu.memory_space<hbm>>) target(%arg6 : memref<160x128xi32, #tpu.memory_space<vmem>>) offsets(%dma_start3A_187 : memref<160xi32, #tpu.memory_space<vmem>>) semaphore(%arg8 : memref<!tpu.dma_semaphore, #tpu.memory_space<semaphore_mem>>)
    %dma_wait3A_191 = arith.constant 2400 : i32
    %dma_wait3A_192 = tpu.memref_slice %arg5[%dma_wait3A_191] : memref<3200xi32, #tpu.memory_space<vmem>> -> memref<160xi32, #tpu.memory_space<vmem>>
    %dma_wait3A_193 = arith.constant 0 : i32
    %dma_wait3A_194 = arith.constant 0 : i32
    %dma_wait3A_195 = tpu.memref_slice %arg3[%dma_wait3A_193, %dma_wait3A_194] : memref<50000x128xi32, #tpu.memory_space<hbm>> -> memref<50000x128xi32, #tpu.memory_space<hbm>>
    tpu.wait_indirect_dma semaphore(%arg9 : memref<!tpu.dma_semaphore, #tpu.memory_space<semaphore_mem>>) src(%dma_wait3A_195 : memref<50000x128xi32, #tpu.memory_space<hbm>>) dst(%arg7 : memref<160x128xi32, #tpu.memory_space<vmem>>)
    %add3A_196 = arith.constant 2400 : i32
    %add3A_197 = arith.addi %mul3A_2, %add3A_196 : i32
    "tpu.region"() ({
      %run_scoped3A = tpu.sem_alloc : memref<!tpu.dma_semaphore, #tpu.memory_space<semaphore_mem>>
      %dma_start3A_241 = arith.constant 0 : i32
      %dma_start3A_242 = tpu.memref_slice %arg4[%add3A_197, %dma_start3A_241] : memref<102400x128xi32, #tpu.memory_space<hbm>> -> memref<160x128xi32, #tpu.memory_space<hbm>>
      %dma_start3A_243 = arith.constant 0 : i32
      %dma_start3A_244 = tpu.memref_slice %arg4[%add3A_197, %dma_start3A_243] : memref<102400x128xi32, #tpu.memory_space<hbm>> -> memref<160x128xi32, #tpu.memory_space<hbm>>
      tpu.enqueue_dma source(%arg7 : memref<160x128xi32, #tpu.memory_space<vmem>>) target(%dma_start3A_244 : memref<160x128xi32, #tpu.memory_space<hbm>>) target_semaphore(%run_scoped3A : memref<!tpu.dma_semaphore, #tpu.memory_space<semaphore_mem>>)
      %dma_wait3A_245 = arith.constant 0 : i32
      %dma_wait3A_246 = tpu.memref_slice %arg4[%add3A_197, %dma_wait3A_245] : memref<102400x128xi32, #tpu.memory_space<hbm>> -> memref<160x128xi32, #tpu.memory_space<hbm>>
      %dma_wait3A_247 = arith.constant 0 : i32
      %dma_wait3A_248 = tpu.memref_slice %arg4[%add3A_197, %dma_wait3A_247] : memref<102400x128xi32, #tpu.memory_space<hbm>> -> memref<160x128xi32, #tpu.memory_space<hbm>>
      tpu.wait_dma2 semaphore(%run_scoped3A : memref<!tpu.dma_semaphore, #tpu.memory_space<semaphore_mem>>) src(%arg7 : memref<160x128xi32, #tpu.memory_space<vmem>>) dst(%dma_wait3A_248 : memref<160x128xi32, #tpu.memory_space<hbm>>)
      tpu.yield
    }) : () -> ()
    %dma_start3A_198 = arith.constant 2720 : i32
    %dma_start3A_199 = tpu.memref_slice %arg5[%dma_start3A_198] : memref<3200xi32, #tpu.memory_space<vmem>> -> memref<160xi32, #tpu.memory_space<vmem>>
    %dma_start3A_200 = arith.constant 0 : i32
    %dma_start3A_201 = arith.constant 0 : i32
    %dma_start3A_202 = tpu.memref_slice %arg3[%dma_start3A_200, %dma_start3A_201] : memref<50000x128xi32, #tpu.memory_space<hbm>> -> memref<50000x128xi32, #tpu.memory_space<hbm>>
    tpu.enqueue_indirect_dma source(%dma_start3A_202 : memref<50000x128xi32, #tpu.memory_space<hbm>>) target(%arg7 : memref<160x128xi32, #tpu.memory_space<vmem>>) offsets(%dma_start3A_199 : memref<160xi32, #tpu.memory_space<vmem>>) semaphore(%arg9 : memref<!tpu.dma_semaphore, #tpu.memory_space<semaphore_mem>>)
    %dma_wait3A_203 = arith.constant 2560 : i32
    %dma_wait3A_204 = tpu.memref_slice %arg5[%dma_wait3A_203] : memref<3200xi32, #tpu.memory_space<vmem>> -> memref<160xi32, #tpu.memory_space<vmem>>
    %dma_wait3A_205 = arith.constant 0 : i32
    %dma_wait3A_206 = arith.constant 0 : i32
    %dma_wait3A_207 = tpu.memref_slice %arg3[%dma_wait3A_205, %dma_wait3A_206] : memref<50000x128xi32, #tpu.memory_space<hbm>> -> memref<50000x128xi32, #tpu.memory_space<hbm>>
    tpu.wait_indirect_dma semaphore(%arg8 : memref<!tpu.dma_semaphore, #tpu.memory_space<semaphore_mem>>) src(%dma_wait3A_207 : memref<50000x128xi32, #tpu.memory_space<hbm>>) dst(%arg6 : memref<160x128xi32, #tpu.memory_space<vmem>>)
    %add3A_208 = arith.constant 2560 : i32
    %add3A_209 = arith.addi %mul3A_2, %add3A_208 : i32
    "tpu.region"() ({
      %run_scoped3A = tpu.sem_alloc : memref<!tpu.dma_semaphore, #tpu.memory_space<semaphore_mem>>
      %dma_start3A_241 = arith.constant 0 : i32
      %dma_start3A_242 = tpu.memref_slice %arg4[%add3A_209, %dma_start3A_241] : memref<102400x128xi32, #tpu.memory_space<hbm>> -> memref<160x128xi32, #tpu.memory_space<hbm>>
      %dma_start3A_243 = arith.constant 0 : i32
      %dma_start3A_244 = tpu.memref_slice %arg4[%add3A_209, %dma_start3A_243] : memref<102400x128xi32, #tpu.memory_space<hbm>> -> memref<160x128xi32, #tpu.memory_space<hbm>>
      tpu.enqueue_dma source(%arg6 : memref<160x128xi32, #tpu.memory_space<vmem>>) target(%dma_start3A_244 : memref<160x128xi32, #tpu.memory_space<hbm>>) target_semaphore(%run_scoped3A : memref<!tpu.dma_semaphore, #tpu.memory_space<semaphore_mem>>)
      %dma_wait3A_245 = arith.constant 0 : i32
      %dma_wait3A_246 = tpu.memref_slice %arg4[%add3A_209, %dma_wait3A_245] : memref<102400x128xi32, #tpu.memory_space<hbm>> -> memref<160x128xi32, #tpu.memory_space<hbm>>
      %dma_wait3A_247 = arith.constant 0 : i32
      %dma_wait3A_248 = tpu.memref_slice %arg4[%add3A_209, %dma_wait3A_247] : memref<102400x128xi32, #tpu.memory_space<hbm>> -> memref<160x128xi32, #tpu.memory_space<hbm>>
      tpu.wait_dma2 semaphore(%run_scoped3A : memref<!tpu.dma_semaphore, #tpu.memory_space<semaphore_mem>>) src(%arg6 : memref<160x128xi32, #tpu.memory_space<vmem>>) dst(%dma_wait3A_248 : memref<160x128xi32, #tpu.memory_space<hbm>>)
      tpu.yield
    }) : () -> ()
    %dma_start3A_210 = arith.constant 2880 : i32
    %dma_start3A_211 = tpu.memref_slice %arg5[%dma_start3A_210] : memref<3200xi32, #tpu.memory_space<vmem>> -> memref<160xi32, #tpu.memory_space<vmem>>
    %dma_start3A_212 = arith.constant 0 : i32
    %dma_start3A_213 = arith.constant 0 : i32
    %dma_start3A_214 = tpu.memref_slice %arg3[%dma_start3A_212, %dma_start3A_213] : memref<50000x128xi32, #tpu.memory_space<hbm>> -> memref<50000x128xi32, #tpu.memory_space<hbm>>
    tpu.enqueue_indirect_dma source(%dma_start3A_214 : memref<50000x128xi32, #tpu.memory_space<hbm>>) target(%arg6 : memref<160x128xi32, #tpu.memory_space<vmem>>) offsets(%dma_start3A_211 : memref<160xi32, #tpu.memory_space<vmem>>) semaphore(%arg8 : memref<!tpu.dma_semaphore, #tpu.memory_space<semaphore_mem>>)
    %dma_wait3A_215 = arith.constant 2720 : i32
    %dma_wait3A_216 = tpu.memref_slice %arg5[%dma_wait3A_215] : memref<3200xi32, #tpu.memory_space<vmem>> -> memref<160xi32, #tpu.memory_space<vmem>>
    %dma_wait3A_217 = arith.constant 0 : i32
    %dma_wait3A_218 = arith.constant 0 : i32
    %dma_wait3A_219 = tpu.memref_slice %arg3[%dma_wait3A_217, %dma_wait3A_218] : memref<50000x128xi32, #tpu.memory_space<hbm>> -> memref<50000x128xi32, #tpu.memory_space<hbm>>
    tpu.wait_indirect_dma semaphore(%arg9 : memref<!tpu.dma_semaphore, #tpu.memory_space<semaphore_mem>>) src(%dma_wait3A_219 : memref<50000x128xi32, #tpu.memory_space<hbm>>) dst(%arg7 : memref<160x128xi32, #tpu.memory_space<vmem>>)
    %add3A_220 = arith.constant 2720 : i32
    %add3A_221 = arith.addi %mul3A_2, %add3A_220 : i32
    "tpu.region"() ({
      %run_scoped3A = tpu.sem_alloc : memref<!tpu.dma_semaphore, #tpu.memory_space<semaphore_mem>>
      %dma_start3A_241 = arith.constant 0 : i32
      %dma_start3A_242 = tpu.memref_slice %arg4[%add3A_221, %dma_start3A_241] : memref<102400x128xi32, #tpu.memory_space<hbm>> -> memref<160x128xi32, #tpu.memory_space<hbm>>
      %dma_start3A_243 = arith.constant 0 : i32
      %dma_start3A_244 = tpu.memref_slice %arg4[%add3A_221, %dma_start3A_243] : memref<102400x128xi32, #tpu.memory_space<hbm>> -> memref<160x128xi32, #tpu.memory_space<hbm>>
      tpu.enqueue_dma source(%arg7 : memref<160x128xi32, #tpu.memory_space<vmem>>) target(%dma_start3A_244 : memref<160x128xi32, #tpu.memory_space<hbm>>) target_semaphore(%run_scoped3A : memref<!tpu.dma_semaphore, #tpu.memory_space<semaphore_mem>>)
      %dma_wait3A_245 = arith.constant 0 : i32
      %dma_wait3A_246 = tpu.memref_slice %arg4[%add3A_221, %dma_wait3A_245] : memref<102400x128xi32, #tpu.memory_space<hbm>> -> memref<160x128xi32, #tpu.memory_space<hbm>>
      %dma_wait3A_247 = arith.constant 0 : i32
      %dma_wait3A_248 = tpu.memref_slice %arg4[%add3A_221, %dma_wait3A_247] : memref<102400x128xi32, #tpu.memory_space<hbm>> -> memref<160x128xi32, #tpu.memory_space<hbm>>
      tpu.wait_dma2 semaphore(%run_scoped3A : memref<!tpu.dma_semaphore, #tpu.memory_space<semaphore_mem>>) src(%arg7 : memref<160x128xi32, #tpu.memory_space<vmem>>) dst(%dma_wait3A_248 : memref<160x128xi32, #tpu.memory_space<hbm>>)
      tpu.yield
    }) : () -> ()
    %dma_start3A_222 = arith.constant 3040 : i32
    %dma_start3A_223 = tpu.memref_slice %arg5[%dma_start3A_222] : memref<3200xi32, #tpu.memory_space<vmem>> -> memref<160xi32, #tpu.memory_space<vmem>>
    %dma_start3A_224 = arith.constant 0 : i32
    %dma_start3A_225 = arith.constant 0 : i32
    %dma_start3A_226 = tpu.memref_slice %arg3[%dma_start3A_224, %dma_start3A_225] : memref<50000x128xi32, #tpu.memory_space<hbm>> -> memref<50000x128xi32, #tpu.memory_space<hbm>>
    tpu.enqueue_indirect_dma source(%dma_start3A_226 : memref<50000x128xi32, #tpu.memory_space<hbm>>) target(%arg7 : memref<160x128xi32, #tpu.memory_space<vmem>>) offsets(%dma_start3A_223 : memref<160xi32, #tpu.memory_space<vmem>>) semaphore(%arg9 : memref<!tpu.dma_semaphore, #tpu.memory_space<semaphore_mem>>)
    %dma_wait3A_227 = arith.constant 2880 : i32
    %dma_wait3A_228 = tpu.memref_slice %arg5[%dma_wait3A_227] : memref<3200xi32, #tpu.memory_space<vmem>> -> memref<160xi32, #tpu.memory_space<vmem>>
    %dma_wait3A_229 = arith.constant 0 : i32
    %dma_wait3A_230 = arith.constant 0 : i32
    %dma_wait3A_231 = tpu.memref_slice %arg3[%dma_wait3A_229, %dma_wait3A_230] : memref<50000x128xi32, #tpu.memory_space<hbm>> -> memref<50000x128xi32, #tpu.memory_space<hbm>>
    tpu.wait_indirect_dma semaphore(%arg8 : memref<!tpu.dma_semaphore, #tpu.memory_space<semaphore_mem>>) src(%dma_wait3A_231 : memref<50000x128xi32, #tpu.memory_space<hbm>>) dst(%arg6 : memref<160x128xi32, #tpu.memory_space<vmem>>)
    %add3A_232 = arith.constant 2880 : i32
    %add3A_233 = arith.addi %mul3A_2, %add3A_232 : i32
    "tpu.region"() ({
      %run_scoped3A = tpu.sem_alloc : memref<!tpu.dma_semaphore, #tpu.memory_space<semaphore_mem>>
      %dma_start3A_241 = arith.constant 0 : i32
      %dma_start3A_242 = tpu.memref_slice %arg4[%add3A_233, %dma_start3A_241] : memref<102400x128xi32, #tpu.memory_space<hbm>> -> memref<160x128xi32, #tpu.memory_space<hbm>>
      %dma_start3A_243 = arith.constant 0 : i32
      %dma_start3A_244 = tpu.memref_slice %arg4[%add3A_233, %dma_start3A_243] : memref<102400x128xi32, #tpu.memory_space<hbm>> -> memref<160x128xi32, #tpu.memory_space<hbm>>
      tpu.enqueue_dma source(%arg6 : memref<160x128xi32, #tpu.memory_space<vmem>>) target(%dma_start3A_244 : memref<160x128xi32, #tpu.memory_space<hbm>>) target_semaphore(%run_scoped3A : memref<!tpu.dma_semaphore, #tpu.memory_space<semaphore_mem>>)
      %dma_wait3A_245 = arith.constant 0 : i32
      %dma_wait3A_246 = tpu.memref_slice %arg4[%add3A_233, %dma_wait3A_245] : memref<102400x128xi32, #tpu.memory_space<hbm>> -> memref<160x128xi32, #tpu.memory_space<hbm>>
      %dma_wait3A_247 = arith.constant 0 : i32
      %dma_wait3A_248 = tpu.memref_slice %arg4[%add3A_233, %dma_wait3A_247] : memref<102400x128xi32, #tpu.memory_space<hbm>> -> memref<160x128xi32, #tpu.memory_space<hbm>>
      tpu.wait_dma2 semaphore(%run_scoped3A : memref<!tpu.dma_semaphore, #tpu.memory_space<semaphore_mem>>) src(%arg6 : memref<160x128xi32, #tpu.memory_space<vmem>>) dst(%dma_wait3A_248 : memref<160x128xi32, #tpu.memory_space<hbm>>)
      tpu.yield
    }) : () -> ()
    %dma_wait3A_234 = arith.constant 3040 : i32
    %dma_wait3A_235 = tpu.memref_slice %arg5[%dma_wait3A_234] : memref<3200xi32, #tpu.memory_space<vmem>> -> memref<160xi32, #tpu.memory_space<vmem>>
    %dma_wait3A_236 = arith.constant 0 : i32
    %dma_wait3A_237 = arith.constant 0 : i32
    %dma_wait3A_238 = tpu.memref_slice %arg3[%dma_wait3A_236, %dma_wait3A_237] : memref<50000x128xi32, #tpu.memory_space<hbm>> -> memref<50000x128xi32, #tpu.memory_space<hbm>>
    tpu.wait_indirect_dma semaphore(%arg9 : memref<!tpu.dma_semaphore, #tpu.memory_space<semaphore_mem>>) src(%dma_wait3A_238 : memref<50000x128xi32, #tpu.memory_space<hbm>>) dst(%arg7 : memref<160x128xi32, #tpu.memory_space<vmem>>)
    %add3A_239 = arith.constant 3040 : i32
    %add3A_240 = arith.addi %mul3A_2, %add3A_239 : i32
    "tpu.region"() ({
      %run_scoped3A = tpu.sem_alloc : memref<!tpu.dma_semaphore, #tpu.memory_space<semaphore_mem>>
      %dma_start3A_241 = arith.constant 0 : i32
      %dma_start3A_242 = tpu.memref_slice %arg4[%add3A_240, %dma_start3A_241] : memref<102400x128xi32, #tpu.memory_space<hbm>> -> memref<160x128xi32, #tpu.memory_space<hbm>>
      %dma_start3A_243 = arith.constant 0 : i32
      %dma_start3A_244 = tpu.memref_slice %arg4[%add3A_240, %dma_start3A_243] : memref<102400x128xi32, #tpu.memory_space<hbm>> -> memref<160x128xi32, #tpu.memory_space<hbm>>
      tpu.enqueue_dma source(%arg7 : memref<160x128xi32, #tpu.memory_space<vmem>>) target(%dma_start3A_244 : memref<160x128xi32, #tpu.memory_space<hbm>>) target_semaphore(%run_scoped3A : memref<!tpu.dma_semaphore, #tpu.memory_space<semaphore_mem>>)
      %dma_wait3A_245 = arith.constant 0 : i32
      %dma_wait3A_246 = tpu.memref_slice %arg4[%add3A_240, %dma_wait3A_245] : memref<102400x128xi32, #tpu.memory_space<hbm>> -> memref<160x128xi32, #tpu.memory_space<hbm>>
      %dma_wait3A_247 = arith.constant 0 : i32
      %dma_wait3A_248 = tpu.memref_slice %arg4[%add3A_240, %dma_wait3A_247] : memref<102400x128xi32, #tpu.memory_space<hbm>> -> memref<160x128xi32, #tpu.memory_space<hbm>>
      tpu.wait_dma2 semaphore(%run_scoped3A : memref<!tpu.dma_semaphore, #tpu.memory_space<semaphore_mem>>) src(%arg7 : memref<160x128xi32, #tpu.memory_space<vmem>>) dst(%dma_wait3A_248 : memref<160x128xi32, #tpu.memory_space<hbm>>)
      tpu.yield
    }) : () -> ()
    return
  }
}

#map = affine_map<(d0, d1) -> (0)>
#map1 = affine_map<(d0, d1) -> (0, 0, 0)>
module attributes {stable_mosaic.version = 14 : i64} {
  func.func @k(%arg0: i32, %arg1: i32, %arg2: memref<200704xi32, #tpu.memory_space<hbm>>, %arg3: memref<200704xi32, #tpu.memory_space<hbm>>, %arg4: memref<32x32x3200xi32, #tpu.memory_space<hbm>>, %arg5: memref<6272xi32, #tpu.memory_space<vmem>>, %arg6: memref<6272xi32, #tpu.memory_space<vmem>>, %arg7: memref<102400xi32, #tpu.memory_space<vmem>>, %arg8: memref<!tpu.dma_semaphore, #tpu.memory_space<semaphore_mem>>) attributes {dimension_semantics = [#tpu.dimension_semantics<core_parallel>, #tpu.dimension_semantics<subcore_parallel>], iteration_bounds = array<i64: 2, 16>, scalar_prefetch = 0 : i64, scratch_operands = 4 : i64, tpu.core_type = #tpu.core_type<sc_vector_subcore>, window_params = [{transform_indices = #map}, {transform_indices = #map}, {transform_indices = #map1}]} {
    %mul3A = arith.constant 2 : i32
    %mul3A_0 = arith.muli %arg1, %mul3A : i32
    %add3A = arith.addi %mul3A_0, %arg0 : i32
    %mul3A_1 = arith.constant 6272 : i32
    %mul3A_2 = arith.muli %add3A, %mul3A_1 : i32
    "tpu.region"() ({
      %run_scoped3A = tpu.sem_alloc : memref<!tpu.dma_semaphore, #tpu.memory_space<semaphore_mem>>
      %dma_start3A_717 = tpu.memref_slice %arg2[%mul3A_2] : memref<200704xi32, #tpu.memory_space<hbm>> -> memref<6272xi32, #tpu.memory_space<hbm>>
      %dma_start3A_718 = tpu.memref_slice %arg2[%mul3A_2] : memref<200704xi32, #tpu.memory_space<hbm>> -> memref<6272xi32, #tpu.memory_space<hbm>>
      tpu.enqueue_dma source(%dma_start3A_718 : memref<6272xi32, #tpu.memory_space<hbm>>) target(%arg5 : memref<6272xi32, #tpu.memory_space<vmem>>) target_semaphore(%run_scoped3A : memref<!tpu.dma_semaphore, #tpu.memory_space<semaphore_mem>>)
      %dma_wait3A_719 = tpu.memref_slice %arg2[%mul3A_2] : memref<200704xi32, #tpu.memory_space<hbm>> -> memref<6272xi32, #tpu.memory_space<hbm>>
      %dma_wait3A_720 = tpu.memref_slice %arg2[%mul3A_2] : memref<200704xi32, #tpu.memory_space<hbm>> -> memref<6272xi32, #tpu.memory_space<hbm>>
      tpu.wait_dma2 semaphore(%run_scoped3A : memref<!tpu.dma_semaphore, #tpu.memory_space<semaphore_mem>>) src(%dma_wait3A_720 : memref<6272xi32, #tpu.memory_space<hbm>>) dst(%arg5 : memref<6272xi32, #tpu.memory_space<vmem>>)
      tpu.yield
    }) : () -> ()
    "tpu.region"() ({
      %run_scoped3A = tpu.sem_alloc : memref<!tpu.dma_semaphore, #tpu.memory_space<semaphore_mem>>
      %dma_start3A_717 = tpu.memref_slice %arg3[%mul3A_2] : memref<200704xi32, #tpu.memory_space<hbm>> -> memref<6272xi32, #tpu.memory_space<hbm>>
      %dma_start3A_718 = tpu.memref_slice %arg3[%mul3A_2] : memref<200704xi32, #tpu.memory_space<hbm>> -> memref<6272xi32, #tpu.memory_space<hbm>>
      tpu.enqueue_dma source(%dma_start3A_718 : memref<6272xi32, #tpu.memory_space<hbm>>) target(%arg6 : memref<6272xi32, #tpu.memory_space<vmem>>) target_semaphore(%run_scoped3A : memref<!tpu.dma_semaphore, #tpu.memory_space<semaphore_mem>>)
      %dma_wait3A_719 = tpu.memref_slice %arg3[%mul3A_2] : memref<200704xi32, #tpu.memory_space<hbm>> -> memref<6272xi32, #tpu.memory_space<hbm>>
      %dma_wait3A_720 = tpu.memref_slice %arg3[%mul3A_2] : memref<200704xi32, #tpu.memory_space<hbm>> -> memref<6272xi32, #tpu.memory_space<hbm>>
      tpu.wait_dma2 semaphore(%run_scoped3A : memref<!tpu.dma_semaphore, #tpu.memory_space<semaphore_mem>>) src(%dma_wait3A_720 : memref<6272xi32, #tpu.memory_space<hbm>>) dst(%arg6 : memref<6272xi32, #tpu.memory_space<vmem>>)
      tpu.yield
    }) : () -> ()
    %broadcast_in_dim3A = arith.constant -1 : i32
    %broadcast_in_dim3A_3 = vector.broadcast %broadcast_in_dim3A : i32 to vector<16xi32>
    %scan3A = arith.constant 0 : i32
    %scan3A_4 = arith.constant 0 : i32
    %scan3A_5 = arith.constant 800 : i32
    %scan3A_6 = arith.addi %scan3A_4, %scan3A_5 : i32
    %scan3A_7 = arith.constant 1 : i32
    scf.for %scan3A_717 = %scan3A_4 to %scan3A_6 step %scan3A_7  : i32 {
      %mul3A_718 = arith.constant 8 : i32
      %mul3A_719 = arith.muli %scan3A_717, %mul3A_718 : i32
      %add3A_720 = arith.constant 0 : i32
      %add3A_721 = arith.addi %mul3A_719, %add3A_720 : i32
      %mul3A_722 = arith.constant 16 : i32
      %mul3A_723 = arith.muli %add3A_721, %mul3A_722 : i32
      %swap3A = arith.index_cast %mul3A_723 : i32 to index
      %swap3A_724 = tpu.vector_load %arg7[%swap3A] {strides = array<i32>} : memref<102400xi32, #tpu.memory_space<vmem>>, vector<16xi32>,
      tpu.vector_store %arg7[%swap3A], %broadcast_in_dim3A_3 {strides = array<i32>} : memref<102400xi32, #tpu.memory_space<vmem>>, vector<16xi32>,
      %mul3A_725 = arith.constant 8 : i32
      %mul3A_726 = arith.muli %scan3A_717, %mul3A_725 : i32
      %add3A_727 = arith.constant 1 : i32
      %add3A_728 = arith.addi %mul3A_726, %add3A_727 : i32
      %mul3A_729 = arith.constant 16 : i32
      %mul3A_730 = arith.muli %add3A_728, %mul3A_729 : i32
      %swap3A_731 = arith.index_cast %mul3A_730 : i32 to index
      %swap3A_732 = tpu.vector_load %arg7[%swap3A_731] {strides = array<i32>} : memref<102400xi32, #tpu.memory_space<vmem>>, vector<16xi32>,
      tpu.vector_store %arg7[%swap3A_731], %broadcast_in_dim3A_3 {strides = array<i32>} : memref<102400xi32, #tpu.memory_space<vmem>>, vector<16xi32>,
      %mul3A_733 = arith.constant 8 : i32
      %mul3A_734 = arith.muli %scan3A_717, %mul3A_733 : i32
      %add3A_735 = arith.constant 2 : i32
      %add3A_736 = arith.addi %mul3A_734, %add3A_735 : i32
      %mul3A_737 = arith.constant 16 : i32
      %mul3A_738 = arith.muli %add3A_736, %mul3A_737 : i32
      %swap3A_739 = arith.index_cast %mul3A_738 : i32 to index
      %swap3A_740 = tpu.vector_load %arg7[%swap3A_739] {strides = array<i32>} : memref<102400xi32, #tpu.memory_space<vmem>>, vector<16xi32>,
      tpu.vector_store %arg7[%swap3A_739], %broadcast_in_dim3A_3 {strides = array<i32>} : memref<102400xi32, #tpu.memory_space<vmem>>, vector<16xi32>,
      %mul3A_741 = arith.constant 8 : i32
      %mul3A_742 = arith.muli %scan3A_717, %mul3A_741 : i32
      %add3A_743 = arith.constant 3 : i32
      %add3A_744 = arith.addi %mul3A_742, %add3A_743 : i32
      %mul3A_745 = arith.constant 16 : i32
      %mul3A_746 = arith.muli %add3A_744, %mul3A_745 : i32
      %swap3A_747 = arith.index_cast %mul3A_746 : i32 to index
      %swap3A_748 = tpu.vector_load %arg7[%swap3A_747] {strides = array<i32>} : memref<102400xi32, #tpu.memory_space<vmem>>, vector<16xi32>,
      tpu.vector_store %arg7[%swap3A_747], %broadcast_in_dim3A_3 {strides = array<i32>} : memref<102400xi32, #tpu.memory_space<vmem>>, vector<16xi32>,
      %mul3A_749 = arith.constant 8 : i32
      %mul3A_750 = arith.muli %scan3A_717, %mul3A_749 : i32
      %add3A_751 = arith.constant 4 : i32
      %add3A_752 = arith.addi %mul3A_750, %add3A_751 : i32
      %mul3A_753 = arith.constant 16 : i32
      %mul3A_754 = arith.muli %add3A_752, %mul3A_753 : i32
      %swap3A_755 = arith.index_cast %mul3A_754 : i32 to index
      %swap3A_756 = tpu.vector_load %arg7[%swap3A_755] {strides = array<i32>} : memref<102400xi32, #tpu.memory_space<vmem>>, vector<16xi32>,
      tpu.vector_store %arg7[%swap3A_755], %broadcast_in_dim3A_3 {strides = array<i32>} : memref<102400xi32, #tpu.memory_space<vmem>>, vector<16xi32>,
      %mul3A_757 = arith.constant 8 : i32
      %mul3A_758 = arith.muli %scan3A_717, %mul3A_757 : i32
      %add3A_759 = arith.constant 5 : i32
      %add3A_760 = arith.addi %mul3A_758, %add3A_759 : i32
      %mul3A_761 = arith.constant 16 : i32
      %mul3A_762 = arith.muli %add3A_760, %mul3A_761 : i32
      %swap3A_763 = arith.index_cast %mul3A_762 : i32 to index
      %swap3A_764 = tpu.vector_load %arg7[%swap3A_763] {strides = array<i32>} : memref<102400xi32, #tpu.memory_space<vmem>>, vector<16xi32>,
      tpu.vector_store %arg7[%swap3A_763], %broadcast_in_dim3A_3 {strides = array<i32>} : memref<102400xi32, #tpu.memory_space<vmem>>, vector<16xi32>,
      %mul3A_765 = arith.constant 8 : i32
      %mul3A_766 = arith.muli %scan3A_717, %mul3A_765 : i32
      %add3A_767 = arith.constant 6 : i32
      %add3A_768 = arith.addi %mul3A_766, %add3A_767 : i32
      %mul3A_769 = arith.constant 16 : i32
      %mul3A_770 = arith.muli %add3A_768, %mul3A_769 : i32
      %swap3A_771 = arith.index_cast %mul3A_770 : i32 to index
      %swap3A_772 = tpu.vector_load %arg7[%swap3A_771] {strides = array<i32>} : memref<102400xi32, #tpu.memory_space<vmem>>, vector<16xi32>,
      tpu.vector_store %arg7[%swap3A_771], %broadcast_in_dim3A_3 {strides = array<i32>} : memref<102400xi32, #tpu.memory_space<vmem>>, vector<16xi32>,
      %mul3A_773 = arith.constant 8 : i32
      %mul3A_774 = arith.muli %scan3A_717, %mul3A_773 : i32
      %add3A_775 = arith.constant 7 : i32
      %add3A_776 = arith.addi %mul3A_774, %add3A_775 : i32
      %mul3A_777 = arith.constant 16 : i32
      %mul3A_778 = arith.muli %add3A_776, %mul3A_777 : i32
      %swap3A_779 = arith.index_cast %mul3A_778 : i32 to index
      %swap3A_780 = tpu.vector_load %arg7[%swap3A_779] {strides = array<i32>} : memref<102400xi32, #tpu.memory_space<vmem>>, vector<16xi32>,
      tpu.vector_store %arg7[%swap3A_779], %broadcast_in_dim3A_3 {strides = array<i32>} : memref<102400xi32, #tpu.memory_space<vmem>>, vector<16xi32>,
    }
    %scan3A_8 = arith.constant 800 : i32
    %iota3A = tpu.iota {dimensions = array<i32: 0>} : vector<16xi32>
    %scan3A_9 = arith.constant 0 : i32
    %scan3A_10 = arith.constant 0 : i32
    %scan3A_11 = arith.constant 392 : i32
    %scan3A_12 = arith.addi %scan3A_10, %scan3A_11 : i32
    %scan3A_13 = arith.constant 1 : i32
    scf.for %scan3A_717 = %scan3A_10 to %scan3A_12 step %scan3A_13  : i32 {
      %mul3A_718 = arith.constant 16 : i32
      %mul3A_719 = arith.muli %scan3A_717, %mul3A_718 : i32
      %get3A = arith.index_cast %mul3A_719 : i32 to index
      %get3A_720 = tpu.vector_load %arg5[%get3A] {strides = array<i32>} : memref<6272xi32, #tpu.memory_space<vmem>>, vector<16xi32>,
      %mul3A_721 = arith.constant 16 : i32
      %mul3A_722 = arith.muli %scan3A_717, %mul3A_721 : i32
      %get3A_723 = arith.index_cast %mul3A_722 : i32 to index
      %get3A_724 = tpu.vector_load %arg6[%get3A_723] {strides = array<i32>} : memref<6272xi32, #tpu.memory_space<vmem>>, vector<16xi32>,
      %eq3A = arith.constant 0 : i32
      %eq3A_725 = vector.broadcast %eq3A : i32 to vector<16xi32>
      %eq3A_726 = arith.cmpi eq, %iota3A, %eq3A_725 : vector<16xi32>
      tpu.vector_store_idx %arg7[%get3A_720], %get3A_724 masked %eq3A_726 : memref<102400xi32, #tpu.memory_space<vmem>>[vector<16xi32>], vector<16xi32>, vector<16xi1>
      %eq3A_727 = arith.constant 1 : i32
      %eq3A_728 = vector.broadcast %eq3A_727 : i32 to vector<16xi32>
      %eq3A_729 = arith.cmpi eq, %iota3A, %eq3A_728 : vector<16xi32>
      tpu.vector_store_idx %arg7[%get3A_720], %get3A_724 masked %eq3A_729 : memref<102400xi32, #tpu.memory_space<vmem>>[vector<16xi32>], vector<16xi32>, vector<16xi1>
      %eq3A_730 = arith.constant 2 : i32
      %eq3A_731 = vector.broadcast %eq3A_730 : i32 to vector<16xi32>
      %eq3A_732 = arith.cmpi eq, %iota3A, %eq3A_731 : vector<16xi32>
      tpu.vector_store_idx %arg7[%get3A_720], %get3A_724 masked %eq3A_732 : memref<102400xi32, #tpu.memory_space<vmem>>[vector<16xi32>], vector<16xi32>, vector<16xi1>
      %eq3A_733 = arith.constant 3 : i32
      %eq3A_734 = vector.broadcast %eq3A_733 : i32 to vector<16xi32>
      %eq3A_735 = arith.cmpi eq, %iota3A, %eq3A_734 : vector<16xi32>
      tpu.vector_store_idx %arg7[%get3A_720], %get3A_724 masked %eq3A_735 : memref<102400xi32, #tpu.memory_space<vmem>>[vector<16xi32>], vector<16xi32>, vector<16xi1>
      %eq3A_736 = arith.constant 4 : i32
      %eq3A_737 = vector.broadcast %eq3A_736 : i32 to vector<16xi32>
      %eq3A_738 = arith.cmpi eq, %iota3A, %eq3A_737 : vector<16xi32>
      tpu.vector_store_idx %arg7[%get3A_720], %get3A_724 masked %eq3A_738 : memref<102400xi32, #tpu.memory_space<vmem>>[vector<16xi32>], vector<16xi32>, vector<16xi1>
      %eq3A_739 = arith.constant 5 : i32
      %eq3A_740 = vector.broadcast %eq3A_739 : i32 to vector<16xi32>
      %eq3A_741 = arith.cmpi eq, %iota3A, %eq3A_740 : vector<16xi32>
      tpu.vector_store_idx %arg7[%get3A_720], %get3A_724 masked %eq3A_741 : memref<102400xi32, #tpu.memory_space<vmem>>[vector<16xi32>], vector<16xi32>, vector<16xi1>
      %eq3A_742 = arith.constant 6 : i32
      %eq3A_743 = vector.broadcast %eq3A_742 : i32 to vector<16xi32>
      %eq3A_744 = arith.cmpi eq, %iota3A, %eq3A_743 : vector<16xi32>
      tpu.vector_store_idx %arg7[%get3A_720], %get3A_724 masked %eq3A_744 : memref<102400xi32, #tpu.memory_space<vmem>>[vector<16xi32>], vector<16xi32>, vector<16xi1>
      %eq3A_745 = arith.constant 7 : i32
      %eq3A_746 = vector.broadcast %eq3A_745 : i32 to vector<16xi32>
      %eq3A_747 = arith.cmpi eq, %iota3A, %eq3A_746 : vector<16xi32>
      tpu.vector_store_idx %arg7[%get3A_720], %get3A_724 masked %eq3A_747 : memref<102400xi32, #tpu.memory_space<vmem>>[vector<16xi32>], vector<16xi32>, vector<16xi1>
      %eq3A_748 = arith.constant 8 : i32
      %eq3A_749 = vector.broadcast %eq3A_748 : i32 to vector<16xi32>
      %eq3A_750 = arith.cmpi eq, %iota3A, %eq3A_749 : vector<16xi32>
      tpu.vector_store_idx %arg7[%get3A_720], %get3A_724 masked %eq3A_750 : memref<102400xi32, #tpu.memory_space<vmem>>[vector<16xi32>], vector<16xi32>, vector<16xi1>
      %eq3A_751 = arith.constant 9 : i32
      %eq3A_752 = vector.broadcast %eq3A_751 : i32 to vector<16xi32>
      %eq3A_753 = arith.cmpi eq, %iota3A, %eq3A_752 : vector<16xi32>
      tpu.vector_store_idx %arg7[%get3A_720], %get3A_724 masked %eq3A_753 : memref<102400xi32, #tpu.memory_space<vmem>>[vector<16xi32>], vector<16xi32>, vector<16xi1>
      %eq3A_754 = arith.constant 10 : i32
      %eq3A_755 = vector.broadcast %eq3A_754 : i32 to vector<16xi32>
      %eq3A_756 = arith.cmpi eq, %iota3A, %eq3A_755 : vector<16xi32>
      tpu.vector_store_idx %arg7[%get3A_720], %get3A_724 masked %eq3A_756 : memref<102400xi32, #tpu.memory_space<vmem>>[vector<16xi32>], vector<16xi32>, vector<16xi1>
      %eq3A_757 = arith.constant 11 : i32
      %eq3A_758 = vector.broadcast %eq3A_757 : i32 to vector<16xi32>
      %eq3A_759 = arith.cmpi eq, %iota3A, %eq3A_758 : vector<16xi32>
      tpu.vector_store_idx %arg7[%get3A_720], %get3A_724 masked %eq3A_759 : memref<102400xi32, #tpu.memory_space<vmem>>[vector<16xi32>], vector<16xi32>, vector<16xi1>
      %eq3A_760 = arith.constant 12 : i32
      %eq3A_761 = vector.broadcast %eq3A_760 : i32 to vector<16xi32>
      %eq3A_762 = arith.cmpi eq, %iota3A, %eq3A_761 : vector<16xi32>
      tpu.vector_store_idx %arg7[%get3A_720], %get3A_724 masked %eq3A_762 : memref<102400xi32, #tpu.memory_space<vmem>>[vector<16xi32>], vector<16xi32>, vector<16xi1>
      %eq3A_763 = arith.constant 13 : i32
      %eq3A_764 = vector.broadcast %eq3A_763 : i32 to vector<16xi32>
      %eq3A_765 = arith.cmpi eq, %iota3A, %eq3A_764 : vector<16xi32>
      tpu.vector_store_idx %arg7[%get3A_720], %get3A_724 masked %eq3A_765 : memref<102400xi32, #tpu.memory_space<vmem>>[vector<16xi32>], vector<16xi32>, vector<16xi1>
      %eq3A_766 = arith.constant 14 : i32
      %eq3A_767 = vector.broadcast %eq3A_766 : i32 to vector<16xi32>
      %eq3A_768 = arith.cmpi eq, %iota3A, %eq3A_767 : vector<16xi32>
      tpu.vector_store_idx %arg7[%get3A_720], %get3A_724 masked %eq3A_768 : memref<102400xi32, #tpu.memory_space<vmem>>[vector<16xi32>], vector<16xi32>, vector<16xi1>
      %eq3A_769 = arith.constant 15 : i32
      %eq3A_770 = vector.broadcast %eq3A_769 : i32 to vector<16xi32>
      %eq3A_771 = arith.cmpi eq, %iota3A, %eq3A_770 : vector<16xi32>
      tpu.vector_store_idx %arg7[%get3A_720], %get3A_724 masked %eq3A_771 : memref<102400xi32, #tpu.memory_space<vmem>>[vector<16xi32>], vector<16xi32>, vector<16xi1>
    }
    %scan3A_14 = arith.constant 392 : i32
    %dma_start3A = arith.constant 0 : i32
    %dma_start3A_15 = arith.constant 0 : i32
    %dma_start3A_16 = tpu.memref_slice %arg7[%dma_start3A_15] : memref<102400xi32, #tpu.memory_space<vmem>> -> memref<3200xi32, #tpu.memory_space<vmem>>
    %dma_start3A_17 = arith.constant 0 : i32
    %dma_start3A_18 = tpu.memref_slice %arg4[%dma_start3A, %add3A, %dma_start3A_17] : memref<32x32x3200xi32, #tpu.memory_space<hbm>> -> memref<1x1x3200xi32, #tpu.memory_space<hbm>>
    %dma_start3A_19 = tpu.memref_squeeze %dma_start3A_18 : memref<1x1x3200xi32, #tpu.memory_space<hbm>> -> memref<3200xi32, #tpu.memory_space<hbm>>
    %dma_start3A_20 = arith.constant 0 : i32
    %dma_start3A_21 = tpu.memref_slice %arg4[%dma_start3A, %add3A, %dma_start3A_20] : memref<32x32x3200xi32, #tpu.memory_space<hbm>> -> memref<1x1x3200xi32, #tpu.memory_space<hbm>>
    %dma_start3A_22 = tpu.memref_squeeze %dma_start3A_21 : memref<1x1x3200xi32, #tpu.memory_space<hbm>> -> memref<3200xi32, #tpu.memory_space<hbm>>
    %dma_start3A_23 = arith.constant 0 : i32
    %dma_start3A_24 = tpu.memref_slice %arg7[%dma_start3A_23] : memref<102400xi32, #tpu.memory_space<vmem>> -> memref<3200xi32, #tpu.memory_space<vmem>>
    tpu.enqueue_dma source(%dma_start3A_24 : memref<3200xi32, #tpu.memory_space<vmem>>) target(%dma_start3A_22 : memref<3200xi32, #tpu.memory_space<hbm>>) target_semaphore(%arg8 : memref<!tpu.dma_semaphore, #tpu.memory_space<semaphore_mem>>)
    %dma_start3A_25 = arith.constant 1 : i32
    %dma_start3A_26 = arith.constant 3200 : i32
    %dma_start3A_27 = tpu.memref_slice %arg7[%dma_start3A_26] : memref<102400xi32, #tpu.memory_space<vmem>> -> memref<3200xi32, #tpu.memory_space<vmem>>
    %dma_start3A_28 = arith.constant 0 : i32
    %dma_start3A_29 = tpu.memref_slice %arg4[%dma_start3A_25, %add3A, %dma_start3A_28] : memref<32x32x3200xi32, #tpu.memory_space<hbm>> -> memref<1x1x3200xi32, #tpu.memory_space<hbm>>
    %dma_start3A_30 = tpu.memref_squeeze %dma_start3A_29 : memref<1x1x3200xi32, #tpu.memory_space<hbm>> -> memref<3200xi32, #tpu.memory_space<hbm>>
    %dma_start3A_31 = arith.constant 0 : i32
    %dma_start3A_32 = tpu.memref_slice %arg4[%dma_start3A_25, %add3A, %dma_start3A_31] : memref<32x32x3200xi32, #tpu.memory_space<hbm>> -> memref<1x1x3200xi32, #tpu.memory_space<hbm>>
    %dma_start3A_33 = tpu.memref_squeeze %dma_start3A_32 : memref<1x1x3200xi32, #tpu.memory_space<hbm>> -> memref<3200xi32, #tpu.memory_space<hbm>>
    %dma_start3A_34 = arith.constant 3200 : i32
    %dma_start3A_35 = tpu.memref_slice %arg7[%dma_start3A_34] : memref<102400xi32, #tpu.memory_space<vmem>> -> memref<3200xi32, #tpu.memory_space<vmem>>
    tpu.enqueue_dma source(%dma_start3A_35 : memref<3200xi32, #tpu.memory_space<vmem>>) target(%dma_start3A_33 : memref<3200xi32, #tpu.memory_space<hbm>>) target_semaphore(%arg8 : memref<!tpu.dma_semaphore, #tpu.memory_space<semaphore_mem>>)
    %dma_start3A_36 = arith.constant 2 : i32
    %dma_start3A_37 = arith.constant 6400 : i32
    %dma_start3A_38 = tpu.memref_slice %arg7[%dma_start3A_37] : memref<102400xi32, #tpu.memory_space<vmem>> -> memref<3200xi32, #tpu.memory_space<vmem>>
    %dma_start3A_39 = arith.constant 0 : i32
    %dma_start3A_40 = tpu.memref_slice %arg4[%dma_start3A_36, %add3A, %dma_start3A_39] : memref<32x32x3200xi32, #tpu.memory_space<hbm>> -> memref<1x1x3200xi32, #tpu.memory_space<hbm>>
    %dma_start3A_41 = tpu.memref_squeeze %dma_start3A_40 : memref<1x1x3200xi32, #tpu.memory_space<hbm>> -> memref<3200xi32, #tpu.memory_space<hbm>>
    %dma_start3A_42 = arith.constant 0 : i32
    %dma_start3A_43 = tpu.memref_slice %arg4[%dma_start3A_36, %add3A, %dma_start3A_42] : memref<32x32x3200xi32, #tpu.memory_space<hbm>> -> memref<1x1x3200xi32, #tpu.memory_space<hbm>>
    %dma_start3A_44 = tpu.memref_squeeze %dma_start3A_43 : memref<1x1x3200xi32, #tpu.memory_space<hbm>> -> memref<3200xi32, #tpu.memory_space<hbm>>
    %dma_start3A_45 = arith.constant 6400 : i32
    %dma_start3A_46 = tpu.memref_slice %arg7[%dma_start3A_45] : memref<102400xi32, #tpu.memory_space<vmem>> -> memref<3200xi32, #tpu.memory_space<vmem>>
    tpu.enqueue_dma source(%dma_start3A_46 : memref<3200xi32, #tpu.memory_space<vmem>>) target(%dma_start3A_44 : memref<3200xi32, #tpu.memory_space<hbm>>) target_semaphore(%arg8 : memref<!tpu.dma_semaphore, #tpu.memory_space<semaphore_mem>>)
    %dma_start3A_47 = arith.constant 3 : i32
    %dma_start3A_48 = arith.constant 9600 : i32
    %dma_start3A_49 = tpu.memref_slice %arg7[%dma_start3A_48] : memref<102400xi32, #tpu.memory_space<vmem>> -> memref<3200xi32, #tpu.memory_space<vmem>>
    %dma_start3A_50 = arith.constant 0 : i32
    %dma_start3A_51 = tpu.memref_slice %arg4[%dma_start3A_47, %add3A, %dma_start3A_50] : memref<32x32x3200xi32, #tpu.memory_space<hbm>> -> memref<1x1x3200xi32, #tpu.memory_space<hbm>>
    %dma_start3A_52 = tpu.memref_squeeze %dma_start3A_51 : memref<1x1x3200xi32, #tpu.memory_space<hbm>> -> memref<3200xi32, #tpu.memory_space<hbm>>
    %dma_start3A_53 = arith.constant 0 : i32
    %dma_start3A_54 = tpu.memref_slice %arg4[%dma_start3A_47, %add3A, %dma_start3A_53] : memref<32x32x3200xi32, #tpu.memory_space<hbm>> -> memref<1x1x3200xi32, #tpu.memory_space<hbm>>
    %dma_start3A_55 = tpu.memref_squeeze %dma_start3A_54 : memref<1x1x3200xi32, #tpu.memory_space<hbm>> -> memref<3200xi32, #tpu.memory_space<hbm>>
    %dma_start3A_56 = arith.constant 9600 : i32
    %dma_start3A_57 = tpu.memref_slice %arg7[%dma_start3A_56] : memref<102400xi32, #tpu.memory_space<vmem>> -> memref<3200xi32, #tpu.memory_space<vmem>>
    tpu.enqueue_dma source(%dma_start3A_57 : memref<3200xi32, #tpu.memory_space<vmem>>) target(%dma_start3A_55 : memref<3200xi32, #tpu.memory_space<hbm>>) target_semaphore(%arg8 : memref<!tpu.dma_semaphore, #tpu.memory_space<semaphore_mem>>)
    %dma_start3A_58 = arith.constant 4 : i32
    %dma_start3A_59 = arith.constant 12800 : i32
    %dma_start3A_60 = tpu.memref_slice %arg7[%dma_start3A_59] : memref<102400xi32, #tpu.memory_space<vmem>> -> memref<3200xi32, #tpu.memory_space<vmem>>
    %dma_start3A_61 = arith.constant 0 : i32
    %dma_start3A_62 = tpu.memref_slice %arg4[%dma_start3A_58, %add3A, %dma_start3A_61] : memref<32x32x3200xi32, #tpu.memory_space<hbm>> -> memref<1x1x3200xi32, #tpu.memory_space<hbm>>
    %dma_start3A_63 = tpu.memref_squeeze %dma_start3A_62 : memref<1x1x3200xi32, #tpu.memory_space<hbm>> -> memref<3200xi32, #tpu.memory_space<hbm>>
    %dma_start3A_64 = arith.constant 0 : i32
    %dma_start3A_65 = tpu.memref_slice %arg4[%dma_start3A_58, %add3A, %dma_start3A_64] : memref<32x32x3200xi32, #tpu.memory_space<hbm>> -> memref<1x1x3200xi32, #tpu.memory_space<hbm>>
    %dma_start3A_66 = tpu.memref_squeeze %dma_start3A_65 : memref<1x1x3200xi32, #tpu.memory_space<hbm>> -> memref<3200xi32, #tpu.memory_space<hbm>>
    %dma_start3A_67 = arith.constant 12800 : i32
    %dma_start3A_68 = tpu.memref_slice %arg7[%dma_start3A_67] : memref<102400xi32, #tpu.memory_space<vmem>> -> memref<3200xi32, #tpu.memory_space<vmem>>
    tpu.enqueue_dma source(%dma_start3A_68 : memref<3200xi32, #tpu.memory_space<vmem>>) target(%dma_start3A_66 : memref<3200xi32, #tpu.memory_space<hbm>>) target_semaphore(%arg8 : memref<!tpu.dma_semaphore, #tpu.memory_space<semaphore_mem>>)
    %dma_start3A_69 = arith.constant 5 : i32
    %dma_start3A_70 = arith.constant 16000 : i32
    %dma_start3A_71 = tpu.memref_slice %arg7[%dma_start3A_70] : memref<102400xi32, #tpu.memory_space<vmem>> -> memref<3200xi32, #tpu.memory_space<vmem>>
    %dma_start3A_72 = arith.constant 0 : i32
    %dma_start3A_73 = tpu.memref_slice %arg4[%dma_start3A_69, %add3A, %dma_start3A_72] : memref<32x32x3200xi32, #tpu.memory_space<hbm>> -> memref<1x1x3200xi32, #tpu.memory_space<hbm>>
    %dma_start3A_74 = tpu.memref_squeeze %dma_start3A_73 : memref<1x1x3200xi32, #tpu.memory_space<hbm>> -> memref<3200xi32, #tpu.memory_space<hbm>>
    %dma_start3A_75 = arith.constant 0 : i32
    %dma_start3A_76 = tpu.memref_slice %arg4[%dma_start3A_69, %add3A, %dma_start3A_75] : memref<32x32x3200xi32, #tpu.memory_space<hbm>> -> memref<1x1x3200xi32, #tpu.memory_space<hbm>>
    %dma_start3A_77 = tpu.memref_squeeze %dma_start3A_76 : memref<1x1x3200xi32, #tpu.memory_space<hbm>> -> memref<3200xi32, #tpu.memory_space<hbm>>
    %dma_start3A_78 = arith.constant 16000 : i32
    %dma_start3A_79 = tpu.memref_slice %arg7[%dma_start3A_78] : memref<102400xi32, #tpu.memory_space<vmem>> -> memref<3200xi32, #tpu.memory_space<vmem>>
    tpu.enqueue_dma source(%dma_start3A_79 : memref<3200xi32, #tpu.memory_space<vmem>>) target(%dma_start3A_77 : memref<3200xi32, #tpu.memory_space<hbm>>) target_semaphore(%arg8 : memref<!tpu.dma_semaphore, #tpu.memory_space<semaphore_mem>>)
    %dma_start3A_80 = arith.constant 6 : i32
    %dma_start3A_81 = arith.constant 19200 : i32
    %dma_start3A_82 = tpu.memref_slice %arg7[%dma_start3A_81] : memref<102400xi32, #tpu.memory_space<vmem>> -> memref<3200xi32, #tpu.memory_space<vmem>>
    %dma_start3A_83 = arith.constant 0 : i32
    %dma_start3A_84 = tpu.memref_slice %arg4[%dma_start3A_80, %add3A, %dma_start3A_83] : memref<32x32x3200xi32, #tpu.memory_space<hbm>> -> memref<1x1x3200xi32, #tpu.memory_space<hbm>>
    %dma_start3A_85 = tpu.memref_squeeze %dma_start3A_84 : memref<1x1x3200xi32, #tpu.memory_space<hbm>> -> memref<3200xi32, #tpu.memory_space<hbm>>
    %dma_start3A_86 = arith.constant 0 : i32
    %dma_start3A_87 = tpu.memref_slice %arg4[%dma_start3A_80, %add3A, %dma_start3A_86] : memref<32x32x3200xi32, #tpu.memory_space<hbm>> -> memref<1x1x3200xi32, #tpu.memory_space<hbm>>
    %dma_start3A_88 = tpu.memref_squeeze %dma_start3A_87 : memref<1x1x3200xi32, #tpu.memory_space<hbm>> -> memref<3200xi32, #tpu.memory_space<hbm>>
    %dma_start3A_89 = arith.constant 19200 : i32
    %dma_start3A_90 = tpu.memref_slice %arg7[%dma_start3A_89] : memref<102400xi32, #tpu.memory_space<vmem>> -> memref<3200xi32, #tpu.memory_space<vmem>>
    tpu.enqueue_dma source(%dma_start3A_90 : memref<3200xi32, #tpu.memory_space<vmem>>) target(%dma_start3A_88 : memref<3200xi32, #tpu.memory_space<hbm>>) target_semaphore(%arg8 : memref<!tpu.dma_semaphore, #tpu.memory_space<semaphore_mem>>)
    %dma_start3A_91 = arith.constant 7 : i32
    %dma_start3A_92 = arith.constant 22400 : i32
    %dma_start3A_93 = tpu.memref_slice %arg7[%dma_start3A_92] : memref<102400xi32, #tpu.memory_space<vmem>> -> memref<3200xi32, #tpu.memory_space<vmem>>
    %dma_start3A_94 = arith.constant 0 : i32
    %dma_start3A_95 = tpu.memref_slice %arg4[%dma_start3A_91, %add3A, %dma_start3A_94] : memref<32x32x3200xi32, #tpu.memory_space<hbm>> -> memref<1x1x3200xi32, #tpu.memory_space<hbm>>
    %dma_start3A_96 = tpu.memref_squeeze %dma_start3A_95 : memref<1x1x3200xi32, #tpu.memory_space<hbm>> -> memref<3200xi32, #tpu.memory_space<hbm>>
    %dma_start3A_97 = arith.constant 0 : i32
    %dma_start3A_98 = tpu.memref_slice %arg4[%dma_start3A_91, %add3A, %dma_start3A_97] : memref<32x32x3200xi32, #tpu.memory_space<hbm>> -> memref<1x1x3200xi32, #tpu.memory_space<hbm>>
    %dma_start3A_99 = tpu.memref_squeeze %dma_start3A_98 : memref<1x1x3200xi32, #tpu.memory_space<hbm>> -> memref<3200xi32, #tpu.memory_space<hbm>>
    %dma_start3A_100 = arith.constant 22400 : i32
    %dma_start3A_101 = tpu.memref_slice %arg7[%dma_start3A_100] : memref<102400xi32, #tpu.memory_space<vmem>> -> memref<3200xi32, #tpu.memory_space<vmem>>
    tpu.enqueue_dma source(%dma_start3A_101 : memref<3200xi32, #tpu.memory_space<vmem>>) target(%dma_start3A_99 : memref<3200xi32, #tpu.memory_space<hbm>>) target_semaphore(%arg8 : memref<!tpu.dma_semaphore, #tpu.memory_space<semaphore_mem>>)
    %dma_start3A_102 = arith.constant 8 : i32
    %dma_start3A_103 = arith.constant 25600 : i32
    %dma_start3A_104 = tpu.memref_slice %arg7[%dma_start3A_103] : memref<102400xi32, #tpu.memory_space<vmem>> -> memref<3200xi32, #tpu.memory_space<vmem>>
    %dma_start3A_105 = arith.constant 0 : i32
    %dma_start3A_106 = tpu.memref_slice %arg4[%dma_start3A_102, %add3A, %dma_start3A_105] : memref<32x32x3200xi32, #tpu.memory_space<hbm>> -> memref<1x1x3200xi32, #tpu.memory_space<hbm>>
    %dma_start3A_107 = tpu.memref_squeeze %dma_start3A_106 : memref<1x1x3200xi32, #tpu.memory_space<hbm>> -> memref<3200xi32, #tpu.memory_space<hbm>>
    %dma_start3A_108 = arith.constant 0 : i32
    %dma_start3A_109 = tpu.memref_slice %arg4[%dma_start3A_102, %add3A, %dma_start3A_108] : memref<32x32x3200xi32, #tpu.memory_space<hbm>> -> memref<1x1x3200xi32, #tpu.memory_space<hbm>>
    %dma_start3A_110 = tpu.memref_squeeze %dma_start3A_109 : memref<1x1x3200xi32, #tpu.memory_space<hbm>> -> memref<3200xi32, #tpu.memory_space<hbm>>
    %dma_start3A_111 = arith.constant 25600 : i32
    %dma_start3A_112 = tpu.memref_slice %arg7[%dma_start3A_111] : memref<102400xi32, #tpu.memory_space<vmem>> -> memref<3200xi32, #tpu.memory_space<vmem>>
    tpu.enqueue_dma source(%dma_start3A_112 : memref<3200xi32, #tpu.memory_space<vmem>>) target(%dma_start3A_110 : memref<3200xi32, #tpu.memory_space<hbm>>) target_semaphore(%arg8 : memref<!tpu.dma_semaphore, #tpu.memory_space<semaphore_mem>>)
    %dma_start3A_113 = arith.constant 9 : i32
    %dma_start3A_114 = arith.constant 28800 : i32
    %dma_start3A_115 = tpu.memref_slice %arg7[%dma_start3A_114] : memref<102400xi32, #tpu.memory_space<vmem>> -> memref<3200xi32, #tpu.memory_space<vmem>>
    %dma_start3A_116 = arith.constant 0 : i32
    %dma_start3A_117 = tpu.memref_slice %arg4[%dma_start3A_113, %add3A, %dma_start3A_116] : memref<32x32x3200xi32, #tpu.memory_space<hbm>> -> memref<1x1x3200xi32, #tpu.memory_space<hbm>>
    %dma_start3A_118 = tpu.memref_squeeze %dma_start3A_117 : memref<1x1x3200xi32, #tpu.memory_space<hbm>> -> memref<3200xi32, #tpu.memory_space<hbm>>
    %dma_start3A_119 = arith.constant 0 : i32
    %dma_start3A_120 = tpu.memref_slice %arg4[%dma_start3A_113, %add3A, %dma_start3A_119] : memref<32x32x3200xi32, #tpu.memory_space<hbm>> -> memref<1x1x3200xi32, #tpu.memory_space<hbm>>
    %dma_start3A_121 = tpu.memref_squeeze %dma_start3A_120 : memref<1x1x3200xi32, #tpu.memory_space<hbm>> -> memref<3200xi32, #tpu.memory_space<hbm>>
    %dma_start3A_122 = arith.constant 28800 : i32
    %dma_start3A_123 = tpu.memref_slice %arg7[%dma_start3A_122] : memref<102400xi32, #tpu.memory_space<vmem>> -> memref<3200xi32, #tpu.memory_space<vmem>>
    tpu.enqueue_dma source(%dma_start3A_123 : memref<3200xi32, #tpu.memory_space<vmem>>) target(%dma_start3A_121 : memref<3200xi32, #tpu.memory_space<hbm>>) target_semaphore(%arg8 : memref<!tpu.dma_semaphore, #tpu.memory_space<semaphore_mem>>)
    %dma_start3A_124 = arith.constant 10 : i32
    %dma_start3A_125 = arith.constant 32000 : i32
    %dma_start3A_126 = tpu.memref_slice %arg7[%dma_start3A_125] : memref<102400xi32, #tpu.memory_space<vmem>> -> memref<3200xi32, #tpu.memory_space<vmem>>
    %dma_start3A_127 = arith.constant 0 : i32
    %dma_start3A_128 = tpu.memref_slice %arg4[%dma_start3A_124, %add3A, %dma_start3A_127] : memref<32x32x3200xi32, #tpu.memory_space<hbm>> -> memref<1x1x3200xi32, #tpu.memory_space<hbm>>
    %dma_start3A_129 = tpu.memref_squeeze %dma_start3A_128 : memref<1x1x3200xi32, #tpu.memory_space<hbm>> -> memref<3200xi32, #tpu.memory_space<hbm>>
    %dma_start3A_130 = arith.constant 0 : i32
    %dma_start3A_131 = tpu.memref_slice %arg4[%dma_start3A_124, %add3A, %dma_start3A_130] : memref<32x32x3200xi32, #tpu.memory_space<hbm>> -> memref<1x1x3200xi32, #tpu.memory_space<hbm>>
    %dma_start3A_132 = tpu.memref_squeeze %dma_start3A_131 : memref<1x1x3200xi32, #tpu.memory_space<hbm>> -> memref<3200xi32, #tpu.memory_space<hbm>>
    %dma_start3A_133 = arith.constant 32000 : i32
    %dma_start3A_134 = tpu.memref_slice %arg7[%dma_start3A_133] : memref<102400xi32, #tpu.memory_space<vmem>> -> memref<3200xi32, #tpu.memory_space<vmem>>
    tpu.enqueue_dma source(%dma_start3A_134 : memref<3200xi32, #tpu.memory_space<vmem>>) target(%dma_start3A_132 : memref<3200xi32, #tpu.memory_space<hbm>>) target_semaphore(%arg8 : memref<!tpu.dma_semaphore, #tpu.memory_space<semaphore_mem>>)
    %dma_start3A_135 = arith.constant 11 : i32
    %dma_start3A_136 = arith.constant 35200 : i32
    %dma_start3A_137 = tpu.memref_slice %arg7[%dma_start3A_136] : memref<102400xi32, #tpu.memory_space<vmem>> -> memref<3200xi32, #tpu.memory_space<vmem>>
    %dma_start3A_138 = arith.constant 0 : i32
    %dma_start3A_139 = tpu.memref_slice %arg4[%dma_start3A_135, %add3A, %dma_start3A_138] : memref<32x32x3200xi32, #tpu.memory_space<hbm>> -> memref<1x1x3200xi32, #tpu.memory_space<hbm>>
    %dma_start3A_140 = tpu.memref_squeeze %dma_start3A_139 : memref<1x1x3200xi32, #tpu.memory_space<hbm>> -> memref<3200xi32, #tpu.memory_space<hbm>>
    %dma_start3A_141 = arith.constant 0 : i32
    %dma_start3A_142 = tpu.memref_slice %arg4[%dma_start3A_135, %add3A, %dma_start3A_141] : memref<32x32x3200xi32, #tpu.memory_space<hbm>> -> memref<1x1x3200xi32, #tpu.memory_space<hbm>>
    %dma_start3A_143 = tpu.memref_squeeze %dma_start3A_142 : memref<1x1x3200xi32, #tpu.memory_space<hbm>> -> memref<3200xi32, #tpu.memory_space<hbm>>
    %dma_start3A_144 = arith.constant 35200 : i32
    %dma_start3A_145 = tpu.memref_slice %arg7[%dma_start3A_144] : memref<102400xi32, #tpu.memory_space<vmem>> -> memref<3200xi32, #tpu.memory_space<vmem>>
    tpu.enqueue_dma source(%dma_start3A_145 : memref<3200xi32, #tpu.memory_space<vmem>>) target(%dma_start3A_143 : memref<3200xi32, #tpu.memory_space<hbm>>) target_semaphore(%arg8 : memref<!tpu.dma_semaphore, #tpu.memory_space<semaphore_mem>>)
    %dma_start3A_146 = arith.constant 12 : i32
    %dma_start3A_147 = arith.constant 38400 : i32
    %dma_start3A_148 = tpu.memref_slice %arg7[%dma_start3A_147] : memref<102400xi32, #tpu.memory_space<vmem>> -> memref<3200xi32, #tpu.memory_space<vmem>>
    %dma_start3A_149 = arith.constant 0 : i32
    %dma_start3A_150 = tpu.memref_slice %arg4[%dma_start3A_146, %add3A, %dma_start3A_149] : memref<32x32x3200xi32, #tpu.memory_space<hbm>> -> memref<1x1x3200xi32, #tpu.memory_space<hbm>>
    %dma_start3A_151 = tpu.memref_squeeze %dma_start3A_150 : memref<1x1x3200xi32, #tpu.memory_space<hbm>> -> memref<3200xi32, #tpu.memory_space<hbm>>
    %dma_start3A_152 = arith.constant 0 : i32
    %dma_start3A_153 = tpu.memref_slice %arg4[%dma_start3A_146, %add3A, %dma_start3A_152] : memref<32x32x3200xi32, #tpu.memory_space<hbm>> -> memref<1x1x3200xi32, #tpu.memory_space<hbm>>
    %dma_start3A_154 = tpu.memref_squeeze %dma_start3A_153 : memref<1x1x3200xi32, #tpu.memory_space<hbm>> -> memref<3200xi32, #tpu.memory_space<hbm>>
    %dma_start3A_155 = arith.constant 38400 : i32
    %dma_start3A_156 = tpu.memref_slice %arg7[%dma_start3A_155] : memref<102400xi32, #tpu.memory_space<vmem>> -> memref<3200xi32, #tpu.memory_space<vmem>>
    tpu.enqueue_dma source(%dma_start3A_156 : memref<3200xi32, #tpu.memory_space<vmem>>) target(%dma_start3A_154 : memref<3200xi32, #tpu.memory_space<hbm>>) target_semaphore(%arg8 : memref<!tpu.dma_semaphore, #tpu.memory_space<semaphore_mem>>)
    %dma_start3A_157 = arith.constant 13 : i32
    %dma_start3A_158 = arith.constant 41600 : i32
    %dma_start3A_159 = tpu.memref_slice %arg7[%dma_start3A_158] : memref<102400xi32, #tpu.memory_space<vmem>> -> memref<3200xi32, #tpu.memory_space<vmem>>
    %dma_start3A_160 = arith.constant 0 : i32
    %dma_start3A_161 = tpu.memref_slice %arg4[%dma_start3A_157, %add3A, %dma_start3A_160] : memref<32x32x3200xi32, #tpu.memory_space<hbm>> -> memref<1x1x3200xi32, #tpu.memory_space<hbm>>
    %dma_start3A_162 = tpu.memref_squeeze %dma_start3A_161 : memref<1x1x3200xi32, #tpu.memory_space<hbm>> -> memref<3200xi32, #tpu.memory_space<hbm>>
    %dma_start3A_163 = arith.constant 0 : i32
    %dma_start3A_164 = tpu.memref_slice %arg4[%dma_start3A_157, %add3A, %dma_start3A_163] : memref<32x32x3200xi32, #tpu.memory_space<hbm>> -> memref<1x1x3200xi32, #tpu.memory_space<hbm>>
    %dma_start3A_165 = tpu.memref_squeeze %dma_start3A_164 : memref<1x1x3200xi32, #tpu.memory_space<hbm>> -> memref<3200xi32, #tpu.memory_space<hbm>>
    %dma_start3A_166 = arith.constant 41600 : i32
    %dma_start3A_167 = tpu.memref_slice %arg7[%dma_start3A_166] : memref<102400xi32, #tpu.memory_space<vmem>> -> memref<3200xi32, #tpu.memory_space<vmem>>
    tpu.enqueue_dma source(%dma_start3A_167 : memref<3200xi32, #tpu.memory_space<vmem>>) target(%dma_start3A_165 : memref<3200xi32, #tpu.memory_space<hbm>>) target_semaphore(%arg8 : memref<!tpu.dma_semaphore, #tpu.memory_space<semaphore_mem>>)
    %dma_start3A_168 = arith.constant 14 : i32
    %dma_start3A_169 = arith.constant 44800 : i32
    %dma_start3A_170 = tpu.memref_slice %arg7[%dma_start3A_169] : memref<102400xi32, #tpu.memory_space<vmem>> -> memref<3200xi32, #tpu.memory_space<vmem>>
    %dma_start3A_171 = arith.constant 0 : i32
    %dma_start3A_172 = tpu.memref_slice %arg4[%dma_start3A_168, %add3A, %dma_start3A_171] : memref<32x32x3200xi32, #tpu.memory_space<hbm>> -> memref<1x1x3200xi32, #tpu.memory_space<hbm>>
    %dma_start3A_173 = tpu.memref_squeeze %dma_start3A_172 : memref<1x1x3200xi32, #tpu.memory_space<hbm>> -> memref<3200xi32, #tpu.memory_space<hbm>>
    %dma_start3A_174 = arith.constant 0 : i32
    %dma_start3A_175 = tpu.memref_slice %arg4[%dma_start3A_168, %add3A, %dma_start3A_174] : memref<32x32x3200xi32, #tpu.memory_space<hbm>> -> memref<1x1x3200xi32, #tpu.memory_space<hbm>>
    %dma_start3A_176 = tpu.memref_squeeze %dma_start3A_175 : memref<1x1x3200xi32, #tpu.memory_space<hbm>> -> memref<3200xi32, #tpu.memory_space<hbm>>
    %dma_start3A_177 = arith.constant 44800 : i32
    %dma_start3A_178 = tpu.memref_slice %arg7[%dma_start3A_177] : memref<102400xi32, #tpu.memory_space<vmem>> -> memref<3200xi32, #tpu.memory_space<vmem>>
    tpu.enqueue_dma source(%dma_start3A_178 : memref<3200xi32, #tpu.memory_space<vmem>>) target(%dma_start3A_176 : memref<3200xi32, #tpu.memory_space<hbm>>) target_semaphore(%arg8 : memref<!tpu.dma_semaphore, #tpu.memory_space<semaphore_mem>>)
    %dma_start3A_179 = arith.constant 15 : i32
    %dma_start3A_180 = arith.constant 48000 : i32
    %dma_start3A_181 = tpu.memref_slice %arg7[%dma_start3A_180] : memref<102400xi32, #tpu.memory_space<vmem>> -> memref<3200xi32, #tpu.memory_space<vmem>>
    %dma_start3A_182 = arith.constant 0 : i32
    %dma_start3A_183 = tpu.memref_slice %arg4[%dma_start3A_179, %add3A, %dma_start3A_182] : memref<32x32x3200xi32, #tpu.memory_space<hbm>> -> memref<1x1x3200xi32, #tpu.memory_space<hbm>>
    %dma_start3A_184 = tpu.memref_squeeze %dma_start3A_183 : memref<1x1x3200xi32, #tpu.memory_space<hbm>> -> memref<3200xi32, #tpu.memory_space<hbm>>
    %dma_start3A_185 = arith.constant 0 : i32
    %dma_start3A_186 = tpu.memref_slice %arg4[%dma_start3A_179, %add3A, %dma_start3A_185] : memref<32x32x3200xi32, #tpu.memory_space<hbm>> -> memref<1x1x3200xi32, #tpu.memory_space<hbm>>
    %dma_start3A_187 = tpu.memref_squeeze %dma_start3A_186 : memref<1x1x3200xi32, #tpu.memory_space<hbm>> -> memref<3200xi32, #tpu.memory_space<hbm>>
    %dma_start3A_188 = arith.constant 48000 : i32
    %dma_start3A_189 = tpu.memref_slice %arg7[%dma_start3A_188] : memref<102400xi32, #tpu.memory_space<vmem>> -> memref<3200xi32, #tpu.memory_space<vmem>>
    tpu.enqueue_dma source(%dma_start3A_189 : memref<3200xi32, #tpu.memory_space<vmem>>) target(%dma_start3A_187 : memref<3200xi32, #tpu.memory_space<hbm>>) target_semaphore(%arg8 : memref<!tpu.dma_semaphore, #tpu.memory_space<semaphore_mem>>)
    %dma_start3A_190 = arith.constant 16 : i32
    %dma_start3A_191 = arith.constant 51200 : i32
    %dma_start3A_192 = tpu.memref_slice %arg7[%dma_start3A_191] : memref<102400xi32, #tpu.memory_space<vmem>> -> memref<3200xi32, #tpu.memory_space<vmem>>
    %dma_start3A_193 = arith.constant 0 : i32
    %dma_start3A_194 = tpu.memref_slice %arg4[%dma_start3A_190, %add3A, %dma_start3A_193] : memref<32x32x3200xi32, #tpu.memory_space<hbm>> -> memref<1x1x3200xi32, #tpu.memory_space<hbm>>
    %dma_start3A_195 = tpu.memref_squeeze %dma_start3A_194 : memref<1x1x3200xi32, #tpu.memory_space<hbm>> -> memref<3200xi32, #tpu.memory_space<hbm>>
    %dma_start3A_196 = arith.constant 0 : i32
    %dma_start3A_197 = tpu.memref_slice %arg4[%dma_start3A_190, %add3A, %dma_start3A_196] : memref<32x32x3200xi32, #tpu.memory_space<hbm>> -> memref<1x1x3200xi32, #tpu.memory_space<hbm>>
    %dma_start3A_198 = tpu.memref_squeeze %dma_start3A_197 : memref<1x1x3200xi32, #tpu.memory_space<hbm>> -> memref<3200xi32, #tpu.memory_space<hbm>>
    %dma_start3A_199 = arith.constant 51200 : i32
    %dma_start3A_200 = tpu.memref_slice %arg7[%dma_start3A_199] : memref<102400xi32, #tpu.memory_space<vmem>> -> memref<3200xi32, #tpu.memory_space<vmem>>
    tpu.enqueue_dma source(%dma_start3A_200 : memref<3200xi32, #tpu.memory_space<vmem>>) target(%dma_start3A_198 : memref<3200xi32, #tpu.memory_space<hbm>>) target_semaphore(%arg8 : memref<!tpu.dma_semaphore, #tpu.memory_space<semaphore_mem>>)
    %dma_start3A_201 = arith.constant 17 : i32
    %dma_start3A_202 = arith.constant 54400 : i32
    %dma_start3A_203 = tpu.memref_slice %arg7[%dma_start3A_202] : memref<102400xi32, #tpu.memory_space<vmem>> -> memref<3200xi32, #tpu.memory_space<vmem>>
    %dma_start3A_204 = arith.constant 0 : i32
    %dma_start3A_205 = tpu.memref_slice %arg4[%dma_start3A_201, %add3A, %dma_start3A_204] : memref<32x32x3200xi32, #tpu.memory_space<hbm>> -> memref<1x1x3200xi32, #tpu.memory_space<hbm>>
    %dma_start3A_206 = tpu.memref_squeeze %dma_start3A_205 : memref<1x1x3200xi32, #tpu.memory_space<hbm>> -> memref<3200xi32, #tpu.memory_space<hbm>>
    %dma_start3A_207 = arith.constant 0 : i32
    %dma_start3A_208 = tpu.memref_slice %arg4[%dma_start3A_201, %add3A, %dma_start3A_207] : memref<32x32x3200xi32, #tpu.memory_space<hbm>> -> memref<1x1x3200xi32, #tpu.memory_space<hbm>>
    %dma_start3A_209 = tpu.memref_squeeze %dma_start3A_208 : memref<1x1x3200xi32, #tpu.memory_space<hbm>> -> memref<3200xi32, #tpu.memory_space<hbm>>
    %dma_start3A_210 = arith.constant 54400 : i32
    %dma_start3A_211 = tpu.memref_slice %arg7[%dma_start3A_210] : memref<102400xi32, #tpu.memory_space<vmem>> -> memref<3200xi32, #tpu.memory_space<vmem>>
    tpu.enqueue_dma source(%dma_start3A_211 : memref<3200xi32, #tpu.memory_space<vmem>>) target(%dma_start3A_209 : memref<3200xi32, #tpu.memory_space<hbm>>) target_semaphore(%arg8 : memref<!tpu.dma_semaphore, #tpu.memory_space<semaphore_mem>>)
    %dma_start3A_212 = arith.constant 18 : i32
    %dma_start3A_213 = arith.constant 57600 : i32
    %dma_start3A_214 = tpu.memref_slice %arg7[%dma_start3A_213] : memref<102400xi32, #tpu.memory_space<vmem>> -> memref<3200xi32, #tpu.memory_space<vmem>>
    %dma_start3A_215 = arith.constant 0 : i32
    %dma_start3A_216 = tpu.memref_slice %arg4[%dma_start3A_212, %add3A, %dma_start3A_215] : memref<32x32x3200xi32, #tpu.memory_space<hbm>> -> memref<1x1x3200xi32, #tpu.memory_space<hbm>>
    %dma_start3A_217 = tpu.memref_squeeze %dma_start3A_216 : memref<1x1x3200xi32, #tpu.memory_space<hbm>> -> memref<3200xi32, #tpu.memory_space<hbm>>
    %dma_start3A_218 = arith.constant 0 : i32
    %dma_start3A_219 = tpu.memref_slice %arg4[%dma_start3A_212, %add3A, %dma_start3A_218] : memref<32x32x3200xi32, #tpu.memory_space<hbm>> -> memref<1x1x3200xi32, #tpu.memory_space<hbm>>
    %dma_start3A_220 = tpu.memref_squeeze %dma_start3A_219 : memref<1x1x3200xi32, #tpu.memory_space<hbm>> -> memref<3200xi32, #tpu.memory_space<hbm>>
    %dma_start3A_221 = arith.constant 57600 : i32
    %dma_start3A_222 = tpu.memref_slice %arg7[%dma_start3A_221] : memref<102400xi32, #tpu.memory_space<vmem>> -> memref<3200xi32, #tpu.memory_space<vmem>>
    tpu.enqueue_dma source(%dma_start3A_222 : memref<3200xi32, #tpu.memory_space<vmem>>) target(%dma_start3A_220 : memref<3200xi32, #tpu.memory_space<hbm>>) target_semaphore(%arg8 : memref<!tpu.dma_semaphore, #tpu.memory_space<semaphore_mem>>)
    %dma_start3A_223 = arith.constant 19 : i32
    %dma_start3A_224 = arith.constant 60800 : i32
    %dma_start3A_225 = tpu.memref_slice %arg7[%dma_start3A_224] : memref<102400xi32, #tpu.memory_space<vmem>> -> memref<3200xi32, #tpu.memory_space<vmem>>
    %dma_start3A_226 = arith.constant 0 : i32
    %dma_start3A_227 = tpu.memref_slice %arg4[%dma_start3A_223, %add3A, %dma_start3A_226] : memref<32x32x3200xi32, #tpu.memory_space<hbm>> -> memref<1x1x3200xi32, #tpu.memory_space<hbm>>
    %dma_start3A_228 = tpu.memref_squeeze %dma_start3A_227 : memref<1x1x3200xi32, #tpu.memory_space<hbm>> -> memref<3200xi32, #tpu.memory_space<hbm>>
    %dma_start3A_229 = arith.constant 0 : i32
    %dma_start3A_230 = tpu.memref_slice %arg4[%dma_start3A_223, %add3A, %dma_start3A_229] : memref<32x32x3200xi32, #tpu.memory_space<hbm>> -> memref<1x1x3200xi32, #tpu.memory_space<hbm>>
    %dma_start3A_231 = tpu.memref_squeeze %dma_start3A_230 : memref<1x1x3200xi32, #tpu.memory_space<hbm>> -> memref<3200xi32, #tpu.memory_space<hbm>>
    %dma_start3A_232 = arith.constant 60800 : i32
    %dma_start3A_233 = tpu.memref_slice %arg7[%dma_start3A_232] : memref<102400xi32, #tpu.memory_space<vmem>> -> memref<3200xi32, #tpu.memory_space<vmem>>
    tpu.enqueue_dma source(%dma_start3A_233 : memref<3200xi32, #tpu.memory_space<vmem>>) target(%dma_start3A_231 : memref<3200xi32, #tpu.memory_space<hbm>>) target_semaphore(%arg8 : memref<!tpu.dma_semaphore, #tpu.memory_space<semaphore_mem>>)
    %dma_start3A_234 = arith.constant 20 : i32
    %dma_start3A_235 = arith.constant 64000 : i32
    %dma_start3A_236 = tpu.memref_slice %arg7[%dma_start3A_235] : memref<102400xi32, #tpu.memory_space<vmem>> -> memref<3200xi32, #tpu.memory_space<vmem>>
    %dma_start3A_237 = arith.constant 0 : i32
    %dma_start3A_238 = tpu.memref_slice %arg4[%dma_start3A_234, %add3A, %dma_start3A_237] : memref<32x32x3200xi32, #tpu.memory_space<hbm>> -> memref<1x1x3200xi32, #tpu.memory_space<hbm>>
    %dma_start3A_239 = tpu.memref_squeeze %dma_start3A_238 : memref<1x1x3200xi32, #tpu.memory_space<hbm>> -> memref<3200xi32, #tpu.memory_space<hbm>>
    %dma_start3A_240 = arith.constant 0 : i32
    %dma_start3A_241 = tpu.memref_slice %arg4[%dma_start3A_234, %add3A, %dma_start3A_240] : memref<32x32x3200xi32, #tpu.memory_space<hbm>> -> memref<1x1x3200xi32, #tpu.memory_space<hbm>>
    %dma_start3A_242 = tpu.memref_squeeze %dma_start3A_241 : memref<1x1x3200xi32, #tpu.memory_space<hbm>> -> memref<3200xi32, #tpu.memory_space<hbm>>
    %dma_start3A_243 = arith.constant 64000 : i32
    %dma_start3A_244 = tpu.memref_slice %arg7[%dma_start3A_243] : memref<102400xi32, #tpu.memory_space<vmem>> -> memref<3200xi32, #tpu.memory_space<vmem>>
    tpu.enqueue_dma source(%dma_start3A_244 : memref<3200xi32, #tpu.memory_space<vmem>>) target(%dma_start3A_242 : memref<3200xi32, #tpu.memory_space<hbm>>) target_semaphore(%arg8 : memref<!tpu.dma_semaphore, #tpu.memory_space<semaphore_mem>>)
    %dma_start3A_245 = arith.constant 21 : i32
    %dma_start3A_246 = arith.constant 67200 : i32
    %dma_start3A_247 = tpu.memref_slice %arg7[%dma_start3A_246] : memref<102400xi32, #tpu.memory_space<vmem>> -> memref<3200xi32, #tpu.memory_space<vmem>>
    %dma_start3A_248 = arith.constant 0 : i32
    %dma_start3A_249 = tpu.memref_slice %arg4[%dma_start3A_245, %add3A, %dma_start3A_248] : memref<32x32x3200xi32, #tpu.memory_space<hbm>> -> memref<1x1x3200xi32, #tpu.memory_space<hbm>>
    %dma_start3A_250 = tpu.memref_squeeze %dma_start3A_249 : memref<1x1x3200xi32, #tpu.memory_space<hbm>> -> memref<3200xi32, #tpu.memory_space<hbm>>
    %dma_start3A_251 = arith.constant 0 : i32
    %dma_start3A_252 = tpu.memref_slice %arg4[%dma_start3A_245, %add3A, %dma_start3A_251] : memref<32x32x3200xi32, #tpu.memory_space<hbm>> -> memref<1x1x3200xi32, #tpu.memory_space<hbm>>
    %dma_start3A_253 = tpu.memref_squeeze %dma_start3A_252 : memref<1x1x3200xi32, #tpu.memory_space<hbm>> -> memref<3200xi32, #tpu.memory_space<hbm>>
    %dma_start3A_254 = arith.constant 67200 : i32
    %dma_start3A_255 = tpu.memref_slice %arg7[%dma_start3A_254] : memref<102400xi32, #tpu.memory_space<vmem>> -> memref<3200xi32, #tpu.memory_space<vmem>>
    tpu.enqueue_dma source(%dma_start3A_255 : memref<3200xi32, #tpu.memory_space<vmem>>) target(%dma_start3A_253 : memref<3200xi32, #tpu.memory_space<hbm>>) target_semaphore(%arg8 : memref<!tpu.dma_semaphore, #tpu.memory_space<semaphore_mem>>)
    %dma_start3A_256 = arith.constant 22 : i32
    %dma_start3A_257 = arith.constant 70400 : i32
    %dma_start3A_258 = tpu.memref_slice %arg7[%dma_start3A_257] : memref<102400xi32, #tpu.memory_space<vmem>> -> memref<3200xi32, #tpu.memory_space<vmem>>
    %dma_start3A_259 = arith.constant 0 : i32
    %dma_start3A_260 = tpu.memref_slice %arg4[%dma_start3A_256, %add3A, %dma_start3A_259] : memref<32x32x3200xi32, #tpu.memory_space<hbm>> -> memref<1x1x3200xi32, #tpu.memory_space<hbm>>
    %dma_start3A_261 = tpu.memref_squeeze %dma_start3A_260 : memref<1x1x3200xi32, #tpu.memory_space<hbm>> -> memref<3200xi32, #tpu.memory_space<hbm>>
    %dma_start3A_262 = arith.constant 0 : i32
    %dma_start3A_263 = tpu.memref_slice %arg4[%dma_start3A_256, %add3A, %dma_start3A_262] : memref<32x32x3200xi32, #tpu.memory_space<hbm>> -> memref<1x1x3200xi32, #tpu.memory_space<hbm>>
    %dma_start3A_264 = tpu.memref_squeeze %dma_start3A_263 : memref<1x1x3200xi32, #tpu.memory_space<hbm>> -> memref<3200xi32, #tpu.memory_space<hbm>>
    %dma_start3A_265 = arith.constant 70400 : i32
    %dma_start3A_266 = tpu.memref_slice %arg7[%dma_start3A_265] : memref<102400xi32, #tpu.memory_space<vmem>> -> memref<3200xi32, #tpu.memory_space<vmem>>
    tpu.enqueue_dma source(%dma_start3A_266 : memref<3200xi32, #tpu.memory_space<vmem>>) target(%dma_start3A_264 : memref<3200xi32, #tpu.memory_space<hbm>>) target_semaphore(%arg8 : memref<!tpu.dma_semaphore, #tpu.memory_space<semaphore_mem>>)
    %dma_start3A_267 = arith.constant 23 : i32
    %dma_start3A_268 = arith.constant 73600 : i32
    %dma_start3A_269 = tpu.memref_slice %arg7[%dma_start3A_268] : memref<102400xi32, #tpu.memory_space<vmem>> -> memref<3200xi32, #tpu.memory_space<vmem>>
    %dma_start3A_270 = arith.constant 0 : i32
    %dma_start3A_271 = tpu.memref_slice %arg4[%dma_start3A_267, %add3A, %dma_start3A_270] : memref<32x32x3200xi32, #tpu.memory_space<hbm>> -> memref<1x1x3200xi32, #tpu.memory_space<hbm>>
    %dma_start3A_272 = tpu.memref_squeeze %dma_start3A_271 : memref<1x1x3200xi32, #tpu.memory_space<hbm>> -> memref<3200xi32, #tpu.memory_space<hbm>>
    %dma_start3A_273 = arith.constant 0 : i32
    %dma_start3A_274 = tpu.memref_slice %arg4[%dma_start3A_267, %add3A, %dma_start3A_273] : memref<32x32x3200xi32, #tpu.memory_space<hbm>> -> memref<1x1x3200xi32, #tpu.memory_space<hbm>>
    %dma_start3A_275 = tpu.memref_squeeze %dma_start3A_274 : memref<1x1x3200xi32, #tpu.memory_space<hbm>> -> memref<3200xi32, #tpu.memory_space<hbm>>
    %dma_start3A_276 = arith.constant 73600 : i32
    %dma_start3A_277 = tpu.memref_slice %arg7[%dma_start3A_276] : memref<102400xi32, #tpu.memory_space<vmem>> -> memref<3200xi32, #tpu.memory_space<vmem>>
    tpu.enqueue_dma source(%dma_start3A_277 : memref<3200xi32, #tpu.memory_space<vmem>>) target(%dma_start3A_275 : memref<3200xi32, #tpu.memory_space<hbm>>) target_semaphore(%arg8 : memref<!tpu.dma_semaphore, #tpu.memory_space<semaphore_mem>>)
    %dma_start3A_278 = arith.constant 24 : i32
    %dma_start3A_279 = arith.constant 76800 : i32
    %dma_start3A_280 = tpu.memref_slice %arg7[%dma_start3A_279] : memref<102400xi32, #tpu.memory_space<vmem>> -> memref<3200xi32, #tpu.memory_space<vmem>>
    %dma_start3A_281 = arith.constant 0 : i32
    %dma_start3A_282 = tpu.memref_slice %arg4[%dma_start3A_278, %add3A, %dma_start3A_281] : memref<32x32x3200xi32, #tpu.memory_space<hbm>> -> memref<1x1x3200xi32, #tpu.memory_space<hbm>>
    %dma_start3A_283 = tpu.memref_squeeze %dma_start3A_282 : memref<1x1x3200xi32, #tpu.memory_space<hbm>> -> memref<3200xi32, #tpu.memory_space<hbm>>
    %dma_start3A_284 = arith.constant 0 : i32
    %dma_start3A_285 = tpu.memref_slice %arg4[%dma_start3A_278, %add3A, %dma_start3A_284] : memref<32x32x3200xi32, #tpu.memory_space<hbm>> -> memref<1x1x3200xi32, #tpu.memory_space<hbm>>
    %dma_start3A_286 = tpu.memref_squeeze %dma_start3A_285 : memref<1x1x3200xi32, #tpu.memory_space<hbm>> -> memref<3200xi32, #tpu.memory_space<hbm>>
    %dma_start3A_287 = arith.constant 76800 : i32
    %dma_start3A_288 = tpu.memref_slice %arg7[%dma_start3A_287] : memref<102400xi32, #tpu.memory_space<vmem>> -> memref<3200xi32, #tpu.memory_space<vmem>>
    tpu.enqueue_dma source(%dma_start3A_288 : memref<3200xi32, #tpu.memory_space<vmem>>) target(%dma_start3A_286 : memref<3200xi32, #tpu.memory_space<hbm>>) target_semaphore(%arg8 : memref<!tpu.dma_semaphore, #tpu.memory_space<semaphore_mem>>)
    %dma_start3A_289 = arith.constant 25 : i32
    %dma_start3A_290 = arith.constant 80000 : i32
    %dma_start3A_291 = tpu.memref_slice %arg7[%dma_start3A_290] : memref<102400xi32, #tpu.memory_space<vmem>> -> memref<3200xi32, #tpu.memory_space<vmem>>
    %dma_start3A_292 = arith.constant 0 : i32
    %dma_start3A_293 = tpu.memref_slice %arg4[%dma_start3A_289, %add3A, %dma_start3A_292] : memref<32x32x3200xi32, #tpu.memory_space<hbm>> -> memref<1x1x3200xi32, #tpu.memory_space<hbm>>
    %dma_start3A_294 = tpu.memref_squeeze %dma_start3A_293 : memref<1x1x3200xi32, #tpu.memory_space<hbm>> -> memref<3200xi32, #tpu.memory_space<hbm>>
    %dma_start3A_295 = arith.constant 0 : i32
    %dma_start3A_296 = tpu.memref_slice %arg4[%dma_start3A_289, %add3A, %dma_start3A_295] : memref<32x32x3200xi32, #tpu.memory_space<hbm>> -> memref<1x1x3200xi32, #tpu.memory_space<hbm>>
    %dma_start3A_297 = tpu.memref_squeeze %dma_start3A_296 : memref<1x1x3200xi32, #tpu.memory_space<hbm>> -> memref<3200xi32, #tpu.memory_space<hbm>>
    %dma_start3A_298 = arith.constant 80000 : i32
    %dma_start3A_299 = tpu.memref_slice %arg7[%dma_start3A_298] : memref<102400xi32, #tpu.memory_space<vmem>> -> memref<3200xi32, #tpu.memory_space<vmem>>
    tpu.enqueue_dma source(%dma_start3A_299 : memref<3200xi32, #tpu.memory_space<vmem>>) target(%dma_start3A_297 : memref<3200xi32, #tpu.memory_space<hbm>>) target_semaphore(%arg8 : memref<!tpu.dma_semaphore, #tpu.memory_space<semaphore_mem>>)
    %dma_start3A_300 = arith.constant 26 : i32
    %dma_start3A_301 = arith.constant 83200 : i32
    %dma_start3A_302 = tpu.memref_slice %arg7[%dma_start3A_301] : memref<102400xi32, #tpu.memory_space<vmem>> -> memref<3200xi32, #tpu.memory_space<vmem>>
    %dma_start3A_303 = arith.constant 0 : i32
    %dma_start3A_304 = tpu.memref_slice %arg4[%dma_start3A_300, %add3A, %dma_start3A_303] : memref<32x32x3200xi32, #tpu.memory_space<hbm>> -> memref<1x1x3200xi32, #tpu.memory_space<hbm>>
    %dma_start3A_305 = tpu.memref_squeeze %dma_start3A_304 : memref<1x1x3200xi32, #tpu.memory_space<hbm>> -> memref<3200xi32, #tpu.memory_space<hbm>>
    %dma_start3A_306 = arith.constant 0 : i32
    %dma_start3A_307 = tpu.memref_slice %arg4[%dma_start3A_300, %add3A, %dma_start3A_306] : memref<32x32x3200xi32, #tpu.memory_space<hbm>> -> memref<1x1x3200xi32, #tpu.memory_space<hbm>>
    %dma_start3A_308 = tpu.memref_squeeze %dma_start3A_307 : memref<1x1x3200xi32, #tpu.memory_space<hbm>> -> memref<3200xi32, #tpu.memory_space<hbm>>
    %dma_start3A_309 = arith.constant 83200 : i32
    %dma_start3A_310 = tpu.memref_slice %arg7[%dma_start3A_309] : memref<102400xi32, #tpu.memory_space<vmem>> -> memref<3200xi32, #tpu.memory_space<vmem>>
    tpu.enqueue_dma source(%dma_start3A_310 : memref<3200xi32, #tpu.memory_space<vmem>>) target(%dma_start3A_308 : memref<3200xi32, #tpu.memory_space<hbm>>) target_semaphore(%arg8 : memref<!tpu.dma_semaphore, #tpu.memory_space<semaphore_mem>>)
    %dma_start3A_311 = arith.constant 27 : i32
    %dma_start3A_312 = arith.constant 86400 : i32
    %dma_start3A_313 = tpu.memref_slice %arg7[%dma_start3A_312] : memref<102400xi32, #tpu.memory_space<vmem>> -> memref<3200xi32, #tpu.memory_space<vmem>>
    %dma_start3A_314 = arith.constant 0 : i32
    %dma_start3A_315 = tpu.memref_slice %arg4[%dma_start3A_311, %add3A, %dma_start3A_314] : memref<32x32x3200xi32, #tpu.memory_space<hbm>> -> memref<1x1x3200xi32, #tpu.memory_space<hbm>>
    %dma_start3A_316 = tpu.memref_squeeze %dma_start3A_315 : memref<1x1x3200xi32, #tpu.memory_space<hbm>> -> memref<3200xi32, #tpu.memory_space<hbm>>
    %dma_start3A_317 = arith.constant 0 : i32
    %dma_start3A_318 = tpu.memref_slice %arg4[%dma_start3A_311, %add3A, %dma_start3A_317] : memref<32x32x3200xi32, #tpu.memory_space<hbm>> -> memref<1x1x3200xi32, #tpu.memory_space<hbm>>
    %dma_start3A_319 = tpu.memref_squeeze %dma_start3A_318 : memref<1x1x3200xi32, #tpu.memory_space<hbm>> -> memref<3200xi32, #tpu.memory_space<hbm>>
    %dma_start3A_320 = arith.constant 86400 : i32
    %dma_start3A_321 = tpu.memref_slice %arg7[%dma_start3A_320] : memref<102400xi32, #tpu.memory_space<vmem>> -> memref<3200xi32, #tpu.memory_space<vmem>>
    tpu.enqueue_dma source(%dma_start3A_321 : memref<3200xi32, #tpu.memory_space<vmem>>) target(%dma_start3A_319 : memref<3200xi32, #tpu.memory_space<hbm>>) target_semaphore(%arg8 : memref<!tpu.dma_semaphore, #tpu.memory_space<semaphore_mem>>)
    %dma_start3A_322 = arith.constant 28 : i32
    %dma_start3A_323 = arith.constant 89600 : i32
    %dma_start3A_324 = tpu.memref_slice %arg7[%dma_start3A_323] : memref<102400xi32, #tpu.memory_space<vmem>> -> memref<3200xi32, #tpu.memory_space<vmem>>
    %dma_start3A_325 = arith.constant 0 : i32
    %dma_start3A_326 = tpu.memref_slice %arg4[%dma_start3A_322, %add3A, %dma_start3A_325] : memref<32x32x3200xi32, #tpu.memory_space<hbm>> -> memref<1x1x3200xi32, #tpu.memory_space<hbm>>
    %dma_start3A_327 = tpu.memref_squeeze %dma_start3A_326 : memref<1x1x3200xi32, #tpu.memory_space<hbm>> -> memref<3200xi32, #tpu.memory_space<hbm>>
    %dma_start3A_328 = arith.constant 0 : i32
    %dma_start3A_329 = tpu.memref_slice %arg4[%dma_start3A_322, %add3A, %dma_start3A_328] : memref<32x32x3200xi32, #tpu.memory_space<hbm>> -> memref<1x1x3200xi32, #tpu.memory_space<hbm>>
    %dma_start3A_330 = tpu.memref_squeeze %dma_start3A_329 : memref<1x1x3200xi32, #tpu.memory_space<hbm>> -> memref<3200xi32, #tpu.memory_space<hbm>>
    %dma_start3A_331 = arith.constant 89600 : i32
    %dma_start3A_332 = tpu.memref_slice %arg7[%dma_start3A_331] : memref<102400xi32, #tpu.memory_space<vmem>> -> memref<3200xi32, #tpu.memory_space<vmem>>
    tpu.enqueue_dma source(%dma_start3A_332 : memref<3200xi32, #tpu.memory_space<vmem>>) target(%dma_start3A_330 : memref<3200xi32, #tpu.memory_space<hbm>>) target_semaphore(%arg8 : memref<!tpu.dma_semaphore, #tpu.memory_space<semaphore_mem>>)
    %dma_start3A_333 = arith.constant 29 : i32
    %dma_start3A_334 = arith.constant 92800 : i32
    %dma_start3A_335 = tpu.memref_slice %arg7[%dma_start3A_334] : memref<102400xi32, #tpu.memory_space<vmem>> -> memref<3200xi32, #tpu.memory_space<vmem>>
    %dma_start3A_336 = arith.constant 0 : i32
    %dma_start3A_337 = tpu.memref_slice %arg4[%dma_start3A_333, %add3A, %dma_start3A_336] : memref<32x32x3200xi32, #tpu.memory_space<hbm>> -> memref<1x1x3200xi32, #tpu.memory_space<hbm>>
    %dma_start3A_338 = tpu.memref_squeeze %dma_start3A_337 : memref<1x1x3200xi32, #tpu.memory_space<hbm>> -> memref<3200xi32, #tpu.memory_space<hbm>>
    %dma_start3A_339 = arith.constant 0 : i32
    %dma_start3A_340 = tpu.memref_slice %arg4[%dma_start3A_333, %add3A, %dma_start3A_339] : memref<32x32x3200xi32, #tpu.memory_space<hbm>> -> memref<1x1x3200xi32, #tpu.memory_space<hbm>>
    %dma_start3A_341 = tpu.memref_squeeze %dma_start3A_340 : memref<1x1x3200xi32, #tpu.memory_space<hbm>> -> memref<3200xi32, #tpu.memory_space<hbm>>
    %dma_start3A_342 = arith.constant 92800 : i32
    %dma_start3A_343 = tpu.memref_slice %arg7[%dma_start3A_342] : memref<102400xi32, #tpu.memory_space<vmem>> -> memref<3200xi32, #tpu.memory_space<vmem>>
    tpu.enqueue_dma source(%dma_start3A_343 : memref<3200xi32, #tpu.memory_space<vmem>>) target(%dma_start3A_341 : memref<3200xi32, #tpu.memory_space<hbm>>) target_semaphore(%arg8 : memref<!tpu.dma_semaphore, #tpu.memory_space<semaphore_mem>>)
    %dma_start3A_344 = arith.constant 30 : i32
    %dma_start3A_345 = arith.constant 96000 : i32
    %dma_start3A_346 = tpu.memref_slice %arg7[%dma_start3A_345] : memref<102400xi32, #tpu.memory_space<vmem>> -> memref<3200xi32, #tpu.memory_space<vmem>>
    %dma_start3A_347 = arith.constant 0 : i32
    %dma_start3A_348 = tpu.memref_slice %arg4[%dma_start3A_344, %add3A, %dma_start3A_347] : memref<32x32x3200xi32, #tpu.memory_space<hbm>> -> memref<1x1x3200xi32, #tpu.memory_space<hbm>>
    %dma_start3A_349 = tpu.memref_squeeze %dma_start3A_348 : memref<1x1x3200xi32, #tpu.memory_space<hbm>> -> memref<3200xi32, #tpu.memory_space<hbm>>
    %dma_start3A_350 = arith.constant 0 : i32
    %dma_start3A_351 = tpu.memref_slice %arg4[%dma_start3A_344, %add3A, %dma_start3A_350] : memref<32x32x3200xi32, #tpu.memory_space<hbm>> -> memref<1x1x3200xi32, #tpu.memory_space<hbm>>
    %dma_start3A_352 = tpu.memref_squeeze %dma_start3A_351 : memref<1x1x3200xi32, #tpu.memory_space<hbm>> -> memref<3200xi32, #tpu.memory_space<hbm>>
    %dma_start3A_353 = arith.constant 96000 : i32
    %dma_start3A_354 = tpu.memref_slice %arg7[%dma_start3A_353] : memref<102400xi32, #tpu.memory_space<vmem>> -> memref<3200xi32, #tpu.memory_space<vmem>>
    tpu.enqueue_dma source(%dma_start3A_354 : memref<3200xi32, #tpu.memory_space<vmem>>) target(%dma_start3A_352 : memref<3200xi32, #tpu.memory_space<hbm>>) target_semaphore(%arg8 : memref<!tpu.dma_semaphore, #tpu.memory_space<semaphore_mem>>)
    %dma_start3A_355 = arith.constant 31 : i32
    %dma_start3A_356 = arith.constant 99200 : i32
    %dma_start3A_357 = tpu.memref_slice %arg7[%dma_start3A_356] : memref<102400xi32, #tpu.memory_space<vmem>> -> memref<3200xi32, #tpu.memory_space<vmem>>
    %dma_start3A_358 = arith.constant 0 : i32
    %dma_start3A_359 = tpu.memref_slice %arg4[%dma_start3A_355, %add3A, %dma_start3A_358] : memref<32x32x3200xi32, #tpu.memory_space<hbm>> -> memref<1x1x3200xi32, #tpu.memory_space<hbm>>
    %dma_start3A_360 = tpu.memref_squeeze %dma_start3A_359 : memref<1x1x3200xi32, #tpu.memory_space<hbm>> -> memref<3200xi32, #tpu.memory_space<hbm>>
    %dma_start3A_361 = arith.constant 0 : i32
    %dma_start3A_362 = tpu.memref_slice %arg4[%dma_start3A_355, %add3A, %dma_start3A_361] : memref<32x32x3200xi32, #tpu.memory_space<hbm>> -> memref<1x1x3200xi32, #tpu.memory_space<hbm>>
    %dma_start3A_363 = tpu.memref_squeeze %dma_start3A_362 : memref<1x1x3200xi32, #tpu.memory_space<hbm>> -> memref<3200xi32, #tpu.memory_space<hbm>>
    %dma_start3A_364 = arith.constant 99200 : i32
    %dma_start3A_365 = tpu.memref_slice %arg7[%dma_start3A_364] : memref<102400xi32, #tpu.memory_space<vmem>> -> memref<3200xi32, #tpu.memory_space<vmem>>
    tpu.enqueue_dma source(%dma_start3A_365 : memref<3200xi32, #tpu.memory_space<vmem>>) target(%dma_start3A_363 : memref<3200xi32, #tpu.memory_space<hbm>>) target_semaphore(%arg8 : memref<!tpu.dma_semaphore, #tpu.memory_space<semaphore_mem>>)
    %dma_wait3A = arith.constant 0 : i32
    %dma_wait3A_366 = arith.constant 0 : i32
    %dma_wait3A_367 = tpu.memref_slice %arg7[%dma_wait3A_366] : memref<102400xi32, #tpu.memory_space<vmem>> -> memref<3200xi32, #tpu.memory_space<vmem>>
    %dma_wait3A_368 = arith.constant 0 : i32
    %dma_wait3A_369 = tpu.memref_slice %arg4[%dma_wait3A, %add3A, %dma_wait3A_368] : memref<32x32x3200xi32, #tpu.memory_space<hbm>> -> memref<1x1x3200xi32, #tpu.memory_space<hbm>>
    %dma_wait3A_370 = tpu.memref_squeeze %dma_wait3A_369 : memref<1x1x3200xi32, #tpu.memory_space<hbm>> -> memref<3200xi32, #tpu.memory_space<hbm>>
    %dma_wait3A_371 = arith.constant 0 : i32
    %dma_wait3A_372 = tpu.memref_slice %arg4[%dma_wait3A, %add3A, %dma_wait3A_371] : memref<32x32x3200xi32, #tpu.memory_space<hbm>> -> memref<1x1x3200xi32, #tpu.memory_space<hbm>>
    %dma_wait3A_373 = tpu.memref_squeeze %dma_wait3A_372 : memref<1x1x3200xi32, #tpu.memory_space<hbm>> -> memref<3200xi32, #tpu.memory_space<hbm>>
    %dma_wait3A_374 = arith.constant 0 : i32
    %dma_wait3A_375 = tpu.memref_slice %arg7[%dma_wait3A_374] : memref<102400xi32, #tpu.memory_space<vmem>> -> memref<3200xi32, #tpu.memory_space<vmem>>
    tpu.wait_dma2 semaphore(%arg8 : memref<!tpu.dma_semaphore, #tpu.memory_space<semaphore_mem>>) src(%dma_wait3A_375 : memref<3200xi32, #tpu.memory_space<vmem>>) dst(%dma_wait3A_373 : memref<3200xi32, #tpu.memory_space<hbm>>)
    %dma_wait3A_376 = arith.constant 1 : i32
    %dma_wait3A_377 = arith.constant 3200 : i32
    %dma_wait3A_378 = tpu.memref_slice %arg7[%dma_wait3A_377] : memref<102400xi32, #tpu.memory_space<vmem>> -> memref<3200xi32, #tpu.memory_space<vmem>>
    %dma_wait3A_379 = arith.constant 0 : i32
    %dma_wait3A_380 = tpu.memref_slice %arg4[%dma_wait3A_376, %add3A, %dma_wait3A_379] : memref<32x32x3200xi32, #tpu.memory_space<hbm>> -> memref<1x1x3200xi32, #tpu.memory_space<hbm>>
    %dma_wait3A_381 = tpu.memref_squeeze %dma_wait3A_380 : memref<1x1x3200xi32, #tpu.memory_space<hbm>> -> memref<3200xi32, #tpu.memory_space<hbm>>
    %dma_wait3A_382 = arith.constant 0 : i32
    %dma_wait3A_383 = tpu.memref_slice %arg4[%dma_wait3A_376, %add3A, %dma_wait3A_382] : memref<32x32x3200xi32, #tpu.memory_space<hbm>> -> memref<1x1x3200xi32, #tpu.memory_space<hbm>>
    %dma_wait3A_384 = tpu.memref_squeeze %dma_wait3A_383 : memref<1x1x3200xi32, #tpu.memory_space<hbm>> -> memref<3200xi32, #tpu.memory_space<hbm>>
    %dma_wait3A_385 = arith.constant 3200 : i32
    %dma_wait3A_386 = tpu.memref_slice %arg7[%dma_wait3A_385] : memref<102400xi32, #tpu.memory_space<vmem>> -> memref<3200xi32, #tpu.memory_space<vmem>>
    tpu.wait_dma2 semaphore(%arg8 : memref<!tpu.dma_semaphore, #tpu.memory_space<semaphore_mem>>) src(%dma_wait3A_386 : memref<3200xi32, #tpu.memory_space<vmem>>) dst(%dma_wait3A_384 : memref<3200xi32, #tpu.memory_space<hbm>>)
    %dma_wait3A_387 = arith.constant 2 : i32
    %dma_wait3A_388 = arith.constant 6400 : i32
    %dma_wait3A_389 = tpu.memref_slice %arg7[%dma_wait3A_388] : memref<102400xi32, #tpu.memory_space<vmem>> -> memref<3200xi32, #tpu.memory_space<vmem>>
    %dma_wait3A_390 = arith.constant 0 : i32
    %dma_wait3A_391 = tpu.memref_slice %arg4[%dma_wait3A_387, %add3A, %dma_wait3A_390] : memref<32x32x3200xi32, #tpu.memory_space<hbm>> -> memref<1x1x3200xi32, #tpu.memory_space<hbm>>
    %dma_wait3A_392 = tpu.memref_squeeze %dma_wait3A_391 : memref<1x1x3200xi32, #tpu.memory_space<hbm>> -> memref<3200xi32, #tpu.memory_space<hbm>>
    %dma_wait3A_393 = arith.constant 0 : i32
    %dma_wait3A_394 = tpu.memref_slice %arg4[%dma_wait3A_387, %add3A, %dma_wait3A_393] : memref<32x32x3200xi32, #tpu.memory_space<hbm>> -> memref<1x1x3200xi32, #tpu.memory_space<hbm>>
    %dma_wait3A_395 = tpu.memref_squeeze %dma_wait3A_394 : memref<1x1x3200xi32, #tpu.memory_space<hbm>> -> memref<3200xi32, #tpu.memory_space<hbm>>
    %dma_wait3A_396 = arith.constant 6400 : i32
    %dma_wait3A_397 = tpu.memref_slice %arg7[%dma_wait3A_396] : memref<102400xi32, #tpu.memory_space<vmem>> -> memref<3200xi32, #tpu.memory_space<vmem>>
    tpu.wait_dma2 semaphore(%arg8 : memref<!tpu.dma_semaphore, #tpu.memory_space<semaphore_mem>>) src(%dma_wait3A_397 : memref<3200xi32, #tpu.memory_space<vmem>>) dst(%dma_wait3A_395 : memref<3200xi32, #tpu.memory_space<hbm>>)
    %dma_wait3A_398 = arith.constant 3 : i32
    %dma_wait3A_399 = arith.constant 9600 : i32
    %dma_wait3A_400 = tpu.memref_slice %arg7[%dma_wait3A_399] : memref<102400xi32, #tpu.memory_space<vmem>> -> memref<3200xi32, #tpu.memory_space<vmem>>
    %dma_wait3A_401 = arith.constant 0 : i32
    %dma_wait3A_402 = tpu.memref_slice %arg4[%dma_wait3A_398, %add3A, %dma_wait3A_401] : memref<32x32x3200xi32, #tpu.memory_space<hbm>> -> memref<1x1x3200xi32, #tpu.memory_space<hbm>>
    %dma_wait3A_403 = tpu.memref_squeeze %dma_wait3A_402 : memref<1x1x3200xi32, #tpu.memory_space<hbm>> -> memref<3200xi32, #tpu.memory_space<hbm>>
    %dma_wait3A_404 = arith.constant 0 : i32
    %dma_wait3A_405 = tpu.memref_slice %arg4[%dma_wait3A_398, %add3A, %dma_wait3A_404] : memref<32x32x3200xi32, #tpu.memory_space<hbm>> -> memref<1x1x3200xi32, #tpu.memory_space<hbm>>
    %dma_wait3A_406 = tpu.memref_squeeze %dma_wait3A_405 : memref<1x1x3200xi32, #tpu.memory_space<hbm>> -> memref<3200xi32, #tpu.memory_space<hbm>>
    %dma_wait3A_407 = arith.constant 9600 : i32
    %dma_wait3A_408 = tpu.memref_slice %arg7[%dma_wait3A_407] : memref<102400xi32, #tpu.memory_space<vmem>> -> memref<3200xi32, #tpu.memory_space<vmem>>
    tpu.wait_dma2 semaphore(%arg8 : memref<!tpu.dma_semaphore, #tpu.memory_space<semaphore_mem>>) src(%dma_wait3A_408 : memref<3200xi32, #tpu.memory_space<vmem>>) dst(%dma_wait3A_406 : memref<3200xi32, #tpu.memory_space<hbm>>)
    %dma_wait3A_409 = arith.constant 4 : i32
    %dma_wait3A_410 = arith.constant 12800 : i32
    %dma_wait3A_411 = tpu.memref_slice %arg7[%dma_wait3A_410] : memref<102400xi32, #tpu.memory_space<vmem>> -> memref<3200xi32, #tpu.memory_space<vmem>>
    %dma_wait3A_412 = arith.constant 0 : i32
    %dma_wait3A_413 = tpu.memref_slice %arg4[%dma_wait3A_409, %add3A, %dma_wait3A_412] : memref<32x32x3200xi32, #tpu.memory_space<hbm>> -> memref<1x1x3200xi32, #tpu.memory_space<hbm>>
    %dma_wait3A_414 = tpu.memref_squeeze %dma_wait3A_413 : memref<1x1x3200xi32, #tpu.memory_space<hbm>> -> memref<3200xi32, #tpu.memory_space<hbm>>
    %dma_wait3A_415 = arith.constant 0 : i32
    %dma_wait3A_416 = tpu.memref_slice %arg4[%dma_wait3A_409, %add3A, %dma_wait3A_415] : memref<32x32x3200xi32, #tpu.memory_space<hbm>> -> memref<1x1x3200xi32, #tpu.memory_space<hbm>>
    %dma_wait3A_417 = tpu.memref_squeeze %dma_wait3A_416 : memref<1x1x3200xi32, #tpu.memory_space<hbm>> -> memref<3200xi32, #tpu.memory_space<hbm>>
    %dma_wait3A_418 = arith.constant 12800 : i32
    %dma_wait3A_419 = tpu.memref_slice %arg7[%dma_wait3A_418] : memref<102400xi32, #tpu.memory_space<vmem>> -> memref<3200xi32, #tpu.memory_space<vmem>>
    tpu.wait_dma2 semaphore(%arg8 : memref<!tpu.dma_semaphore, #tpu.memory_space<semaphore_mem>>) src(%dma_wait3A_419 : memref<3200xi32, #tpu.memory_space<vmem>>) dst(%dma_wait3A_417 : memref<3200xi32, #tpu.memory_space<hbm>>)
    %dma_wait3A_420 = arith.constant 5 : i32
    %dma_wait3A_421 = arith.constant 16000 : i32
    %dma_wait3A_422 = tpu.memref_slice %arg7[%dma_wait3A_421] : memref<102400xi32, #tpu.memory_space<vmem>> -> memref<3200xi32, #tpu.memory_space<vmem>>
    %dma_wait3A_423 = arith.constant 0 : i32
    %dma_wait3A_424 = tpu.memref_slice %arg4[%dma_wait3A_420, %add3A, %dma_wait3A_423] : memref<32x32x3200xi32, #tpu.memory_space<hbm>> -> memref<1x1x3200xi32, #tpu.memory_space<hbm>>
    %dma_wait3A_425 = tpu.memref_squeeze %dma_wait3A_424 : memref<1x1x3200xi32, #tpu.memory_space<hbm>> -> memref<3200xi32, #tpu.memory_space<hbm>>
    %dma_wait3A_426 = arith.constant 0 : i32
    %dma_wait3A_427 = tpu.memref_slice %arg4[%dma_wait3A_420, %add3A, %dma_wait3A_426] : memref<32x32x3200xi32, #tpu.memory_space<hbm>> -> memref<1x1x3200xi32, #tpu.memory_space<hbm>>
    %dma_wait3A_428 = tpu.memref_squeeze %dma_wait3A_427 : memref<1x1x3200xi32, #tpu.memory_space<hbm>> -> memref<3200xi32, #tpu.memory_space<hbm>>
    %dma_wait3A_429 = arith.constant 16000 : i32
    %dma_wait3A_430 = tpu.memref_slice %arg7[%dma_wait3A_429] : memref<102400xi32, #tpu.memory_space<vmem>> -> memref<3200xi32, #tpu.memory_space<vmem>>
    tpu.wait_dma2 semaphore(%arg8 : memref<!tpu.dma_semaphore, #tpu.memory_space<semaphore_mem>>) src(%dma_wait3A_430 : memref<3200xi32, #tpu.memory_space<vmem>>) dst(%dma_wait3A_428 : memref<3200xi32, #tpu.memory_space<hbm>>)
    %dma_wait3A_431 = arith.constant 6 : i32
    %dma_wait3A_432 = arith.constant 19200 : i32
    %dma_wait3A_433 = tpu.memref_slice %arg7[%dma_wait3A_432] : memref<102400xi32, #tpu.memory_space<vmem>> -> memref<3200xi32, #tpu.memory_space<vmem>>
    %dma_wait3A_434 = arith.constant 0 : i32
    %dma_wait3A_435 = tpu.memref_slice %arg4[%dma_wait3A_431, %add3A, %dma_wait3A_434] : memref<32x32x3200xi32, #tpu.memory_space<hbm>> -> memref<1x1x3200xi32, #tpu.memory_space<hbm>>
    %dma_wait3A_436 = tpu.memref_squeeze %dma_wait3A_435 : memref<1x1x3200xi32, #tpu.memory_space<hbm>> -> memref<3200xi32, #tpu.memory_space<hbm>>
    %dma_wait3A_437 = arith.constant 0 : i32
    %dma_wait3A_438 = tpu.memref_slice %arg4[%dma_wait3A_431, %add3A, %dma_wait3A_437] : memref<32x32x3200xi32, #tpu.memory_space<hbm>> -> memref<1x1x3200xi32, #tpu.memory_space<hbm>>
    %dma_wait3A_439 = tpu.memref_squeeze %dma_wait3A_438 : memref<1x1x3200xi32, #tpu.memory_space<hbm>> -> memref<3200xi32, #tpu.memory_space<hbm>>
    %dma_wait3A_440 = arith.constant 19200 : i32
    %dma_wait3A_441 = tpu.memref_slice %arg7[%dma_wait3A_440] : memref<102400xi32, #tpu.memory_space<vmem>> -> memref<3200xi32, #tpu.memory_space<vmem>>
    tpu.wait_dma2 semaphore(%arg8 : memref<!tpu.dma_semaphore, #tpu.memory_space<semaphore_mem>>) src(%dma_wait3A_441 : memref<3200xi32, #tpu.memory_space<vmem>>) dst(%dma_wait3A_439 : memref<3200xi32, #tpu.memory_space<hbm>>)
    %dma_wait3A_442 = arith.constant 7 : i32
    %dma_wait3A_443 = arith.constant 22400 : i32
    %dma_wait3A_444 = tpu.memref_slice %arg7[%dma_wait3A_443] : memref<102400xi32, #tpu.memory_space<vmem>> -> memref<3200xi32, #tpu.memory_space<vmem>>
    %dma_wait3A_445 = arith.constant 0 : i32
    %dma_wait3A_446 = tpu.memref_slice %arg4[%dma_wait3A_442, %add3A, %dma_wait3A_445] : memref<32x32x3200xi32, #tpu.memory_space<hbm>> -> memref<1x1x3200xi32, #tpu.memory_space<hbm>>
    %dma_wait3A_447 = tpu.memref_squeeze %dma_wait3A_446 : memref<1x1x3200xi32, #tpu.memory_space<hbm>> -> memref<3200xi32, #tpu.memory_space<hbm>>
    %dma_wait3A_448 = arith.constant 0 : i32
    %dma_wait3A_449 = tpu.memref_slice %arg4[%dma_wait3A_442, %add3A, %dma_wait3A_448] : memref<32x32x3200xi32, #tpu.memory_space<hbm>> -> memref<1x1x3200xi32, #tpu.memory_space<hbm>>
    %dma_wait3A_450 = tpu.memref_squeeze %dma_wait3A_449 : memref<1x1x3200xi32, #tpu.memory_space<hbm>> -> memref<3200xi32, #tpu.memory_space<hbm>>
    %dma_wait3A_451 = arith.constant 22400 : i32
    %dma_wait3A_452 = tpu.memref_slice %arg7[%dma_wait3A_451] : memref<102400xi32, #tpu.memory_space<vmem>> -> memref<3200xi32, #tpu.memory_space<vmem>>
    tpu.wait_dma2 semaphore(%arg8 : memref<!tpu.dma_semaphore, #tpu.memory_space<semaphore_mem>>) src(%dma_wait3A_452 : memref<3200xi32, #tpu.memory_space<vmem>>) dst(%dma_wait3A_450 : memref<3200xi32, #tpu.memory_space<hbm>>)
    %dma_wait3A_453 = arith.constant 8 : i32
    %dma_wait3A_454 = arith.constant 25600 : i32
    %dma_wait3A_455 = tpu.memref_slice %arg7[%dma_wait3A_454] : memref<102400xi32, #tpu.memory_space<vmem>> -> memref<3200xi32, #tpu.memory_space<vmem>>
    %dma_wait3A_456 = arith.constant 0 : i32
    %dma_wait3A_457 = tpu.memref_slice %arg4[%dma_wait3A_453, %add3A, %dma_wait3A_456] : memref<32x32x3200xi32, #tpu.memory_space<hbm>> -> memref<1x1x3200xi32, #tpu.memory_space<hbm>>
    %dma_wait3A_458 = tpu.memref_squeeze %dma_wait3A_457 : memref<1x1x3200xi32, #tpu.memory_space<hbm>> -> memref<3200xi32, #tpu.memory_space<hbm>>
    %dma_wait3A_459 = arith.constant 0 : i32
    %dma_wait3A_460 = tpu.memref_slice %arg4[%dma_wait3A_453, %add3A, %dma_wait3A_459] : memref<32x32x3200xi32, #tpu.memory_space<hbm>> -> memref<1x1x3200xi32, #tpu.memory_space<hbm>>
    %dma_wait3A_461 = tpu.memref_squeeze %dma_wait3A_460 : memref<1x1x3200xi32, #tpu.memory_space<hbm>> -> memref<3200xi32, #tpu.memory_space<hbm>>
    %dma_wait3A_462 = arith.constant 25600 : i32
    %dma_wait3A_463 = tpu.memref_slice %arg7[%dma_wait3A_462] : memref<102400xi32, #tpu.memory_space<vmem>> -> memref<3200xi32, #tpu.memory_space<vmem>>
    tpu.wait_dma2 semaphore(%arg8 : memref<!tpu.dma_semaphore, #tpu.memory_space<semaphore_mem>>) src(%dma_wait3A_463 : memref<3200xi32, #tpu.memory_space<vmem>>) dst(%dma_wait3A_461 : memref<3200xi32, #tpu.memory_space<hbm>>)
    %dma_wait3A_464 = arith.constant 9 : i32
    %dma_wait3A_465 = arith.constant 28800 : i32
    %dma_wait3A_466 = tpu.memref_slice %arg7[%dma_wait3A_465] : memref<102400xi32, #tpu.memory_space<vmem>> -> memref<3200xi32, #tpu.memory_space<vmem>>
    %dma_wait3A_467 = arith.constant 0 : i32
    %dma_wait3A_468 = tpu.memref_slice %arg4[%dma_wait3A_464, %add3A, %dma_wait3A_467] : memref<32x32x3200xi32, #tpu.memory_space<hbm>> -> memref<1x1x3200xi32, #tpu.memory_space<hbm>>
    %dma_wait3A_469 = tpu.memref_squeeze %dma_wait3A_468 : memref<1x1x3200xi32, #tpu.memory_space<hbm>> -> memref<3200xi32, #tpu.memory_space<hbm>>
    %dma_wait3A_470 = arith.constant 0 : i32
    %dma_wait3A_471 = tpu.memref_slice %arg4[%dma_wait3A_464, %add3A, %dma_wait3A_470] : memref<32x32x3200xi32, #tpu.memory_space<hbm>> -> memref<1x1x3200xi32, #tpu.memory_space<hbm>>
    %dma_wait3A_472 = tpu.memref_squeeze %dma_wait3A_471 : memref<1x1x3200xi32, #tpu.memory_space<hbm>> -> memref<3200xi32, #tpu.memory_space<hbm>>
    %dma_wait3A_473 = arith.constant 28800 : i32
    %dma_wait3A_474 = tpu.memref_slice %arg7[%dma_wait3A_473] : memref<102400xi32, #tpu.memory_space<vmem>> -> memref<3200xi32, #tpu.memory_space<vmem>>
    tpu.wait_dma2 semaphore(%arg8 : memref<!tpu.dma_semaphore, #tpu.memory_space<semaphore_mem>>) src(%dma_wait3A_474 : memref<3200xi32, #tpu.memory_space<vmem>>) dst(%dma_wait3A_472 : memref<3200xi32, #tpu.memory_space<hbm>>)
    %dma_wait3A_475 = arith.constant 10 : i32
    %dma_wait3A_476 = arith.constant 32000 : i32
    %dma_wait3A_477 = tpu.memref_slice %arg7[%dma_wait3A_476] : memref<102400xi32, #tpu.memory_space<vmem>> -> memref<3200xi32, #tpu.memory_space<vmem>>
    %dma_wait3A_478 = arith.constant 0 : i32
    %dma_wait3A_479 = tpu.memref_slice %arg4[%dma_wait3A_475, %add3A, %dma_wait3A_478] : memref<32x32x3200xi32, #tpu.memory_space<hbm>> -> memref<1x1x3200xi32, #tpu.memory_space<hbm>>
    %dma_wait3A_480 = tpu.memref_squeeze %dma_wait3A_479 : memref<1x1x3200xi32, #tpu.memory_space<hbm>> -> memref<3200xi32, #tpu.memory_space<hbm>>
    %dma_wait3A_481 = arith.constant 0 : i32
    %dma_wait3A_482 = tpu.memref_slice %arg4[%dma_wait3A_475, %add3A, %dma_wait3A_481] : memref<32x32x3200xi32, #tpu.memory_space<hbm>> -> memref<1x1x3200xi32, #tpu.memory_space<hbm>>
    %dma_wait3A_483 = tpu.memref_squeeze %dma_wait3A_482 : memref<1x1x3200xi32, #tpu.memory_space<hbm>> -> memref<3200xi32, #tpu.memory_space<hbm>>
    %dma_wait3A_484 = arith.constant 32000 : i32
    %dma_wait3A_485 = tpu.memref_slice %arg7[%dma_wait3A_484] : memref<102400xi32, #tpu.memory_space<vmem>> -> memref<3200xi32, #tpu.memory_space<vmem>>
    tpu.wait_dma2 semaphore(%arg8 : memref<!tpu.dma_semaphore, #tpu.memory_space<semaphore_mem>>) src(%dma_wait3A_485 : memref<3200xi32, #tpu.memory_space<vmem>>) dst(%dma_wait3A_483 : memref<3200xi32, #tpu.memory_space<hbm>>)
    %dma_wait3A_486 = arith.constant 11 : i32
    %dma_wait3A_487 = arith.constant 35200 : i32
    %dma_wait3A_488 = tpu.memref_slice %arg7[%dma_wait3A_487] : memref<102400xi32, #tpu.memory_space<vmem>> -> memref<3200xi32, #tpu.memory_space<vmem>>
    %dma_wait3A_489 = arith.constant 0 : i32
    %dma_wait3A_490 = tpu.memref_slice %arg4[%dma_wait3A_486, %add3A, %dma_wait3A_489] : memref<32x32x3200xi32, #tpu.memory_space<hbm>> -> memref<1x1x3200xi32, #tpu.memory_space<hbm>>
    %dma_wait3A_491 = tpu.memref_squeeze %dma_wait3A_490 : memref<1x1x3200xi32, #tpu.memory_space<hbm>> -> memref<3200xi32, #tpu.memory_space<hbm>>
    %dma_wait3A_492 = arith.constant 0 : i32
    %dma_wait3A_493 = tpu.memref_slice %arg4[%dma_wait3A_486, %add3A, %dma_wait3A_492] : memref<32x32x3200xi32, #tpu.memory_space<hbm>> -> memref<1x1x3200xi32, #tpu.memory_space<hbm>>
    %dma_wait3A_494 = tpu.memref_squeeze %dma_wait3A_493 : memref<1x1x3200xi32, #tpu.memory_space<hbm>> -> memref<3200xi32, #tpu.memory_space<hbm>>
    %dma_wait3A_495 = arith.constant 35200 : i32
    %dma_wait3A_496 = tpu.memref_slice %arg7[%dma_wait3A_495] : memref<102400xi32, #tpu.memory_space<vmem>> -> memref<3200xi32, #tpu.memory_space<vmem>>
    tpu.wait_dma2 semaphore(%arg8 : memref<!tpu.dma_semaphore, #tpu.memory_space<semaphore_mem>>) src(%dma_wait3A_496 : memref<3200xi32, #tpu.memory_space<vmem>>) dst(%dma_wait3A_494 : memref<3200xi32, #tpu.memory_space<hbm>>)
    %dma_wait3A_497 = arith.constant 12 : i32
    %dma_wait3A_498 = arith.constant 38400 : i32
    %dma_wait3A_499 = tpu.memref_slice %arg7[%dma_wait3A_498] : memref<102400xi32, #tpu.memory_space<vmem>> -> memref<3200xi32, #tpu.memory_space<vmem>>
    %dma_wait3A_500 = arith.constant 0 : i32
    %dma_wait3A_501 = tpu.memref_slice %arg4[%dma_wait3A_497, %add3A, %dma_wait3A_500] : memref<32x32x3200xi32, #tpu.memory_space<hbm>> -> memref<1x1x3200xi32, #tpu.memory_space<hbm>>
    %dma_wait3A_502 = tpu.memref_squeeze %dma_wait3A_501 : memref<1x1x3200xi32, #tpu.memory_space<hbm>> -> memref<3200xi32, #tpu.memory_space<hbm>>
    %dma_wait3A_503 = arith.constant 0 : i32
    %dma_wait3A_504 = tpu.memref_slice %arg4[%dma_wait3A_497, %add3A, %dma_wait3A_503] : memref<32x32x3200xi32, #tpu.memory_space<hbm>> -> memref<1x1x3200xi32, #tpu.memory_space<hbm>>
    %dma_wait3A_505 = tpu.memref_squeeze %dma_wait3A_504 : memref<1x1x3200xi32, #tpu.memory_space<hbm>> -> memref<3200xi32, #tpu.memory_space<hbm>>
    %dma_wait3A_506 = arith.constant 38400 : i32
    %dma_wait3A_507 = tpu.memref_slice %arg7[%dma_wait3A_506] : memref<102400xi32, #tpu.memory_space<vmem>> -> memref<3200xi32, #tpu.memory_space<vmem>>
    tpu.wait_dma2 semaphore(%arg8 : memref<!tpu.dma_semaphore, #tpu.memory_space<semaphore_mem>>) src(%dma_wait3A_507 : memref<3200xi32, #tpu.memory_space<vmem>>) dst(%dma_wait3A_505 : memref<3200xi32, #tpu.memory_space<hbm>>)
    %dma_wait3A_508 = arith.constant 13 : i32
    %dma_wait3A_509 = arith.constant 41600 : i32
    %dma_wait3A_510 = tpu.memref_slice %arg7[%dma_wait3A_509] : memref<102400xi32, #tpu.memory_space<vmem>> -> memref<3200xi32, #tpu.memory_space<vmem>>
    %dma_wait3A_511 = arith.constant 0 : i32
    %dma_wait3A_512 = tpu.memref_slice %arg4[%dma_wait3A_508, %add3A, %dma_wait3A_511] : memref<32x32x3200xi32, #tpu.memory_space<hbm>> -> memref<1x1x3200xi32, #tpu.memory_space<hbm>>
    %dma_wait3A_513 = tpu.memref_squeeze %dma_wait3A_512 : memref<1x1x3200xi32, #tpu.memory_space<hbm>> -> memref<3200xi32, #tpu.memory_space<hbm>>
    %dma_wait3A_514 = arith.constant 0 : i32
    %dma_wait3A_515 = tpu.memref_slice %arg4[%dma_wait3A_508, %add3A, %dma_wait3A_514] : memref<32x32x3200xi32, #tpu.memory_space<hbm>> -> memref<1x1x3200xi32, #tpu.memory_space<hbm>>
    %dma_wait3A_516 = tpu.memref_squeeze %dma_wait3A_515 : memref<1x1x3200xi32, #tpu.memory_space<hbm>> -> memref<3200xi32, #tpu.memory_space<hbm>>
    %dma_wait3A_517 = arith.constant 41600 : i32
    %dma_wait3A_518 = tpu.memref_slice %arg7[%dma_wait3A_517] : memref<102400xi32, #tpu.memory_space<vmem>> -> memref<3200xi32, #tpu.memory_space<vmem>>
    tpu.wait_dma2 semaphore(%arg8 : memref<!tpu.dma_semaphore, #tpu.memory_space<semaphore_mem>>) src(%dma_wait3A_518 : memref<3200xi32, #tpu.memory_space<vmem>>) dst(%dma_wait3A_516 : memref<3200xi32, #tpu.memory_space<hbm>>)
    %dma_wait3A_519 = arith.constant 14 : i32
    %dma_wait3A_520 = arith.constant 44800 : i32
    %dma_wait3A_521 = tpu.memref_slice %arg7[%dma_wait3A_520] : memref<102400xi32, #tpu.memory_space<vmem>> -> memref<3200xi32, #tpu.memory_space<vmem>>
    %dma_wait3A_522 = arith.constant 0 : i32
    %dma_wait3A_523 = tpu.memref_slice %arg4[%dma_wait3A_519, %add3A, %dma_wait3A_522] : memref<32x32x3200xi32, #tpu.memory_space<hbm>> -> memref<1x1x3200xi32, #tpu.memory_space<hbm>>
    %dma_wait3A_524 = tpu.memref_squeeze %dma_wait3A_523 : memref<1x1x3200xi32, #tpu.memory_space<hbm>> -> memref<3200xi32, #tpu.memory_space<hbm>>
    %dma_wait3A_525 = arith.constant 0 : i32
    %dma_wait3A_526 = tpu.memref_slice %arg4[%dma_wait3A_519, %add3A, %dma_wait3A_525] : memref<32x32x3200xi32, #tpu.memory_space<hbm>> -> memref<1x1x3200xi32, #tpu.memory_space<hbm>>
    %dma_wait3A_527 = tpu.memref_squeeze %dma_wait3A_526 : memref<1x1x3200xi32, #tpu.memory_space<hbm>> -> memref<3200xi32, #tpu.memory_space<hbm>>
    %dma_wait3A_528 = arith.constant 44800 : i32
    %dma_wait3A_529 = tpu.memref_slice %arg7[%dma_wait3A_528] : memref<102400xi32, #tpu.memory_space<vmem>> -> memref<3200xi32, #tpu.memory_space<vmem>>
    tpu.wait_dma2 semaphore(%arg8 : memref<!tpu.dma_semaphore, #tpu.memory_space<semaphore_mem>>) src(%dma_wait3A_529 : memref<3200xi32, #tpu.memory_space<vmem>>) dst(%dma_wait3A_527 : memref<3200xi32, #tpu.memory_space<hbm>>)
    %dma_wait3A_530 = arith.constant 15 : i32
    %dma_wait3A_531 = arith.constant 48000 : i32
    %dma_wait3A_532 = tpu.memref_slice %arg7[%dma_wait3A_531] : memref<102400xi32, #tpu.memory_space<vmem>> -> memref<3200xi32, #tpu.memory_space<vmem>>
    %dma_wait3A_533 = arith.constant 0 : i32
    %dma_wait3A_534 = tpu.memref_slice %arg4[%dma_wait3A_530, %add3A, %dma_wait3A_533] : memref<32x32x3200xi32, #tpu.memory_space<hbm>> -> memref<1x1x3200xi32, #tpu.memory_space<hbm>>
    %dma_wait3A_535 = tpu.memref_squeeze %dma_wait3A_534 : memref<1x1x3200xi32, #tpu.memory_space<hbm>> -> memref<3200xi32, #tpu.memory_space<hbm>>
    %dma_wait3A_536 = arith.constant 0 : i32
    %dma_wait3A_537 = tpu.memref_slice %arg4[%dma_wait3A_530, %add3A, %dma_wait3A_536] : memref<32x32x3200xi32, #tpu.memory_space<hbm>> -> memref<1x1x3200xi32, #tpu.memory_space<hbm>>
    %dma_wait3A_538 = tpu.memref_squeeze %dma_wait3A_537 : memref<1x1x3200xi32, #tpu.memory_space<hbm>> -> memref<3200xi32, #tpu.memory_space<hbm>>
    %dma_wait3A_539 = arith.constant 48000 : i32
    %dma_wait3A_540 = tpu.memref_slice %arg7[%dma_wait3A_539] : memref<102400xi32, #tpu.memory_space<vmem>> -> memref<3200xi32, #tpu.memory_space<vmem>>
    tpu.wait_dma2 semaphore(%arg8 : memref<!tpu.dma_semaphore, #tpu.memory_space<semaphore_mem>>) src(%dma_wait3A_540 : memref<3200xi32, #tpu.memory_space<vmem>>) dst(%dma_wait3A_538 : memref<3200xi32, #tpu.memory_space<hbm>>)
    %dma_wait3A_541 = arith.constant 16 : i32
    %dma_wait3A_542 = arith.constant 51200 : i32
    %dma_wait3A_543 = tpu.memref_slice %arg7[%dma_wait3A_542] : memref<102400xi32, #tpu.memory_space<vmem>> -> memref<3200xi32, #tpu.memory_space<vmem>>
    %dma_wait3A_544 = arith.constant 0 : i32
    %dma_wait3A_545 = tpu.memref_slice %arg4[%dma_wait3A_541, %add3A, %dma_wait3A_544] : memref<32x32x3200xi32, #tpu.memory_space<hbm>> -> memref<1x1x3200xi32, #tpu.memory_space<hbm>>
    %dma_wait3A_546 = tpu.memref_squeeze %dma_wait3A_545 : memref<1x1x3200xi32, #tpu.memory_space<hbm>> -> memref<3200xi32, #tpu.memory_space<hbm>>
    %dma_wait3A_547 = arith.constant 0 : i32
    %dma_wait3A_548 = tpu.memref_slice %arg4[%dma_wait3A_541, %add3A, %dma_wait3A_547] : memref<32x32x3200xi32, #tpu.memory_space<hbm>> -> memref<1x1x3200xi32, #tpu.memory_space<hbm>>
    %dma_wait3A_549 = tpu.memref_squeeze %dma_wait3A_548 : memref<1x1x3200xi32, #tpu.memory_space<hbm>> -> memref<3200xi32, #tpu.memory_space<hbm>>
    %dma_wait3A_550 = arith.constant 51200 : i32
    %dma_wait3A_551 = tpu.memref_slice %arg7[%dma_wait3A_550] : memref<102400xi32, #tpu.memory_space<vmem>> -> memref<3200xi32, #tpu.memory_space<vmem>>
    tpu.wait_dma2 semaphore(%arg8 : memref<!tpu.dma_semaphore, #tpu.memory_space<semaphore_mem>>) src(%dma_wait3A_551 : memref<3200xi32, #tpu.memory_space<vmem>>) dst(%dma_wait3A_549 : memref<3200xi32, #tpu.memory_space<hbm>>)
    %dma_wait3A_552 = arith.constant 17 : i32
    %dma_wait3A_553 = arith.constant 54400 : i32
    %dma_wait3A_554 = tpu.memref_slice %arg7[%dma_wait3A_553] : memref<102400xi32, #tpu.memory_space<vmem>> -> memref<3200xi32, #tpu.memory_space<vmem>>
    %dma_wait3A_555 = arith.constant 0 : i32
    %dma_wait3A_556 = tpu.memref_slice %arg4[%dma_wait3A_552, %add3A, %dma_wait3A_555] : memref<32x32x3200xi32, #tpu.memory_space<hbm>> -> memref<1x1x3200xi32, #tpu.memory_space<hbm>>
    %dma_wait3A_557 = tpu.memref_squeeze %dma_wait3A_556 : memref<1x1x3200xi32, #tpu.memory_space<hbm>> -> memref<3200xi32, #tpu.memory_space<hbm>>
    %dma_wait3A_558 = arith.constant 0 : i32
    %dma_wait3A_559 = tpu.memref_slice %arg4[%dma_wait3A_552, %add3A, %dma_wait3A_558] : memref<32x32x3200xi32, #tpu.memory_space<hbm>> -> memref<1x1x3200xi32, #tpu.memory_space<hbm>>
    %dma_wait3A_560 = tpu.memref_squeeze %dma_wait3A_559 : memref<1x1x3200xi32, #tpu.memory_space<hbm>> -> memref<3200xi32, #tpu.memory_space<hbm>>
    %dma_wait3A_561 = arith.constant 54400 : i32
    %dma_wait3A_562 = tpu.memref_slice %arg7[%dma_wait3A_561] : memref<102400xi32, #tpu.memory_space<vmem>> -> memref<3200xi32, #tpu.memory_space<vmem>>
    tpu.wait_dma2 semaphore(%arg8 : memref<!tpu.dma_semaphore, #tpu.memory_space<semaphore_mem>>) src(%dma_wait3A_562 : memref<3200xi32, #tpu.memory_space<vmem>>) dst(%dma_wait3A_560 : memref<3200xi32, #tpu.memory_space<hbm>>)
    %dma_wait3A_563 = arith.constant 18 : i32
    %dma_wait3A_564 = arith.constant 57600 : i32
    %dma_wait3A_565 = tpu.memref_slice %arg7[%dma_wait3A_564] : memref<102400xi32, #tpu.memory_space<vmem>> -> memref<3200xi32, #tpu.memory_space<vmem>>
    %dma_wait3A_566 = arith.constant 0 : i32
    %dma_wait3A_567 = tpu.memref_slice %arg4[%dma_wait3A_563, %add3A, %dma_wait3A_566] : memref<32x32x3200xi32, #tpu.memory_space<hbm>> -> memref<1x1x3200xi32, #tpu.memory_space<hbm>>
    %dma_wait3A_568 = tpu.memref_squeeze %dma_wait3A_567 : memref<1x1x3200xi32, #tpu.memory_space<hbm>> -> memref<3200xi32, #tpu.memory_space<hbm>>
    %dma_wait3A_569 = arith.constant 0 : i32
    %dma_wait3A_570 = tpu.memref_slice %arg4[%dma_wait3A_563, %add3A, %dma_wait3A_569] : memref<32x32x3200xi32, #tpu.memory_space<hbm>> -> memref<1x1x3200xi32, #tpu.memory_space<hbm>>
    %dma_wait3A_571 = tpu.memref_squeeze %dma_wait3A_570 : memref<1x1x3200xi32, #tpu.memory_space<hbm>> -> memref<3200xi32, #tpu.memory_space<hbm>>
    %dma_wait3A_572 = arith.constant 57600 : i32
    %dma_wait3A_573 = tpu.memref_slice %arg7[%dma_wait3A_572] : memref<102400xi32, #tpu.memory_space<vmem>> -> memref<3200xi32, #tpu.memory_space<vmem>>
    tpu.wait_dma2 semaphore(%arg8 : memref<!tpu.dma_semaphore, #tpu.memory_space<semaphore_mem>>) src(%dma_wait3A_573 : memref<3200xi32, #tpu.memory_space<vmem>>) dst(%dma_wait3A_571 : memref<3200xi32, #tpu.memory_space<hbm>>)
    %dma_wait3A_574 = arith.constant 19 : i32
    %dma_wait3A_575 = arith.constant 60800 : i32
    %dma_wait3A_576 = tpu.memref_slice %arg7[%dma_wait3A_575] : memref<102400xi32, #tpu.memory_space<vmem>> -> memref<3200xi32, #tpu.memory_space<vmem>>
    %dma_wait3A_577 = arith.constant 0 : i32
    %dma_wait3A_578 = tpu.memref_slice %arg4[%dma_wait3A_574, %add3A, %dma_wait3A_577] : memref<32x32x3200xi32, #tpu.memory_space<hbm>> -> memref<1x1x3200xi32, #tpu.memory_space<hbm>>
    %dma_wait3A_579 = tpu.memref_squeeze %dma_wait3A_578 : memref<1x1x3200xi32, #tpu.memory_space<hbm>> -> memref<3200xi32, #tpu.memory_space<hbm>>
    %dma_wait3A_580 = arith.constant 0 : i32
    %dma_wait3A_581 = tpu.memref_slice %arg4[%dma_wait3A_574, %add3A, %dma_wait3A_580] : memref<32x32x3200xi32, #tpu.memory_space<hbm>> -> memref<1x1x3200xi32, #tpu.memory_space<hbm>>
    %dma_wait3A_582 = tpu.memref_squeeze %dma_wait3A_581 : memref<1x1x3200xi32, #tpu.memory_space<hbm>> -> memref<3200xi32, #tpu.memory_space<hbm>>
    %dma_wait3A_583 = arith.constant 60800 : i32
    %dma_wait3A_584 = tpu.memref_slice %arg7[%dma_wait3A_583] : memref<102400xi32, #tpu.memory_space<vmem>> -> memref<3200xi32, #tpu.memory_space<vmem>>
    tpu.wait_dma2 semaphore(%arg8 : memref<!tpu.dma_semaphore, #tpu.memory_space<semaphore_mem>>) src(%dma_wait3A_584 : memref<3200xi32, #tpu.memory_space<vmem>>) dst(%dma_wait3A_582 : memref<3200xi32, #tpu.memory_space<hbm>>)
    %dma_wait3A_585 = arith.constant 20 : i32
    %dma_wait3A_586 = arith.constant 64000 : i32
    %dma_wait3A_587 = tpu.memref_slice %arg7[%dma_wait3A_586] : memref<102400xi32, #tpu.memory_space<vmem>> -> memref<3200xi32, #tpu.memory_space<vmem>>
    %dma_wait3A_588 = arith.constant 0 : i32
    %dma_wait3A_589 = tpu.memref_slice %arg4[%dma_wait3A_585, %add3A, %dma_wait3A_588] : memref<32x32x3200xi32, #tpu.memory_space<hbm>> -> memref<1x1x3200xi32, #tpu.memory_space<hbm>>
    %dma_wait3A_590 = tpu.memref_squeeze %dma_wait3A_589 : memref<1x1x3200xi32, #tpu.memory_space<hbm>> -> memref<3200xi32, #tpu.memory_space<hbm>>
    %dma_wait3A_591 = arith.constant 0 : i32
    %dma_wait3A_592 = tpu.memref_slice %arg4[%dma_wait3A_585, %add3A, %dma_wait3A_591] : memref<32x32x3200xi32, #tpu.memory_space<hbm>> -> memref<1x1x3200xi32, #tpu.memory_space<hbm>>
    %dma_wait3A_593 = tpu.memref_squeeze %dma_wait3A_592 : memref<1x1x3200xi32, #tpu.memory_space<hbm>> -> memref<3200xi32, #tpu.memory_space<hbm>>
    %dma_wait3A_594 = arith.constant 64000 : i32
    %dma_wait3A_595 = tpu.memref_slice %arg7[%dma_wait3A_594] : memref<102400xi32, #tpu.memory_space<vmem>> -> memref<3200xi32, #tpu.memory_space<vmem>>
    tpu.wait_dma2 semaphore(%arg8 : memref<!tpu.dma_semaphore, #tpu.memory_space<semaphore_mem>>) src(%dma_wait3A_595 : memref<3200xi32, #tpu.memory_space<vmem>>) dst(%dma_wait3A_593 : memref<3200xi32, #tpu.memory_space<hbm>>)
    %dma_wait3A_596 = arith.constant 21 : i32
    %dma_wait3A_597 = arith.constant 67200 : i32
    %dma_wait3A_598 = tpu.memref_slice %arg7[%dma_wait3A_597] : memref<102400xi32, #tpu.memory_space<vmem>> -> memref<3200xi32, #tpu.memory_space<vmem>>
    %dma_wait3A_599 = arith.constant 0 : i32
    %dma_wait3A_600 = tpu.memref_slice %arg4[%dma_wait3A_596, %add3A, %dma_wait3A_599] : memref<32x32x3200xi32, #tpu.memory_space<hbm>> -> memref<1x1x3200xi32, #tpu.memory_space<hbm>>
    %dma_wait3A_601 = tpu.memref_squeeze %dma_wait3A_600 : memref<1x1x3200xi32, #tpu.memory_space<hbm>> -> memref<3200xi32, #tpu.memory_space<hbm>>
    %dma_wait3A_602 = arith.constant 0 : i32
    %dma_wait3A_603 = tpu.memref_slice %arg4[%dma_wait3A_596, %add3A, %dma_wait3A_602] : memref<32x32x3200xi32, #tpu.memory_space<hbm>> -> memref<1x1x3200xi32, #tpu.memory_space<hbm>>
    %dma_wait3A_604 = tpu.memref_squeeze %dma_wait3A_603 : memref<1x1x3200xi32, #tpu.memory_space<hbm>> -> memref<3200xi32, #tpu.memory_space<hbm>>
    %dma_wait3A_605 = arith.constant 67200 : i32
    %dma_wait3A_606 = tpu.memref_slice %arg7[%dma_wait3A_605] : memref<102400xi32, #tpu.memory_space<vmem>> -> memref<3200xi32, #tpu.memory_space<vmem>>
    tpu.wait_dma2 semaphore(%arg8 : memref<!tpu.dma_semaphore, #tpu.memory_space<semaphore_mem>>) src(%dma_wait3A_606 : memref<3200xi32, #tpu.memory_space<vmem>>) dst(%dma_wait3A_604 : memref<3200xi32, #tpu.memory_space<hbm>>)
    %dma_wait3A_607 = arith.constant 22 : i32
    %dma_wait3A_608 = arith.constant 70400 : i32
    %dma_wait3A_609 = tpu.memref_slice %arg7[%dma_wait3A_608] : memref<102400xi32, #tpu.memory_space<vmem>> -> memref<3200xi32, #tpu.memory_space<vmem>>
    %dma_wait3A_610 = arith.constant 0 : i32
    %dma_wait3A_611 = tpu.memref_slice %arg4[%dma_wait3A_607, %add3A, %dma_wait3A_610] : memref<32x32x3200xi32, #tpu.memory_space<hbm>> -> memref<1x1x3200xi32, #tpu.memory_space<hbm>>
    %dma_wait3A_612 = tpu.memref_squeeze %dma_wait3A_611 : memref<1x1x3200xi32, #tpu.memory_space<hbm>> -> memref<3200xi32, #tpu.memory_space<hbm>>
    %dma_wait3A_613 = arith.constant 0 : i32
    %dma_wait3A_614 = tpu.memref_slice %arg4[%dma_wait3A_607, %add3A, %dma_wait3A_613] : memref<32x32x3200xi32, #tpu.memory_space<hbm>> -> memref<1x1x3200xi32, #tpu.memory_space<hbm>>
    %dma_wait3A_615 = tpu.memref_squeeze %dma_wait3A_614 : memref<1x1x3200xi32, #tpu.memory_space<hbm>> -> memref<3200xi32, #tpu.memory_space<hbm>>
    %dma_wait3A_616 = arith.constant 70400 : i32
    %dma_wait3A_617 = tpu.memref_slice %arg7[%dma_wait3A_616] : memref<102400xi32, #tpu.memory_space<vmem>> -> memref<3200xi32, #tpu.memory_space<vmem>>
    tpu.wait_dma2 semaphore(%arg8 : memref<!tpu.dma_semaphore, #tpu.memory_space<semaphore_mem>>) src(%dma_wait3A_617 : memref<3200xi32, #tpu.memory_space<vmem>>) dst(%dma_wait3A_615 : memref<3200xi32, #tpu.memory_space<hbm>>)
    %dma_wait3A_618 = arith.constant 23 : i32
    %dma_wait3A_619 = arith.constant 73600 : i32
    %dma_wait3A_620 = tpu.memref_slice %arg7[%dma_wait3A_619] : memref<102400xi32, #tpu.memory_space<vmem>> -> memref<3200xi32, #tpu.memory_space<vmem>>
    %dma_wait3A_621 = arith.constant 0 : i32
    %dma_wait3A_622 = tpu.memref_slice %arg4[%dma_wait3A_618, %add3A, %dma_wait3A_621] : memref<32x32x3200xi32, #tpu.memory_space<hbm>> -> memref<1x1x3200xi32, #tpu.memory_space<hbm>>
    %dma_wait3A_623 = tpu.memref_squeeze %dma_wait3A_622 : memref<1x1x3200xi32, #tpu.memory_space<hbm>> -> memref<3200xi32, #tpu.memory_space<hbm>>
    %dma_wait3A_624 = arith.constant 0 : i32
    %dma_wait3A_625 = tpu.memref_slice %arg4[%dma_wait3A_618, %add3A, %dma_wait3A_624] : memref<32x32x3200xi32, #tpu.memory_space<hbm>> -> memref<1x1x3200xi32, #tpu.memory_space<hbm>>
    %dma_wait3A_626 = tpu.memref_squeeze %dma_wait3A_625 : memref<1x1x3200xi32, #tpu.memory_space<hbm>> -> memref<3200xi32, #tpu.memory_space<hbm>>
    %dma_wait3A_627 = arith.constant 73600 : i32
    %dma_wait3A_628 = tpu.memref_slice %arg7[%dma_wait3A_627] : memref<102400xi32, #tpu.memory_space<vmem>> -> memref<3200xi32, #tpu.memory_space<vmem>>
    tpu.wait_dma2 semaphore(%arg8 : memref<!tpu.dma_semaphore, #tpu.memory_space<semaphore_mem>>) src(%dma_wait3A_628 : memref<3200xi32, #tpu.memory_space<vmem>>) dst(%dma_wait3A_626 : memref<3200xi32, #tpu.memory_space<hbm>>)
    %dma_wait3A_629 = arith.constant 24 : i32
    %dma_wait3A_630 = arith.constant 76800 : i32
    %dma_wait3A_631 = tpu.memref_slice %arg7[%dma_wait3A_630] : memref<102400xi32, #tpu.memory_space<vmem>> -> memref<3200xi32, #tpu.memory_space<vmem>>
    %dma_wait3A_632 = arith.constant 0 : i32
    %dma_wait3A_633 = tpu.memref_slice %arg4[%dma_wait3A_629, %add3A, %dma_wait3A_632] : memref<32x32x3200xi32, #tpu.memory_space<hbm>> -> memref<1x1x3200xi32, #tpu.memory_space<hbm>>
    %dma_wait3A_634 = tpu.memref_squeeze %dma_wait3A_633 : memref<1x1x3200xi32, #tpu.memory_space<hbm>> -> memref<3200xi32, #tpu.memory_space<hbm>>
    %dma_wait3A_635 = arith.constant 0 : i32
    %dma_wait3A_636 = tpu.memref_slice %arg4[%dma_wait3A_629, %add3A, %dma_wait3A_635] : memref<32x32x3200xi32, #tpu.memory_space<hbm>> -> memref<1x1x3200xi32, #tpu.memory_space<hbm>>
    %dma_wait3A_637 = tpu.memref_squeeze %dma_wait3A_636 : memref<1x1x3200xi32, #tpu.memory_space<hbm>> -> memref<3200xi32, #tpu.memory_space<hbm>>
    %dma_wait3A_638 = arith.constant 76800 : i32
    %dma_wait3A_639 = tpu.memref_slice %arg7[%dma_wait3A_638] : memref<102400xi32, #tpu.memory_space<vmem>> -> memref<3200xi32, #tpu.memory_space<vmem>>
    tpu.wait_dma2 semaphore(%arg8 : memref<!tpu.dma_semaphore, #tpu.memory_space<semaphore_mem>>) src(%dma_wait3A_639 : memref<3200xi32, #tpu.memory_space<vmem>>) dst(%dma_wait3A_637 : memref<3200xi32, #tpu.memory_space<hbm>>)
    %dma_wait3A_640 = arith.constant 25 : i32
    %dma_wait3A_641 = arith.constant 80000 : i32
    %dma_wait3A_642 = tpu.memref_slice %arg7[%dma_wait3A_641] : memref<102400xi32, #tpu.memory_space<vmem>> -> memref<3200xi32, #tpu.memory_space<vmem>>
    %dma_wait3A_643 = arith.constant 0 : i32
    %dma_wait3A_644 = tpu.memref_slice %arg4[%dma_wait3A_640, %add3A, %dma_wait3A_643] : memref<32x32x3200xi32, #tpu.memory_space<hbm>> -> memref<1x1x3200xi32, #tpu.memory_space<hbm>>
    %dma_wait3A_645 = tpu.memref_squeeze %dma_wait3A_644 : memref<1x1x3200xi32, #tpu.memory_space<hbm>> -> memref<3200xi32, #tpu.memory_space<hbm>>
    %dma_wait3A_646 = arith.constant 0 : i32
    %dma_wait3A_647 = tpu.memref_slice %arg4[%dma_wait3A_640, %add3A, %dma_wait3A_646] : memref<32x32x3200xi32, #tpu.memory_space<hbm>> -> memref<1x1x3200xi32, #tpu.memory_space<hbm>>
    %dma_wait3A_648 = tpu.memref_squeeze %dma_wait3A_647 : memref<1x1x3200xi32, #tpu.memory_space<hbm>> -> memref<3200xi32, #tpu.memory_space<hbm>>
    %dma_wait3A_649 = arith.constant 80000 : i32
    %dma_wait3A_650 = tpu.memref_slice %arg7[%dma_wait3A_649] : memref<102400xi32, #tpu.memory_space<vmem>> -> memref<3200xi32, #tpu.memory_space<vmem>>
    tpu.wait_dma2 semaphore(%arg8 : memref<!tpu.dma_semaphore, #tpu.memory_space<semaphore_mem>>) src(%dma_wait3A_650 : memref<3200xi32, #tpu.memory_space<vmem>>) dst(%dma_wait3A_648 : memref<3200xi32, #tpu.memory_space<hbm>>)
    %dma_wait3A_651 = arith.constant 26 : i32
    %dma_wait3A_652 = arith.constant 83200 : i32
    %dma_wait3A_653 = tpu.memref_slice %arg7[%dma_wait3A_652] : memref<102400xi32, #tpu.memory_space<vmem>> -> memref<3200xi32, #tpu.memory_space<vmem>>
    %dma_wait3A_654 = arith.constant 0 : i32
    %dma_wait3A_655 = tpu.memref_slice %arg4[%dma_wait3A_651, %add3A, %dma_wait3A_654] : memref<32x32x3200xi32, #tpu.memory_space<hbm>> -> memref<1x1x3200xi32, #tpu.memory_space<hbm>>
    %dma_wait3A_656 = tpu.memref_squeeze %dma_wait3A_655 : memref<1x1x3200xi32, #tpu.memory_space<hbm>> -> memref<3200xi32, #tpu.memory_space<hbm>>
    %dma_wait3A_657 = arith.constant 0 : i32
    %dma_wait3A_658 = tpu.memref_slice %arg4[%dma_wait3A_651, %add3A, %dma_wait3A_657] : memref<32x32x3200xi32, #tpu.memory_space<hbm>> -> memref<1x1x3200xi32, #tpu.memory_space<hbm>>
    %dma_wait3A_659 = tpu.memref_squeeze %dma_wait3A_658 : memref<1x1x3200xi32, #tpu.memory_space<hbm>> -> memref<3200xi32, #tpu.memory_space<hbm>>
    %dma_wait3A_660 = arith.constant 83200 : i32
    %dma_wait3A_661 = tpu.memref_slice %arg7[%dma_wait3A_660] : memref<102400xi32, #tpu.memory_space<vmem>> -> memref<3200xi32, #tpu.memory_space<vmem>>
    tpu.wait_dma2 semaphore(%arg8 : memref<!tpu.dma_semaphore, #tpu.memory_space<semaphore_mem>>) src(%dma_wait3A_661 : memref<3200xi32, #tpu.memory_space<vmem>>) dst(%dma_wait3A_659 : memref<3200xi32, #tpu.memory_space<hbm>>)
    %dma_wait3A_662 = arith.constant 27 : i32
    %dma_wait3A_663 = arith.constant 86400 : i32
    %dma_wait3A_664 = tpu.memref_slice %arg7[%dma_wait3A_663] : memref<102400xi32, #tpu.memory_space<vmem>> -> memref<3200xi32, #tpu.memory_space<vmem>>
    %dma_wait3A_665 = arith.constant 0 : i32
    %dma_wait3A_666 = tpu.memref_slice %arg4[%dma_wait3A_662, %add3A, %dma_wait3A_665] : memref<32x32x3200xi32, #tpu.memory_space<hbm>> -> memref<1x1x3200xi32, #tpu.memory_space<hbm>>
    %dma_wait3A_667 = tpu.memref_squeeze %dma_wait3A_666 : memref<1x1x3200xi32, #tpu.memory_space<hbm>> -> memref<3200xi32, #tpu.memory_space<hbm>>
    %dma_wait3A_668 = arith.constant 0 : i32
    %dma_wait3A_669 = tpu.memref_slice %arg4[%dma_wait3A_662, %add3A, %dma_wait3A_668] : memref<32x32x3200xi32, #tpu.memory_space<hbm>> -> memref<1x1x3200xi32, #tpu.memory_space<hbm>>
    %dma_wait3A_670 = tpu.memref_squeeze %dma_wait3A_669 : memref<1x1x3200xi32, #tpu.memory_space<hbm>> -> memref<3200xi32, #tpu.memory_space<hbm>>
    %dma_wait3A_671 = arith.constant 86400 : i32
    %dma_wait3A_672 = tpu.memref_slice %arg7[%dma_wait3A_671] : memref<102400xi32, #tpu.memory_space<vmem>> -> memref<3200xi32, #tpu.memory_space<vmem>>
    tpu.wait_dma2 semaphore(%arg8 : memref<!tpu.dma_semaphore, #tpu.memory_space<semaphore_mem>>) src(%dma_wait3A_672 : memref<3200xi32, #tpu.memory_space<vmem>>) dst(%dma_wait3A_670 : memref<3200xi32, #tpu.memory_space<hbm>>)
    %dma_wait3A_673 = arith.constant 28 : i32
    %dma_wait3A_674 = arith.constant 89600 : i32
    %dma_wait3A_675 = tpu.memref_slice %arg7[%dma_wait3A_674] : memref<102400xi32, #tpu.memory_space<vmem>> -> memref<3200xi32, #tpu.memory_space<vmem>>
    %dma_wait3A_676 = arith.constant 0 : i32
    %dma_wait3A_677 = tpu.memref_slice %arg4[%dma_wait3A_673, %add3A, %dma_wait3A_676] : memref<32x32x3200xi32, #tpu.memory_space<hbm>> -> memref<1x1x3200xi32, #tpu.memory_space<hbm>>
    %dma_wait3A_678 = tpu.memref_squeeze %dma_wait3A_677 : memref<1x1x3200xi32, #tpu.memory_space<hbm>> -> memref<3200xi32, #tpu.memory_space<hbm>>
    %dma_wait3A_679 = arith.constant 0 : i32
    %dma_wait3A_680 = tpu.memref_slice %arg4[%dma_wait3A_673, %add3A, %dma_wait3A_679] : memref<32x32x3200xi32, #tpu.memory_space<hbm>> -> memref<1x1x3200xi32, #tpu.memory_space<hbm>>
    %dma_wait3A_681 = tpu.memref_squeeze %dma_wait3A_680 : memref<1x1x3200xi32, #tpu.memory_space<hbm>> -> memref<3200xi32, #tpu.memory_space<hbm>>
    %dma_wait3A_682 = arith.constant 89600 : i32
    %dma_wait3A_683 = tpu.memref_slice %arg7[%dma_wait3A_682] : memref<102400xi32, #tpu.memory_space<vmem>> -> memref<3200xi32, #tpu.memory_space<vmem>>
    tpu.wait_dma2 semaphore(%arg8 : memref<!tpu.dma_semaphore, #tpu.memory_space<semaphore_mem>>) src(%dma_wait3A_683 : memref<3200xi32, #tpu.memory_space<vmem>>) dst(%dma_wait3A_681 : memref<3200xi32, #tpu.memory_space<hbm>>)
    %dma_wait3A_684 = arith.constant 29 : i32
    %dma_wait3A_685 = arith.constant 92800 : i32
    %dma_wait3A_686 = tpu.memref_slice %arg7[%dma_wait3A_685] : memref<102400xi32, #tpu.memory_space<vmem>> -> memref<3200xi32, #tpu.memory_space<vmem>>
    %dma_wait3A_687 = arith.constant 0 : i32
    %dma_wait3A_688 = tpu.memref_slice %arg4[%dma_wait3A_684, %add3A, %dma_wait3A_687] : memref<32x32x3200xi32, #tpu.memory_space<hbm>> -> memref<1x1x3200xi32, #tpu.memory_space<hbm>>
    %dma_wait3A_689 = tpu.memref_squeeze %dma_wait3A_688 : memref<1x1x3200xi32, #tpu.memory_space<hbm>> -> memref<3200xi32, #tpu.memory_space<hbm>>
    %dma_wait3A_690 = arith.constant 0 : i32
    %dma_wait3A_691 = tpu.memref_slice %arg4[%dma_wait3A_684, %add3A, %dma_wait3A_690] : memref<32x32x3200xi32, #tpu.memory_space<hbm>> -> memref<1x1x3200xi32, #tpu.memory_space<hbm>>
    %dma_wait3A_692 = tpu.memref_squeeze %dma_wait3A_691 : memref<1x1x3200xi32, #tpu.memory_space<hbm>> -> memref<3200xi32, #tpu.memory_space<hbm>>
    %dma_wait3A_693 = arith.constant 92800 : i32
    %dma_wait3A_694 = tpu.memref_slice %arg7[%dma_wait3A_693] : memref<102400xi32, #tpu.memory_space<vmem>> -> memref<3200xi32, #tpu.memory_space<vmem>>
    tpu.wait_dma2 semaphore(%arg8 : memref<!tpu.dma_semaphore, #tpu.memory_space<semaphore_mem>>) src(%dma_wait3A_694 : memref<3200xi32, #tpu.memory_space<vmem>>) dst(%dma_wait3A_692 : memref<3200xi32, #tpu.memory_space<hbm>>)
    %dma_wait3A_695 = arith.constant 30 : i32
    %dma_wait3A_696 = arith.constant 96000 : i32
    %dma_wait3A_697 = tpu.memref_slice %arg7[%dma_wait3A_696] : memref<102400xi32, #tpu.memory_space<vmem>> -> memref<3200xi32, #tpu.memory_space<vmem>>
    %dma_wait3A_698 = arith.constant 0 : i32
    %dma_wait3A_699 = tpu.memref_slice %arg4[%dma_wait3A_695, %add3A, %dma_wait3A_698] : memref<32x32x3200xi32, #tpu.memory_space<hbm>> -> memref<1x1x3200xi32, #tpu.memory_space<hbm>>
    %dma_wait3A_700 = tpu.memref_squeeze %dma_wait3A_699 : memref<1x1x3200xi32, #tpu.memory_space<hbm>> -> memref<3200xi32, #tpu.memory_space<hbm>>
    %dma_wait3A_701 = arith.constant 0 : i32
    %dma_wait3A_702 = tpu.memref_slice %arg4[%dma_wait3A_695, %add3A, %dma_wait3A_701] : memref<32x32x3200xi32, #tpu.memory_space<hbm>> -> memref<1x1x3200xi32, #tpu.memory_space<hbm>>
    %dma_wait3A_703 = tpu.memref_squeeze %dma_wait3A_702 : memref<1x1x3200xi32, #tpu.memory_space<hbm>> -> memref<3200xi32, #tpu.memory_space<hbm>>
    %dma_wait3A_704 = arith.constant 96000 : i32
    %dma_wait3A_705 = tpu.memref_slice %arg7[%dma_wait3A_704] : memref<102400xi32, #tpu.memory_space<vmem>> -> memref<3200xi32, #tpu.memory_space<vmem>>
    tpu.wait_dma2 semaphore(%arg8 : memref<!tpu.dma_semaphore, #tpu.memory_space<semaphore_mem>>) src(%dma_wait3A_705 : memref<3200xi32, #tpu.memory_space<vmem>>) dst(%dma_wait3A_703 : memref<3200xi32, #tpu.memory_space<hbm>>)
    %dma_wait3A_706 = arith.constant 31 : i32
    %dma_wait3A_707 = arith.constant 99200 : i32
    %dma_wait3A_708 = tpu.memref_slice %arg7[%dma_wait3A_707] : memref<102400xi32, #tpu.memory_space<vmem>> -> memref<3200xi32, #tpu.memory_space<vmem>>
    %dma_wait3A_709 = arith.constant 0 : i32
    %dma_wait3A_710 = tpu.memref_slice %arg4[%dma_wait3A_706, %add3A, %dma_wait3A_709] : memref<32x32x3200xi32, #tpu.memory_space<hbm>> -> memref<1x1x3200xi32, #tpu.memory_space<hbm>>
    %dma_wait3A_711 = tpu.memref_squeeze %dma_wait3A_710 : memref<1x1x3200xi32, #tpu.memory_space<hbm>> -> memref<3200xi32, #tpu.memory_space<hbm>>
    %dma_wait3A_712 = arith.constant 0 : i32
    %dma_wait3A_713 = tpu.memref_slice %arg4[%dma_wait3A_706, %add3A, %dma_wait3A_712] : memref<32x32x3200xi32, #tpu.memory_space<hbm>> -> memref<1x1x3200xi32, #tpu.memory_space<hbm>>
    %dma_wait3A_714 = tpu.memref_squeeze %dma_wait3A_713 : memref<1x1x3200xi32, #tpu.memory_space<hbm>> -> memref<3200xi32, #tpu.memory_space<hbm>>
    %dma_wait3A_715 = arith.constant 99200 : i32
    %dma_wait3A_716 = tpu.memref_slice %arg7[%dma_wait3A_715] : memref<102400xi32, #tpu.memory_space<vmem>> -> memref<3200xi32, #tpu.memory_space<vmem>>
    tpu.wait_dma2 semaphore(%arg8 : memref<!tpu.dma_semaphore, #tpu.memory_space<semaphore_mem>>) src(%dma_wait3A_716 : memref<3200xi32, #tpu.memory_space<vmem>>) dst(%dma_wait3A_714 : memref<3200xi32, #tpu.memory_space<hbm>>)
    return
  }
}

module attributes {stable_mosaic.version = 14 : i64} {
  func.func @_tc_pack_body(%arg0: i32, %arg1: memref<1000x256xf32, #tpu.memory_space<vmem>>, %arg2: memref<1000x128xi32, #tpu.memory_space<vmem>>) attributes {dimension_semantics = [#tpu.dimension_semantics<arbitrary>], iteration_bounds = array<i64: 50>, scalar_prefetch = 0 : i64, scratch_operands = 0 : i64, tpu.core_type = #tpu.core_type<tc>, window_params = [{transform_indices = @transform_0, window_bounds = array<i64: 1000, 256>}, {transform_indices = @transform_1, window_bounds = array<i64: 1000, 128>}]} {
    %get3A = arith.constant 0 : index
    %get3A_0 = arith.constant 0 : index
    %get3A_1 = vector.load %arg1[%get3A, %get3A_0] : memref<1000x256xf32, #tpu.memory_space<vmem>>, vector<1000x256xf32>
    %bitcast_convert_type3A = tpu.bitcast %get3A_1 : vector<1000x256xf32> -> vector<1000x256xi32>
    %add3A = arith.constant 32767 : i32
    %add3A_2 = vector.broadcast %add3A : i32 to vector<1000x256xi32>
    %add3A_3 = arith.addi %bitcast_convert_type3A, %add3A_2 : vector<1000x256xi32>
    %shift_right_logical3A = arith.constant 16 : i32
    %shift_right_logical3A_4 = vector.broadcast %shift_right_logical3A : i32 to vector<1000x256xi32>
    %shift_right_logical3A_5 = arith.shrui %bitcast_convert_type3A, %shift_right_logical3A_4 : vector<1000x256xi32>
    %and3A = arith.constant 1 : i32
    %and3A_6 = vector.broadcast %and3A : i32 to vector<1000x256xi32>
    %and3A_7 = arith.andi %shift_right_logical3A_5, %and3A_6 : vector<1000x256xi32>
    %add3A_8 = arith.addi %add3A_3, %and3A_7 : vector<1000x256xi32>
    %slice3A = vector.extract_strided_slice %add3A_8 {offsets = [0, 0], sizes = [1000, 128], strides = [1, 1]} : vector<1000x256xi32> to vector<1000x128xi32>
    %shift_right_logical3A_9 = arith.constant 16 : i32
    %shift_right_logical3A_10 = vector.broadcast %shift_right_logical3A_9 : i32 to vector<1000x128xi32>
    %shift_right_logical3A_11 = arith.shrui %slice3A, %shift_right_logical3A_10 : vector<1000x128xi32>
    %slice3A_12 = vector.extract_strided_slice %add3A_8 {offsets = [0, 128], sizes = [1000, 128], strides = [1, 1]} : vector<1000x256xi32> to vector<1000x128xi32>
    %and3A_13 = arith.constant -65536 : i32
    %and3A_14 = vector.broadcast %and3A_13 : i32 to vector<1000x128xi32>
    %and3A_15 = arith.andi %slice3A_12, %and3A_14 : vector<1000x128xi32>
    %or3A = arith.ori %shift_right_logical3A_11, %and3A_15 : vector<1000x128xi32>
    %swap3A = arith.constant 0 : index
    %swap3A_16 = arith.constant 0 : index
    %swap3A_17 = vector.load %arg2[%swap3A, %swap3A_16] : memref<1000x128xi32, #tpu.memory_space<vmem>>, vector<1000x128xi32>
    tpu.vector_store %arg2[%swap3A, %swap3A_16], %or3A {strides = array<i32>} : memref<1000x128xi32, #tpu.memory_space<vmem>>, vector<1000x128xi32>,
    return
  }
  func.func @transform_0(%arg0: i32) -> (i32, i32) {
    %c0_i32 = arith.constant 0 : i32
    %c0_i32_0 = arith.constant 0 : i32
    return %arg0, %c0_i32 : i32, i32
  }
  func.func @transform_1(%arg0: i32) -> (i32, i32) {
    %c0_i32 = arith.constant 0 : i32
    %c0_i32_0 = arith.constant 0 : i32
    return %arg0, %c0_i32 : i32, i32
  }
}

module attributes {stable_mosaic.version = 14 : i64} {
  func.func @_tc_mlp_body(%arg0: i32, %arg1: memref<800x256xf32, #tpu.memory_space<vmem>>, %arg2: memref<800x128xi32, #tpu.memory_space<vmem>>, %arg3: memref<800x1xi32, #tpu.memory_space<vmem>>, %arg4: memref<256x256xf32, #tpu.memory_space<vmem>>, %arg5: memref<256x256xf32, #tpu.memory_space<vmem>>, %arg6: memref<256x256xf32, #tpu.memory_space<vmem>>, %arg7: memref<1x256xf32, #tpu.memory_space<vmem>>, %arg8: memref<1x256xf32, #tpu.memory_space<vmem>>, %arg9: memref<800x256xf32, #tpu.memory_space<vmem>>) attributes {dimension_semantics = [#tpu.dimension_semantics<arbitrary>], iteration_bounds = array<i64: 125>, scalar_prefetch = 0 : i64, scratch_operands = 0 : i64, tpu.core_type = #tpu.core_type<tc>, window_params = [{transform_indices = @transform_0, window_bounds = array<i64: 800, 256>}, {transform_indices = @transform_1, window_bounds = array<i64: 800, 128>}, {transform_indices = @transform_2, window_bounds = array<i64: 800, 1>}, {pipeline_mode = #tpu.pipeline_mode<synchronous>, transform_indices = @transform_3, window_bounds = array<i64: 256, 256>}, {pipeline_mode = #tpu.pipeline_mode<synchronous>, transform_indices = @transform_4, window_bounds = array<i64: 256, 256>}, {pipeline_mode = #tpu.pipeline_mode<synchronous>, transform_indices = @transform_5, window_bounds = array<i64: 256, 256>}, {pipeline_mode = #tpu.pipeline_mode<synchronous>, transform_indices = @transform_6, window_bounds = array<i64: 1, 256>}, {pipeline_mode = #tpu.pipeline_mode<synchronous>, transform_indices = @transform_7, window_bounds = array<i64: 1, 256>}, {transform_indices = @transform_8, window_bounds = array<i64: 800, 256>}]} {
    %get3A = arith.constant 0 : index
    %get3A_0 = arith.constant 0 : index
    %get3A_1 = vector.load %arg1[%get3A, %get3A_0] : memref<800x256xf32, #tpu.memory_space<vmem>>, vector<800x256xf32>
    %get3A_2 = arith.constant 0 : index
    %get3A_3 = arith.constant 0 : index
    %get3A_4 = vector.load %arg2[%get3A_2, %get3A_3] : memref<800x128xi32, #tpu.memory_space<vmem>>, vector<800x128xi32>
    %shift_left3A = arith.constant 16 : i32
    %shift_left3A_5 = vector.broadcast %shift_left3A : i32 to vector<800x128xi32>
    %shift_left3A_6 = arith.shli %get3A_4, %shift_left3A_5 : vector<800x128xi32>
    %bitcast_convert_type3A = tpu.bitcast %shift_left3A_6 : vector<800x128xi32> -> vector<800x128xf32>
    %and3A = arith.constant -65536 : i32
    %and3A_7 = vector.broadcast %and3A : i32 to vector<800x128xi32>
    %and3A_8 = arith.andi %get3A_4, %and3A_7 : vector<800x128xi32>
    %bitcast_convert_type3A_9 = tpu.bitcast %and3A_8 : vector<800x128xi32> -> vector<800x128xf32>
    %concatenate3A = tpu.concatenate %bitcast_convert_type3A, %bitcast_convert_type3A_9 in 1 : vector<800x128xf32>, vector<800x128xf32> -> vector<800x256xf32>
    %get3A_10 = arith.constant 0 : index
    %get3A_11 = arith.constant 0 : index
    %get3A_12 = vector.load %arg4[%get3A_10, %get3A_11] : memref<256x256xf32, #tpu.memory_space<vmem>>, vector<256x256xf32>
    %dot_general3A = arith.constant dense<0.000000e+00> : vector<800x256xf32>
    %dot_general3A_13 = tpu.matmul %concatenate3A, %get3A_12, %dot_general3A {dimension_numbers = #tpu.dot_dimension_numbers<[1], [0], [0], [1], [0, 0, 1, 1], [], []>, transpose_lhs_hint = false} : vector<800x256xf32>, vector<256x256xf32>, vector<800x256xf32> -> vector<800x256xf32>
    %get3A_14 = arith.constant 0 : index
    %get3A_15 = arith.constant 0 : index
    %get3A_16 = vector.load %arg7[%get3A_14, %get3A_15] : memref<1x256xf32, #tpu.memory_space<vmem>>, vector<1x256xf32>
    %add3A = vector.broadcast %get3A_16 : vector<1x256xf32> to vector<800x256xf32>
    %add3A_17 = arith.addf %dot_general3A_13, %add3A : vector<800x256xf32>
    %max3A = arith.constant 0.000000e+00 : f32
    %max3A_18 = vector.broadcast %max3A : f32 to vector<800x256xf32>
    %max3A_19 = arith.maximumf %add3A_17, %max3A_18 : vector<800x256xf32>
    %get3A_20 = arith.constant 0 : index
    %get3A_21 = arith.constant 0 : index
    %get3A_22 = vector.load %arg5[%get3A_20, %get3A_21] : memref<256x256xf32, #tpu.memory_space<vmem>>, vector<256x256xf32>
    %dot_general3A_23 = arith.constant dense<0.000000e+00> : vector<800x256xf32>
    %dot_general3A_24 = tpu.matmul %get3A_1, %get3A_22, %dot_general3A_23 {dimension_numbers = #tpu.dot_dimension_numbers<[1], [0], [0], [1], [0, 0, 1, 1], [], []>, transpose_lhs_hint = false} : vector<800x256xf32>, vector<256x256xf32>, vector<800x256xf32> -> vector<800x256xf32>
    %get3A_25 = arith.constant 0 : index
    %get3A_26 = arith.constant 0 : index
    %get3A_27 = vector.load %arg6[%get3A_25, %get3A_26] : memref<256x256xf32, #tpu.memory_space<vmem>>, vector<256x256xf32>
    %dot_general3A_28 = arith.constant dense<0.000000e+00> : vector<800x256xf32>
    %dot_general3A_29 = tpu.matmul %max3A_19, %get3A_27, %dot_general3A_28 {dimension_numbers = #tpu.dot_dimension_numbers<[1], [0], [0], [1], [0, 0, 1, 1], [], []>, transpose_lhs_hint = false} : vector<800x256xf32>, vector<256x256xf32>, vector<800x256xf32> -> vector<800x256xf32>
    %add3A_30 = arith.addf %dot_general3A_24, %dot_general3A_29 : vector<800x256xf32>
    %get3A_31 = arith.constant 0 : index
    %get3A_32 = arith.constant 0 : index
    %get3A_33 = vector.load %arg8[%get3A_31, %get3A_32] : memref<1x256xf32, #tpu.memory_space<vmem>>, vector<1x256xf32>
    %add3A_34 = vector.broadcast %get3A_33 : vector<1x256xf32> to vector<800x256xf32>
    %add3A_35 = arith.addf %add3A_30, %add3A_34 : vector<800x256xf32>
    %logistic3A = arith.negf %add3A_35 : vector<800x256xf32>
    %logistic3A_36 = math.exp %logistic3A : vector<800x256xf32>
    %logistic3A_37 = arith.constant 1.000000e+00 : f32
    %logistic3A_38 = vector.broadcast %logistic3A_37 : f32 to vector<800x256xf32>
    %logistic3A_39 = arith.addf %logistic3A_38, %logistic3A_36 : vector<800x256xf32>
    %logistic3A_40 = arith.divf %logistic3A_38, %logistic3A_39 : vector<800x256xf32>
    %mul3A = arith.mulf %logistic3A_40, %get3A_1 : vector<800x256xf32>
    %sub3A = arith.constant 1.000000e+00 : f32
    %sub3A_41 = vector.broadcast %sub3A : f32 to vector<800x256xf32>
    %sub3A_42 = arith.subf %sub3A_41, %logistic3A_40 : vector<800x256xf32>
    %mul3A_43 = arith.mulf %sub3A_42, %max3A_19 : vector<800x256xf32>
    %add3A_44 = arith.addf %mul3A, %mul3A_43 : vector<800x256xf32>
    %get3A_45 = arith.constant 0 : index
    %get3A_46 = arith.constant 0 : index
    %get3A_47 = vector.load %arg3[%get3A_45, %get3A_46] : memref<800x1xi32, #tpu.memory_space<vmem>>, vector<800x1xi32>
    %ge3A = arith.constant 0 : i32
    %ge3A_48 = vector.broadcast %ge3A : i32 to vector<800x1xi32>
    %ge3A_49 = arith.cmpi sge, %get3A_47, %ge3A_48 : vector<800x1xi32>
    %broadcast_in_dim3A = vector.shape_cast %ge3A_49 : vector<800x1xi1> to vector<800x1xi1>
    %broadcast_in_dim3A_50 = vector.broadcast %broadcast_in_dim3A : vector<800x1xi1> to vector<800x256xi1>
    %select_n3A = arith.select %broadcast_in_dim3A_50, %add3A_44, %get3A_1 : vector<800x256xi1>, vector<800x256xf32>
    %swap3A = arith.constant 0 : index
    %swap3A_51 = arith.constant 0 : index
    %swap3A_52 = vector.load %arg9[%swap3A, %swap3A_51] : memref<800x256xf32, #tpu.memory_space<vmem>>, vector<800x256xf32>
    tpu.vector_store %arg9[%swap3A, %swap3A_51], %select_n3A {strides = array<i32>} : memref<800x256xf32, #tpu.memory_space<vmem>>, vector<800x256xf32>,
    return
  }
  func.func @transform_0(%arg0: i32) -> (i32, i32) {
    %c0_i32 = arith.constant 0 : i32
    %c0_i32_0 = arith.constant 0 : i32
    return %arg0, %c0_i32 : i32, i32
  }
  func.func @transform_1(%arg0: i32) -> (i32, i32) {
    %c0_i32 = arith.constant 0 : i32
    %c0_i32_0 = arith.constant 0 : i32
    return %arg0, %c0_i32 : i32, i32
  }
  func.func @transform_2(%arg0: i32) -> (i32, i32) {
    %c0_i32 = arith.constant 0 : i32
    %c0_i32_0 = arith.constant 0 : i32
    return %arg0, %c0_i32 : i32, i32
  }
  func.func @transform_3(%arg0: i32) -> (i32, i32) {
    %c0_i32 = arith.constant 0 : i32
    %c0_i32_0 = arith.constant 0 : i32
    %c0_i32_1 = arith.constant 0 : i32
    return %c0_i32, %c0_i32_0 : i32, i32
  }
  func.func @transform_4(%arg0: i32) -> (i32, i32) {
    %c0_i32 = arith.constant 0 : i32
    %c0_i32_0 = arith.constant 0 : i32
    %c0_i32_1 = arith.constant 0 : i32
    return %c0_i32, %c0_i32_0 : i32, i32
  }
  func.func @transform_5(%arg0: i32) -> (i32, i32) {
    %c0_i32 = arith.constant 0 : i32
    %c0_i32_0 = arith.constant 0 : i32
    %c0_i32_1 = arith.constant 0 : i32
    return %c0_i32, %c0_i32_0 : i32, i32
  }
  func.func @transform_6(%arg0: i32) -> (i32, i32) {
    %c0_i32 = arith.constant 0 : i32
    %c0_i32_0 = arith.constant 0 : i32
    %c0_i32_1 = arith.constant 0 : i32
    return %c0_i32, %c0_i32_0 : i32, i32
  }
  func.func @transform_7(%arg0: i32) -> (i32, i32) {
    %c0_i32 = arith.constant 0 : i32
    %c0_i32_0 = arith.constant 0 : i32
    %c0_i32_1 = arith.constant 0 : i32
    return %c0_i32, %c0_i32_0 : i32, i32
  }
  func.func @transform_8(%arg0: i32) -> (i32, i32) {
    %c0_i32 = arith.constant 0 : i32
    %c0_i32_0 = arith.constant 0 : i32
    return %arg0, %c0_i32 : i32, i32
  }
}

</mosaic_0001>

<sc_bundles>
// kernel: kernel.10.cloned.1.call-start
scs
__scs_entry_jumppad:
0x0: {  	(pc) =	sbr.rel $0x88, $3  }
0x1: {  	(tag) =	ssettag $0x0;
	lr =	simm.s32 $0x1  }
0x2: {  	[smem:$0x3F99] =	sst lr;
	_ =	strace $0xD0000000  }
0x3: {  	_ = 	snop  }
0x4: {  	_ = 	snop  }
0x5: {  	_ = 	snop  }
0x6: {  	_ = 	snop  }
0x7: {  	_ = 	snop  }
__scs_overlays_trampoline_lowered:
0x8: {  	[smem:$0x3FA8] =	sst s0  }
0x9: {  	[smem:$0x3FA9] =	sst s1  }
0xa: {  	[smem:$0x3FAA] =	sst s2  }
0xb: {  	[smem:$0x3FAB] =	sst s3  }
0xc: {  	[smem:$0x3FAC] =	sst s4  }
0xd: {  	[smem:$0x3FAD] =	sst s5  }
0xe: {  	[smem:$0x3FAE] =	sst s6  }
0xf: {  	[smem:$0x3FAF] =	sst s7  }
0x10: {  	[smem:$0x3FB0] =	sst s8  }
0x11: {  	[smem:$0x3FB1] =	sst s9;
	s0 =	simm.s32 @!p0 $0x0  }
0x12: {  	s1 =	sld [smem:$0x3F97];
	s0 =	simm.s32 @p0 $0x1  }
0x13: {  	[smem:$0x3FB2] =	sst s0;
	s0 =	simm.s32 @!p1 $0x0  }
0x14: {  	s2 =	sld [smem:$0x3F96];
	s0 =	simm.s32 @p1 $0x1  }
0x15: {  	[smem:$0x3FB3] =	sst s0;
	s0 =	simm.s32 @!p2 $0x0  }
0x16: {  	s3 =	sld [smem:$0x3FDB];
	s0 =	simm.s32 @p2 $0x1  }
0x17: {  	s4 =	simm.s32 $0x1BF5;
	[smem:$0x3FB5] =	sst s0  }
0x18: {  	s0 =	sld [smem:$0x3F98];
	_ =	swait.ge [sflag:s4], $0x0  }
0x19: {  	s7 =	sld [smem:$0x3F99]  }
0x1a: {  	s8 =	sadd.s32 $0xFFFFE003, lr  }
0x1b: {  	s9 =	sadd.s32 $0xFFFFFEF7, lr;
	s5 =	simm.s32 $0xFFFFFFFF;
	p2 =	slt.u32 s8, $0xFFFFF086  }
0x1c: {  	p1 =	slt.u32 s9, $0xF7A;
	s5 =	simm.s32 @!p2 $0x0  }
0x1d: {  	s5 =	simm.s32 @p1 $0x1;
	p0 =	seq.s32 s7, s2  }
0x1e: {  	s7 =	smul.u32 @!p0 $0xF7A, s2;
	p2 =	seq.s32 @!p0 s5, $0x0  }
0x1f: {  	s9 =	smul.u32 $0xF7A, s1;
	s8 =	simm.s32 @!p0 $0x1BF5;
	p2 =	por !p2, p0  }
0x20: {  	[sflag:s8] =	ssyncset.s32 @!p0 $0xFFFFF086;
	s6 =	sadd.s32 @!p0 s3, s7;
	s7 =	simm.s32 @!p0 $0x108  }
0x21: {  	s3 =	sadd.s32 s3, s9;
	s6 =	sadd.s32 @!p0 $0x88, s6;
	s7 =	simm.s32 @p2 $0x1082  }
0x22: {  	[simem:s7], [sflag:s8] =	dma.local @!p0 [hbm:s6], $0xF7A  }
0x23: {  	s9 =	sor.u32 $0xD0000000, s2;
	s6 =	simm.s32 $0x108;
	_ =	swait.ge @!p0 [sflag:s8], $0x0  }
0x24: {  	s3 =	sadd.s32 $0x88, s3;
	s6 =	simm.s32 @!p1 $0x1082;
	[sflag:s4] =	ssyncset.s32 $0xFFFFF086  }
0x25: {  	[simem:s6], [sflag:s4] =	dma.local [hbm:s3], $0xF7A  }
0x26: {  	[smem:$0x3F99] =	sst s1;
	(tag) =	ssettag s2;
	_ =	strace s9  }
0x27: {  	s1 =	sld [smem:$0x3FA9]  }
0x28: {  	s2 =	sld [smem:$0x3FAA]  }
0x29: {  	s4 =	sld [smem:$0x3FAC]  }
0x2a: {  	p0 =	seq.s32 s5, $0x0;
	s5 =	sld [smem:$0x3FAD]  }
0x2b: {  	s6 =	sld [smem:$0x3FAE]  }
0x2c: {  	s7 =	sld [smem:$0x3FAF]  }
0x2d: {  	s3 =	simm.s32 $0x108;
	s8 =	sld [smem:$0x3FB0]  }
0x2e: {  	s3 =	simm.s32 @!p0 $0x1082;
	s9 =	sld [smem:$0x3FB1]  }
0x2f: {  	lr =	sadd.s32 s0, s3;
	s0 =	sld [smem:$0x3FA8]  }
0x30: {  	s3 =	sld [smem:$0x3FAB]  }
0x31: {  	[smem:$0x3FB4] =	sst s10  }
0x32: {  	s10 =	sld [smem:$0x3FB2];
	_ =	sdelay $0x3  }
0x33: {  	p0 =	seq.s32 s10, $0x1;
	s10 =	sld [smem:$0x3FB4];
	_ =	sdelay $0x3  }
0x34: {  	[smem:$0x3FB4] =	sst s10  }
0x35: {  	s10 =	sld [smem:$0x3FB3];
	_ =	sdelay $0x3  }
0x36: {  	p1 =	seq.s32 s10, $0x1;
	s10 =	sld [smem:$0x3FB4];
	_ =	sdelay $0x3  }
0x37: {  	[smem:$0x3FB4] =	sst s10  }
0x38: {  	s10 =	sld [smem:$0x3FB5]  }
0x39: {  	_ = 	snop;
	(pc) =	sbr.ind lr, $3  }
0x3a: {  	_ = 	snop  }
0x3b: {  	_ = 	snop  }
0x3c: {  	p2 =	seq.s32 s10, $0x1;
	s10 =	sld [smem:$0x3FB4]  }
0x3d: {  	_ =	shalt  }
0x3e: {  	_ =	shalt  }
0x3f: {  	_ =	shalt  }
0x40: {  	_ =	shalt  }
0x41: {  	_ =	shalt  }
0x42: {  	_ =	shalt  }
0x43: {  	_ =	shalt  }
0x44: {  	_ =	shalt  }
0x45: {  	_ =	shalt  }
0x46: {  	_ =	shalt  }
0x47: {  	_ =	shalt  }
0x48: {  	_ =	shalt  }
0x49: {  	_ =	shalt  }
0x4a: {  	_ =	shalt  }
0x4b: {  	_ =	shalt  }
0x4c: {  	_ =	shalt  }
0x4d: {  	_ =	shalt  }
0x4e: {  	_ =	shalt  }
0x4f: {  	_ =	shalt  }
0x50: {  	_ =	shalt  }
0x51: {  	_ =	shalt  }
0x52: {  	_ =	shalt  }
0x53: {  	_ =	shalt  }
0x54: {  	_ =	shalt  }
0x55: {  	_ =	shalt  }
0x56: {  	_ =	shalt  }
0x57: {  	_ =	shalt  }
0x58: {  	_ =	shalt  }
0x59: {  	_ =	shalt  }
0x5a: {  	_ =	shalt  }
0x5b: {  	_ =	shalt  }
0x5c: {  	_ =	shalt  }
0x5d: {  	_ =	shalt  }
0x5e: {  	_ =	shalt  }
0x5f: {  	_ =	shalt  }
0x60: {  	_ =	shalt  }
0x61: {  	_ =	shalt  }
0x62: {  	_ =	shalt  }
0x63: {  	_ =	shalt  }
0x64: {  	_ =	shalt  }
0x65: {  	_ =	shalt  }
0x66: {  	_ =	shalt  }
0x67: {  	_ =	shalt  }
0x68: {  	_ =	shalt  }
0x69: {  	_ =	shalt  }
0x6a: {  	_ =	shalt  }
0x6b: {  	_ =	shalt  }
0x6c: {  	_ =	shalt  }
0x6d: {  	_ =	shalt  }
0x6e: {  	_ =	shalt  }
0x6f: {  	_ =	shalt  }
0x70: {  	_ =	shalt  }
0x71: {  	_ =	shalt  }
0x72: {  	_ =	shalt  }
0x73: {  	_ =	shalt  }
0x74: {  	_ =	shalt  }
0x75: {  	_ =	shalt  }
0x76: {  	_ =	shalt  }
0x77: {  	_ =	shalt  }
0x78: {  	_ =	shalt  }
0x79: {  	_ =	shalt  }
0x7a: {  	_ =	shalt  }
0x7b: {  	_ =	shalt  }
0x7c: {  	_ =	shalt  }
0x7d: {  	_ =	shalt  }
0x7e: {  	_ =	shalt  }
0x7f: {  	_ =	shalt  }
0x80: {  	_ =	shalt  }
0x81: {  	_ =	shalt  }
0x82: {  	_ =	shalt  }
0x83: {  	_ =	shalt  }
0x84: {  	_ =	shalt  }
0x85: {  	_ =	shalt  }
0x86: {  	_ =	shalt  }
0x87: {  	_ =	shalt  }
.Lfunc_end0:
.L_simem_size_0:
called_computation.1_lowered:
.L_overlay_start_0:
0x88: {  	s2 =	sld [smem:$0x3FD9]  }
0x89: {  	s3 =	sld [smem:$0x3FFE];
	_ =	sdelay $0x1  }
0x8a: {  	s1 =	srdreg.scid  }
0x8b: {  	s0 =	sand.u32 $0x1, s1  }
0x8c: {  	s16 =	sshll.u32 s0, $0xA;
	s2 =	sadd.s32 s3, s2  }
0x8d: {  	s2 =	sadd.s32 s2, s16  }
0x8e: {  	[smem:$0x3FC0] =	sst s2  }
0x8f: {  	_ = 	snop  }
0x90: {  	(tm) =	ssettm $0x1  }
0x91: {  	s17 =	sld [smem:$0x3FFB];
	_ =	sdelay $0x3  }
0x92: {  	_ =	strace s17  }
0x93: {  	s2 =	sld [smem:$0x3FFC];
	_ =	sdelay $0x3  }
0x94: {  	_ =	strace s2  }
0x95: {  	s2 =	sld [smem:$0x3FFD];
	_ =	sdelay $0x3  }
0x96: {  	_ =	strace s2  }
0x97: {  	_ =	strace $0x8FFFFFFF  }
0x98: {  	s18 =	sld [smem:$0x3FDB];
	_ =	sdelay $0x1  }
0x99: {  	s19 =	simm.s32 $_scs_section_size  }
0x9a: {  	s4 =	simm.s32 $_size__tile_overlayer_lowered;
	s5 =	simm.s32 $_tile_overlayer_lowered  }
0x9b: {  	s22 =	simm.s32 $0x1BFF;
	s21 =	sshll.u32 s5, $0x1;
	s2 =	sadd.s32 s19, s18  }
0x9c: {  	s6 =	simm.s32 $0x0;
	s20 =	sshll.u32 s4, $0x1;
	s4 =	sadd.s32 s21, s2  }
0x9d: {  	[timem:s6], [sflag:s22] =	dma.local [hbm:s4], s20  }
0x9e: {  	_ =	swait.ge [sflag:s22], s20  }
0x9f: {  	s3 =	ssub.s32 $0x0, s20;
	[sflag:s22] =	ssyncset.done $0x0  }
0xa0: {  	[sflag:s22] =	ssyncadd.s32 s3;
	_ =	sdelay $0x1  }
0xa1: {  	s23 =	simm.s32 $0x1B8B  }
0xa2: {  	_ =	swait.ge [sflag:s23], $0x1  }
0xa3: {  	[sflag:s23] =	ssyncset.done $0x0  }
0xa4: {  	s25 =	simm.s32 $0x1B8E;
	s24 =	sld [smem:$0x3FFE];
	[sflag:s23] =	ssyncadd.s32 $0xFFFFFFFF  }
0xa5: {  	s26 =	simm.s32 $execute0_lowered;
	[smem:$0x3FD2] =	sst s25  }
0xa6: {  	s4 =	sshll.u32 s26, $0x1;
	_ =	strace $0x80000049;
	[dreg:$0x1] =	wrdreg $0xFFFFFFFF  }
0xa7: {  	s28 =	simm.s32 $_size_execute0_lowered;
	s2 =	sadd.s32 s2, s4;
	[dreg:$0x0] =	wrdreg $0x0  }
0xa8: {  	s4 =	sshll.u32 s28, $0x1;
	[dreg:$0x2] =	wrdreg s2  }
0xa9: {  	[dreg:$0x3] =	wrdreg s4  }
0xaa: {  	[dreg:$0x4] =	wrdreg $0xC0  }
0xab: {  	_ =	task [dreg:s6], $0x5FFFF  }
0xac: {  	[dreg:$0x1] =	wrdreg $0xFFFFFFFF  }
0xad: {  	[dreg:$0x0] =	wrdreg $0x60  }
0xae: {  	[dreg:$0x2] =	wrdreg s24  }
0xaf: {  	[dreg:$0x3] =	wrdreg $0x9  }
0xb0: {  	_ =	task.clear_ibuf [dreg:s6], $0x4FFFF;
	_ =	strace $0x90000049  }
0xb1: {  	s29 =	simm.s32 $0x9;
	_ =	strace $0x8000004B  }
0xb2: {  	_ =	swait.ge [sflag:s29], $0x1  }
0xb3: {  	[sflag:s29] =	ssyncadd.s32 $0xFFFFFFFF  }
0xb4: {  	_ =	strace $0x9000004B  }
0xb5: {  	_ =	sfence  }
0xb6: {  	s30 =	sld [smem:$0x0];
	_ =	sdelay $0x2  }
0xb7: {  	s31 =	sshll.u32 s1, $0xD;
	s1 =	sshrl.u32 s1, $0x2  }
0xb8: {  	s3 =	sand.u32 $0x4000, s31;
	s1 =	sadd.s32 s1, s30  }
0xb9: {  	s0 =	sor.u32 s3, s0;
	s1 =	sshll.u32 s1, $0x11  }
0xba: {  	s0 =	sor.u32 s1, s0  }
0xbb: {  	s0 =	sadd.s32 $0x8F2B, s0  }
0xbc: {  	[sflag:s0] =	ssyncadd.remote.s32 $0x1  }
0xbd: {  	_ =	sfence.sel $0xFFFF  }
0xbe: {  	[dreg:$0x0] =	wrdreg $0xFFFFFFFF;
	(pc) =	sbr.abs _section_cstart, $3  }
0xbf: {  	[dreg:$0x1] =	wrdreg $0xFFFFFFFF  }
0xc0: {  	_ =	task.clear_ibuf [dreg:s6], $0x2FFFF;
	_ =	strace $0x9FFFFFFF  }
0xc1: {  	(tm) =	ssettm $0x7FFFFFFF  }
tec
execute0_lowered:
.L_overlay_start_1:
0x0: {  	(tag) =	ssettag $0x1  }
0x1: {  	s1 =	srdreg.scid;
	s0 =	stileid.u32  }
0x2: {  	s4 =	rddreg [dreg:$0x0];
	s3 =	sand.u32 $0x1, s1;
	s30 =	sshll.u32 s0, $0x1  }
0x3: {  	s2 =	simm.s32 $0x0;
	s10 =	simm.s32 $0x19C80;
	s5 =	sor.u32 s3, s30  }
0x4: {  	s11 =	simm.s32 $0x0;
	s1 =	rddreg [dreg:$0x1];
	s6 =	smul.u32 $0x3200, s5  }
0x5: {  	[smem:$0x7FF] =	sst s2;
	s7 =	ssub.s32 $0x2, s3;
	s5 =	smul.u32 $0xC80, s5  }
0x6: {  	s9 =	smul.u32 $0x1900, s0;
	_ =	strace $0x8000004A;
	s8 =	sshrl.u32 s7, $0x1  }
0x7: {  	s31 =	smul.u32 $0xC80, s3;
	s7 =	ssub.s32 s7, s8;
	s5 =	sshrl.u32 s5, $0x3  }
0x8: {  	s8 =	simm.s32 $0x1;
	s6 =	sadd.s32 s6, s4;
	s5 =	sadd.s32 s5, s4  }
0x9: {  	s3 =	sadd.s32 $0x8000, s6;
	s6 =	smax.u32 s7, $0x1;
	s7 =	sadd.s32 s31, s9  }
0xa: {  	v0 =	vlaneseq.u32;
	s9 =	simm.s32 $0x19000;
	s4 =	sadd.s32 $0x1E00, s5;
	s5 =	sadd.s32 $0x6C000, s5  }
.LBB2_1:
0xb: {  	[tilespmem:s2], [sflag:$0x1] =	stream.linear.gather [hbm4b:s3+s2], $0x19000, $0x38;
	[tilespmem:$0x1A900] =	vst v63  }
0xc: {  	_ =	swait.ge [sflag:s8], $0x19000  }
0xd: {  	s12 =	sand.u32 $0x70, s2;
	s13 =	sand.u32 $0x7C00, s2;
	[sflag:s8] =	ssyncset.done $0x0  }
0xe: {  	s12 =	sor.u32 s12, s13;
	[sflag:s8] =	ssyncadd.s32 $0xFFFE7000  }
0xf: {  	v1 =	vld [tilespmem:s12+$0x0]  }
0x10: {  	v2 =	vld [tilespmem:s12+$0x80]  }
0x11: {  	v3 =	vld [tilespmem:s12+$0x100]  }
0x12: {  	v4 =	vld [tilespmem:s12+$0x180]  }
0x13: {  	v5 =	vld [tilespmem:s12+$0x200]  }
0x14: {  	v6 =	vld [tilespmem:s12+$0x280]  }
0x15: {  	v7 =	vld [tilespmem:s12+$0x300];
	vm0 =	vlt.s32 v2, $0x0  }
0x16: {  	vm10 =	vlt.s32 v3, $0x0;
	v1 =	vsel vm0, v1, v2;
	v2 =	vld [tilespmem:s12+$0x380]  }
0x17: {  	vm11 =	vlt.s32 v4, $0x0;
	v1 =	vsel vm10, v1, v3;
	v3 =	vld [tilespmem:s12+$0x6400]  }
0x18: {  	v48 =	vld [tilespmem:s12+$0x6480];
	vm12 =	vlt.s32 v5, $0x0;
	v1 =	vsel vm11, v1, v4  }
0x19: {  	v49 =	vld [tilespmem:s12+$0x6500];
	vm13 =	vlt.s32 v6, $0x0;
	v1 =	vsel vm12, v1, v5  }
0x1a: {  	v50 =	vld [tilespmem:s12+$0x6580];
	vm14 =	vlt.s32 v7, $0x0;
	v1 =	vsel vm13, v1, v6  }
0x1b: {  	v51 =	vld [tilespmem:s12+$0x6600];
	v1 =	vsel vm14, v1, v7;
	vm15 =	vlt.s32 v2, $0x0  }
0x1c: {  	v1 =	vsel vm15, v1, v2;
	vm4 =	vlt.s32 v3, $0x0;
	v2 =	vld [tilespmem:s12+$0x6680]  }
0x1d: {  	vm5 =	vlt.s32 v48, $0x0;
	v1 =	vsel vm4, v1, v3;
	v3 =	vld [tilespmem:s12+$0x6700]  }
0x1e: {  	v52 =	vld [tilespmem:s12+$0x6780];
	vm6 =	vlt.s32 v49, $0x0;
	v1 =	vsel vm5, v1, v48  }
0x1f: {  	v53 =	vld [tilespmem:s12+$0xC800];
	vm7 =	vlt.s32 v50, $0x0;
	v1 =	vsel vm6, v1, v49  }
0x20: {  	v54 =	vld [tilespmem:s12+$0xC880];
	vm8 =	vlt.s32 v51, $0x0;
	v1 =	vsel vm7, v1, v50  }
0x21: {  	v55 =	vld [tilespmem:s12+$0xC900];
	v1 =	vsel vm8, v1, v51;
	vm9 =	vlt.s32 v2, $0x0  }
0x22: {  	v1 =	vsel vm9, v1, v2;
	vm10 =	vlt.s32 v3, $0x0;
	v2 =	vld [tilespmem:s12+$0xC980]  }
0x23: {  	vm11 =	vlt.s32 v52, $0x0;
	v1 =	vsel vm10, v1, v3;
	v3 =	vld [tilespmem:s12+$0xCA00]  }
0x24: {  	v56 =	vld [tilespmem:s12+$0xCA80];
	vm12 =	vlt.s32 v53, $0x0;
	v1 =	vsel vm11, v1, v52  }
0x25: {  	v57 =	vld [tilespmem:s12+$0xCB00];
	vm13 =	vlt.s32 v54, $0x0;
	v1 =	vsel vm12, v1, v53  }
0x26: {  	v58 =	vld [tilespmem:s12+$0xCB80];
	vm14 =	vlt.s32 v55, $0x0;
	v1 =	vsel vm13, v1, v54  }
0x27: {  	v59 =	vld [tilespmem:s12+$0x12C00];
	v1 =	vsel vm14, v1, v55;
	vm15 =	vlt.s32 v2, $0x0  }
0x28: {  	v1 =	vsel vm15, v1, v2;
	vm4 =	vlt.s32 v3, $0x0;
	v2 =	vld [tilespmem:s12+$0x12C80]  }
0x29: {  	vm5 =	vlt.s32 v56, $0x0;
	v1 =	vsel vm4, v1, v3;
	v3 =	vld [tilespmem:s12+$0x12D00]  }
0x2a: {  	v60 =	vld [tilespmem:s12+$0x12D80];
	vm6 =	vlt.s32 v57, $0x0;
	v1 =	vsel vm5, v1, v56  }
0x2b: {  	v61 =	vld [tilespmem:s12+$0x12E00];
	vm7 =	vlt.s32 v58, $0x0;
	v1 =	vsel vm6, v1, v57  }
0x2c: {  	v62 =	vld [tilespmem:s12+$0x12E80];
	vm8 =	vlt.s32 v59, $0x0;
	v1 =	vsel vm7, v1, v58  }
0x2d: {  	v63 =	vld [tilespmem:s12+$0x12F00];
	v1 =	vsel vm8, v1, v59;
	vm9 =	vlt.s32 v2, $0x0  }
0x2e: {  	v1 =	vsel vm9, v1, v2;
	vm10 =	vlt.s32 v3, $0x0;
	v2 =	vld [tilespmem:s12+$0x12F80]  }
0x2f: {  	vm11 =	vlt.s32 v60, $0x0;
	v1 =	vsel vm10, v1, v3  }
0x30: {  	vm12 =	vlt.s32 v61, $0x0;
	v1 =	vsel vm11, v1, v60  }
0x31: {  	vm13 =	vlt.s32 v62, $0x0;
	v1 =	vsel vm12, v1, v61  }
0x32: {  	vm14 =	vlt.s32 v63, $0x0;
	v1 =	vsel vm13, v1, v62  }
0x33: {  	s30 =	sadd.s32 $0x0, s7;
	v1 =	vsel vm14, v1, v63;
	vm15 =	vlt.s32 v2, $0x0  }
0x34: {  	v1 =	vsel vm15, v1, v2;
	v2 =	vor.u32 s30, v0  }
0x35: {  	s16 =	simm.s32 $0x80;
	s12 =	simm.s32 $0x10;
	v2 =	vand.u32 $0x7FFF, v2;
	vm0 =	vlt.s32 v1, $0x0  }
0x36: {  	s17 =	simm.s32 $0x20;
	s14 =	sand.u32 $0x7C00, s16;
	s31 =	sand.u32 $0x70, s12;
	[tilespmem:s9+$0x0] =	vst v1;
	v1 =	vsel vm0, v2, v1  }
0x37: {  	s13 =	simm.s32 $0x19C80;
	s15 =	sor.u32 s31, s14;
	s14 =	simm.s32 $0x19000;
	[tilespmem:s10+$0x0] =	vst v1  }
.LBB2_2:
0x38: {  	p0 =	sne.s32 s17, $0xC70;
	v1 =	vld [tilespmem:s15+$0x0]  }
0x39: {  	v2 =	vld [tilespmem:s15+$0x80]  }
0x3a: {  	v3 =	vld [tilespmem:s15+$0x100]  }
0x3b: {  	v4 =	vld [tilespmem:s15+$0x180]  }
0x3c: {  	v5 =	vld [tilespmem:s15+$0x200]  }
0x3d: {  	v6 =	vld [tilespmem:s15+$0x280]  }
0x3e: {  	vm0 =	vlt.s32 v2, $0x0;
	v7 =	vld [tilespmem:s15+$0x300]  }
0x3f: {  	v1 =	vsel vm0, v1, v2;
	vm0 =	vlt.s32 v3, $0x0;
	v2 =	vld [tilespmem:s15+$0x380]  }
0x40: {  	v1 =	vsel vm0, v1, v3;
	vm0 =	vlt.s32 v4, $0x0;
	v3 =	vld [tilespmem:s15+$0x6400]  }
0x41: {  	v1 =	vsel vm0, v1, v4;
	vm0 =	vlt.s32 v5, $0x0;
	v4 =	vld [tilespmem:s15+$0x6480]  }
0x42: {  	v1 =	vsel vm0, v1, v5;
	vm0 =	vlt.s32 v6, $0x0;
	v5 =	vld [tilespmem:s15+$0x6500]  }
0x43: {  	v1 =	vsel vm0, v1, v6;
	vm0 =	vlt.s32 v7, $0x0;
	v6 =	vld [tilespmem:s15+$0x6580]  }
0x44: {  	v1 =	vsel vm0, v1, v7;
	vm0 =	vlt.s32 v2, $0x0;
	v7 =	vld [tilespmem:s15+$0x6600]  }
0x45: {  	v1 =	vsel vm0, v1, v2;
	vm0 =	vlt.s32 v3, $0x0;
	v2 =	vld [tilespmem:s15+$0x6680]  }
0x46: {  	v1 =	vsel vm0, v1, v3;
	vm0 =	vlt.s32 v4, $0x0;
	v3 =	vld [tilespmem:s15+$0x6700]  }
0x47: {  	v1 =	vsel vm0, v1, v4;
	vm0 =	vlt.s32 v5, $0x0;
	v4 =	vld [tilespmem:s15+$0x6780]  }
0x48: {  	v1 =	vsel vm0, v1, v5;
	vm0 =	vlt.s32 v6, $0x0;
	v5 =	vld [tilespmem:s15+$0xC800]  }
0x49: {  	v1 =	vsel vm0, v1, v6;
	vm0 =	vlt.s32 v7, $0x0;
	v6 =	vld [tilespmem:s15+$0xC880]  }
0x4a: {  	v1 =	vsel vm0, v1, v7;
	vm0 =	vlt.s32 v2, $0x0;
	v7 =	vld [tilespmem:s15+$0xC900]  }
0x4b: {  	v1 =	vsel vm0, v1, v2;
	vm0 =	vlt.s32 v3, $0x0;
	v2 =	vld [tilespmem:s15+$0xC980]  }
0x4c: {  	v1 =	vsel vm0, v1, v3;
	vm0 =	vlt.s32 v4, $0x0;
	v3 =	vld [tilespmem:s15+$0xCA00]  }
0x4d: {  	v1 =	vsel vm0, v1, v4;
	vm0 =	vlt.s32 v5, $0x0;
	v4 =	vld [tilespmem:s15+$0xCA80]  }
0x4e: {  	v1 =	vsel vm0, v1, v5;
	vm0 =	vlt.s32 v6, $0x0;
	v5 =	vld [tilespmem:s15+$0xCB00]  }
0x4f: {  	v1 =	vsel vm0, v1, v6;
	vm0 =	vlt.s32 v7, $0x0;
	v6 =	vld [tilespmem:s15+$0xCB80]  }
0x50: {  	v1 =	vsel vm0, v1, v7;
	vm0 =	vlt.s32 v2, $0x0;
	v7 =	vld [tilespmem:s15+$0x12C00]  }
0x51: {  	v1 =	vsel vm0, v1, v2;
	vm0 =	vlt.s32 v3, $0x0;
	v2 =	vld [tilespmem:s15+$0x12C80]  }
0x52: {  	v1 =	vsel vm0, v1, v3;
	vm0 =	vlt.s32 v4, $0x0;
	v3 =	vld [tilespmem:s15+$0x12D00]  }
0x53: {  	v1 =	vsel vm0, v1, v4;
	vm0 =	vlt.s32 v5, $0x0;
	v4 =	vld [tilespmem:s15+$0x12D80]  }
0x54: {  	v1 =	vsel vm0, v1, v5;
	vm0 =	vlt.s32 v6, $0x0;
	v5 =	vld [tilespmem:s15+$0x12E00]  }
0x55: {  	v1 =	vsel vm0, v1, v6;
	vm0 =	vlt.s32 v7, $0x0;
	v6 =	vld [tilespmem:s15+$0x12E80]  }
0x56: {  	v1 =	vsel vm0, v1, v7;
	vm0 =	vlt.s32 v2, $0x0;
	v7 =	vld [tilespmem:s15+$0x12F00]  }
0x57: {  	v1 =	vsel vm0, v1, v2;
	vm0 =	vlt.s32 v3, $0x0;
	v2 =	vld [tilespmem:s15+$0x12F80]  }
0x58: {  	v1 =	vsel vm0, v1, v3;
	vm0 =	vlt.s32 v4, $0x0  }
0x59: {  	v1 =	vsel vm0, v1, v4;
	vm0 =	vlt.s32 v5, $0x0  }
0x5a: {  	v1 =	vsel vm0, v1, v5;
	vm0 =	vlt.s32 v6, $0x0  }
0x5b: {  	v1 =	vsel vm0, v1, v6;
	vm0 =	vlt.s32 v7, $0x0  }
.Ltmp0:
0x5c: {  	s15 =	sadd.s32 s12, s7;
	s12 =	smov.u32 s17;
	v1 =	vsel vm0, v1, v7;
	vm0 =	vlt.s32 v2, $0x0;
	(pc) =	sbr.rel @p0 .LBB2_2-.Ltmp0, $4  }
0x5d: {  	s14 =	sadd.s32 $0x10, s14;
	v1 =	vsel vm0, v1, v2;
	v2 =	vor.u32 s15, v0  }
0x5e: {  	s16 =	sadd.s32 $0x80, s16;
	[tilespmem:s14+$0x0] =	vst v1;
	v2 =	vand.u32 $0x7FFF, v2;
	vm0 =	vlt.s32 v1, $0x0  }
0x5f: {  	s13 =	sadd.s32 $0x10, s13;
	s18 =	sand.u32 $0x7C00, s16;
	s15 =	sand.u32 $0x70, s17;
	v1 =	vsel vm0, v2, v1  }
0x60: {  	s17 =	sadd.s32 $0x10, s17;
	s15 =	sor.u32 s15, s18;
	[tilespmem:s13+$0x0] =	vst v1  }
0x61: {  	v1 =	vld [tilespmem:s15+$0x0]  }
0x62: {  	v2 =	vld [tilespmem:s15+$0x80]  }
0x63: {  	v3 =	vld [tilespmem:s15+$0x100]  }
0x64: {  	v4 =	vld [tilespmem:s15+$0x180]  }
0x65: {  	v5 =	vld [tilespmem:s15+$0x200]  }
0x66: {  	v6 =	vld [tilespmem:s15+$0x280]  }
0x67: {  	v7 =	vld [tilespmem:s15+$0x300];
	vm0 =	vlt.s32 v2, $0x0  }
0x68: {  	vm10 =	vlt.s32 v3, $0x0;
	v1 =	vsel vm0, v1, v2;
	v2 =	vld [tilespmem:s15+$0x380]  }
0x69: {  	vm11 =	vlt.s32 v4, $0x0;
	v1 =	vsel vm10, v1, v3;
	v3 =	vld [tilespmem:s15+$0x6400]  }
0x6a: {  	v48 =	vld [tilespmem:s15+$0x6480];
	vm12 =	vlt.s32 v5, $0x0;
	v1 =	vsel vm11, v1, v4  }
0x6b: {  	v49 =	vld [tilespmem:s15+$0x6500];
	vm13 =	vlt.s32 v6, $0x0;
	v1 =	vsel vm12, v1, v5  }
0x6c: {  	v50 =	vld [tilespmem:s15+$0x6580];
	vm14 =	vlt.s32 v7, $0x0;
	v1 =	vsel vm13, v1, v6  }
0x6d: {  	v51 =	vld [tilespmem:s15+$0x6600];
	v1 =	vsel vm14, v1, v7;
	vm15 =	vlt.s32 v2, $0x0  }
0x6e: {  	v1 =	vsel vm15, v1, v2;
	vm4 =	vlt.s32 v3, $0x0;
	v2 =	vld [tilespmem:s15+$0x6680]  }
0x6f: {  	vm5 =	vlt.s32 v48, $0x0;
	v1 =	vsel vm4, v1, v3;
	v3 =	vld [tilespmem:s15+$0x6700]  }
0x70: {  	v52 =	vld [tilespmem:s15+$0x6780];
	vm6 =	vlt.s32 v49, $0x0;
	v1 =	vsel vm5, v1, v48  }
0x71: {  	v53 =	vld [tilespmem:s15+$0xC800];
	vm7 =	vlt.s32 v50, $0x0;
	v1 =	vsel vm6, v1, v49  }
0x72: {  	v54 =	vld [tilespmem:s15+$0xC880];
	vm8 =	vlt.s32 v51, $0x0;
	v1 =	vsel vm7, v1, v50  }
0x73: {  	v55 =	vld [tilespmem:s15+$0xC900];
	v1 =	vsel vm8, v1, v51;
	vm9 =	vlt.s32 v2, $0x0  }
0x74: {  	v1 =	vsel vm9, v1, v2;
	vm10 =	vlt.s32 v3, $0x0;
	v2 =	vld [tilespmem:s15+$0xC980]  }
0x75: {  	vm11 =	vlt.s32 v52, $0x0;
	v1 =	vsel vm10, v1, v3;
	v3 =	vld [tilespmem:s15+$0xCA00]  }
0x76: {  	v56 =	vld [tilespmem:s15+$0xCA80];
	vm12 =	vlt.s32 v53, $0x0;
	v1 =	vsel vm11, v1, v52  }
0x77: {  	v57 =	vld [tilespmem:s15+$0xCB00];
	vm13 =	vlt.s32 v54, $0x0;
	v1 =	vsel vm12, v1, v53  }
0x78: {  	v58 =	vld [tilespmem:s15+$0xCB80];
	vm14 =	vlt.s32 v55, $0x0;
	v1 =	vsel vm13, v1, v54  }
0x79: {  	v59 =	vld [tilespmem:s15+$0x12C00];
	v1 =	vsel vm14, v1, v55;
	vm15 =	vlt.s32 v2, $0x0  }
0x7a: {  	v1 =	vsel vm15, v1, v2;
	vm4 =	vlt.s32 v3, $0x0;
	v2 =	vld [tilespmem:s15+$0x12C80]  }
0x7b: {  	vm5 =	vlt.s32 v56, $0x0;
	v1 =	vsel vm4, v1, v3;
	v3 =	vld [tilespmem:s15+$0x12D00]  }
0x7c: {  	v60 =	vld [tilespmem:s15+$0x12D80];
	vm6 =	vlt.s32 v57, $0x0;
	v1 =	vsel vm5, v1, v56  }
0x7d: {  	v61 =	vld [tilespmem:s15+$0x12E00];
	vm7 =	vlt.s32 v58, $0x0;
	v1 =	vsel vm6, v1, v57  }
0x7e: {  	v62 =	vld [tilespmem:s15+$0x12E80];
	vm8 =	vlt.s32 v59, $0x0;
	v1 =	vsel vm7, v1, v58  }
0x7f: {  	v63 =	vld [tilespmem:s15+$0x12F00];
	v1 =	vsel vm8, v1, v59;
	vm9 =	vlt.s32 v2, $0x0  }
0x80: {  	v1 =	vsel vm9, v1, v2;
	vm10 =	vlt.s32 v3, $0x0;
	v2 =	vld [tilespmem:s15+$0x12F80]  }
0x81: {  	vm11 =	vlt.s32 v60, $0x0;
	v1 =	vsel vm10, v1, v3  }
0x82: {  	vm12 =	vlt.s32 v61, $0x0;
	v1 =	vsel vm11, v1, v60  }
0x83: {  	vm13 =	vlt.s32 v62, $0x0;
	v1 =	vsel vm12, v1, v61  }
0x84: {  	vm14 =	vlt.s32 v63, $0x0;
	v1 =	vsel vm13, v1, v62  }
0x85: {  	s12 =	sadd.s32 s12, s7;
	v1 =	vsel vm14, v1, v63;
	vm15 =	vlt.s32 v2, $0x0  }
0x86: {  	v1 =	vsel vm15, v1, v2;
	v2 =	vor.u32 s12, v0  }
0x87: {  	s30 =	sadd.s32 $0x10, s14;
	v2 =	vand.u32 $0x7FFF, v2;
	vm0 =	vlt.s32 v1, $0x0  }
0x88: {  	s31 =	sadd.s32 $0x10, s13;
	[tilespmem:s30+$0x0] =	vst v1;
	v1 =	vsel vm0, v2, v1  }
0x89: {  	[tilespmem:s31+$0x0] =	vst v1  }
0x8a: {  	[hbm4b:s4+s2] =	stream.linear.scatter [tilespmem:s9], [sflag:$0x1], $0xC80, $0x38;
	[tilespmem:$0x1A900] =	vst v63  }
0x8b: {  	s11 =	sadd.s32 $0x1, s11;
	_ =	swait.ge [sflag:s8], $0xC80  }
0x8c: {  	p0 =	sne.s32 s11, s6;
	[sflag:s8] =	ssyncset.done $0x0  }
.Ltmp1:
0x8d: {  	[sflag:s8] =	ssyncadd.s32 $0xFFFFF380;
	(pc) =	sbr.rel @p0 .LBB2_1-.Ltmp1, $4  }
0x8e: {  	[hbm4b:s5+s2] =	stream.linear.scatter [tilespmem:s10], [sflag:$0x1], $0xC80, $0x38;
	[tilespmem:$0x1A900] =	vst v63  }
0x8f: {  	_ =	swait.ge [sflag:s8], $0xC80  }
0x90: {  	[sflag:s8] =	ssyncset.done $0x0  }
0x91: {  	[sflag:s8] =	ssyncadd.s32 $0xFFFFF380  }
0x92: {  	_ =	sfence.sel $0x180000  }
0x93: {  	[bflag:$0x0] =	sbarrier.arrive $0xFFFF  }
0x94: {  	p0 =	sne.s32 s0, $0x0;
	_ =	strace $0x9000004A  }
0x95: {  	s0 =	sadd.s32 @!p0 $0x100000, s1;
	[bflag:$0x2] =	sbarrier.arrive $0xFFFF  }
0x96: {  	[sflag:s0] =	ssyncadd.tile.s32 @!p0 $0x1;
	_ =	shalt  }
.Lfunc_end2:
_tile_overlayer_lowered:
.L_overlay_start_2:
0x97: {  	(tag) =	ssettag $0x2  }
0x98: {  	s0 =	rddreg [dreg:$0x0];
	s2 =	stileid.u32  }
0x99: {  	s1 =	rddreg [dreg:$0x1];
	p0 =	sne.s32 s2, $0x0  }
0x9a: {  	s3 =	rddreg [dreg:$0x2];
	[bflag:$0x3] =	sbarrier.arrive $0xFFFF;
	s2 =	simm.s32 @!p0 $0x1C01  }
0x9b: {  	[timem:s3], [sflag:s2] =	dma.local @!p0 [hbm:s0], s1  }
0x9c: {  	s0 =	simm.s32 @!p0 $0x1  }
0x9d: {  	_ =	swait.ge @!p0 [sflag:s0], s1  }
0x9e: {  	s1 =	ssub.s32 @!p0 $0x0, s1;
	[sflag:s0] =	ssyncset.done @!p0 $0x0  }
0x9f: {  	[sflag:s0] =	ssyncadd.s32 @!p0 s1  }
0xa0: {  	[bflag:$0x3] =	sbarrier.arrive $0xFFFF  }
0xa1: {  	_ =	shalt  }

// kernel: kernel.13.cloned.1.call-start
scs
__scs_entry_jumppad:
0x0: {  	(pc) =	sbr.rel $0x88, $3  }
0x1: {  	(tag) =	ssettag $0x0;
	lr =	simm.s32 $0x1  }
0x2: {  	[smem:$0x3F99] =	sst lr;
	_ =	strace $0xD0000000  }
0x3: {  	_ = 	snop  }
0x4: {  	_ = 	snop  }
0x5: {  	_ = 	snop  }
0x6: {  	_ = 	snop  }
0x7: {  	_ = 	snop  }
__scs_overlays_trampoline_lowered:
0x8: {  	[smem:$0x3FA8] =	sst s0  }
0x9: {  	[smem:$0x3FA9] =	sst s1  }
0xa: {  	[smem:$0x3FAA] =	sst s2  }
0xb: {  	[smem:$0x3FAB] =	sst s3  }
0xc: {  	[smem:$0x3FAC] =	sst s4  }
0xd: {  	[smem:$0x3FAD] =	sst s5  }
0xe: {  	[smem:$0x3FAE] =	sst s6  }
0xf: {  	[smem:$0x3FAF] =	sst s7  }
0x10: {  	[smem:$0x3FB0] =	sst s8  }
0x11: {  	[smem:$0x3FB1] =	sst s9;
	s0 =	simm.s32 @!p0 $0x0  }
0x12: {  	s1 =	sld [smem:$0x3F97];
	s0 =	simm.s32 @p0 $0x1  }
0x13: {  	[smem:$0x3FB2] =	sst s0;
	s0 =	simm.s32 @!p1 $0x0  }
0x14: {  	s2 =	sld [smem:$0x3F96];
	s0 =	simm.s32 @p1 $0x1  }
0x15: {  	[smem:$0x3FB3] =	sst s0;
	s0 =	simm.s32 @!p2 $0x0  }
0x16: {  	s3 =	sld [smem:$0x3FDB];
	s0 =	simm.s32 @p2 $0x1  }
0x17: {  	s4 =	simm.s32 $0x1BF5;
	[smem:$0x3FB5] =	sst s0  }
0x18: {  	s0 =	sld [smem:$0x3F98];
	_ =	swait.ge [sflag:s4], $0x0  }
0x19: {  	s7 =	sld [smem:$0x3F99]  }
0x1a: {  	s8 =	sadd.s32 $0xFFFFE003, lr  }
0x1b: {  	s9 =	sadd.s32 $0xFFFFFEF7, lr;
	s5 =	simm.s32 $0xFFFFFFFF;
	p2 =	slt.u32 s8, $0xFFFFF086  }
0x1c: {  	p1 =	slt.u32 s9, $0xF7A;
	s5 =	simm.s32 @!p2 $0x0  }
0x1d: {  	s5 =	simm.s32 @p1 $0x1;
	p0 =	seq.s32 s7, s2  }
0x1e: {  	s7 =	smul.u32 @!p0 $0xF7A, s2;
	p2 =	seq.s32 @!p0 s5, $0x0  }
0x1f: {  	s9 =	smul.u32 $0xF7A, s1;
	s8 =	simm.s32 @!p0 $0x1BF5;
	p2 =	por !p2, p0  }
0x20: {  	[sflag:s8] =	ssyncset.s32 @!p0 $0xFFFFF086;
	s6 =	sadd.s32 @!p0 s3, s7;
	s7 =	simm.s32 @!p0 $0x108  }
0x21: {  	s3 =	sadd.s32 s3, s9;
	s6 =	sadd.s32 @!p0 $0x88, s6;
	s7 =	simm.s32 @p2 $0x1082  }
0x22: {  	[simem:s7], [sflag:s8] =	dma.local @!p0 [hbm:s6], $0xF7A  }
0x23: {  	s9 =	sor.u32 $0xD0000000, s2;
	s6 =	simm.s32 $0x108;
	_ =	swait.ge @!p0 [sflag:s8], $0x0  }
0x24: {  	s3 =	sadd.s32 $0x88, s3;
	s6 =	simm.s32 @!p1 $0x1082;
	[sflag:s4] =	ssyncset.s32 $0xFFFFF086  }
0x25: {  	[simem:s6], [sflag:s4] =	dma.local [hbm:s3], $0xF7A  }
0x26: {  	[smem:$0x3F99] =	sst s1;
	(tag) =	ssettag s2;
	_ =	strace s9  }
0x27: {  	s1 =	sld [smem:$0x3FA9]  }
0x28: {  	s2 =	sld [smem:$0x3FAA]  }
0x29: {  	s4 =	sld [smem:$0x3FAC]  }
0x2a: {  	p0 =	seq.s32 s5, $0x0;
	s5 =	sld [smem:$0x3FAD]  }
0x2b: {  	s6 =	sld [smem:$0x3FAE]  }
0x2c: {  	s7 =	sld [smem:$0x3FAF]  }
0x2d: {  	s3 =	simm.s32 $0x108;
	s8 =	sld [smem:$0x3FB0]  }
0x2e: {  	s3 =	simm.s32 @!p0 $0x1082;
	s9 =	sld [smem:$0x3FB1]  }
0x2f: {  	lr =	sadd.s32 s0, s3;
	s0 =	sld [smem:$0x3FA8]  }
0x30: {  	s3 =	sld [smem:$0x3FAB]  }
0x31: {  	[smem:$0x3FB4] =	sst s10  }
0x32: {  	s10 =	sld [smem:$0x3FB2];
	_ =	sdelay $0x3  }
0x33: {  	p0 =	seq.s32 s10, $0x1;
	s10 =	sld [smem:$0x3FB4];
	_ =	sdelay $0x3  }
0x34: {  	[smem:$0x3FB4] =	sst s10  }
0x35: {  	s10 =	sld [smem:$0x3FB3];
	_ =	sdelay $0x3  }
0x36: {  	p1 =	seq.s32 s10, $0x1;
	s10 =	sld [smem:$0x3FB4];
	_ =	sdelay $0x3  }
0x37: {  	[smem:$0x3FB4] =	sst s10  }
0x38: {  	s10 =	sld [smem:$0x3FB5]  }
0x39: {  	_ = 	snop;
	(pc) =	sbr.ind lr, $3  }
0x3a: {  	_ = 	snop  }
0x3b: {  	_ = 	snop  }
0x3c: {  	p2 =	seq.s32 s10, $0x1;
	s10 =	sld [smem:$0x3FB4]  }
0x3d: {  	_ =	shalt  }
0x3e: {  	_ =	shalt  }
0x3f: {  	_ =	shalt  }
0x40: {  	_ =	shalt  }
0x41: {  	_ =	shalt  }
0x42: {  	_ =	shalt  }
0x43: {  	_ =	shalt  }
0x44: {  	_ =	shalt  }
0x45: {  	_ =	shalt  }
0x46: {  	_ =	shalt  }
0x47: {  	_ =	shalt  }
0x48: {  	_ =	shalt  }
0x49: {  	_ =	shalt  }
0x4a: {  	_ =	shalt  }
0x4b: {  	_ =	shalt  }
0x4c: {  	_ =	shalt  }
0x4d: {  	_ =	shalt  }
0x4e: {  	_ =	shalt  }
0x4f: {  	_ =	shalt  }
0x50: {  	_ =	shalt  }
0x51: {  	_ =	shalt  }
0x52: {  	_ =	shalt  }
0x53: {  	_ =	shalt  }
0x54: {  	_ =	shalt  }
0x55: {  	_ =	shalt  }
0x56: {  	_ =	shalt  }
0x57: {  	_ =	shalt  }
0x58: {  	_ =	shalt  }
0x59: {  	_ =	shalt  }
0x5a: {  	_ =	shalt  }
0x5b: {  	_ =	shalt  }
0x5c: {  	_ =	shalt  }
0x5d: {  	_ =	shalt  }
0x5e: {  	_ =	shalt  }
0x5f: {  	_ =	shalt  }
0x60: {  	_ =	shalt  }
0x61: {  	_ =	shalt  }
0x62: {  	_ =	shalt  }
0x63: {  	_ =	shalt  }
0x64: {  	_ =	shalt  }
0x65: {  	_ =	shalt  }
0x66: {  	_ =	shalt  }
0x67: {  	_ =	shalt  }
0x68: {  	_ =	shalt  }
0x69: {  	_ =	shalt  }
0x6a: {  	_ =	shalt  }
0x6b: {  	_ =	shalt  }
0x6c: {  	_ =	shalt  }
0x6d: {  	_ =	shalt  }
0x6e: {  	_ =	shalt  }
0x6f: {  	_ =	shalt  }
0x70: {  	_ =	shalt  }
0x71: {  	_ =	shalt  }
0x72: {  	_ =	shalt  }
0x73: {  	_ =	shalt  }
0x74: {  	_ =	shalt  }
0x75: {  	_ =	shalt  }
0x76: {  	_ =	shalt  }
0x77: {  	_ =	shalt  }
0x78: {  	_ =	shalt  }
0x79: {  	_ =	shalt  }
0x7a: {  	_ =	shalt  }
0x7b: {  	_ =	shalt  }
0x7c: {  	_ =	shalt  }
0x7d: {  	_ =	shalt  }
0x7e: {  	_ =	shalt  }
0x7f: {  	_ =	shalt  }
0x80: {  	_ =	shalt  }
0x81: {  	_ =	shalt  }
0x82: {  	_ =	shalt  }
0x83: {  	_ =	shalt  }
0x84: {  	_ =	shalt  }
0x85: {  	_ =	shalt  }
0x86: {  	_ =	shalt  }
0x87: {  	_ =	shalt  }
.Lfunc_end0:
.L_simem_size_0:
called_computation.2_lowered:
.L_overlay_start_0:
0x88: {  	s2 =	sld [smem:$0x3FD9]  }
0x89: {  	s3 =	sld [smem:$0x3FFE];
	_ =	sdelay $0x1  }
0x8a: {  	s1 =	srdreg.scid  }
0x8b: {  	s0 =	sand.u32 $0x1, s1  }
0x8c: {  	s17 =	sshll.u32 s0, $0xA;
	s2 =	sadd.s32 s3, s2  }
0x8d: {  	s2 =	sadd.s32 s2, s17  }
0x8e: {  	[smem:$0x3FC0] =	sst s2  }
0x8f: {  	_ = 	snop  }
0x90: {  	s2 =	sld [smem:$0x3FD0];
	(tm) =	ssettm $0x1  }
0x91: {  	s18 =	sld [smem:$0x3FFB];
	_ =	sdelay $0x3  }
0x92: {  	_ =	strace s18  }
0x93: {  	s3 =	sld [smem:$0x3FFC];
	_ =	sdelay $0x3  }
0x94: {  	_ =	strace s3  }
0x95: {  	s3 =	sld [smem:$0x3FFD];
	_ =	sdelay $0x3  }
0x96: {  	_ =	strace s3  }
0x97: {  	_ =	strace $0x8FFFFFFF  }
0x98: {  	s19 =	sld [smem:$0x3FDB];
	_ =	sdelay $0x1  }
0x99: {  	s4 =	simm.s32 $_scs_section_size  }
0x9a: {  	s5 =	simm.s32 $_size__tile_overlayer_lowered;
	s6 =	simm.s32 $_tile_overlayer_lowered  }
0x9b: {  	s22 =	simm.s32 $0x1BFF;
	s21 =	sshll.u32 s6, $0x1;
	s3 =	sadd.s32 s4, s19  }
0x9c: {  	s7 =	simm.s32 $0x0;
	s20 =	sshll.u32 s5, $0x1;
	s5 =	sadd.s32 s21, s3  }
0x9d: {  	[timem:s7], [sflag:s22] =	dma.local [hbm:s5], s20  }
0x9e: {  	_ =	swait.ge [sflag:s22], s20  }
0x9f: {  	s4 =	ssub.s32 $0x0, s20;
	[sflag:s22] =	ssyncset.done $0x0  }
0xa0: {  	[sflag:s22] =	ssyncadd.s32 s4;
	_ =	sdelay $0x1  }
0xa1: {  	s23 =	simm.s32 $0x1B8B  }
0xa2: {  	_ =	swait.ge [sflag:s23], $0x1  }
0xa3: {  	[sflag:s23] =	ssyncset.done $0x0  }
0xa4: {  	s25 =	simm.s32 $0x1B8E;
	s24 =	sld [smem:$0x3FFE];
	[sflag:s23] =	ssyncadd.s32 $0xFFFFFFFF  }
0xa5: {  	s26 =	simm.s32 $execute0_lowered;
	[smem:$0x3FD2] =	sst s25  }
0xa6: {  	s5 =	sshll.u32 s26, $0x1;
	_ =	strace $0x8000004C;
	[dreg:$0x1] =	wrdreg $0xFFFFFFFF  }
0xa7: {  	s28 =	simm.s32 $_size_execute0_lowered;
	s3 =	sadd.s32 s3, s5;
	[dreg:$0x0] =	wrdreg $0x0  }
0xa8: {  	s5 =	sshll.u32 s28, $0x1;
	[dreg:$0x2] =	wrdreg s3  }
0xa9: {  	[dreg:$0x3] =	wrdreg s5  }
0xaa: {  	[dreg:$0x4] =	wrdreg $0xC0  }
0xab: {  	_ =	task [dreg:s7], $0x5FFFF  }
0xac: {  	[dreg:$0x1] =	wrdreg $0xFFFFFFFF  }
0xad: {  	[dreg:$0x0] =	wrdreg $0x60  }
0xae: {  	[dreg:$0x2] =	wrdreg s24  }
0xaf: {  	[dreg:$0x3] =	wrdreg s2  }
0xb0: {  	[dreg:$0x4] =	wrdreg $0x9  }
0xb1: {  	_ =	task.clear_ibuf [dreg:s7], $0x5FFFF;
	_ =	strace $0x9000004C  }
0xb2: {  	s29 =	simm.s32 $0x9;
	_ =	strace $0x8000004E  }
0xb3: {  	_ =	swait.ge [sflag:s29], $0x1  }
0xb4: {  	[sflag:s29] =	ssyncadd.s32 $0xFFFFFFFF  }
0xb5: {  	_ =	strace $0x9000004E  }
0xb6: {  	_ =	sfence  }
0xb7: {  	s30 =	sld [smem:$0x0];
	_ =	sdelay $0x2  }
0xb8: {  	s31 =	sshll.u32 s1, $0xD;
	s1 =	sshrl.u32 s1, $0x2  }
0xb9: {  	s3 =	sand.u32 $0x4000, s31;
	s1 =	sadd.s32 s1, s30  }
0xba: {  	s0 =	sor.u32 s3, s0;
	s1 =	sshll.u32 s1, $0x11  }
0xbb: {  	s0 =	sor.u32 s1, s0  }
0xbc: {  	s0 =	sadd.s32 $0x8F2B, s0  }
0xbd: {  	[sflag:s0] =	ssyncadd.remote.s32 $0x1  }
0xbe: {  	_ =	sfence.sel $0xFFFF  }
0xbf: {  	[dreg:$0x0] =	wrdreg $0xFFFFFFFF;
	(pc) =	sbr.abs _section_cstart, $3  }
0xc0: {  	[dreg:$0x1] =	wrdreg $0xFFFFFFFF  }
0xc1: {  	_ =	task.clear_ibuf [dreg:s7], $0x2FFFF;
	_ =	strace $0x9FFFFFFF  }
0xc2: {  	(tm) =	ssettm $0x7FFFFFFF  }
0xc3: {  	_ =	shalt  }
tec
execute0_lowered:
.L_overlay_start_1:
0x0: {  	(tag) =	ssettag $0x1  }
0x1: {  	s0 =	srdreg.scid;
	s2 =	stileid.u32  }
0x2: {  	s0 =	sand.u32 $0x1, s0;
	s2 =	sshll.u32 s2, $0x1  }
0x3: {  	s1 =	rddreg [dreg:$0x0];
	s4 =	sor.u32 s0, s2  }
0x4: {  	s3 =	rddreg [dreg:$0x1];
	s2 =	simm.s32 $0x0;
	s5 =	smul.u32 $0x190, s4  }
0x5: {  	[smem:$0x7FF] =	sst s2;
	s6 =	smul.u32 $0x64000, s4  }
0x6: {  	s4 =	smul.u32 $0xC800, s4;
	_ =	strace $0x8000004D;
	s5 =	sadd.s32 s5, s1  }
0x7: {  	s1 =	sadd.s32 $0x6F200, s1;
	s6 =	sshrl.u32 s6, $0x3;
	s5 =	sadd.s32 $0x6C000, s5  }
0x8: {  	s4 =	sadd.s32 s1, s4;
	s1 =	sadd.s32 s1, s6;
	[dreg:$0x3] =	wrdreg s5  }
0x9: {  	s9 =	simm.s32 $0xC80;
	[dreg:$0x4] =	wrdreg s4;
	s10 =	sadd.s32 $0xA00, s1  }
0xa: {  	s31 =	simm.s32 $0x140;
	s11 =	sadd.s32 $0x1400, s1;
	[dreg:$0x5] =	wrdreg s10  }
0xb: {  	s8 =	simm.s32 $0x2;
	s12 =	sadd.s32 $0x1E00, s1;
	[dreg:$0x6] =	wrdreg s11  }
0xc: {  	s30 =	simm.s32 $0x1E0;
	s13 =	sadd.s32 $0x2800, s1;
	[dreg:$0x7] =	wrdreg s12  }
0xd: {  	s29 =	simm.s32 $0x280;
	s14 =	sadd.s32 $0x3200, s1;
	[dreg:$0x8] =	wrdreg s13  }
0xe: {  	s28 =	simm.s32 $0x320;
	s15 =	sadd.s32 $0x3C00, s1;
	[dreg:$0x9] =	wrdreg s14  }
0xf: {  	p0 =	por $0x0, $0x0;
	s16 =	sadd.s32 $0x4600, s1;
	[dreg:$0xa] =	wrdreg s15  }
0x10: {  	s0 =	ssub.s32 $0x2, s0;
	s17 =	sadd.s32 $0x5000, s1;
	[dreg:$0xb] =	wrdreg s16  }
0x11: {  	s24 =	sshrl.u32 s0, $0x1;
	s18 =	sadd.s32 $0x5A00, s1;
	[dreg:$0xc] =	wrdreg s17  }
0x12: {  	s0 =	ssub.s32 s0, s24;
	s19 =	sadd.s32 $0x6400, s1;
	[dreg:$0xd] =	wrdreg s18  }
0x13: {  	s24 =	simm.s32 $0x500;
	s20 =	sadd.s32 $0x6E00, s1;
	[dreg:$0xe] =	wrdreg s19  }
0x14: {  	s0 =	smax.u32 s0, $0x1;
	s21 =	sadd.s32 $0x7800, s1;
	[dreg:$0xf] =	wrdreg s20  }
0x15: {  	s6 =	simm.s32 $0x5C80;
	s22 =	sadd.s32 $0x8200, s1;
	[dreg:$0x10] =	wrdreg s21  }
0x16: {  	p1 =	sne.s32 s0, $0x1;
	s23 =	sadd.s32 $0x8C00, s1;
	[dreg:$0x11] =	wrdreg s22  }
0x17: {  	s25 =	sadd.s32 $0x9600, s1;
	s26 =	sadd.s32 $0xA000, s1;
	[dreg:$0x12] =	wrdreg s23  }
0x18: {  	s7 =	sadd.s32 $0xB400, s1;
	s5 =	sadd.s32 $0xBE00, s1;
	[dreg:$0x13] =	wrdreg s25  }
0x19: {  	s4 =	simm.s32 $0x3;
	[dreg:$0x14] =	wrdreg s26;
	s10 =	sadd.s32 $0xAA00, s1  }
0x1a: {  	s11 =	simm.s32 $0xA0;
	s12 =	simm.s32 $0x1;
	s26 =	simm.s32 $0x3C0  }
.Ltmp0:
0x1b: {  	s25 =	simm.s32 $0x460;
	s23 =	simm.s32 $0x5A0;
	(pc) =	sbr.rel @!p1 .LBB2_3-.Ltmp0, $4  }
0x1c: {  	s22 =	simm.s32 $0x640;
	s21 =	simm.s32 $0x6E0;
	s20 =	simm.s32 $0x780  }
0x1d: {  	s19 =	simm.s32 $0x820;
	s1 =	sadd.s32 $0xFFFFFFFF, s0;
	s18 =	simm.s32 $0x8C0  }
0x1e: {  	s17 =	simm.s32 $0x960;
	s16 =	simm.s32 $0xA00;
	s15 =	simm.s32 $0xAA0  }
0x1f: {  	s14 =	simm.s32 $0xB40;
	s13 =	simm.s32 $0xBE0;
	s0 =	rddreg [dreg:$0x3]  }
0x20: {  	[tilespmem:s2], [sflag:$0x3] =	stream.linear.gather [hbm4b:s0+s2], $0xC80, $0x38;
	[tilespmem:$0xAC80] =	vst v63  }
0x21: {  	_ =	swait.ge [sflag:s4], $0xC80  }
0x22: {  	[sflag:s4] =	ssyncset.done $0x0  }
0x23: {  	[sflag:s4] =	ssyncadd.s32 $0xFFFFF380  }
0x24: {  	[tilespmem:s9], [sflag:$0x1] =	stream.indirect.gather [hbm4b:s3+s11], $0x80, s2, s11, $0xb8;
	[tilespmem:$0xAC80] =	vst v63  }
0x25: {  	_ = 	snop  }
0x26: {  	[tilespmem:s6], [sflag:$0x2] =	stream.indirect.gather [hbm4b:s3+s11], $0x80, s11, s11, $0xb8;
	[tilespmem:$0xAC80] =	vst v63  }
0x27: {  	_ =	swait.ge [sflag:s12], $0x5000  }
0x28: {  	[sflag:s12] =	ssyncset.done $0x0  }
0x29: {  	s0 =	rddreg [dreg:$0x4];
	[sflag:s12] =	ssyncadd.s32 $0xFFFFB000  }
0x2a: {  	[hbm4b:s0+s2] =	stream.linear.scatter [tilespmem:s9], [sflag:$0x3], $0x5000, $0x38;
	[tilespmem:$0xAC80] =	vst v63  }
0x2b: {  	_ =	swait.ge [sflag:s4], $0x5000  }
0x2c: {  	[sflag:s4] =	ssyncset.done $0x0  }
0x2d: {  	[sflag:s4] =	ssyncadd.s32 $0xFFFFB000  }
0x2e: {  	[tilespmem:s9], [sflag:$0x1] =	stream.indirect.gather [hbm4b:s3+s11], $0x80, s31, s11, $0xb8;
	[tilespmem:$0xAC80] =	vst v63  }
0x2f: {  	_ =	swait.ge [sflag:s8], $0x5000  }
0x30: {  	[sflag:s8] =	ssyncset.done $0x0  }
0x31: {  	s0 =	rddreg [dreg:$0x5];
	[sflag:s8] =	ssyncadd.s32 $0xFFFFB000  }
0x32: {  	[hbm4b:s0+s2] =	stream.linear.scatter [tilespmem:s6], [sflag:$0x3], $0x5000, $0x38;
	[tilespmem:$0xAC80] =	vst v63  }
0x33: {  	_ =	swait.ge [sflag:s4], $0x5000  }
0x34: {  	[sflag:s4] =	ssyncset.done $0x0  }
0x35: {  	[sflag:s4] =	ssyncadd.s32 $0xFFFFB000  }
0x36: {  	[tilespmem:s6], [sflag:$0x2] =	stream.indirect.gather [hbm4b:s3+s11], $0x80, s30, s11, $0xb8;
	[tilespmem:$0xAC80] =	vst v63  }
0x37: {  	_ =	swait.ge [sflag:s12], $0x5000  }
0x38: {  	[sflag:s12] =	ssyncset.done $0x0  }
0x39: {  	s0 =	rddreg [dreg:$0x6];
	[sflag:s12] =	ssyncadd.s32 $0xFFFFB000  }
0x3a: {  	[hbm4b:s0+s2] =	stream.linear.scatter [tilespmem:s9], [sflag:$0x3], $0x5000, $0x38;
	[tilespmem:$0xAC80] =	vst v63  }
0x3b: {  	_ =	swait.ge [sflag:s4], $0x5000  }
0x3c: {  	[sflag:s4] =	ssyncset.done $0x0  }
0x3d: {  	[sflag:s4] =	ssyncadd.s32 $0xFFFFB000  }
0x3e: {  	[tilespmem:s9], [sflag:$0x1] =	stream.indirect.gather [hbm4b:s3+s11], $0x80, s29, s11, $0xb8;
	[tilespmem:$0xAC80] =	vst v63  }
0x3f: {  	_ =	swait.ge [sflag:s8], $0x5000  }
0x40: {  	[sflag:s8] =	ssyncset.done $0x0  }
0x41: {  	s0 =	rddreg [dreg:$0x7];
	[sflag:s8] =	ssyncadd.s32 $0xFFFFB000  }
0x42: {  	[hbm4b:s0+s2] =	stream.linear.scatter [tilespmem:s6], [sflag:$0x3], $0x5000, $0x38;
	[tilespmem:$0xAC80] =	vst v63  }
0x43: {  	_ =	swait.ge [sflag:s4], $0x5000  }
0x44: {  	[sflag:s4] =	ssyncset.done $0x0  }
0x45: {  	[sflag:s4] =	ssyncadd.s32 $0xFFFFB000  }
0x46: {  	[tilespmem:s6], [sflag:$0x2] =	stream.indirect.gather [hbm4b:s3+s11], $0x80, s28, s11, $0xb8;
	[tilespmem:$0xAC80] =	vst v63  }
0x47: {  	_ =	swait.ge [sflag:s12], $0x5000  }
0x48: {  	[sflag:s12] =	ssyncset.done $0x0  }
0x49: {  	s0 =	rddreg [dreg:$0x8];
	[sflag:s12] =	ssyncadd.s32 $0xFFFFB000  }
0x4a: {  	[hbm4b:s0+s2] =	stream.linear.scatter [tilespmem:s9], [sflag:$0x3], $0x5000, $0x38;
	[tilespmem:$0xAC80] =	vst v63  }
0x4b: {  	_ =	swait.ge [sflag:s4], $0x5000  }
0x4c: {  	[sflag:s4] =	ssyncset.done $0x0  }
0x4d: {  	[sflag:s4] =	ssyncadd.s32 $0xFFFFB000  }
0x4e: {  	[tilespmem:s9], [sflag:$0x1] =	stream.indirect.gather [hbm4b:s3+s11], $0x80, s26, s11, $0xb8;
	[tilespmem:$0xAC80] =	vst v63  }
0x4f: {  	_ =	swait.ge [sflag:s8], $0x5000  }
0x50: {  	[sflag:s8] =	ssyncset.done $0x0  }
0x51: {  	s0 =	rddreg [dreg:$0x9];
	[sflag:s8] =	ssyncadd.s32 $0xFFFFB000  }
0x52: {  	[hbm4b:s0+s2] =	stream.linear.scatter [tilespmem:s6], [sflag:$0x3], $0x5000, $0x38;
	[tilespmem:$0xAC80] =	vst v63  }
0x53: {  	_ =	swait.ge [sflag:s4], $0x5000  }
0x54: {  	[sflag:s4] =	ssyncset.done $0x0  }
0x55: {  	[sflag:s4] =	ssyncadd.s32 $0xFFFFB000  }
0x56: {  	[tilespmem:s6], [sflag:$0x2] =	stream.indirect.gather [hbm4b:s3+s11], $0x80, s25, s11, $0xb8;
	[tilespmem:$0xAC80] =	vst v63  }
0x57: {  	_ =	swait.ge [sflag:s12], $0x5000  }
0x58: {  	[sflag:s12] =	ssyncset.done $0x0  }
0x59: {  	s0 =	rddreg [dreg:$0xa];
	[sflag:s12] =	ssyncadd.s32 $0xFFFFB000  }
0x5a: {  	[hbm4b:s0+s2] =	stream.linear.scatter [tilespmem:s9], [sflag:$0x3], $0x5000, $0x38;
	[tilespmem:$0xAC80] =	vst v63  }
0x5b: {  	_ =	swait.ge [sflag:s4], $0x5000  }
0x5c: {  	[sflag:s4] =	ssyncset.done $0x0  }
0x5d: {  	[sflag:s4] =	ssyncadd.s32 $0xFFFFB000  }
0x5e: {  	[tilespmem:s9], [sflag:$0x1] =	stream.indirect.gather [hbm4b:s3+s11], $0x80, s24, s11, $0xb8;
	[tilespmem:$0xAC80] =	vst v63  }
0x5f: {  	_ =	swait.ge [sflag:s8], $0x5000  }
0x60: {  	[sflag:s8] =	ssyncset.done $0x0  }
0x61: {  	s0 =	rddreg [dreg:$0xb];
	[sflag:s8] =	ssyncadd.s32 $0xFFFFB000  }
0x62: {  	[hbm4b:s0+s2] =	stream.linear.scatter [tilespmem:s6], [sflag:$0x3], $0x5000, $0x38;
	[tilespmem:$0xAC80] =	vst v63  }
0x63: {  	_ =	swait.ge [sflag:s4], $0x5000  }
0x64: {  	[sflag:s4] =	ssyncset.done $0x0  }
0x65: {  	[sflag:s4] =	ssyncadd.s32 $0xFFFFB000  }
0x66: {  	[tilespmem:s6], [sflag:$0x2] =	stream.indirect.gather [hbm4b:s3+s11], $0x80, s23, s11, $0xb8;
	[tilespmem:$0xAC80] =	vst v63  }
0x67: {  	_ =	swait.ge [sflag:s12], $0x5000  }
0x68: {  	[sflag:s12] =	ssyncset.done $0x0  }
0x69: {  	s0 =	rddreg [dreg:$0xc];
	[sflag:s12] =	ssyncadd.s32 $0xFFFFB000  }
0x6a: {  	[hbm4b:s0+s2] =	stream.linear.scatter [tilespmem:s9], [sflag:$0x3], $0x5000, $0x38;
	[tilespmem:$0xAC80] =	vst v63  }
0x6b: {  	_ =	swait.ge [sflag:s4], $0x5000  }
0x6c: {  	[sflag:s4] =	ssyncset.done $0x0  }
0x6d: {  	[sflag:s4] =	ssyncadd.s32 $0xFFFFB000  }
0x6e: {  	[tilespmem:s9], [sflag:$0x1] =	stream.indirect.gather [hbm4b:s3+s11], $0x80, s22, s11, $0xb8;
	[tilespmem:$0xAC80] =	vst v63  }
0x6f: {  	_ =	swait.ge [sflag:s8], $0x5000  }
0x70: {  	[sflag:s8] =	ssyncset.done $0x0  }
0x71: {  	s0 =	rddreg [dreg:$0xd];
	[sflag:s8] =	ssyncadd.s32 $0xFFFFB000  }
0x72: {  	[hbm4b:s0+s2] =	stream.linear.scatter [tilespmem:s6], [sflag:$0x3], $0x5000, $0x38;
	[tilespmem:$0xAC80] =	vst v63  }
0x73: {  	_ =	swait.ge [sflag:s4], $0x5000  }
0x74: {  	[sflag:s4] =	ssyncset.done $0x0  }
0x75: {  	[sflag:s4] =	ssyncadd.s32 $0xFFFFB000  }
0x76: {  	[tilespmem:s6], [sflag:$0x2] =	stream.indirect.gather [hbm4b:s3+s11], $0x80, s21, s11, $0xb8;
	[tilespmem:$0xAC80] =	vst v63  }
0x77: {  	_ =	swait.ge [sflag:s12], $0x5000  }
0x78: {  	[sflag:s12] =	ssyncset.done $0x0  }
0x79: {  	s0 =	rddreg [dreg:$0xe];
	[sflag:s12] =	ssyncadd.s32 $0xFFFFB000  }
0x7a: {  	[hbm4b:s0+s2] =	stream.linear.scatter [tilespmem:s9], [sflag:$0x3], $0x5000, $0x38;
	[tilespmem:$0xAC80] =	vst v63  }
0x7b: {  	_ =	swait.ge [sflag:s4], $0x5000  }
0x7c: {  	[sflag:s4] =	ssyncset.done $0x0  }
0x7d: {  	[sflag:s4] =	ssyncadd.s32 $0xFFFFB000  }
0x7e: {  	[tilespmem:s9], [sflag:$0x1] =	stream.indirect.gather [hbm4b:s3+s11], $0x80, s20, s11, $0xb8;
	[tilespmem:$0xAC80] =	vst v63  }
0x7f: {  	_ =	swait.ge [sflag:s8], $0x5000  }
0x80: {  	[sflag:s8] =	ssyncset.done $0x0  }
0x81: {  	s0 =	rddreg [dreg:$0xf];
	[sflag:s8] =	ssyncadd.s32 $0xFFFFB000  }
0x82: {  	[hbm4b:s0+s2] =	stream.linear.scatter [tilespmem:s6], [sflag:$0x3], $0x5000, $0x38;
	[tilespmem:$0xAC80] =	vst v63  }
0x83: {  	_ =	swait.ge [sflag:s4], $0x5000  }
0x84: {  	[sflag:s4] =	ssyncset.done $0x0  }
0x85: {  	[sflag:s4] =	ssyncadd.s32 $0xFFFFB000  }
0x86: {  	[tilespmem:s6], [sflag:$0x2] =	stream.indirect.gather [hbm4b:s3+s11], $0x80, s19, s11, $0xb8;
	[tilespmem:$0xAC80] =	vst v63  }
0x87: {  	_ =	swait.ge [sflag:s12], $0x5000  }
0x88: {  	[sflag:s12] =	ssyncset.done $0x0  }
0x89: {  	s0 =	rddreg [dreg:$0x10];
	[sflag:s12] =	ssyncadd.s32 $0xFFFFB000  }
0x8a: {  	[hbm4b:s0+s2] =	stream.linear.scatter [tilespmem:s9], [sflag:$0x3], $0x5000, $0x38;
	[tilespmem:$0xAC80] =	vst v63  }
0x8b: {  	_ =	swait.ge [sflag:s4], $0x5000  }
0x8c: {  	[sflag:s4] =	ssyncset.done $0x0  }
0x8d: {  	[sflag:s4] =	ssyncadd.s32 $0xFFFFB000  }
0x8e: {  	[tilespmem:s9], [sflag:$0x1] =	stream.indirect.gather [hbm4b:s3+s11], $0x80, s18, s11, $0xb8;
	[tilespmem:$0xAC80] =	vst v63  }
0x8f: {  	_ =	swait.ge [sflag:s8], $0x5000  }
0x90: {  	[sflag:s8] =	ssyncset.done $0x0  }
0x91: {  	s0 =	rddreg [dreg:$0x11];
	[sflag:s8] =	ssyncadd.s32 $0xFFFFB000  }
0x92: {  	[hbm4b:s0+s2] =	stream.linear.scatter [tilespmem:s6], [sflag:$0x3], $0x5000, $0x38;
	[tilespmem:$0xAC80] =	vst v63  }
0x93: {  	_ =	swait.ge [sflag:s4], $0x5000  }
0x94: {  	[sflag:s4] =	ssyncset.done $0x0  }
0x95: {  	[sflag:s4] =	ssyncadd.s32 $0xFFFFB000  }
0x96: {  	[tilespmem:s6], [sflag:$0x2] =	stream.indirect.gather [hbm4b:s3+s11], $0x80, s17, s11, $0xb8;
	[tilespmem:$0xAC80] =	vst v63  }
0x97: {  	_ =	swait.ge [sflag:s12], $0x5000  }
0x98: {  	[sflag:s12] =	ssyncset.done $0x0  }
0x99: {  	s0 =	rddreg [dreg:$0x12];
	[sflag:s12] =	ssyncadd.s32 $0xFFFFB000  }
0x9a: {  	[hbm4b:s0+s2] =	stream.linear.scatter [tilespmem:s9], [sflag:$0x3], $0x5000, $0x38;
	[tilespmem:$0xAC80] =	vst v63  }
0x9b: {  	_ =	swait.ge [sflag:s4], $0x5000  }
0x9c: {  	[sflag:s4] =	ssyncset.done $0x0  }
0x9d: {  	[sflag:s4] =	ssyncadd.s32 $0xFFFFB000  }
0x9e: {  	[tilespmem:s9], [sflag:$0x1] =	stream.indirect.gather [hbm4b:s3+s11], $0x80, s16, s11, $0xb8;
	[tilespmem:$0xAC80] =	vst v63  }
0x9f: {  	_ =	swait.ge [sflag:s8], $0x5000  }
0xa0: {  	[sflag:s8] =	ssyncset.done $0x0  }
0xa1: {  	s0 =	rddreg [dreg:$0x13];
	[sflag:s8] =	ssyncadd.s32 $0xFFFFB000  }
0xa2: {  	[hbm4b:s0+s2] =	stream.linear.scatter [tilespmem:s6], [sflag:$0x3], $0x5000, $0x38;
	[tilespmem:$0xAC80] =	vst v63  }
0xa3: {  	_ =	swait.ge [sflag:s4], $0x5000  }
0xa4: {  	[sflag:s4] =	ssyncset.done $0x0  }
0xa5: {  	[sflag:s4] =	ssyncadd.s32 $0xFFFFB000  }
0xa6: {  	[tilespmem:s6], [sflag:$0x2] =	stream.indirect.gather [hbm4b:s3+s11], $0x80, s15, s11, $0xb8;
	[tilespmem:$0xAC80] =	vst v63  }
0xa7: {  	_ =	swait.ge [sflag:s12], $0x5000  }
0xa8: {  	[sflag:s12] =	ssyncset.done $0x0  }
0xa9: {  	s0 =	rddreg [dreg:$0x14];
	[sflag:s12] =	ssyncadd.s32 $0xFFFFB000  }
0xaa: {  	[hbm4b:s0+s2] =	stream.linear.scatter [tilespmem:s9], [sflag:$0x3], $0x5000, $0x38;
	[tilespmem:$0xAC80] =	vst v63  }
0xab: {  	_ =	swait.ge [sflag:s4], $0x5000  }
0xac: {  	[sflag:s4] =	ssyncset.done $0x0  }
0xad: {  	[sflag:s4] =	ssyncadd.s32 $0xFFFFB000  }
0xae: {  	[tilespmem:s9], [sflag:$0x1] =	stream.indirect.gather [hbm4b:s3+s11], $0x80, s14, s11, $0xb8;
	[tilespmem:$0xAC80] =	vst v63  }
0xaf: {  	_ =	swait.ge [sflag:s8], $0x5000  }
0xb0: {  	[sflag:s8] =	ssyncset.done $0x0  }
0xb1: {  	[sflag:s8] =	ssyncadd.s32 $0xFFFFB000  }
0xb2: {  	[hbm4b:s10+s2] =	stream.linear.scatter [tilespmem:s6], [sflag:$0x3], $0x5000, $0x38;
	[tilespmem:$0xAC80] =	vst v63  }
0xb3: {  	_ =	swait.ge [sflag:s4], $0x5000  }
0xb4: {  	[sflag:s4] =	ssyncset.done $0x0  }
0xb5: {  	[sflag:s4] =	ssyncadd.s32 $0xFFFFB000  }
0xb6: {  	[tilespmem:s6], [sflag:$0x2] =	stream.indirect.gather [hbm4b:s3+s11], $0x80, s13, s11, $0xb8;
	[tilespmem:$0xAC80] =	vst v63  }
0xb7: {  	_ =	swait.ge [sflag:s12], $0x5000  }
0xb8: {  	[sflag:s12] =	ssyncset.done $0x0  }
0xb9: {  	[sflag:s12] =	ssyncadd.s32 $0xFFFFB000  }
0xba: {  	[hbm4b:s7+s2] =	stream.linear.scatter [tilespmem:s9], [sflag:$0x3], $0x5000, $0x38;
	[tilespmem:$0xAC80] =	vst v63  }
0xbb: {  	_ =	swait.ge [sflag:s4], $0x5000  }
0xbc: {  	[sflag:s4] =	ssyncset.done $0x0  }
0xbd: {  	[sflag:s4] =	ssyncadd.s32 $0xFFFFB000  }
0xbe: {  	p1 =	sne.s32 s1, $0x1;
	_ =	swait.ge [sflag:s8], $0x5000  }
.Ltmp1:
0xbf: {  	[sflag:s8] =	ssyncset.done $0x0;
	(pc) =	sbr.rel @!p1 .LBB2_3-.Ltmp1, $4  }
0xc0: {  	[sflag:s8] =	ssyncadd.s32 $0xFFFFB000  }
0xc1: {  	[hbm4b:s5+s2] =	stream.linear.scatter [tilespmem:s6], [sflag:$0x3], $0x5000, $0x38;
	[tilespmem:$0xAC80] =	vst v63  }
0xc2: {  	s1 =	sadd.s32 $0xFFFFFFFF, s1;
	_ =	swait.ge [sflag:s4], $0x5000  }
0xc3: {  	p0 =	por $0x1, $0x1;
	s0 =	rddreg [dreg:$0x3];
	[sflag:s4] =	ssyncset.done $0x0  }
.LBB2_2:
0xc4: {  	[sflag:s4] =	ssyncadd.s32 $0xFFFFB000  }
0xc5: {  	[tilespmem:s2], [sflag:$0x3] =	stream.linear.gather [hbm4b:s0+s2], $0xC80, $0x38;
	[tilespmem:$0xAC80] =	vst v63  }
0xc6: {  	_ =	swait.ge [sflag:s4], $0xC80  }
0xc7: {  	[sflag:s4] =	ssyncset.done $0x0  }
0xc8: {  	[sflag:s4] =	ssyncadd.s32 $0xFFFFF380  }
0xc9: {  	[tilespmem:s9], [sflag:$0x1] =	stream.indirect.gather [hbm4b:s3+s11], $0x80, s2, s11, $0xb8;
	[tilespmem:$0xAC80] =	vst v63  }
0xca: {  	_ = 	snop  }
0xcb: {  	[tilespmem:s6], [sflag:$0x2] =	stream.indirect.gather [hbm4b:s3+s11], $0x80, s11, s11, $0xb8;
	[tilespmem:$0xAC80] =	vst v63  }
0xcc: {  	_ =	swait.ge [sflag:s12], $0x5000  }
0xcd: {  	[sflag:s12] =	ssyncset.done $0x0  }
0xce: {  	s0 =	rddreg [dreg:$0x4];
	[sflag:s12] =	ssyncadd.s32 $0xFFFFB000  }
0xcf: {  	[hbm4b:s0+s2] =	stream.linear.scatter [tilespmem:s9], [sflag:$0x3], $0x5000, $0x38;
	[tilespmem:$0xAC80] =	vst v63  }
0xd0: {  	_ =	swait.ge [sflag:s4], $0x5000  }
0xd1: {  	[sflag:s4] =	ssyncset.done $0x0  }
0xd2: {  	[sflag:s4] =	ssyncadd.s32 $0xFFFFB000  }
0xd3: {  	[tilespmem:s9], [sflag:$0x1] =	stream.indirect.gather [hbm4b:s3+s11], $0x80, s31, s11, $0xb8;
	[tilespmem:$0xAC80] =	vst v63  }
0xd4: {  	_ =	swait.ge [sflag:s8], $0x5000  }
0xd5: {  	[sflag:s8] =	ssyncset.done $0x0  }
0xd6: {  	s0 =	rddreg [dreg:$0x5];
	[sflag:s8] =	ssyncadd.s32 $0xFFFFB000  }
0xd7: {  	[hbm4b:s0+s2] =	stream.linear.scatter [tilespmem:s6], [sflag:$0x3], $0x5000, $0x38;
	[tilespmem:$0xAC80] =	vst v63  }
0xd8: {  	_ =	swait.ge [sflag:s4], $0x5000  }
0xd9: {  	[sflag:s4] =	ssyncset.done $0x0  }
0xda: {  	[sflag:s4] =	ssyncadd.s32 $0xFFFFB000  }
0xdb: {  	[tilespmem:s6], [sflag:$0x2] =	stream.indirect.gather [hbm4b:s3+s11], $0x80, s30, s11, $0xb8;
	[tilespmem:$0xAC80] =	vst v63  }
0xdc: {  	_ =	swait.ge [sflag:s12], $0x5000  }
0xdd: {  	[sflag:s12] =	ssyncset.done $0x0  }
0xde: {  	s0 =	rddreg [dreg:$0x6];
	[sflag:s12] =	ssyncadd.s32 $0xFFFFB000  }
0xdf: {  	[hbm4b:s0+s2] =	stream.linear.scatter [tilespmem:s9], [sflag:$0x3], $0x5000, $0x38;
	[tilespmem:$0xAC80] =	vst v63  }
0xe0: {  	_ =	swait.ge [sflag:s4], $0x5000  }
0xe1: {  	[sflag:s4] =	ssyncset.done $0x0  }
0xe2: {  	[sflag:s4] =	ssyncadd.s32 $0xFFFFB000  }
0xe3: {  	[tilespmem:s9], [sflag:$0x1] =	stream.indirect.gather [hbm4b:s3+s11], $0x80, s29, s11, $0xb8;
	[tilespmem:$0xAC80] =	vst v63  }
0xe4: {  	_ =	swait.ge [sflag:s8], $0x5000  }
0xe5: {  	[sflag:s8] =	ssyncset.done $0x0  }
0xe6: {  	s0 =	rddreg [dreg:$0x7];
	[sflag:s8] =	ssyncadd.s32 $0xFFFFB000  }
0xe7: {  	[hbm4b:s0+s2] =	stream.linear.scatter [tilespmem:s6], [sflag:$0x3], $0x5000, $0x38;
	[tilespmem:$0xAC80] =	vst v63  }
0xe8: {  	_ =	swait.ge [sflag:s4], $0x5000  }
0xe9: {  	[sflag:s4] =	ssyncset.done $0x0  }
0xea: {  	[sflag:s4] =	ssyncadd.s32 $0xFFFFB000  }
0xeb: {  	[tilespmem:s6], [sflag:$0x2] =	stream.indirect.gather [hbm4b:s3+s11], $0x80, s28, s11, $0xb8;
	[tilespmem:$0xAC80] =	vst v63  }
0xec: {  	_ =	swait.ge [sflag:s12], $0x5000  }
0xed: {  	[sflag:s12] =	ssyncset.done $0x0  }
0xee: {  	s0 =	rddreg [dreg:$0x8];
	[sflag:s12] =	ssyncadd.s32 $0xFFFFB000  }
0xef: {  	[hbm4b:s0+s2] =	stream.linear.scatter [tilespmem:s9], [sflag:$0x3], $0x5000, $0x38;
	[tilespmem:$0xAC80] =	vst v63  }
0xf0: {  	_ =	swait.ge [sflag:s4], $0x5000  }
0xf1: {  	[sflag:s4] =	ssyncset.done $0x0  }
0xf2: {  	[sflag:s4] =	ssyncadd.s32 $0xFFFFB000  }
0xf3: {  	[tilespmem:s9], [sflag:$0x1] =	stream.indirect.gather [hbm4b:s3+s11], $0x80, s26, s11, $0xb8;
	[tilespmem:$0xAC80] =	vst v63  }
0xf4: {  	_ =	swait.ge [sflag:s8], $0x5000  }
0xf5: {  	[sflag:s8] =	ssyncset.done $0x0  }
0xf6: {  	s0 =	rddreg [dreg:$0x9];
	[sflag:s8] =	ssyncadd.s32 $0xFFFFB000  }
0xf7: {  	[hbm4b:s0+s2] =	stream.linear.scatter [tilespmem:s6], [sflag:$0x3], $0x5000, $0x38;
	[tilespmem:$0xAC80] =	vst v63  }
0xf8: {  	_ =	swait.ge [sflag:s4], $0x5000  }
0xf9: {  	[sflag:s4] =	ssyncset.done $0x0  }
0xfa: {  	[sflag:s4] =	ssyncadd.s32 $0xFFFFB000  }
0xfb: {  	[tilespmem:s6], [sflag:$0x2] =	stream.indirect.gather [hbm4b:s3+s11], $0x80, s25, s11, $0xb8;
	[tilespmem:$0xAC80] =	vst v63  }
0xfc: {  	_ =	swait.ge [sflag:s12], $0x5000  }
0xfd: {  	[sflag:s12] =	ssyncset.done $0x0  }
0xfe: {  	s0 =	rddreg [dreg:$0xa];
	[sflag:s12] =	ssyncadd.s32 $0xFFFFB000  }
0xff: {  	[hbm4b:s0+s2] =	stream.linear.scatter [tilespmem:s9], [sflag:$0x3], $0x5000, $0x38;
	[tilespmem:$0xAC80] =	vst v63  }
0x100: {  	_ =	swait.ge [sflag:s4], $0x5000  }
0x101: {  	[sflag:s4] =	ssyncset.done $0x0  }
0x102: {  	[sflag:s4] =	ssyncadd.s32 $0xFFFFB000  }
0x103: {  	[tilespmem:s9], [sflag:$0x1] =	stream.indirect.gather [hbm4b:s3+s11], $0x80, s24, s11, $0xb8;
	[tilespmem:$0xAC80] =	vst v63  }
0x104: {  	_ =	swait.ge [sflag:s8], $0x5000  }
0x105: {  	[sflag:s8] =	ssyncset.done $0x0  }
0x106: {  	s0 =	rddreg [dreg:$0xb];
	[sflag:s8] =	ssyncadd.s32 $0xFFFFB000  }
0x107: {  	[hbm4b:s0+s2] =	stream.linear.scatter [tilespmem:s6], [sflag:$0x3], $0x5000, $0x38;
	[tilespmem:$0xAC80] =	vst v63  }
0x108: {  	_ =	swait.ge [sflag:s4], $0x5000  }
0x109: {  	[sflag:s4] =	ssyncset.done $0x0  }
0x10a: {  	[sflag:s4] =	ssyncadd.s32 $0xFFFFB000  }
0x10b: {  	[tilespmem:s6], [sflag:$0x2] =	stream.indirect.gather [hbm4b:s3+s11], $0x80, s23, s11, $0xb8;
	[tilespmem:$0xAC80] =	vst v63  }
0x10c: {  	_ =	swait.ge [sflag:s12], $0x5000  }
0x10d: {  	[sflag:s12] =	ssyncset.done $0x0  }
0x10e: {  	s0 =	rddreg [dreg:$0xc];
	[sflag:s12] =	ssyncadd.s32 $0xFFFFB000  }
0x10f: {  	[hbm4b:s0+s2] =	stream.linear.scatter [tilespmem:s9], [sflag:$0x3], $0x5000, $0x38;
	[tilespmem:$0xAC80] =	vst v63  }
0x110: {  	_ =	swait.ge [sflag:s4], $0x5000  }
0x111: {  	[sflag:s4] =	ssyncset.done $0x0  }
0x112: {  	[sflag:s4] =	ssyncadd.s32 $0xFFFFB000  }
0x113: {  	[tilespmem:s9], [sflag:$0x1] =	stream.indirect.gather [hbm4b:s3+s11], $0x80, s22, s11, $0xb8;
	[tilespmem:$0xAC80] =	vst v63  }
0x114: {  	_ =	swait.ge [sflag:s8], $0x5000  }
0x115: {  	[sflag:s8] =	ssyncset.done $0x0  }
0x116: {  	s0 =	rddreg [dreg:$0xd];
	[sflag:s8] =	ssyncadd.s32 $0xFFFFB000  }
0x117: {  	[hbm4b:s0+s2] =	stream.linear.scatter [tilespmem:s6], [sflag:$0x3], $0x5000, $0x38;
	[tilespmem:$0xAC80] =	vst v63  }
0x118: {  	_ =	swait.ge [sflag:s4], $0x5000  }
0x119: {  	[sflag:s4] =	ssyncset.done $0x0  }
0x11a: {  	[sflag:s4] =	ssyncadd.s32 $0xFFFFB000  }
0x11b: {  	[tilespmem:s6], [sflag:$0x2] =	stream.indirect.gather [hbm4b:s3+s11], $0x80, s21, s11, $0xb8;
	[tilespmem:$0xAC80] =	vst v63  }
0x11c: {  	_ =	swait.ge [sflag:s12], $0x5000  }
0x11d: {  	[sflag:s12] =	ssyncset.done $0x0  }
0x11e: {  	s0 =	rddreg [dreg:$0xe];
	[sflag:s12] =	ssyncadd.s32 $0xFFFFB000  }
0x11f: {  	[hbm4b:s0+s2] =	stream.linear.scatter [tilespmem:s9], [sflag:$0x3], $0x5000, $0x38;
	[tilespmem:$0xAC80] =	vst v63  }
0x120: {  	_ =	swait.ge [sflag:s4], $0x5000  }
0x121: {  	[sflag:s4] =	ssyncset.done $0x0  }
0x122: {  	[sflag:s4] =	ssyncadd.s32 $0xFFFFB000  }
0x123: {  	[tilespmem:s9], [sflag:$0x1] =	stream.indirect.gather [hbm4b:s3+s11], $0x80, s20, s11, $0xb8;
	[tilespmem:$0xAC80] =	vst v63  }
0x124: {  	_ =	swait.ge [sflag:s8], $0x5000  }
0x125: {  	[sflag:s8] =	ssyncset.done $0x0  }
0x126: {  	s0 =	rddreg [dreg:$0xf];
	[sflag:s8] =	ssyncadd.s32 $0xFFFFB000  }
0x127: {  	[hbm4b:s0+s2] =	stream.linear.scatter [tilespmem:s6], [sflag:$0x3], $0x5000, $0x38;
	[tilespmem:$0xAC80] =	vst v63  }
0x128: {  	_ =	swait.ge [sflag:s4], $0x5000  }
0x129: {  	[sflag:s4] =	ssyncset.done $0x0  }
0x12a: {  	[sflag:s4] =	ssyncadd.s32 $0xFFFFB000  }
0x12b: {  	[tilespmem:s6], [sflag:$0x2] =	stream.indirect.gather [hbm4b:s3+s11], $0x80, s19, s11, $0xb8;
	[tilespmem:$0xAC80] =	vst v63  }
0x12c: {  	_ =	swait.ge [sflag:s12], $0x5000  }
0x12d: {  	[sflag:s12] =	ssyncset.done $0x0  }
0x12e: {  	s0 =	rddreg [dreg:$0x10];
	[sflag:s12] =	ssyncadd.s32 $0xFFFFB000  }
0x12f: {  	[hbm4b:s0+s2] =	stream.linear.scatter [tilespmem:s9], [sflag:$0x3], $0x5000, $0x38;
	[tilespmem:$0xAC80] =	vst v63  }
0x130: {  	_ =	swait.ge [sflag:s4], $0x5000  }
0x131: {  	[sflag:s4] =	ssyncset.done $0x0  }
0x132: {  	[sflag:s4] =	ssyncadd.s32 $0xFFFFB000  }
0x133: {  	[tilespmem:s9], [sflag:$0x1] =	stream.indirect.gather [hbm4b:s3+s11], $0x80, s18, s11, $0xb8;
	[tilespmem:$0xAC80] =	vst v63  }
0x134: {  	_ =	swait.ge [sflag:s8], $0x5000  }
0x135: {  	[sflag:s8] =	ssyncset.done $0x0  }
0x136: {  	s0 =	rddreg [dreg:$0x11];
	[sflag:s8] =	ssyncadd.s32 $0xFFFFB000  }
0x137: {  	[hbm4b:s0+s2] =	stream.linear.scatter [tilespmem:s6], [sflag:$0x3], $0x5000, $0x38;
	[tilespmem:$0xAC80] =	vst v63  }
0x138: {  	_ =	swait.ge [sflag:s4], $0x5000  }
0x139: {  	[sflag:s4] =	ssyncset.done $0x0  }
0x13a: {  	[sflag:s4] =	ssyncadd.s32 $0xFFFFB000  }
0x13b: {  	[tilespmem:s6], [sflag:$0x2] =	stream.indirect.gather [hbm4b:s3+s11], $0x80, s17, s11, $0xb8;
	[tilespmem:$0xAC80] =	vst v63  }
0x13c: {  	_ =	swait.ge [sflag:s12], $0x5000  }
0x13d: {  	[sflag:s12] =	ssyncset.done $0x0  }
0x13e: {  	s0 =	rddreg [dreg:$0x12];
	[sflag:s12] =	ssyncadd.s32 $0xFFFFB000  }
0x13f: {  	[hbm4b:s0+s2] =	stream.linear.scatter [tilespmem:s9], [sflag:$0x3], $0x5000, $0x38;
	[tilespmem:$0xAC80] =	vst v63  }
0x140: {  	_ =	swait.ge [sflag:s4], $0x5000  }
0x141: {  	[sflag:s4] =	ssyncset.done $0x0  }
0x142: {  	[sflag:s4] =	ssyncadd.s32 $0xFFFFB000  }
0x143: {  	[tilespmem:s9], [sflag:$0x1] =	stream.indirect.gather [hbm4b:s3+s11], $0x80, s16, s11, $0xb8;
	[tilespmem:$0xAC80] =	vst v63  }
0x144: {  	_ =	swait.ge [sflag:s8], $0x5000  }
0x145: {  	[sflag:s8] =	ssyncset.done $0x0  }
0x146: {  	s0 =	rddreg [dreg:$0x13];
	[sflag:s8] =	ssyncadd.s32 $0xFFFFB000  }
0x147: {  	[hbm4b:s0+s2] =	stream.linear.scatter [tilespmem:s6], [sflag:$0x3], $0x5000, $0x38;
	[tilespmem:$0xAC80] =	vst v63  }
0x148: {  	_ =	swait.ge [sflag:s4], $0x5000  }
0x149: {  	[sflag:s4] =	ssyncset.done $0x0  }
0x14a: {  	[sflag:s4] =	ssyncadd.s32 $0xFFFFB000  }
0x14b: {  	[tilespmem:s6], [sflag:$0x2] =	stream.indirect.gather [hbm4b:s3+s11], $0x80, s15, s11, $0xb8;
	[tilespmem:$0xAC80] =	vst v63  }
0x14c: {  	_ =	swait.ge [sflag:s12], $0x5000  }
0x14d: {  	[sflag:s12] =	ssyncset.done $0x0  }
0x14e: {  	s0 =	rddreg [dreg:$0x14];
	[sflag:s12] =	ssyncadd.s32 $0xFFFFB000  }
0x14f: {  	[hbm4b:s0+s2] =	stream.linear.scatter [tilespmem:s9], [sflag:$0x3], $0x5000, $0x38;
	[tilespmem:$0xAC80] =	vst v63  }
0x150: {  	_ =	swait.ge [sflag:s4], $0x5000  }
0x151: {  	[sflag:s4] =	ssyncset.done $0x0  }
0x152: {  	[sflag:s4] =	ssyncadd.s32 $0xFFFFB000  }
0x153: {  	[tilespmem:s9], [sflag:$0x1] =	stream.indirect.gather [hbm4b:s3+s11], $0x80, s14, s11, $0xb8;
	[tilespmem:$0xAC80] =	vst v63  }
0x154: {  	_ =	swait.ge [sflag:s8], $0x5000  }
0x155: {  	[sflag:s8] =	ssyncset.done $0x0  }
0x156: {  	[sflag:s8] =	ssyncadd.s32 $0xFFFFB000  }
0x157: {  	[hbm4b:s10+s2] =	stream.linear.scatter [tilespmem:s6], [sflag:$0x3], $0x5000, $0x38;
	[tilespmem:$0xAC80] =	vst v63  }
0x158: {  	_ =	swait.ge [sflag:s4], $0x5000  }
0x159: {  	[sflag:s4] =	ssyncset.done $0x0  }
0x15a: {  	[sflag:s4] =	ssyncadd.s32 $0xFFFFB000  }
0x15b: {  	[tilespmem:s6], [sflag:$0x2] =	stream.indirect.gather [hbm4b:s3+s11], $0x80, s13, s11, $0xb8;
	[tilespmem:$0xAC80] =	vst v63  }
0x15c: {  	_ =	swait.ge [sflag:s12], $0x5000  }
0x15d: {  	[sflag:s12] =	ssyncset.done $0x0  }
0x15e: {  	[sflag:s12] =	ssyncadd.s32 $0xFFFFB000  }
0x15f: {  	[hbm4b:s7+s2] =	stream.linear.scatter [tilespmem:s9], [sflag:$0x3], $0x5000, $0x38;
	[tilespmem:$0xAC80] =	vst v63  }
0x160: {  	_ =	swait.ge [sflag:s4], $0x5000  }
0x161: {  	[sflag:s4] =	ssyncset.done $0x0  }
0x162: {  	[sflag:s4] =	ssyncadd.s32 $0xFFFFB000  }
0x163: {  	p1 =	sne.s32 s1, $0x1;
	_ =	swait.ge [sflag:s8], $0x5000  }
.Ltmp2:
0x164: {  	[sflag:s8] =	ssyncset.done $0x0;
	(pc) =	sbr.rel @p1 .LBB2_2-.Ltmp2, $4  }
0x165: {  	[sflag:s8] =	ssyncadd.s32 $0xFFFFB000  }
0x166: {  	[hbm4b:s5+s2] =	stream.linear.scatter [tilespmem:s6], [sflag:$0x3], $0x5000, $0x38;
	[tilespmem:$0xAC80] =	vst v63  }
0x167: {  	_ =	swait.ge [sflag:s4], $0x5000  }
0x168: {  	s1 =	sadd.s32 $0xFFFFFFFF, s1;
	s0 =	rddreg [dreg:$0x3];
	[sflag:s4] =	ssyncset.done $0x0  }
.LBB2_3:
0x169: {  	[sflag:s4] =	ssyncadd.s32 @p0 $0xFFFFB000  }
0x16a: {  	[tilespmem:s2], [sflag:$0x3] =	stream.linear.gather [hbm4b:s0+s2], $0xC80, $0x38;
	[tilespmem:$0xAC80] =	vst v63  }
0x16b: {  	_ =	swait.ge [sflag:s4], $0xC80  }
0x16c: {  	[sflag:s4] =	ssyncset.done $0x0  }
0x16d: {  	[sflag:s4] =	ssyncadd.s32 $0xFFFFF380  }
0x16e: {  	[tilespmem:s9], [sflag:$0x1] =	stream.indirect.gather [hbm4b:s3+s11], $0x80, s2, s11, $0xb8;
	[tilespmem:$0xAC80] =	vst v63  }
0x16f: {  	_ = 	snop  }
0x170: {  	[tilespmem:s6], [sflag:$0x2] =	stream.indirect.gather [hbm4b:s3+s11], $0x80, s11, s11, $0xb8;
	[tilespmem:$0xAC80] =	vst v63  }
0x171: {  	_ =	swait.ge [sflag:s12], $0x5000  }
0x172: {  	[sflag:s12] =	ssyncset.done $0x0  }
0x173: {  	s1 =	rddreg [dreg:$0x4];
	[sflag:s12] =	ssyncadd.s32 $0xFFFFB000  }
0x174: {  	[hbm4b:s1+s2] =	stream.linear.scatter [tilespmem:s9], [sflag:$0x3], $0x5000, $0x38;
	[tilespmem:$0xAC80] =	vst v63  }
0x175: {  	_ =	swait.ge [sflag:s4], $0x5000  }
0x176: {  	[sflag:s4] =	ssyncset.done $0x0  }
0x177: {  	[sflag:s4] =	ssyncadd.s32 $0xFFFFB000  }
0x178: {  	[tilespmem:s9], [sflag:$0x1] =	stream.indirect.gather [hbm4b:s3+s11], $0x80, s31, s11, $0xb8;
	[tilespmem:$0xAC80] =	vst v63  }
0x179: {  	_ =	swait.ge [sflag:s8], $0x5000  }
0x17a: {  	[sflag:s8] =	ssyncset.done $0x0  }
0x17b: {  	s1 =	rddreg [dreg:$0x5];
	[sflag:s8] =	ssyncadd.s32 $0xFFFFB000  }
0x17c: {  	[hbm4b:s1+s2] =	stream.linear.scatter [tilespmem:s6], [sflag:$0x3], $0x5000, $0x38;
	[tilespmem:$0xAC80] =	vst v63  }
0x17d: {  	_ =	swait.ge [sflag:s4], $0x5000  }
0x17e: {  	[sflag:s4] =	ssyncset.done $0x0  }
0x17f: {  	[sflag:s4] =	ssyncadd.s32 $0xFFFFB000  }
0x180: {  	[tilespmem:s6], [sflag:$0x2] =	stream.indirect.gather [hbm4b:s3+s11], $0x80, s30, s11, $0xb8;
	[tilespmem:$0xAC80] =	vst v63  }
0x181: {  	_ =	swait.ge [sflag:s12], $0x5000  }
0x182: {  	[sflag:s12] =	ssyncset.done $0x0  }
0x183: {  	s31 =	rddreg [dreg:$0x6];
	[sflag:s12] =	ssyncadd.s32 $0xFFFFB000  }
0x184: {  	[hbm4b:s31+s2] =	stream.linear.scatter [tilespmem:s9], [sflag:$0x3], $0x5000, $0x38;
	[tilespmem:$0xAC80] =	vst v63  }
0x185: {  	_ =	swait.ge [sflag:s4], $0x5000  }
0x186: {  	[sflag:s4] =	ssyncset.done $0x0  }
0x187: {  	[sflag:s4] =	ssyncadd.s32 $0xFFFFB000  }
0x188: {  	[tilespmem:s9], [sflag:$0x1] =	stream.indirect.gather [hbm4b:s3+s11], $0x80, s29, s11, $0xb8;
	[tilespmem:$0xAC80] =	vst v63  }
0x189: {  	_ =	swait.ge [sflag:s8], $0x5000  }
0x18a: {  	[sflag:s8] =	ssyncset.done $0x0  }
0x18b: {  	s1 =	rddreg [dreg:$0x7];
	[sflag:s8] =	ssyncadd.s32 $0xFFFFB000  }
0x18c: {  	[hbm4b:s1+s2] =	stream.linear.scatter [tilespmem:s6], [sflag:$0x3], $0x5000, $0x38;
	[tilespmem:$0xAC80] =	vst v63  }
0x18d: {  	_ =	swait.ge [sflag:s4], $0x5000  }
0x18e: {  	[sflag:s4] =	ssyncset.done $0x0  }
0x18f: {  	[sflag:s4] =	ssyncadd.s32 $0xFFFFB000  }
0x190: {  	[tilespmem:s6], [sflag:$0x2] =	stream.indirect.gather [hbm4b:s3+s11], $0x80, s28, s11, $0xb8;
	[tilespmem:$0xAC80] =	vst v63  }
0x191: {  	_ =	swait.ge [sflag:s12], $0x5000  }
0x192: {  	[sflag:s12] =	ssyncset.done $0x0  }
0x193: {  	s28 =	rddreg [dreg:$0x8];
	[sflag:s12] =	ssyncadd.s32 $0xFFFFB000  }
0x194: {  	[hbm4b:s28+s2] =	stream.linear.scatter [tilespmem:s9], [sflag:$0x3], $0x5000, $0x38;
	[tilespmem:$0xAC80] =	vst v63  }
0x195: {  	_ =	swait.ge [sflag:s4], $0x5000  }
0x196: {  	[sflag:s4] =	ssyncset.done $0x0  }
0x197: {  	[sflag:s4] =	ssyncadd.s32 $0xFFFFB000  }
0x198: {  	[tilespmem:s9], [sflag:$0x1] =	stream.indirect.gather [hbm4b:s3+s11], $0x80, s26, s11, $0xb8;
	[tilespmem:$0xAC80] =	vst v63  }
0x199: {  	_ =	swait.ge [sflag:s8], $0x5000  }
0x19a: {  	[sflag:s8] =	ssyncset.done $0x0  }
0x19b: {  	s29 =	rddreg [dreg:$0x9];
	[sflag:s8] =	ssyncadd.s32 $0xFFFFB000  }
0x19c: {  	[hbm4b:s29+s2] =	stream.linear.scatter [tilespmem:s6], [sflag:$0x3], $0x5000, $0x38;
	[tilespmem:$0xAC80] =	vst v63  }
0x19d: {  	_ =	swait.ge [sflag:s4], $0x5000  }
0x19e: {  	[sflag:s4] =	ssyncset.done $0x0  }
0x19f: {  	[sflag:s4] =	ssyncadd.s32 $0xFFFFB000  }
0x1a0: {  	[tilespmem:s6], [sflag:$0x2] =	stream.indirect.gather [hbm4b:s3+s11], $0x80, s25, s11, $0xb8;
	[tilespmem:$0xAC80] =	vst v63  }
0x1a1: {  	_ =	swait.ge [sflag:s12], $0x5000  }
0x1a2: {  	[sflag:s12] =	ssyncset.done $0x0  }
0x1a3: {  	s30 =	rddreg [dreg:$0xa];
	[sflag:s12] =	ssyncadd.s32 $0xFFFFB000  }
0x1a4: {  	[hbm4b:s30+s2] =	stream.linear.scatter [tilespmem:s9], [sflag:$0x3], $0x5000, $0x38;
	[tilespmem:$0xAC80] =	vst v63  }
0x1a5: {  	_ =	swait.ge [sflag:s4], $0x5000  }
0x1a6: {  	[sflag:s4] =	ssyncset.done $0x0  }
0x1a7: {  	[sflag:s4] =	ssyncadd.s32 $0xFFFFB000  }
0x1a8: {  	[tilespmem:s9], [sflag:$0x1] =	stream.indirect.gather [hbm4b:s3+s11], $0x80, s24, s11, $0xb8;
	[tilespmem:$0xAC80] =	vst v63  }
0x1a9: {  	_ =	swait.ge [sflag:s8], $0x5000  }
0x1aa: {  	[sflag:s8] =	ssyncset.done $0x0  }
0x1ab: {  	s31 =	rddreg [dreg:$0xb];
	[sflag:s8] =	ssyncadd.s32 $0xFFFFB000  }
0x1ac: {  	[hbm4b:s31+s2] =	stream.linear.scatter [tilespmem:s6], [sflag:$0x3], $0x5000, $0x38;
	[tilespmem:$0xAC80] =	vst v63  }
0x1ad: {  	_ =	swait.ge [sflag:s4], $0x5000  }
0x1ae: {  	[sflag:s4] =	ssyncset.done $0x0  }
0x1af: {  	[sflag:s4] =	ssyncadd.s32 $0xFFFFB000  }
0x1b0: {  	[tilespmem:s6], [sflag:$0x2] =	stream.indirect.gather [hbm4b:s3+s11], $0x80, s23, s11, $0xb8;
	[tilespmem:$0xAC80] =	vst v63  }
0x1b1: {  	_ =	swait.ge [sflag:s12], $0x5000  }
0x1b2: {  	[sflag:s12] =	ssyncset.done $0x0  }
0x1b3: {  	s1 =	rddreg [dreg:$0xc];
	[sflag:s12] =	ssyncadd.s32 $0xFFFFB000  }
0x1b4: {  	[hbm4b:s1+s2] =	stream.linear.scatter [tilespmem:s9], [sflag:$0x3], $0x5000, $0x38;
	[tilespmem:$0xAC80] =	vst v63  }
0x1b5: {  	_ =	swait.ge [sflag:s4], $0x5000  }
0x1b6: {  	[sflag:s4] =	ssyncset.done $0x0  }
0x1b7: {  	[sflag:s4] =	ssyncadd.s32 $0xFFFFB000  }
0x1b8: {  	[tilespmem:s9], [sflag:$0x1] =	stream.indirect.gather [hbm4b:s3+s11], $0x80, s22, s11, $0xb8;
	[tilespmem:$0xAC80] =	vst v63  }
0x1b9: {  	_ =	swait.ge [sflag:s8], $0x5000  }
0x1ba: {  	[sflag:s8] =	ssyncset.done $0x0  }
0x1bb: {  	s22 =	rddreg [dreg:$0xd];
	[sflag:s8] =	ssyncadd.s32 $0xFFFFB000  }
0x1bc: {  	[hbm4b:s22+s2] =	stream.linear.scatter [tilespmem:s6], [sflag:$0x3], $0x5000, $0x38;
	[tilespmem:$0xAC80] =	vst v63  }
0x1bd: {  	_ =	swait.ge [sflag:s4], $0x5000  }
0x1be: {  	[sflag:s4] =	ssyncset.done $0x0  }
0x1bf: {  	[sflag:s4] =	ssyncadd.s32 $0xFFFFB000  }
0x1c0: {  	[tilespmem:s6], [sflag:$0x2] =	stream.indirect.gather [hbm4b:s3+s11], $0x80, s21, s11, $0xb8;
	[tilespmem:$0xAC80] =	vst v63  }
0x1c1: {  	_ =	swait.ge [sflag:s12], $0x5000  }
0x1c2: {  	[sflag:s12] =	ssyncset.done $0x0  }
0x1c3: {  	s23 =	rddreg [dreg:$0xe];
	[sflag:s12] =	ssyncadd.s32 $0xFFFFB000  }
0x1c4: {  	[hbm4b:s23+s2] =	stream.linear.scatter [tilespmem:s9], [sflag:$0x3], $0x5000, $0x38;
	[tilespmem:$0xAC80] =	vst v63  }
0x1c5: {  	_ =	swait.ge [sflag:s4], $0x5000  }
0x1c6: {  	[sflag:s4] =	ssyncset.done $0x0  }
0x1c7: {  	[sflag:s4] =	ssyncadd.s32 $0xFFFFB000  }
0x1c8: {  	[tilespmem:s9], [sflag:$0x1] =	stream.indirect.gather [hbm4b:s3+s11], $0x80, s20, s11, $0xb8;
	[tilespmem:$0xAC80] =	vst v63  }
0x1c9: {  	_ =	swait.ge [sflag:s8], $0x5000  }
0x1ca: {  	[sflag:s8] =	ssyncset.done $0x0  }
0x1cb: {  	s24 =	rddreg [dreg:$0xf];
	[sflag:s8] =	ssyncadd.s32 $0xFFFFB000  }
0x1cc: {  	[hbm4b:s24+s2] =	stream.linear.scatter [tilespmem:s6], [sflag:$0x3], $0x5000, $0x38;
	[tilespmem:$0xAC80] =	vst v63  }
0x1cd: {  	_ =	swait.ge [sflag:s4], $0x5000  }
0x1ce: {  	[sflag:s4] =	ssyncset.done $0x0  }
0x1cf: {  	[sflag:s4] =	ssyncadd.s32 $0xFFFFB000  }
0x1d0: {  	[tilespmem:s6], [sflag:$0x2] =	stream.indirect.gather [hbm4b:s3+s11], $0x80, s19, s11, $0xb8;
	[tilespmem:$0xAC80] =	vst v63  }
0x1d1: {  	_ =	swait.ge [sflag:s12], $0x5000  }
0x1d2: {  	[sflag:s12] =	ssyncset.done $0x0  }
0x1d3: {  	s25 =	rddreg [dreg:$0x10];
	[sflag:s12] =	ssyncadd.s32 $0xFFFFB000  }
0x1d4: {  	[hbm4b:s25+s2] =	stream.linear.scatter [tilespmem:s9], [sflag:$0x3], $0x5000, $0x38;
	[tilespmem:$0xAC80] =	vst v63  }
0x1d5: {  	_ =	swait.ge [sflag:s4], $0x5000  }
0x1d6: {  	[sflag:s4] =	ssyncset.done $0x0  }
0x1d7: {  	[sflag:s4] =	ssyncadd.s32 $0xFFFFB000  }
0x1d8: {  	[tilespmem:s9], [sflag:$0x1] =	stream.indirect.gather [hbm4b:s3+s11], $0x80, s18, s11, $0xb8;
	[tilespmem:$0xAC80] =	vst v63  }
0x1d9: {  	_ =	swait.ge [sflag:s8], $0x5000  }
0x1da: {  	[sflag:s8] =	ssyncset.done $0x0  }
0x1db: {  	s26 =	rddreg [dreg:$0x11];
	[sflag:s8] =	ssyncadd.s32 $0xFFFFB000  }
0x1dc: {  	[hbm4b:s26+s2] =	stream.linear.scatter [tilespmem:s6], [sflag:$0x3], $0x5000, $0x38;
	[tilespmem:$0xAC80] =	vst v63  }
0x1dd: {  	_ =	swait.ge [sflag:s4], $0x5000  }
0x1de: {  	[sflag:s4] =	ssyncset.done $0x0  }
0x1df: {  	[sflag:s4] =	ssyncadd.s32 $0xFFFFB000  }
0x1e0: {  	[tilespmem:s6], [sflag:$0x2] =	stream.indirect.gather [hbm4b:s3+s11], $0x80, s17, s11, $0xb8;
	[tilespmem:$0xAC80] =	vst v63  }
0x1e1: {  	_ =	swait.ge [sflag:s12], $0x5000  }
0x1e2: {  	[sflag:s12] =	ssyncset.done $0x0  }
0x1e3: {  	s28 =	rddreg [dreg:$0x12];
	[sflag:s12] =	ssyncadd.s32 $0xFFFFB000  }
0x1e4: {  	[hbm4b:s28+s2] =	stream.linear.scatter [tilespmem:s9], [sflag:$0x3], $0x5000, $0x38;
	[tilespmem:$0xAC80] =	vst v63  }
0x1e5: {  	_ =	swait.ge [sflag:s4], $0x5000  }
0x1e6: {  	[sflag:s4] =	ssyncset.done $0x0  }
0x1e7: {  	[sflag:s4] =	ssyncadd.s32 $0xFFFFB000  }
0x1e8: {  	[tilespmem:s9], [sflag:$0x1] =	stream.indirect.gather [hbm4b:s3+s11], $0x80, s16, s11, $0xb8;
	[tilespmem:$0xAC80] =	vst v63  }
0x1e9: {  	_ =	swait.ge [sflag:s8], $0x5000  }
0x1ea: {  	[sflag:s8] =	ssyncset.done $0x0  }
0x1eb: {  	s29 =	rddreg [dreg:$0x13];
	[sflag:s8] =	ssyncadd.s32 $0xFFFFB000  }
0x1ec: {  	[hbm4b:s29+s2] =	stream.linear.scatter [tilespmem:s6], [sflag:$0x3], $0x5000, $0x38;
	[tilespmem:$0xAC80] =	vst v63  }
0x1ed: {  	_ =	swait.ge [sflag:s4], $0x5000  }
0x1ee: {  	[sflag:s4] =	ssyncset.done $0x0  }
0x1ef: {  	[sflag:s4] =	ssyncadd.s32 $0xFFFFB000  }
0x1f0: {  	[tilespmem:s6], [sflag:$0x2] =	stream.indirect.gather [hbm4b:s3+s11], $0x80, s15, s11, $0xb8;
	[tilespmem:$0xAC80] =	vst v63  }
0x1f1: {  	_ =	swait.ge [sflag:s12], $0x5000  }
0x1f2: {  	[sflag:s12] =	ssyncset.done $0x0  }
0x1f3: {  	s30 =	rddreg [dreg:$0x14];
	[sflag:s12] =	ssyncadd.s32 $0xFFFFB000  }
0x1f4: {  	[hbm4b:s30+s2] =	stream.linear.scatter [tilespmem:s9], [sflag:$0x3], $0x5000, $0x38;
	[tilespmem:$0xAC80] =	vst v63  }
0x1f5: {  	_ =	swait.ge [sflag:s4], $0x5000  }
0x1f6: {  	[sflag:s4] =	ssyncset.done $0x0  }
0x1f7: {  	[sflag:s4] =	ssyncadd.s32 $0xFFFFB000  }
0x1f8: {  	[tilespmem:s9], [sflag:$0x1] =	stream.indirect.gather [hbm4b:s3+s11], $0x80, s14, s11, $0xb8;
	[tilespmem:$0xAC80] =	vst v63  }
0x1f9: {  	_ =	swait.ge [sflag:s8], $0x5000  }
0x1fa: {  	[sflag:s8] =	ssyncset.done $0x0  }
0x1fb: {  	[sflag:s8] =	ssyncadd.s32 $0xFFFFB000  }
0x1fc: {  	[hbm4b:s10+s2] =	stream.linear.scatter [tilespmem:s6], [sflag:$0x3], $0x5000, $0x38;
	[tilespmem:$0xAC80] =	vst v63  }
0x1fd: {  	_ =	swait.ge [sflag:s4], $0x5000  }
0x1fe: {  	[sflag:s4] =	ssyncset.done $0x0  }
0x1ff: {  	[sflag:s4] =	ssyncadd.s32 $0xFFFFB000  }
0x200: {  	[tilespmem:s6], [sflag:$0x2] =	stream.indirect.gather [hbm4b:s3+s11], $0x80, s13, s11, $0xb8;
	[tilespmem:$0xAC80] =	vst v63  }
0x201: {  	_ =	swait.ge [sflag:s12], $0x5000  }
0x202: {  	[sflag:s12] =	ssyncset.done $0x0  }
0x203: {  	[sflag:s12] =	ssyncadd.s32 $0xFFFFB000  }
0x204: {  	[hbm4b:s7+s2] =	stream.linear.scatter [tilespmem:s9], [sflag:$0x3], $0x5000, $0x38;
	[tilespmem:$0xAC80] =	vst v63  }
0x205: {  	_ =	swait.ge [sflag:s4], $0x5000  }
0x206: {  	[sflag:s4] =	ssyncset.done $0x0  }
0x207: {  	[sflag:s4] =	ssyncadd.s32 $0xFFFFB000  }
0x208: {  	_ =	swait.ge [sflag:s8], $0x5000  }
0x209: {  	[sflag:s8] =	ssyncset.done $0x0  }
0x20a: {  	[sflag:s8] =	ssyncadd.s32 $0xFFFFB000  }
0x20b: {  	[hbm4b:s5+s2] =	stream.linear.scatter [tilespmem:s6], [sflag:$0x3], $0x5000, $0x38;
	[tilespmem:$0xAC80] =	vst v63  }
0x20c: {  	_ =	swait.ge [sflag:s4], $0x5000  }
0x20d: {  	[sflag:s4] =	ssyncset.done $0x0  }
0x20e: {  	[sflag:s4] =	ssyncadd.s32 $0xFFFFB000  }
0x20f: {  	_ =	sfence.sel $0x180000  }
0x210: {  	[bflag:$0x0] =	sbarrier.arrive $0xFFFF  }
0x211: {  	_ =	strace $0x9000004D  }
0x212: {  	s31 =	stileid.u32;
	[bflag:$0x2] =	sbarrier.arrive $0xFFFF  }
0x213: {  	p0 =	sne.s32 s31, $0x0;
	s0 =	rddreg [dreg:$0x2]  }
0x214: {  	s0 =	sadd.s32 @!p0 $0x100000, s0  }
0x215: {  	[sflag:s0] =	ssyncadd.tile.s32 @!p0 $0x1;
	_ =	shalt  }
.Lfunc_end2:
_tile_overlayer_lowered:
.L_overlay_start_2:
0x216: {  	(tag) =	ssettag $0x2  }
0x217: {  	s0 =	rddreg [dreg:$0x0];
	s2 =	stileid.u32  }
0x218: {  	s1 =	rddreg [dreg:$0x1];
	p0 =	sne.s32 s2, $0x0  }
0x219: {  	s3 =	rddreg [dreg:$0x2];
	[bflag:$0x3] =	sbarrier.arrive $0xFFFF;
	s2 =	simm.s32 @!p0 $0x1C03  }
0x21a: {  	[timem:s3], [sflag:s2] =	dma.local @!p0 [hbm:s0], s1  }
0x21b: {  	s0 =	simm.s32 @!p0 $0x3  }
0x21c: {  	_ =	swait.ge @!p0 [sflag:s0], s1  }
0x21d: {  	s1 =	ssub.s32 @!p0 $0x0, s1;
	[sflag:s0] =	ssyncset.done @!p0 $0x0  }
0x21e: {  	[sflag:s0] =	ssyncadd.s32 @!p0 s1  }
0x21f: {  	[bflag:$0x3] =	sbarrier.arrive $0xFFFF  }
0x220: {  	_ =	shalt  }

// kernel: kernel.7.cloned.1.call-start
scs
__scs_entry_jumppad:
0x0: {  	(pc) =	sbr.rel $0x88, $3  }
0x1: {  	(tag) =	ssettag $0x0;
	lr =	simm.s32 $0x1  }
0x2: {  	[smem:$0x3F99] =	sst lr;
	_ =	strace $0xD0000000  }
0x3: {  	_ = 	snop  }
0x4: {  	_ = 	snop  }
0x5: {  	_ = 	snop  }
0x6: {  	_ = 	snop  }
0x7: {  	_ = 	snop  }
__scs_overlays_trampoline_lowered:
0x8: {  	[smem:$0x3FA8] =	sst s0  }
0x9: {  	[smem:$0x3FA9] =	sst s1  }
0xa: {  	[smem:$0x3FAA] =	sst s2  }
0xb: {  	[smem:$0x3FAB] =	sst s3  }
0xc: {  	[smem:$0x3FAC] =	sst s4  }
0xd: {  	[smem:$0x3FAD] =	sst s5  }
0xe: {  	[smem:$0x3FAE] =	sst s6  }
0xf: {  	[smem:$0x3FAF] =	sst s7  }
0x10: {  	[smem:$0x3FB0] =	sst s8  }
0x11: {  	[smem:$0x3FB1] =	sst s9;
	s0 =	simm.s32 @!p0 $0x0  }
0x12: {  	s1 =	sld [smem:$0x3F97];
	s0 =	simm.s32 @p0 $0x1  }
0x13: {  	[smem:$0x3FB2] =	sst s0;
	s0 =	simm.s32 @!p1 $0x0  }
0x14: {  	s2 =	sld [smem:$0x3F96];
	s0 =	simm.s32 @p1 $0x1  }
0x15: {  	[smem:$0x3FB3] =	sst s0;
	s0 =	simm.s32 @!p2 $0x0  }
0x16: {  	s3 =	sld [smem:$0x3FDB];
	s0 =	simm.s32 @p2 $0x1  }
0x17: {  	s4 =	simm.s32 $0x1BF5;
	[smem:$0x3FB5] =	sst s0  }
0x18: {  	s0 =	sld [smem:$0x3F98];
	_ =	swait.ge [sflag:s4], $0x0  }
0x19: {  	s7 =	sld [smem:$0x3F99]  }
0x1a: {  	s8 =	sadd.s32 $0xFFFFE003, lr  }
0x1b: {  	s9 =	sadd.s32 $0xFFFFFEF7, lr;
	s5 =	simm.s32 $0xFFFFFFFF;
	p2 =	slt.u32 s8, $0xFFFFF086  }
0x1c: {  	p1 =	slt.u32 s9, $0xF7A;
	s5 =	simm.s32 @!p2 $0x0  }
0x1d: {  	s5 =	simm.s32 @p1 $0x1;
	p0 =	seq.s32 s7, s2  }
0x1e: {  	s7 =	smul.u32 @!p0 $0xF7A, s2;
	p2 =	seq.s32 @!p0 s5, $0x0  }
0x1f: {  	s9 =	smul.u32 $0xF7A, s1;
	s8 =	simm.s32 @!p0 $0x1BF5;
	p2 =	por !p2, p0  }
0x20: {  	[sflag:s8] =	ssyncset.s32 @!p0 $0xFFFFF086;
	s6 =	sadd.s32 @!p0 s3, s7;
	s7 =	simm.s32 @!p0 $0x108  }
0x21: {  	s3 =	sadd.s32 s3, s9;
	s6 =	sadd.s32 @!p0 $0x88, s6;
	s7 =	simm.s32 @p2 $0x1082  }
0x22: {  	[simem:s7], [sflag:s8] =	dma.local @!p0 [hbm:s6], $0xF7A  }
0x23: {  	s9 =	sor.u32 $0xD0000000, s2;
	s6 =	simm.s32 $0x108;
	_ =	swait.ge @!p0 [sflag:s8], $0x0  }
0x24: {  	s3 =	sadd.s32 $0x88, s3;
	s6 =	simm.s32 @!p1 $0x1082;
	[sflag:s4] =	ssyncset.s32 $0xFFFFF086  }
0x25: {  	[simem:s6], [sflag:s4] =	dma.local [hbm:s3], $0xF7A  }
0x26: {  	[smem:$0x3F99] =	sst s1;
	(tag) =	ssettag s2;
	_ =	strace s9  }
0x27: {  	s1 =	sld [smem:$0x3FA9]  }
0x28: {  	s2 =	sld [smem:$0x3FAA]  }
0x29: {  	s4 =	sld [smem:$0x3FAC]  }
0x2a: {  	p0 =	seq.s32 s5, $0x0;
	s5 =	sld [smem:$0x3FAD]  }
0x2b: {  	s6 =	sld [smem:$0x3FAE]  }
0x2c: {  	s7 =	sld [smem:$0x3FAF]  }
0x2d: {  	s3 =	simm.s32 $0x108;
	s8 =	sld [smem:$0x3FB0]  }
0x2e: {  	s3 =	simm.s32 @!p0 $0x1082;
	s9 =	sld [smem:$0x3FB1]  }
0x2f: {  	lr =	sadd.s32 s0, s3;
	s0 =	sld [smem:$0x3FA8]  }
0x30: {  	s3 =	sld [smem:$0x3FAB]  }
0x31: {  	[smem:$0x3FB4] =	sst s10  }
0x32: {  	s10 =	sld [smem:$0x3FB2];
	_ =	sdelay $0x3  }
0x33: {  	p0 =	seq.s32 s10, $0x1;
	s10 =	sld [smem:$0x3FB4];
	_ =	sdelay $0x3  }
0x34: {  	[smem:$0x3FB4] =	sst s10  }
0x35: {  	s10 =	sld [smem:$0x3FB3];
	_ =	sdelay $0x3  }
0x36: {  	p1 =	seq.s32 s10, $0x1;
	s10 =	sld [smem:$0x3FB4];
	_ =	sdelay $0x3  }
0x37: {  	[smem:$0x3FB4] =	sst s10  }
0x38: {  	s10 =	sld [smem:$0x3FB5]  }
0x39: {  	_ = 	snop;
	(pc) =	sbr.ind lr, $3  }
0x3a: {  	_ = 	snop  }
0x3b: {  	_ = 	snop  }
0x3c: {  	p2 =	seq.s32 s10, $0x1;
	s10 =	sld [smem:$0x3FB4]  }
0x3d: {  	_ =	shalt  }
0x3e: {  	_ =	shalt  }
0x3f: {  	_ =	shalt  }
0x40: {  	_ =	shalt  }
0x41: {  	_ =	shalt  }
0x42: {  	_ =	shalt  }
0x43: {  	_ =	shalt  }
0x44: {  	_ =	shalt  }
0x45: {  	_ =	shalt  }
0x46: {  	_ =	shalt  }
0x47: {  	_ =	shalt  }
0x48: {  	_ =	shalt  }
0x49: {  	_ =	shalt  }
0x4a: {  	_ =	shalt  }
0x4b: {  	_ =	shalt  }
0x4c: {  	_ =	shalt  }
0x4d: {  	_ =	shalt  }
0x4e: {  	_ =	shalt  }
0x4f: {  	_ =	shalt  }
0x50: {  	_ =	shalt  }
0x51: {  	_ =	shalt  }
0x52: {  	_ =	shalt  }
0x53: {  	_ =	shalt  }
0x54: {  	_ =	shalt  }
0x55: {  	_ =	shalt  }
0x56: {  	_ =	shalt  }
0x57: {  	_ =	shalt  }
0x58: {  	_ =	shalt  }
0x59: {  	_ =	shalt  }
0x5a: {  	_ =	shalt  }
0x5b: {  	_ =	shalt  }
0x5c: {  	_ =	shalt  }
0x5d: {  	_ =	shalt  }
0x5e: {  	_ =	shalt  }
0x5f: {  	_ =	shalt  }
0x60: {  	_ =	shalt  }
0x61: {  	_ =	shalt  }
0x62: {  	_ =	shalt  }
0x63: {  	_ =	shalt  }
0x64: {  	_ =	shalt  }
0x65: {  	_ =	shalt  }
0x66: {  	_ =	shalt  }
0x67: {  	_ =	shalt  }
0x68: {  	_ =	shalt  }
0x69: {  	_ =	shalt  }
0x6a: {  	_ =	shalt  }
0x6b: {  	_ =	shalt  }
0x6c: {  	_ =	shalt  }
0x6d: {  	_ =	shalt  }
0x6e: {  	_ =	shalt  }
0x6f: {  	_ =	shalt  }
0x70: {  	_ =	shalt  }
0x71: {  	_ =	shalt  }
0x72: {  	_ =	shalt  }
0x73: {  	_ =	shalt  }
0x74: {  	_ =	shalt  }
0x75: {  	_ =	shalt  }
0x76: {  	_ =	shalt  }
0x77: {  	_ =	shalt  }
0x78: {  	_ =	shalt  }
0x79: {  	_ =	shalt  }
0x7a: {  	_ =	shalt  }
0x7b: {  	_ =	shalt  }
0x7c: {  	_ =	shalt  }
0x7d: {  	_ =	shalt  }
0x7e: {  	_ =	shalt  }
0x7f: {  	_ =	shalt  }
0x80: {  	_ =	shalt  }
0x81: {  	_ =	shalt  }
0x82: {  	_ =	shalt  }
0x83: {  	_ =	shalt  }
0x84: {  	_ =	shalt  }
0x85: {  	_ =	shalt  }
0x86: {  	_ =	shalt  }
0x87: {  	_ =	shalt  }
.Lfunc_end0:
.L_simem_size_0:
called_computation_lowered:
.L_overlay_start_0:
0x88: {  	s2 =	sld [smem:$0x3FD9]  }
0x89: {  	s3 =	sld [smem:$0x3FFE];
	_ =	sdelay $0x1  }
0x8a: {  	s1 =	srdreg.scid  }
0x8b: {  	s0 =	sand.u32 $0x1, s1  }
0x8c: {  	s17 =	sshll.u32 s0, $0xA;
	s2 =	sadd.s32 s3, s2  }
0x8d: {  	s2 =	sadd.s32 s2, s17  }
0x8e: {  	[smem:$0x3FC0] =	sst s2  }
0x8f: {  	_ = 	snop  }
0x90: {  	s2 =	sld [smem:$0x3FD0];
	(tm) =	ssettm $0x1  }
0x91: {  	s18 =	sld [smem:$0x3FFB];
	_ =	sdelay $0x3  }
0x92: {  	_ =	strace s18  }
0x93: {  	s3 =	sld [smem:$0x3FFC];
	_ =	sdelay $0x3  }
0x94: {  	_ =	strace s3  }
0x95: {  	s3 =	sld [smem:$0x3FFD];
	_ =	sdelay $0x3  }
0x96: {  	_ =	strace s3  }
0x97: {  	_ =	strace $0x8FFFFFFF  }
0x98: {  	s19 =	sld [smem:$0x3FDB];
	_ =	sdelay $0x1  }
0x99: {  	s4 =	simm.s32 $_scs_section_size  }
0x9a: {  	s5 =	simm.s32 $_size__tile_overlayer_lowered;
	s6 =	simm.s32 $_tile_overlayer_lowered  }
0x9b: {  	s22 =	simm.s32 $0x1BFF;
	s21 =	sshll.u32 s6, $0x1;
	s3 =	sadd.s32 s4, s19  }
0x9c: {  	s7 =	simm.s32 $0x0;
	s20 =	sshll.u32 s5, $0x1;
	s5 =	sadd.s32 s21, s3  }
0x9d: {  	[timem:s7], [sflag:s22] =	dma.local [hbm:s5], s20  }
0x9e: {  	_ =	swait.ge [sflag:s22], s20  }
0x9f: {  	s4 =	ssub.s32 $0x0, s20;
	[sflag:s22] =	ssyncset.done $0x0  }
0xa0: {  	[sflag:s22] =	ssyncadd.s32 s4;
	_ =	sdelay $0x1  }
0xa1: {  	s23 =	simm.s32 $0x1B8B  }
0xa2: {  	_ =	swait.ge [sflag:s23], $0x1  }
0xa3: {  	[sflag:s23] =	ssyncset.done $0x0  }
0xa4: {  	s25 =	simm.s32 $0x1B8E;
	s24 =	sld [smem:$0x3FFE];
	[sflag:s23] =	ssyncadd.s32 $0xFFFFFFFF  }
0xa5: {  	s26 =	simm.s32 $execute0_lowered;
	[smem:$0x3FD2] =	sst s25  }
0xa6: {  	s5 =	sshll.u32 s26, $0x1;
	_ =	strace $0x80000046;
	[dreg:$0x1] =	wrdreg $0xFFFFFFFF  }
0xa7: {  	s28 =	simm.s32 $_size_execute0_lowered;
	s3 =	sadd.s32 s3, s5;
	[dreg:$0x0] =	wrdreg $0x0  }
0xa8: {  	s5 =	sshll.u32 s28, $0x1;
	[dreg:$0x2] =	wrdreg s3  }
0xa9: {  	[dreg:$0x3] =	wrdreg s5  }
0xaa: {  	[dreg:$0x4] =	wrdreg $0xC0  }
0xab: {  	_ =	task [dreg:s7], $0x5FFFF  }
0xac: {  	[dreg:$0x1] =	wrdreg $0xFFFFFFFF  }
0xad: {  	[dreg:$0x0] =	wrdreg $0x60  }
0xae: {  	[dreg:$0x2] =	wrdreg s2  }
0xaf: {  	[dreg:$0x3] =	wrdreg s24  }
0xb0: {  	[dreg:$0x4] =	wrdreg $0x9  }
0xb1: {  	_ =	task.clear_ibuf [dreg:s7], $0x5FFFF;
	_ =	strace $0x90000046  }
0xb2: {  	s29 =	simm.s32 $0x9;
	_ =	strace $0x80000048  }
0xb3: {  	_ =	swait.ge [sflag:s29], $0x1  }
0xb4: {  	[sflag:s29] =	ssyncadd.s32 $0xFFFFFFFF  }
0xb5: {  	_ =	strace $0x90000048  }
0xb6: {  	_ =	sfence  }
0xb7: {  	s30 =	sld [smem:$0x0];
	_ =	sdelay $0x2  }
0xb8: {  	s31 =	sshll.u32 s1, $0xD;
	s1 =	sshrl.u32 s1, $0x2  }
0xb9: {  	s3 =	sand.u32 $0x4000, s31;
	s1 =	sadd.s32 s1, s30  }
0xba: {  	s0 =	sor.u32 s3, s0;
	s1 =	sshll.u32 s1, $0x11  }
0xbb: {  	s0 =	sor.u32 s1, s0  }
0xbc: {  	s0 =	sadd.s32 $0x8F2B, s0  }
0xbd: {  	[sflag:s0] =	ssyncadd.remote.s32 $0x1  }
0xbe: {  	_ =	sfence.sel $0xFFFF  }
0xbf: {  	[dreg:$0x0] =	wrdreg $0xFFFFFFFF;
	(pc) =	sbr.abs _section_cstart, $3  }
0xc0: {  	[dreg:$0x1] =	wrdreg $0xFFFFFFFF  }
0xc1: {  	_ =	task.clear_ibuf [dreg:s7], $0x2FFFF;
	_ =	strace $0x9FFFFFFF  }
0xc2: {  	(tm) =	ssettm $0x7FFFFFFF  }
0xc3: {  	_ =	shalt  }
tec
execute0_lowered:
.L_overlay_start_1:
0x0: {  	(tag) =	ssettag $0x1  }
0x1: {  	s0 =	srdreg.scid;
	s1 =	rddreg [dreg:$0x0]  }
0x2: {  	s4 =	stileid.u32;
	s3 =	rddreg [dreg:$0x1]  }
0x3: {  	s5 =	simm.s32 $0x0;
	s0 =	sand.u32 $0x1, s0;
	s2 =	sshll.u32 s4, $0x1  }
0x4: {  	[smem:$0x7FF] =	sst s5;
	s2 =	sor.u32 s0, s2  }
0x5: {  	s4 =	sshrl.u32 s4, $0x2;
	s0 =	ssub.s32 $0x2, s0;
	s6 =	smul.u32 $0x310, s2  }
0x6: {  	s7 =	smul.u32 $0x6400, s4;
	s2 =	sshll.u32 s2, $0x7;
	s25 =	sshrl.u32 s0, $0x1  }
0x7: {  	s2 =	sand.u32 $0x380, s2;
	s5 =	ssub.s32 s0, s25;
	s4 =	sadd.s32 s6, s3  }
0x8: {  	s3 =	sadd.s32 $0x8000, s3;
	s2 =	sor.u32 s7, s2;
	s26 =	sadd.s32 s1, s6  }
0x9: {  	s5 =	smax.u32 s5, $0x1;
	[dreg:$0x3] =	wrdreg s26;
	s1 =	sshrl.u32 s2, $0x3  }
0xa: {  	s6 =	sadd.s32 $0x19000, s2;
	s8 =	sadd.s32 $0x32000, s2;
	s10 =	sadd.s32 $0x4B000, s2  }
0xb: {  	s12 =	sadd.s32 $0x64000, s2;
	s14 =	sadd.s32 $0x7D000, s2;
	s16 =	sadd.s32 $0x96000, s2  }
0xc: {  	s18 =	sadd.s32 $0xAF000, s2;
	s20 =	sadd.s32 $0xC8000, s2;
	s22 =	sadd.s32 $0xE1000, s2  }
0xd: {  	s24 =	sadd.s32 $0xFA000, s2;
	s26 =	sadd.s32 $0x113000, s2;
	s4 =	sadd.s32 $0x1E00, s4  }
0xe: {  	s0 =	sadd.s32 s3, s1;
	s7 =	sshrl.u32 s6, $0x3;
	s9 =	sshrl.u32 s8, $0x3  }
0xf: {  	s11 =	sshrl.u32 s10, $0x3;
	s13 =	sshrl.u32 s12, $0x3;
	s15 =	sshrl.u32 s14, $0x3  }
0x10: {  	s17 =	sshrl.u32 s16, $0x3;
	s19 =	sshrl.u32 s18, $0x3;
	s21 =	sshrl.u32 s20, $0x3  }
0x11: {  	s23 =	sshrl.u32 s22, $0x3;
	s25 =	sshrl.u32 s24, $0x3;
	s1 =	sshrl.u32 s26, $0x3  }
0x12: {  	s6 =	sadd.s32 $0x12C000, s2;
	s8 =	sadd.s32 $0x145000, s2;
	s10 =	sadd.s32 $0x15E000, s2  }
0x13: {  	s12 =	sadd.s32 $0x177000, s2;
	s14 =	sadd.s32 $0x190000, s2;
	s20 =	sadd.s32 $0x1A9000, s2  }
0x14: {  	s22 =	sadd.s32 $0x1C2000, s2;
	s24 =	sadd.s32 $0x1DB000, s2;
	s26 =	sadd.s32 $0x1F4000, s2  }
0x15: {  	[dreg:$0x4] =	wrdreg s0;
	s0 =	sadd.s32 s3, s7;
	s7 =	sshrl.u32 s6, $0x3  }
0x16: {  	s6 =	sadd.s32 $0x20D000, s2;
	[dreg:$0x5] =	wrdreg s0;
	s0 =	sadd.s32 s3, s9  }
0x17: {  	s9 =	sshrl.u32 s8, $0x3;
	s8 =	sadd.s32 $0x226000, s2;
	[dreg:$0x6] =	wrdreg s0  }
0x18: {  	s0 =	sadd.s32 s3, s11;
	s16 =	sadd.s32 s3, s9;
	s11 =	sshrl.u32 s10, $0x3  }
0x19: {  	s9 =	sshrl.u32 s8, $0x3;
	s10 =	sadd.s32 $0x23F000, s2;
	s8 =	sadd.s32 $0x2A3000, s2  }
0x1a: {  	[dreg:$0x7] =	wrdreg s0;
	s0 =	sadd.s32 s3, s13;
	s13 =	sshrl.u32 s12, $0x3  }
0x1b: {  	s12 =	sadd.s32 $0x258000, s2;
	[dreg:$0x8] =	wrdreg s0;
	s0 =	sadd.s32 s3, s15  }
0x1c: {  	s15 =	sadd.s32 s3, s7;
	s18 =	sadd.s32 s3, s13;
	s7 =	sshrl.u32 s6, $0x3  }
0x1d: {  	s13 =	sshrl.u32 s12, $0x3;
	s6 =	sadd.s32 $0x28A000, s2;
	s12 =	sadd.s32 $0x2D5000, s2  }
0x1e: {  	[dreg:$0x9] =	wrdreg s0;
	s0 =	sadd.s32 s3, s17;
	s17 =	sadd.s32 s3, s11  }
0x1f: {  	s11 =	sshrl.u32 s10, $0x3;
	s28 =	sadd.s32 s3, s13;
	s10 =	sadd.s32 $0x2BC000, s2  }
0x20: {  	s13 =	sadd.s32 $0x2EE000, s2;
	[dreg:$0xa] =	wrdreg s0;
	s0 =	sadd.s32 s3, s19  }
0x21: {  	s19 =	sshrl.u32 s14, $0x3;
	s14 =	sadd.s32 $0x271000, s2;
	[dreg:$0xb] =	wrdreg s0  }
0x22: {  	s0 =	sadd.s32 s3, s21;
	s19 =	sadd.s32 s3, s19;
	s21 =	sshrl.u32 s20, $0x3  }
0x23: {  	[dreg:$0xc] =	wrdreg s0;
	s0 =	sadd.s32 s3, s23;
	s20 =	sadd.s32 s3, s21  }
0x24: {  	s23 =	sshrl.u32 s22, $0x3;
	[dreg:$0xd] =	wrdreg s0;
	s0 =	sadd.s32 s3, s25  }
0x25: {  	s21 =	sadd.s32 s3, s23;
	s25 =	sshrl.u32 s24, $0x3;
	s24 =	sadd.s32 s3, s7  }
0x26: {  	s7 =	sshrl.u32 s6, $0x3;
	s6 =	sshrl.u32 s13, $0x3;
	[dreg:$0xe] =	wrdreg s0  }
0x27: {  	s0 =	sadd.s32 s3, s1;
	s22 =	sadd.s32 s3, s25;
	s1 =	sshrl.u32 s26, $0x3  }
0x28: {  	s25 =	sadd.s32 s3, s9;
	s26 =	sadd.s32 s3, s11;
	s30 =	sadd.s32 s3, s7  }
0x29: {  	s9 =	sshrl.u32 s8, $0x3;
	s11 =	sshrl.u32 s10, $0x3;
	s7 =	sadd.s32 $0x307000, s2  }
0x2a: {  	v0 =	vimm.s32 $0xFFFFFFFF;
	s2 =	sadd.s32 s3, s6;
	s6 =	simm.s32 $0x2;
	s8 =	simm.s32 $0x80  }
0x2b: {  	vm0 =	vcmask $0x704;
	vm1 =	vcmask $0xB08;
	vm14 =	vcmask $0x3F3C;
	s10 =	simm.s32 $0x1;
	[dreg:$0xf] =	wrdreg s0;
	s23 =	sadd.s32 s3, s1  }
0x2c: {  	vm2 =	vcmask $0xF0C;
	vm3 =	vcmask $0x1310;
	vm4 =	vcmask $0x1714;
	s1 =	sshrl.u32 s14, $0x3;
	s31 =	sadd.s32 s3, s9;
	s0 =	sadd.s32 s3, s11  }
0x2d: {  	vm5 =	vcmask $0x1B18;
	vm6 =	vcmask $0x1F1C;
	vm7 =	vcmask $0x2320;
	s14 =	sshrl.u32 s7, $0x3;
	s7 =	simm.s32 $0x3100;
	s9 =	simm.s32 $0x400  }
0x2e: {  	vm8 =	vcmask $0x2724;
	vm9 =	vcmask $0x2B28;
	vm10 =	vcmask $0x2F2C;
	s11 =	simm.s32 $0x0;
	s29 =	sadd.s32 s3, s1;
	s1 =	sshrl.u32 s12, $0x3  }
0x2f: {  	vm11 =	vcmask $0x3330;
	vm12 =	vcmask $0x3734;
	vm13 =	vcmask $0x3B38;
	_ =	strace $0x80000047;
	s1 =	sadd.s32 s3, s1;
	s3 =	sadd.s32 s3, s14  }
.LBB2_1:
0x30: {  	s12 =	simm.s32 $0x0;
	s13 =	rddreg [dreg:$0x3]  }
0x31: {  	[tilespmem:s12], [sflag:$0x2] =	stream.linear.gather [hbm4b:s13+s12], $0x1880, $0x38;
	[tilespmem:$0x1C100] =	vst v63  }
0x32: {  	_ =	swait.ge [sflag:s6], $0x1880  }
0x33: {  	[sflag:s6] =	ssyncset.done $0x0  }
0x34: {  	s14 =	simm.s32 $0x1880;
	[sflag:s6] =	ssyncadd.s32 $0xFFFFE780  }
0x35: {  	[tilespmem:s14], [sflag:$0x2] =	stream.linear.gather [hbm4b:s4+s12], $0x1880, $0x38;
	[tilespmem:$0x1C100] =	vst v63  }
0x36: {  	_ =	swait.ge [sflag:s6], $0x1880  }
0x37: {  	[sflag:s6] =	ssyncset.done $0x0  }
0x38: {  	s13 =	simm.s32 $0x200;
	s12 =	simm.s32 $0x0;
	[sflag:s6] =	ssyncadd.s32 $0xFFFFE780  }
.LBB2_2:
0x39: {  	p0 =	sne.s32 s13, $0x63E00;
	[tilespmem:s12+$0x3170] =	vst v0  }
0x3a: {  	[tilespmem:s12+$0x3100] =	vst v0  }
0x3b: {  	[tilespmem:s12+$0x3110] =	vst v0  }
.Ltmp0:
0x3c: {  	[tilespmem:s12+$0x3120] =	vst v0;
	(pc) =	sbr.rel @p0 .LBB2_2-.Ltmp0, $4  }
0x3d: {  	[tilespmem:s12+$0x3130] =	vst v0  }
0x3e: {  	[tilespmem:s12+$0x3140] =	vst v0  }
0x3f: {  	[tilespmem:s12+$0x3150] =	vst v0  }
0x40: {  	[tilespmem:s12+$0x3160] =	vst v0;
	s12 =	sshra.s32 s13, $0x2;
	s13 =	sadd.s32 $0x200, s13  }
0x41: {  	[tilespmem:s12+$0x3170] =	vst v0  }
0x42: {  	[tilespmem:s12+$0x3100] =	vst v0  }
0x43: {  	[tilespmem:s12+$0x3110] =	vst v0  }
0x44: {  	[tilespmem:s12+$0x3120] =	vst v0  }
0x45: {  	[tilespmem:s12+$0x3130] =	vst v0  }
0x46: {  	[tilespmem:s12+$0x3140] =	vst v0  }
0x47: {  	[tilespmem:s12+$0x3150] =	vst v0  }
0x48: {  	[tilespmem:s12+$0x3160] =	vst v0;
	s14 =	simm.s32 $0x0  }
0x49: {  	v1 =	vld [tilespmem:s14+$0x0];
	_ =	sdelay $0x2  }
0x4a: {  	v2 =	vld [tilespmem:s14+$0x1880];
	_ =	sdelay $0x4  }
0x4b: {  	[tilespmem:v1+s7+$0x0] =	vst.idx.msk $0x1, v2  }
0x4c: {  	[tilespmem:v1+s7+$0x0] =	vst.idx.msk vm0, v2  }
0x4d: {  	[tilespmem:v1+s7+$0x0] =	vst.idx.msk vm1, v2  }
0x4e: {  	[tilespmem:v1+s7+$0x0] =	vst.idx.msk vm2, v2  }
0x4f: {  	[tilespmem:v1+s7+$0x0] =	vst.idx.msk vm3, v2  }
0x50: {  	[tilespmem:v1+s7+$0x0] =	vst.idx.msk vm4, v2  }
0x51: {  	[tilespmem:v1+s7+$0x0] =	vst.idx.msk vm5, v2  }
0x52: {  	[tilespmem:v1+s7+$0x0] =	vst.idx.msk vm6, v2  }
0x53: {  	[tilespmem:v1+s7+$0x0] =	vst.idx.msk vm7, v2  }
0x54: {  	[tilespmem:v1+s7+$0x0] =	vst.idx.msk vm8, v2  }
0x55: {  	[tilespmem:v1+s7+$0x0] =	vst.idx.msk vm9, v2  }
0x56: {  	[tilespmem:v1+s7+$0x0] =	vst.idx.msk vm10, v2  }
0x57: {  	[tilespmem:v1+s7+$0x0] =	vst.idx.msk vm11, v2  }
0x58: {  	[tilespmem:v1+s7+$0x0] =	vst.idx.msk vm12, v2  }
0x59: {  	s12 =	simm.s32 $0x40;
	s13 =	simm.s32 $0x80;
	[tilespmem:v1+s7+$0x0] =	vst.idx.msk vm13, v2  }
.LBB2_4:
0x5a: {  	p0 =	sne.s32 s13, $0x61C0  }
0x5b: {  	s14 =	sshra.s32 s12, $0x2;
	[tilespmem:v1+s7+$0x0] =	vst.idx.msk vm14, v2;
	s12 =	smov.u32 s13;
	s13 =	sadd.s32 $0x40, s13  }
0x5c: {  	v1 =	vld [tilespmem:s14+$0x0];
	_ =	sdelay $0x2  }
0x5d: {  	v2 =	vld [tilespmem:s14+$0x1880];
	_ =	sdelay $0x4  }
0x5e: {  	[tilespmem:v1+s7+$0x0] =	vst.idx.msk $0x1, v2  }
0x5f: {  	[tilespmem:v1+s7+$0x0] =	vst.idx.msk vm0, v2  }
0x60: {  	[tilespmem:v1+s7+$0x0] =	vst.idx.msk vm1, v2  }
0x61: {  	[tilespmem:v1+s7+$0x0] =	vst.idx.msk vm2, v2  }
0x62: {  	[tilespmem:v1+s7+$0x0] =	vst.idx.msk vm3, v2  }
0x63: {  	[tilespmem:v1+s7+$0x0] =	vst.idx.msk vm4, v2  }
0x64: {  	[tilespmem:v1+s7+$0x0] =	vst.idx.msk vm5, v2  }
0x65: {  	[tilespmem:v1+s7+$0x0] =	vst.idx.msk vm6, v2  }
0x66: {  	[tilespmem:v1+s7+$0x0] =	vst.idx.msk vm7, v2  }
0x67: {  	[tilespmem:v1+s7+$0x0] =	vst.idx.msk vm8, v2  }
.Ltmp1:
0x68: {  	[tilespmem:v1+s7+$0x0] =	vst.idx.msk vm9, v2;
	(pc) =	sbr.rel @p0 .LBB2_4-.Ltmp1, $4  }
0x69: {  	[tilespmem:v1+s7+$0x0] =	vst.idx.msk vm10, v2  }
0x6a: {  	[tilespmem:v1+s7+$0x0] =	vst.idx.msk vm11, v2  }
0x6b: {  	[tilespmem:v1+s7+$0x0] =	vst.idx.msk vm12, v2  }
0x6c: {  	[tilespmem:v1+s7+$0x0] =	vst.idx.msk vm13, v2  }
0x6d: {  	_ =	sdelay $0x4  }
0x6e: {  	s12 =	sshra.s32 s12, $0x2;
	[tilespmem:v1+s7+$0x0] =	vst.idx.msk vm14, v2  }
0x6f: {  	v1 =	vld [tilespmem:s12+$0x0];
	_ =	sdelay $0x2  }
0x70: {  	v2 =	vld [tilespmem:s12+$0x1880];
	_ =	sdelay $0x4  }
0x71: {  	[tilespmem:v1+s7+$0x0] =	vst.idx.msk $0x1, v2  }
0x72: {  	[tilespmem:v1+s7+$0x0] =	vst.idx.msk vm0, v2  }
0x73: {  	[tilespmem:v1+s7+$0x0] =	vst.idx.msk vm1, v2  }
0x74: {  	[tilespmem:v1+s7+$0x0] =	vst.idx.msk vm2, v2  }
0x75: {  	[tilespmem:v1+s7+$0x0] =	vst.idx.msk vm3, v2  }
0x76: {  	[tilespmem:v1+s7+$0x0] =	vst.idx.msk vm4, v2  }
0x77: {  	[tilespmem:v1+s7+$0x0] =	vst.idx.msk vm5, v2  }
0x78: {  	[tilespmem:v1+s7+$0x0] =	vst.idx.msk vm6, v2  }
0x79: {  	[tilespmem:v1+s7+$0x0] =	vst.idx.msk vm7, v2  }
0x7a: {  	[tilespmem:v1+s7+$0x0] =	vst.idx.msk vm8, v2  }
0x7b: {  	[tilespmem:v1+s7+$0x0] =	vst.idx.msk vm9, v2  }
0x7c: {  	[tilespmem:v1+s7+$0x0] =	vst.idx.msk vm10, v2  }
0x7d: {  	[tilespmem:v1+s7+$0x0] =	vst.idx.msk vm11, v2  }
0x7e: {  	[tilespmem:v1+s7+$0x0] =	vst.idx.msk vm12, v2  }
0x7f: {  	[tilespmem:v1+s7+$0x0] =	vst.idx.msk vm13, v2  }
0x80: {  	s13 =	rddreg [dreg:$0x4];
	[tilespmem:v1+s7+$0x0] =	vst.idx.msk vm14, v2  }
0x81: {  	[hbm4b:s13+s8] =	stream.strided.scatter [tilespmem:s7], [sflag:$0x1], $0xC80, s9, s8, $0x38;
	[tilespmem:$0x1C100] =	vst v63  }
0x82: {  	s14 =	rddreg [dreg:$0x5];
	s13 =	simm.s32 $0x3D80  }
0x83: {  	[hbm4b:s14+s8] =	stream.strided.scatter [tilespmem:s13], [sflag:$0x1], $0xC80, s9, s8, $0x38;
	[tilespmem:$0x1C100] =	vst v63  }
0x84: {  	s13 =	rddreg [dreg:$0x6];
	s14 =	simm.s32 $0x4A00  }
0x85: {  	[hbm4b:s13+s8] =	stream.strided.scatter [tilespmem:s14], [sflag:$0x1], $0xC80, s9, s8, $0x38;
	[tilespmem:$0x1C100] =	vst v63  }
0x86: {  	s13 =	rddreg [dreg:$0x7];
	s14 =	simm.s32 $0x5680  }
0x87: {  	[hbm4b:s13+s8] =	stream.strided.scatter [tilespmem:s14], [sflag:$0x1], $0xC80, s9, s8, $0x38;
	[tilespmem:$0x1C100] =	vst v63  }
0x88: {  	s13 =	rddreg [dreg:$0x8];
	s14 =	simm.s32 $0x6300  }
0x89: {  	[hbm4b:s13+s8] =	stream.strided.scatter [tilespmem:s14], [sflag:$0x1], $0xC80, s9, s8, $0x38;
	[tilespmem:$0x1C100] =	vst v63  }
0x8a: {  	s13 =	rddreg [dreg:$0x9];
	s14 =	simm.s32 $0x6F80  }
0x8b: {  	[hbm4b:s13+s8] =	stream.strided.scatter [tilespmem:s14], [sflag:$0x1], $0xC80, s9, s8, $0x38;
	[tilespmem:$0x1C100] =	vst v63  }
0x8c: {  	s13 =	rddreg [dreg:$0xa];
	s14 =	simm.s32 $0x7C00  }
0x8d: {  	[hbm4b:s13+s8] =	stream.strided.scatter [tilespmem:s14], [sflag:$0x1], $0xC80, s9, s8, $0x38;
	[tilespmem:$0x1C100] =	vst v63  }
0x8e: {  	s13 =	rddreg [dreg:$0xb];
	s14 =	simm.s32 $0x8880  }
0x8f: {  	[hbm4b:s13+s8] =	stream.strided.scatter [tilespmem:s14], [sflag:$0x1], $0xC80, s9, s8, $0x38;
	[tilespmem:$0x1C100] =	vst v63  }
0x90: {  	s13 =	rddreg [dreg:$0xc];
	s14 =	simm.s32 $0x9500  }
0x91: {  	[hbm4b:s13+s8] =	stream.strided.scatter [tilespmem:s14], [sflag:$0x1], $0xC80, s9, s8, $0x38;
	[tilespmem:$0x1C100] =	vst v63  }
0x92: {  	s13 =	rddreg [dreg:$0xd];
	s14 =	simm.s32 $0xA180  }
0x93: {  	[hbm4b:s13+s8] =	stream.strided.scatter [tilespmem:s14], [sflag:$0x1], $0xC80, s9, s8, $0x38;
	[tilespmem:$0x1C100] =	vst v63  }
0x94: {  	s13 =	rddreg [dreg:$0xe];
	s14 =	simm.s32 $0xAE00  }
0x95: {  	[hbm4b:s13+s8] =	stream.strided.scatter [tilespmem:s14], [sflag:$0x1], $0xC80, s9, s8, $0x38;
	[tilespmem:$0x1C100] =	vst v63  }
0x96: {  	s13 =	rddreg [dreg:$0xf];
	s14 =	simm.s32 $0xBA80  }
0x97: {  	[hbm4b:s13+s8] =	stream.strided.scatter [tilespmem:s14], [sflag:$0x1], $0xC80, s9, s8, $0x38;
	[tilespmem:$0x1C100] =	vst v63  }
0x98: {  	s13 =	simm.s32 $0xC700  }
0x99: {  	[hbm4b:s15+s8] =	stream.strided.scatter [tilespmem:s13], [sflag:$0x1], $0xC80, s9, s8, $0x38;
	[tilespmem:$0x1C100] =	vst v63  }
0x9a: {  	s14 =	simm.s32 $0xD380  }
0x9b: {  	[hbm4b:s16+s8] =	stream.strided.scatter [tilespmem:s14], [sflag:$0x1], $0xC80, s9, s8, $0x38;
	[tilespmem:$0x1C100] =	vst v63  }
0x9c: {  	s13 =	simm.s32 $0xE000  }
0x9d: {  	[hbm4b:s17+s8] =	stream.strided.scatter [tilespmem:s13], [sflag:$0x1], $0xC80, s9, s8, $0x38;
	[tilespmem:$0x1C100] =	vst v63  }
0x9e: {  	s14 =	simm.s32 $0xEC80  }
0x9f: {  	[hbm4b:s18+s8] =	stream.strided.scatter [tilespmem:s14], [sflag:$0x1], $0xC80, s9, s8, $0x38;
	[tilespmem:$0x1C100] =	vst v63  }
0xa0: {  	s13 =	simm.s32 $0xF900  }
0xa1: {  	[hbm4b:s19+s8] =	stream.strided.scatter [tilespmem:s13], [sflag:$0x1], $0xC80, s9, s8, $0x38;
	[tilespmem:$0x1C100] =	vst v63  }
0xa2: {  	s14 =	simm.s32 $0x10580  }
0xa3: {  	[hbm4b:s20+s8] =	stream.strided.scatter [tilespmem:s14], [sflag:$0x1], $0xC80, s9, s8, $0x38;
	[tilespmem:$0x1C100] =	vst v63  }
0xa4: {  	s13 =	simm.s32 $0x11200  }
0xa5: {  	[hbm4b:s21+s8] =	stream.strided.scatter [tilespmem:s13], [sflag:$0x1], $0xC80, s9, s8, $0x38;
	[tilespmem:$0x1C100] =	vst v63  }
0xa6: {  	s14 =	simm.s32 $0x11E80  }
0xa7: {  	[hbm4b:s22+s8] =	stream.strided.scatter [tilespmem:s14], [sflag:$0x1], $0xC80, s9, s8, $0x38;
	[tilespmem:$0x1C100] =	vst v63  }
0xa8: {  	s13 =	simm.s32 $0x12B00  }
0xa9: {  	[hbm4b:s23+s8] =	stream.strided.scatter [tilespmem:s13], [sflag:$0x1], $0xC80, s9, s8, $0x38;
	[tilespmem:$0x1C100] =	vst v63  }
0xaa: {  	s14 =	simm.s32 $0x13780  }
0xab: {  	[hbm4b:s24+s8] =	stream.strided.scatter [tilespmem:s14], [sflag:$0x1], $0xC80, s9, s8, $0x38;
	[tilespmem:$0x1C100] =	vst v63  }
0xac: {  	s13 =	simm.s32 $0x14400  }
0xad: {  	[hbm4b:s25+s8] =	stream.strided.scatter [tilespmem:s13], [sflag:$0x1], $0xC80, s9, s8, $0x38;
	[tilespmem:$0x1C100] =	vst v63  }
0xae: {  	s14 =	simm.s32 $0x15080  }
0xaf: {  	[hbm4b:s26+s8] =	stream.strided.scatter [tilespmem:s14], [sflag:$0x1], $0xC80, s9, s8, $0x38;
	[tilespmem:$0x1C100] =	vst v63  }
0xb0: {  	s13 =	simm.s32 $0x15D00  }
0xb1: {  	[hbm4b:s28+s8] =	stream.strided.scatter [tilespmem:s13], [sflag:$0x1], $0xC80, s9, s8, $0x38;
	[tilespmem:$0x1C100] =	vst v63  }
0xb2: {  	s14 =	simm.s32 $0x16980  }
0xb3: {  	[hbm4b:s29+s8] =	stream.strided.scatter [tilespmem:s14], [sflag:$0x1], $0xC80, s9, s8, $0x38;
	[tilespmem:$0x1C100] =	vst v63  }
0xb4: {  	s13 =	simm.s32 $0x17600  }
0xb5: {  	[hbm4b:s30+s8] =	stream.strided.scatter [tilespmem:s13], [sflag:$0x1], $0xC80, s9, s8, $0x38;
	[tilespmem:$0x1C100] =	vst v63  }
0xb6: {  	s14 =	simm.s32 $0x18280  }
0xb7: {  	[hbm4b:s31+s8] =	stream.strided.scatter [tilespmem:s14], [sflag:$0x1], $0xC80, s9, s8, $0x38;
	[tilespmem:$0x1C100] =	vst v63  }
0xb8: {  	s13 =	simm.s32 $0x18F00  }
0xb9: {  	[hbm4b:s0+s8] =	stream.strided.scatter [tilespmem:s13], [sflag:$0x1], $0xC80, s9, s8, $0x38;
	[tilespmem:$0x1C100] =	vst v63  }
0xba: {  	s14 =	simm.s32 $0x19B80  }
0xbb: {  	[hbm4b:s1+s8] =	stream.strided.scatter [tilespmem:s14], [sflag:$0x1], $0xC80, s9, s8, $0x38;
	[tilespmem:$0x1C100] =	vst v63  }
0xbc: {  	s13 =	simm.s32 $0x1A800  }
0xbd: {  	[hbm4b:s2+s8] =	stream.strided.scatter [tilespmem:s13], [sflag:$0x1], $0xC80, s9, s8, $0x38;
	[tilespmem:$0x1C100] =	vst v63  }
0xbe: {  	s14 =	simm.s32 $0x1B480  }
0xbf: {  	[hbm4b:s3+s8] =	stream.strided.scatter [tilespmem:s14], [sflag:$0x1], $0xC80, s9, s8, $0x38;
	[tilespmem:$0x1C100] =	vst v63  }
0xc0: {  	_ =	swait.ge [sflag:s10], $0xC80  }
0xc1: {  	[sflag:s10] =	ssyncset.done $0x0  }
0xc2: {  	[sflag:s10] =	ssyncadd.s32 $0xFFFFF380  }
0xc3: {  	_ =	swait.ge [sflag:s10], $0xC80  }
0xc4: {  	[sflag:s10] =	ssyncset.done $0x0  }
0xc5: {  	[sflag:s10] =	ssyncadd.s32 $0xFFFFF380  }
0xc6: {  	_ =	swait.ge [sflag:s10], $0xC80  }
0xc7: {  	[sflag:s10] =	ssyncset.done $0x0  }
0xc8: {  	[sflag:s10] =	ssyncadd.s32 $0xFFFFF380  }
0xc9: {  	_ =	swait.ge [sflag:s10], $0xC80  }
0xca: {  	[sflag:s10] =	ssyncset.done $0x0  }
0xcb: {  	[sflag:s10] =	ssyncadd.s32 $0xFFFFF380  }
0xcc: {  	_ =	swait.ge [sflag:s10], $0xC80  }
0xcd: {  	[sflag:s10] =	ssyncset.done $0x0  }
0xce: {  	[sflag:s10] =	ssyncadd.s32 $0xFFFFF380  }
0xcf: {  	_ =	swait.ge [sflag:s10], $0xC80  }
0xd0: {  	[sflag:s10] =	ssyncset.done $0x0  }
0xd1: {  	[sflag:s10] =	ssyncadd.s32 $0xFFFFF380  }
0xd2: {  	_ =	swait.ge [sflag:s10], $0xC80  }
0xd3: {  	[sflag:s10] =	ssyncset.done $0x0  }
0xd4: {  	[sflag:s10] =	ssyncadd.s32 $0xFFFFF380  }
0xd5: {  	_ =	swait.ge [sflag:s10], $0xC80  }
0xd6: {  	[sflag:s10] =	ssyncset.done $0x0  }
0xd7: {  	[sflag:s10] =	ssyncadd.s32 $0xFFFFF380  }
0xd8: {  	_ =	swait.ge [sflag:s10], $0xC80  }
0xd9: {  	[sflag:s10] =	ssyncset.done $0x0  }
0xda: {  	[sflag:s10] =	ssyncadd.s32 $0xFFFFF380  }
0xdb: {  	_ =	swait.ge [sflag:s10], $0xC80  }
0xdc: {  	[sflag:s10] =	ssyncset.done $0x0  }
0xdd: {  	[sflag:s10] =	ssyncadd.s32 $0xFFFFF380  }
0xde: {  	_ =	swait.ge [sflag:s10], $0xC80  }
0xdf: {  	[sflag:s10] =	ssyncset.done $0x0  }
0xe0: {  	[sflag:s10] =	ssyncadd.s32 $0xFFFFF380  }
0xe1: {  	_ =	swait.ge [sflag:s10], $0xC80  }
0xe2: {  	[sflag:s10] =	ssyncset.done $0x0  }
0xe3: {  	[sflag:s10] =	ssyncadd.s32 $0xFFFFF380  }
0xe4: {  	_ =	swait.ge [sflag:s10], $0xC80  }
0xe5: {  	[sflag:s10] =	ssyncset.done $0x0  }
0xe6: {  	[sflag:s10] =	ssyncadd.s32 $0xFFFFF380  }
0xe7: {  	_ =	swait.ge [sflag:s10], $0xC80  }
0xe8: {  	[sflag:s10] =	ssyncset.done $0x0  }
0xe9: {  	[sflag:s10] =	ssyncadd.s32 $0xFFFFF380  }
0xea: {  	_ =	swait.ge [sflag:s10], $0xC80  }
0xeb: {  	[sflag:s10] =	ssyncset.done $0x0  }
0xec: {  	[sflag:s10] =	ssyncadd.s32 $0xFFFFF380  }
0xed: {  	_ =	swait.ge [sflag:s10], $0xC80  }
0xee: {  	[sflag:s10] =	ssyncset.done $0x0  }
0xef: {  	[sflag:s10] =	ssyncadd.s32 $0xFFFFF380  }
0xf0: {  	_ =	swait.ge [sflag:s10], $0xC80  }
0xf1: {  	[sflag:s10] =	ssyncset.done $0x0  }
0xf2: {  	[sflag:s10] =	ssyncadd.s32 $0xFFFFF380  }
0xf3: {  	_ =	swait.ge [sflag:s10], $0xC80  }
0xf4: {  	[sflag:s10] =	ssyncset.done $0x0  }
0xf5: {  	[sflag:s10] =	ssyncadd.s32 $0xFFFFF380  }
0xf6: {  	_ =	swait.ge [sflag:s10], $0xC80  }
0xf7: {  	[sflag:s10] =	ssyncset.done $0x0  }
0xf8: {  	[sflag:s10] =	ssyncadd.s32 $0xFFFFF380  }
0xf9: {  	_ =	swait.ge [sflag:s10], $0xC80  }
0xfa: {  	[sflag:s10] =	ssyncset.done $0x0  }
0xfb: {  	[sflag:s10] =	ssyncadd.s32 $0xFFFFF380  }
0xfc: {  	_ =	swait.ge [sflag:s10], $0xC80  }
0xfd: {  	[sflag:s10] =	ssyncset.done $0x0  }
0xfe: {  	[sflag:s10] =	ssyncadd.s32 $0xFFFFF380  }
0xff: {  	_ =	swait.ge [sflag:s10], $0xC80  }
0x100: {  	[sflag:s10] =	ssyncset.done $0x0  }
0x101: {  	[sflag:s10] =	ssyncadd.s32 $0xFFFFF380  }
0x102: {  	_ =	swait.ge [sflag:s10], $0xC80  }
0x103: {  	[sflag:s10] =	ssyncset.done $0x0  }
0x104: {  	[sflag:s10] =	ssyncadd.s32 $0xFFFFF380  }
0x105: {  	_ =	swait.ge [sflag:s10], $0xC80  }
0x106: {  	[sflag:s10] =	ssyncset.done $0x0  }
0x107: {  	[sflag:s10] =	ssyncadd.s32 $0xFFFFF380  }
0x108: {  	_ =	swait.ge [sflag:s10], $0xC80  }
0x109: {  	[sflag:s10] =	ssyncset.done $0x0  }
0x10a: {  	[sflag:s10] =	ssyncadd.s32 $0xFFFFF380  }
0x10b: {  	_ =	swait.ge [sflag:s10], $0xC80  }
0x10c: {  	[sflag:s10] =	ssyncset.done $0x0  }
0x10d: {  	[sflag:s10] =	ssyncadd.s32 $0xFFFFF380  }
0x10e: {  	_ =	swait.ge [sflag:s10], $0xC80  }
0x10f: {  	[sflag:s10] =	ssyncset.done $0x0  }
0x110: {  	[sflag:s10] =	ssyncadd.s32 $0xFFFFF380  }
0x111: {  	_ =	swait.ge [sflag:s10], $0xC80  }
0x112: {  	[sflag:s10] =	ssyncset.done $0x0  }
0x113: {  	[sflag:s10] =	ssyncadd.s32 $0xFFFFF380  }
0x114: {  	_ =	swait.ge [sflag:s10], $0xC80  }
0x115: {  	[sflag:s10] =	ssyncset.done $0x0  }
0x116: {  	[sflag:s10] =	ssyncadd.s32 $0xFFFFF380  }
0x117: {  	_ =	swait.ge [sflag:s10], $0xC80  }
0x118: {  	[sflag:s10] =	ssyncset.done $0x0  }
0x119: {  	s11 =	sadd.s32 $0x1, s11;
	[sflag:s10] =	ssyncadd.s32 $0xFFFFF380  }
0x11a: {  	p0 =	sne.s32 s11, s5;
	_ =	swait.ge [sflag:s10], $0xC80  }
.Ltmp2:
0x11b: {  	[sflag:s10] =	ssyncset.done $0x0;
	(pc) =	sbr.rel @p0 .LBB2_1-.Ltmp2, $4  }
0x11c: {  	[sflag:s10] =	ssyncadd.s32 $0xFFFFF380  }
0x11d: {  	_ =	swait.ge [sflag:s10], $0xC80  }
0x11e: {  	[sflag:s10] =	ssyncset.done $0x0  }
0x11f: {  	[sflag:s10] =	ssyncadd.s32 $0xFFFFF380  }
0x120: {  	_ =	sfence.sel $0x180000  }
0x121: {  	[bflag:$0x0] =	sbarrier.arrive $0xFFFF  }
0x122: {  	_ =	strace $0x90000047  }
0x123: {  	s0 =	stileid.u32;
	[bflag:$0x2] =	sbarrier.arrive $0xFFFF  }
0x124: {  	p0 =	sne.s32 s0, $0x0;
	s0 =	rddreg [dreg:$0x2]  }
0x125: {  	s0 =	sadd.s32 @!p0 $0x100000, s0  }
0x126: {  	[sflag:s0] =	ssyncadd.tile.s32 @!p0 $0x1;
	_ =	shalt  }
.Lfunc_end2:
_tile_overlayer_lowered:
.L_overlay_start_2:
0x127: {  	(tag) =	ssettag $0x2  }
0x128: {  	s0 =	rddreg [dreg:$0x0];
	s2 =	stileid.u32  }
0x129: {  	s1 =	rddreg [dreg:$0x1];
	p0 =	sne.s32 s2, $0x0  }
0x12a: {  	s3 =	rddreg [dreg:$0x2];
	[bflag:$0x3] =	sbarrier.arrive $0xFFFF;
	s2 =	simm.s32 @!p0 $0x1C02  }
0x12b: {  	[timem:s3], [sflag:s2] =	dma.local @!p0 [hbm:s0], s1  }
0x12c: {  	s0 =	simm.s32 @!p0 $0x2  }
0x12d: {  	_ =	swait.ge @!p0 [sflag:s0], s1  }
0x12e: {  	s1 =	ssub.s32 @!p0 $0x0, s1;
	[sflag:s0] =	ssyncset.done @!p0 $0x0  }
0x12f: {  	[sflag:s0] =	ssyncadd.s32 @!p0 s1  }
0x130: {  	[bflag:$0x3] =	sbarrier.arrive $0xFFFF  }
0x131: {  	_ =	shalt  }

</sc_bundles>
